<compile_context>
chip_gen: v7x
topology: tpu7x:2x2x1
jax: 0.10.2.dev20260603
libtpu: 0.0.44.dev20260713+nightly
codegen_flags: <defaults>
</compile_context>

<pallas_src>
import functools
import math

import jax
import jax.numpy as jnp
from jax import lax
from jax.experimental import pallas as pl
from jax.experimental.pallas import tpu as pltpu
from jax.experimental.pallas import tpu_sc as plsc

_NUM_BUCKETS = 32
_MAX_DISTANCE = 128
_HEADS = 16
_Q = 2048
_K = 2048
_NB = 128
_TAB = 3968
_PAD = 4096


def _shift_table_kernel(bias_ref, out_ref):
    r = lax.broadcasted_iota(jnp.int32, (8, _PAD), 0)
    j = lax.broadcasted_iota(jnp.int32, (8, _PAD), 1)
    relative_position = j + (7 - r) - (_Q - 1)

    num_buckets = _NUM_BUCKETS // 2
    relative_buckets = (relative_position > 0).astype(jnp.int32) * num_buckets
    n = jnp.abs(relative_position)
    max_exact = num_buckets // 2
    is_small = n < max_exact
    nf = n.astype(jnp.float32)
    rp_if_large = max_exact + jnp.log(nf / max_exact) / math.log(
        _MAX_DISTANCE / max_exact
    ) * (num_buckets - max_exact)
    rp_if_large = jnp.minimum(
        rp_if_large, jnp.full_like(rp_if_large, num_buckets - 1)
    )
    buckets_f = relative_buckets.astype(jnp.float32) + jnp.where(
        is_small, nf, rp_if_large
    )
    bucket = buckets_f.astype(jnp.int32)

    parts = [jnp.zeros((8, _PAD), jnp.float32) for _ in range(4)]
    for b in range(_NUM_BUCKETS):
        parts[b // 8] = jnp.where(bucket == b, bias_ref[0, 0, b], parts[b // 8])
    srev0 = (parts[0] + parts[1]) + (parts[2] + parts[3])

    for m in range(_NB // 8):
        start = 120 - 8 * m
        out_ref[0, 8 * m : 8 * m + 8, :] = srev0[:, start : start + _TAB]


def _build_shift_tables(relative_attention_bias):
    bias_t = relative_attention_bias.T.reshape(_HEADS, 1, _NUM_BUCKETS)
    return pl.pallas_call(
        _shift_table_kernel,
        grid=(_HEADS,),
        in_specs=[pl.BlockSpec((1, 1, _NUM_BUCKETS), lambda h: (h, 0, 0))],
        out_specs=pl.BlockSpec((1, _NB, _TAB), lambda h: (h, 0, 0)),
        out_shape=jax.ShapeDtypeStruct((_HEADS, _NB, _TAB), jnp.float32),
    )(bias_t)


_WINS = (0, 7, 14, 21, 28)
_WIN_CT = 7
_WIN_COLS = 128 * _WIN_CT
_BUF_ROWS = 64
_LOAD_COLS = tuple(
    min(_WIN_COLS, _TAB - 128 * w0) for w0 in _WINS
)


def _win_crange(w0, g):
    c_lo = max(0, w0 + g - 15)
    c_hi = min(15, w0 + g - 9)
    return (c_lo, c_hi) if c_lo <= c_hi else None


def _expand_kernel(s128_hbm, out_hbm, buf0, buf1, sem_load, sem_store):
    c = lax.axis_index("c")
    s = lax.axis_index("s")
    h = s
    rowbase = pl.multiple_of(_BUF_ROWS * c, 8)
    bufs = (buf0, buf1)

    def start_load(i):
        pltpu.make_async_copy(
            s128_hbm.at[
                h, pl.ds(rowbase, _BUF_ROWS), pl.ds(128 * _WINS[i], _LOAD_COLS[i])
            ],
            bufs[i % 2].at[:, pl.ds(0, _LOAD_COLS[i])],
            sem_load,
        ).start()

    def wait_load(i):
        pltpu.make_async_copy(
            s128_hbm.at[h, pl.ds(0, _BUF_ROWS), pl.ds(0, _LOAD_COLS[i])],
            buf0.at[:, pl.ds(0, _LOAD_COLS[i])],
            sem_load,
        ).wait()

    def issue_win(i):
        w0 = _WINS[i]
        buf = bufs[i % 2]
        for g in range(16):
            cr = _win_crange(w0, g)
            if cr is None:
                continue
            c_lo, c_hi = cr
            n = c_hi - c_lo + 1
            boff = 128 * (15 - g + c_lo - w0)
            row = pl.multiple_of(128 * g + _BUF_ROWS * c, 8)
            pltpu.make_async_copy(
                buf.at[:, pl.ds(boff, 128 * n)],
                out_hbm.at[
                    0, h, pl.ds(row, _BUF_ROWS), pl.ds(128 * c_lo, 128 * n)
                ],
                sem_store,
            ).start()

    def drain_win(i):
        w0 = _WINS[i]
        for g in range(16):
            cr = _win_crange(w0, g)
            if cr is None:
                continue
            c_lo, c_hi = cr
            n = c_hi - c_lo + 1
            pltpu.make_async_copy(
                buf0.at[:, pl.ds(0, 128 * n)],
                out_hbm.at[0, h, pl.ds(0, _BUF_ROWS), pl.ds(0, 128 * n)],
                sem_store,
            ).wait()

    start_load(0)
    for i in range(len(_WINS)):
        wait_load(i)
        if i >= 1:
            drain_win(i - 1)
        if i + 1 < len(_WINS):
            start_load(i + 1)
        issue_win(i)
    drain_win(len(_WINS) - 1)


def kernel(encoder_hidden, decoder_hidden, relative_attention_bias):
    del encoder_hidden, decoder_hidden
    s128 = _build_shift_tables(relative_attention_bias)

    mesh = plsc.VectorSubcoreMesh(core_axis_name="c", subcore_axis_name="s")
    expand = functools.partial(
        pl.kernel,
        mesh=mesh,
        out_type=jax.ShapeDtypeStruct((1, _HEADS, _Q, _K), jnp.float32),
        scratch_types=[
            pltpu.VMEM((_BUF_ROWS, _WIN_COLS), jnp.float32),
            pltpu.VMEM((_BUF_ROWS, _WIN_COLS), jnp.float32),
            pltpu.SemaphoreType.DMA,
            pltpu.SemaphoreType.DMA,
        ],
    )(_expand_kernel)
    return expand(s128)

# --- scband reference (transcript-rebuilt; emitter-appended) ---
"""Pipeline reference for scband-relative-position-embedding-86517821214818 (READ-ONLY COPY).

The authoritative reference and input builder live on the scoring server;
editing this copy changes nothing except your own understanding.
"""

import jax, jax.numpy as jnp
import numpy as np
import math

NUM_BUCKETS = 32
MAX_DISTANCE = 128
HEADS_NUM = 16
BIDIRECTIONAL = True


def relative_position_bucket(relative_position, bidirectional, num_buckets, max_distance):
    relative_buckets = jnp.zeros_like(relative_position)
    if bidirectional:
        num_buckets = num_buckets // 2
        relative_buckets = relative_buckets + (relative_position > 0).astype(relative_position.dtype) * num_buckets
        relative_position = jnp.abs(relative_position)
    else:
        relative_position = -jnp.minimum(relative_position, jnp.zeros_like(relative_position))
    max_exact = num_buckets // 2
    is_small = relative_position < max_exact
    rp_if_large = max_exact + jnp.log(relative_position.astype(jnp.float32) / max_exact) / math.log(max_distance / max_exact) * (num_buckets - max_exact)
    rp_if_large = jnp.minimum(rp_if_large, jnp.full_like(rp_if_large, num_buckets - 1))
    buckets = relative_buckets.astype(jnp.float32) + jnp.where(is_small, relative_position.astype(jnp.float32), rp_if_large)
    return buckets.astype(jnp.int32)


def setup_inputs(seed: int = 0) -> dict:
    key = jax.random.key(seed)
    k1, k2, k3 = jax.random.split(key, 3)
    encoder_hidden = jax.random.normal(k1, (2, 2048, 1024), dtype=jnp.float32)
    decoder_hidden = jax.random.normal(k2, (2, 2048, 1024), dtype=jnp.float32)
    relative_attention_bias = jax.random.normal(k3, (NUM_BUCKETS, HEADS_NUM), dtype=jnp.float32)
    return {"encoder_hidden": encoder_hidden, "decoder_hidden": decoder_hidden, "relative_attention_bias": relative_attention_bias}


def reference(encoder_hidden, decoder_hidden, relative_attention_bias):
    query_length = encoder_hidden.shape[1]
    key_length = decoder_hidden.shape[1]
    context_position = jnp.arange(query_length, dtype=jnp.int32)[:, None]
    memory_position = jnp.arange(key_length, dtype=jnp.int32)[None, :]
    relative_position = memory_position - context_position
    bucket = relative_position_bucket(relative_position, BIDIRECTIONAL, NUM_BUCKETS, MAX_DISTANCE)
    values = jnp.take(relative_attention_bias, bucket, axis=0)  # [q, k, heads]
    values = jnp.transpose(values, (2, 0, 1))[None, :, :, :]  # [1, heads, q, k]
    return values

if __name__ == "__main__":
    import jax
    _d = setup_inputs()
    print(jax.jit(kernel)(*tuple(_d.values())))

</pallas_src>

<mosaic_0001>
#map = affine_map<(d0, d1) -> (0, 0, 0)>
#map1 = affine_map<(d0, d1) -> (0, 0, 0, 0)>
module attributes {stable_mosaic.version = 14 : i64} {
  func.func @_expand_kernel(%arg0: i32, %arg1: i32, %arg2: memref<16x128x3968xf32, #tpu.memory_space<hbm>>, %arg3: memref<1x16x2048x2048xf32, #tpu.memory_space<hbm>>, %arg4: memref<64x896xf32, #tpu.memory_space<vmem>>, %arg5: memref<64x896xf32, #tpu.memory_space<vmem>>, %arg6: memref<!tpu.dma_semaphore, #tpu.memory_space<semaphore_mem>>, %arg7: memref<!tpu.dma_semaphore, #tpu.memory_space<semaphore_mem>>) attributes {dimension_semantics = [#tpu.dimension_semantics<core_parallel>, #tpu.dimension_semantics<subcore_parallel>], iteration_bounds = array<i64: 2, 16>, scalar_prefetch = 0 : i64, scratch_operands = 4 : i64, tpu.core_type = #tpu.core_type<sc_vector_subcore>, window_params = [{transform_indices = #map}, {transform_indices = #map1}]} {
    %mul3A = arith.constant 64 : i32
    %mul3A_0 = arith.muli %mul3A, %arg0 : i32
    %multiple_of3A = tpu.assume_multiple %mul3A_0, 8 : i32
    %dma_start3A = arith.constant 0 : i32
    %dma_start3A_1 = arith.constant 0 : i32
    %dma_start3A_2 = tpu.memref_slice %arg4[%dma_start3A, %dma_start3A_1] : memref<64x896xf32, #tpu.memory_space<vmem>> -> memref<64x896xf32, #tpu.memory_space<vmem>>
    %dma_start3A_3 = arith.constant 0 : i32
    %dma_start3A_4 = tpu.memref_slice %arg2[%arg1, %multiple_of3A, %dma_start3A_3] : memref<16x128x3968xf32, #tpu.memory_space<hbm>> -> memref<1x64x896xf32, #tpu.memory_space<hbm>>
    %dma_start3A_5 = tpu.memref_squeeze %dma_start3A_4 : memref<1x64x896xf32, #tpu.memory_space<hbm>> -> memref<64x896xf32, #tpu.memory_space<hbm>>
    %dma_start3A_6 = arith.constant 0 : i32
    %dma_start3A_7 = arith.constant 0 : i32
    %dma_start3A_8 = tpu.memref_slice %arg4[%dma_start3A_6, %dma_start3A_7] : memref<64x896xf32, #tpu.memory_space<vmem>> -> memref<64x896xf32, #tpu.memory_space<vmem>>
    %dma_start3A_9 = arith.constant 0 : i32
    %dma_start3A_10 = tpu.memref_slice %arg2[%arg1, %multiple_of3A, %dma_start3A_9] : memref<16x128x3968xf32, #tpu.memory_space<hbm>> -> memref<1x64x896xf32, #tpu.memory_space<hbm>>
    %dma_start3A_11 = tpu.memref_squeeze %dma_start3A_10 : memref<1x64x896xf32, #tpu.memory_space<hbm>> -> memref<64x896xf32, #tpu.memory_space<hbm>>
    tpu.enqueue_dma source(%dma_start3A_11 : memref<64x896xf32, #tpu.memory_space<hbm>>) target(%dma_start3A_8 : memref<64x896xf32, #tpu.memory_space<vmem>>) target_semaphore(%arg6 : memref<!tpu.dma_semaphore, #tpu.memory_space<semaphore_mem>>)
    %dma_wait3A = arith.constant 0 : i32
    %dma_wait3A_12 = arith.constant 0 : i32
    %dma_wait3A_13 = tpu.memref_slice %arg4[%dma_wait3A, %dma_wait3A_12] : memref<64x896xf32, #tpu.memory_space<vmem>> -> memref<64x896xf32, #tpu.memory_space<vmem>>
    %dma_wait3A_14 = arith.constant 0 : i32
    %dma_wait3A_15 = arith.constant 0 : i32
    %dma_wait3A_16 = tpu.memref_slice %arg2[%arg1, %dma_wait3A_14, %dma_wait3A_15] : memref<16x128x3968xf32, #tpu.memory_space<hbm>> -> memref<1x64x896xf32, #tpu.memory_space<hbm>>
    %dma_wait3A_17 = tpu.memref_squeeze %dma_wait3A_16 : memref<1x64x896xf32, #tpu.memory_space<hbm>> -> memref<64x896xf32, #tpu.memory_space<hbm>>
    %dma_wait3A_18 = arith.constant 0 : i32
    %dma_wait3A_19 = arith.constant 0 : i32
    %dma_wait3A_20 = tpu.memref_slice %arg4[%dma_wait3A_18, %dma_wait3A_19] : memref<64x896xf32, #tpu.memory_space<vmem>> -> memref<64x896xf32, #tpu.memory_space<vmem>>
    %dma_wait3A_21 = arith.constant 0 : i32
    %dma_wait3A_22 = arith.constant 0 : i32
    %dma_wait3A_23 = tpu.memref_slice %arg2[%arg1, %dma_wait3A_21, %dma_wait3A_22] : memref<16x128x3968xf32, #tpu.memory_space<hbm>> -> memref<1x64x896xf32, #tpu.memory_space<hbm>>
    %dma_wait3A_24 = tpu.memref_squeeze %dma_wait3A_23 : memref<1x64x896xf32, #tpu.memory_space<hbm>> -> memref<64x896xf32, #tpu.memory_space<hbm>>
    tpu.wait_dma2 semaphore(%arg6 : memref<!tpu.dma_semaphore, #tpu.memory_space<semaphore_mem>>) src(%dma_wait3A_24 : memref<64x896xf32, #tpu.memory_space<hbm>>) dst(%dma_wait3A_20 : memref<64x896xf32, #tpu.memory_space<vmem>>)
    %dma_start3A_25 = arith.constant 0 : i32
    %dma_start3A_26 = arith.constant 0 : i32
    %dma_start3A_27 = tpu.memref_slice %arg5[%dma_start3A_25, %dma_start3A_26] : memref<64x896xf32, #tpu.memory_space<vmem>> -> memref<64x896xf32, #tpu.memory_space<vmem>>
    %dma_start3A_28 = arith.constant 896 : i32
    %dma_start3A_29 = tpu.memref_slice %arg2[%arg1, %multiple_of3A, %dma_start3A_28] : memref<16x128x3968xf32, #tpu.memory_space<hbm>> -> memref<1x64x896xf32, #tpu.memory_space<hbm>>
    %dma_start3A_30 = tpu.memref_squeeze %dma_start3A_29 : memref<1x64x896xf32, #tpu.memory_space<hbm>> -> memref<64x896xf32, #tpu.memory_space<hbm>>
    %dma_start3A_31 = arith.constant 0 : i32
    %dma_start3A_32 = arith.constant 0 : i32
    %dma_start3A_33 = tpu.memref_slice %arg5[%dma_start3A_31, %dma_start3A_32] : memref<64x896xf32, #tpu.memory_space<vmem>> -> memref<64x896xf32, #tpu.memory_space<vmem>>
    %dma_start3A_34 = arith.constant 896 : i32
    %dma_start3A_35 = tpu.memref_slice %arg2[%arg1, %multiple_of3A, %dma_start3A_34] : memref<16x128x3968xf32, #tpu.memory_space<hbm>> -> memref<1x64x896xf32, #tpu.memory_space<hbm>>
    %dma_start3A_36 = tpu.memref_squeeze %dma_start3A_35 : memref<1x64x896xf32, #tpu.memory_space<hbm>> -> memref<64x896xf32, #tpu.memory_space<hbm>>
    tpu.enqueue_dma source(%dma_start3A_36 : memref<64x896xf32, #tpu.memory_space<hbm>>) target(%dma_start3A_33 : memref<64x896xf32, #tpu.memory_space<vmem>>) target_semaphore(%arg6 : memref<!tpu.dma_semaphore, #tpu.memory_space<semaphore_mem>>)
    %mul3A_37 = arith.constant 64 : i32
    %mul3A_38 = arith.muli %mul3A_37, %arg0 : i32
    %add3A = arith.constant 1152 : i32
    %add3A_39 = arith.addi %add3A, %mul3A_38 : i32
    %multiple_of3A_40 = tpu.assume_multiple %add3A_39, 8 : i32
    %dma_start3A_41 = arith.constant 0 : i32
    %dma_start3A_42 = arith.constant 0 : i32
    %dma_start3A_43 = arith.constant 768 : i32
    %dma_start3A_44 = tpu.memref_slice %arg4[%dma_start3A_42, %dma_start3A_43] : memref<64x896xf32, #tpu.memory_space<vmem>> -> memref<64x128xf32, #tpu.memory_space<vmem>>
    %dma_start3A_45 = arith.constant 0 : i32
    %dma_start3A_46 = tpu.memref_slice %arg3[%dma_start3A_41, %arg1, %multiple_of3A_40, %dma_start3A_45] : memref<1x16x2048x2048xf32, #tpu.memory_space<hbm>> -> memref<1x1x64x128xf32, #tpu.memory_space<hbm>>
    %dma_start3A_47 = tpu.memref_squeeze %dma_start3A_46 : memref<1x1x64x128xf32, #tpu.memory_space<hbm>> -> memref<64x128xf32, #tpu.memory_space<hbm>>
    %dma_start3A_48 = arith.constant 0 : i32
    %dma_start3A_49 = tpu.memref_slice %arg3[%dma_start3A_41, %arg1, %multiple_of3A_40, %dma_start3A_48] : memref<1x16x2048x2048xf32, #tpu.memory_space<hbm>> -> memref<1x1x64x128xf32, #tpu.memory_space<hbm>>
    %dma_start3A_50 = tpu.memref_squeeze %dma_start3A_49 : memref<1x1x64x128xf32, #tpu.memory_space<hbm>> -> memref<64x128xf32, #tpu.memory_space<hbm>>
    %dma_start3A_51 = arith.constant 0 : i32
    %dma_start3A_52 = arith.constant 768 : i32
    %dma_start3A_53 = tpu.memref_slice %arg4[%dma_start3A_51, %dma_start3A_52] : memref<64x896xf32, #tpu.memory_space<vmem>> -> memref<64x128xf32, #tpu.memory_space<vmem>>
    tpu.enqueue_dma source(%dma_start3A_53 : memref<64x128xf32, #tpu.memory_space<vmem>>) target(%dma_start3A_50 : memref<64x128xf32, #tpu.memory_space<hbm>>) target_semaphore(%arg7 : memref<!tpu.dma_semaphore, #tpu.memory_space<semaphore_mem>>)
    %mul3A_54 = arith.constant 64 : i32
    %mul3A_55 = arith.muli %mul3A_54, %arg0 : i32
    %add3A_56 = arith.constant 1280 : i32
    %add3A_57 = arith.addi %add3A_56, %mul3A_55 : i32
    %multiple_of3A_58 = tpu.assume_multiple %add3A_57, 8 : i32
    %dma_start3A_59 = arith.constant 0 : i32
    %dma_start3A_60 = arith.constant 0 : i32
    %dma_start3A_61 = arith.constant 640 : i32
    %dma_start3A_62 = tpu.memref_slice %arg4[%dma_start3A_60, %dma_start3A_61] : memref<64x896xf32, #tpu.memory_space<vmem>> -> memref<64x256xf32, #tpu.memory_space<vmem>>
    %dma_start3A_63 = arith.constant 0 : i32
    %dma_start3A_64 = tpu.memref_slice %arg3[%dma_start3A_59, %arg1, %multiple_of3A_58, %dma_start3A_63] : memref<1x16x2048x2048xf32, #tpu.memory_space<hbm>> -> memref<1x1x64x256xf32, #tpu.memory_space<hbm>>
    %dma_start3A_65 = tpu.memref_squeeze %dma_start3A_64 : memref<1x1x64x256xf32, #tpu.memory_space<hbm>> -> memref<64x256xf32, #tpu.memory_space<hbm>>
    %dma_start3A_66 = arith.constant 0 : i32
    %dma_start3A_67 = tpu.memref_slice %arg3[%dma_start3A_59, %arg1, %multiple_of3A_58, %dma_start3A_66] : memref<1x16x2048x2048xf32, #tpu.memory_space<hbm>> -> memref<1x1x64x256xf32, #tpu.memory_space<hbm>>
    %dma_start3A_68 = tpu.memref_squeeze %dma_start3A_67 : memref<1x1x64x256xf32, #tpu.memory_space<hbm>> -> memref<64x256xf32, #tpu.memory_space<hbm>>
    %dma_start3A_69 = arith.constant 0 : i32
    %dma_start3A_70 = arith.constant 640 : i32
    %dma_start3A_71 = tpu.memref_slice %arg4[%dma_start3A_69, %dma_start3A_70] : memref<64x896xf32, #tpu.memory_space<vmem>> -> memref<64x256xf32, #tpu.memory_space<vmem>>
    tpu.enqueue_dma source(%dma_start3A_71 : memref<64x256xf32, #tpu.memory_space<vmem>>) target(%dma_start3A_68 : memref<64x256xf32, #tpu.memory_space<hbm>>) target_semaphore(%arg7 : memref<!tpu.dma_semaphore, #tpu.memory_space<semaphore_mem>>)
    %mul3A_72 = arith.constant 64 : i32
    %mul3A_73 = arith.muli %mul3A_72, %arg0 : i32
    %add3A_74 = arith.constant 1408 : i32
    %add3A_75 = arith.addi %add3A_74, %mul3A_73 : i32
    %multiple_of3A_76 = tpu.assume_multiple %add3A_75, 8 : i32
    %dma_start3A_77 = arith.constant 0 : i32
    %dma_start3A_78 = arith.constant 0 : i32
    %dma_start3A_79 = arith.constant 512 : i32
    %dma_start3A_80 = tpu.memref_slice %arg4[%dma_start3A_78, %dma_start3A_79] : memref<64x896xf32, #tpu.memory_space<vmem>> -> memref<64x384xf32, #tpu.memory_space<vmem>>
    %dma_start3A_81 = arith.constant 0 : i32
    %dma_start3A_82 = tpu.memref_slice %arg3[%dma_start3A_77, %arg1, %multiple_of3A_76, %dma_start3A_81] : memref<1x16x2048x2048xf32, #tpu.memory_space<hbm>> -> memref<1x1x64x384xf32, #tpu.memory_space<hbm>>
    %dma_start3A_83 = tpu.memref_squeeze %dma_start3A_82 : memref<1x1x64x384xf32, #tpu.memory_space<hbm>> -> memref<64x384xf32, #tpu.memory_space<hbm>>
    %dma_start3A_84 = arith.constant 0 : i32
    %dma_start3A_85 = tpu.memref_slice %arg3[%dma_start3A_77, %arg1, %multiple_of3A_76, %dma_start3A_84] : memref<1x16x2048x2048xf32, #tpu.memory_space<hbm>> -> memref<1x1x64x384xf32, #tpu.memory_space<hbm>>
    %dma_start3A_86 = tpu.memref_squeeze %dma_start3A_85 : memref<1x1x64x384xf32, #tpu.memory_space<hbm>> -> memref<64x384xf32, #tpu.memory_space<hbm>>
    %dma_start3A_87 = arith.constant 0 : i32
    %dma_start3A_88 = arith.constant 512 : i32
    %dma_start3A_89 = tpu.memref_slice %arg4[%dma_start3A_87, %dma_start3A_88] : memref<64x896xf32, #tpu.memory_space<vmem>> -> memref<64x384xf32, #tpu.memory_space<vmem>>
    tpu.enqueue_dma source(%dma_start3A_89 : memref<64x384xf32, #tpu.memory_space<vmem>>) target(%dma_start3A_86 : memref<64x384xf32, #tpu.memory_space<hbm>>) target_semaphore(%arg7 : memref<!tpu.dma_semaphore, #tpu.memory_space<semaphore_mem>>)
    %mul3A_90 = arith.constant 64 : i32
    %mul3A_91 = arith.muli %mul3A_90, %arg0 : i32
    %add3A_92 = arith.constant 1536 : i32
    %add3A_93 = arith.addi %add3A_92, %mul3A_91 : i32
    %multiple_of3A_94 = tpu.assume_multiple %add3A_93, 8 : i32
    %dma_start3A_95 = arith.constant 0 : i32
    %dma_start3A_96 = arith.constant 0 : i32
    %dma_start3A_97 = arith.constant 384 : i32
    %dma_start3A_98 = tpu.memref_slice %arg4[%dma_start3A_96, %dma_start3A_97] : memref<64x896xf32, #tpu.memory_space<vmem>> -> memref<64x512xf32, #tpu.memory_space<vmem>>
    %dma_start3A_99 = arith.constant 0 : i32
    %dma_start3A_100 = tpu.memref_slice %arg3[%dma_start3A_95, %arg1, %multiple_of3A_94, %dma_start3A_99] : memref<1x16x2048x2048xf32, #tpu.memory_space<hbm>> -> memref<1x1x64x512xf32, #tpu.memory_space<hbm>>
    %dma_start3A_101 = tpu.memref_squeeze %dma_start3A_100 : memref<1x1x64x512xf32, #tpu.memory_space<hbm>> -> memref<64x512xf32, #tpu.memory_space<hbm>>
    %dma_start3A_102 = arith.constant 0 : i32
    %dma_start3A_103 = tpu.memref_slice %arg3[%dma_start3A_95, %arg1, %multiple_of3A_94, %dma_start3A_102] : memref<1x16x2048x2048xf32, #tpu.memory_space<hbm>> -> memref<1x1x64x512xf32, #tpu.memory_space<hbm>>
    %dma_start3A_104 = tpu.memref_squeeze %dma_start3A_103 : memref<1x1x64x512xf32, #tpu.memory_space<hbm>> -> memref<64x512xf32, #tpu.memory_space<hbm>>
    %dma_start3A_105 = arith.constant 0 : i32
    %dma_start3A_106 = arith.constant 384 : i32
    %dma_start3A_107 = tpu.memref_slice %arg4[%dma_start3A_105, %dma_start3A_106] : memref<64x896xf32, #tpu.memory_space<vmem>> -> memref<64x512xf32, #tpu.memory_space<vmem>>
    tpu.enqueue_dma source(%dma_start3A_107 : memref<64x512xf32, #tpu.memory_space<vmem>>) target(%dma_start3A_104 : memref<64x512xf32, #tpu.memory_space<hbm>>) target_semaphore(%arg7 : memref<!tpu.dma_semaphore, #tpu.memory_space<semaphore_mem>>)
    %mul3A_108 = arith.constant 64 : i32
    %mul3A_109 = arith.muli %mul3A_108, %arg0 : i32
    %add3A_110 = arith.constant 1664 : i32
    %add3A_111 = arith.addi %add3A_110, %mul3A_109 : i32
    %multiple_of3A_112 = tpu.assume_multiple %add3A_111, 8 : i32
    %dma_start3A_113 = arith.constant 0 : i32
    %dma_start3A_114 = arith.constant 0 : i32
    %dma_start3A_115 = arith.constant 256 : i32
    %dma_start3A_116 = tpu.memref_slice %arg4[%dma_start3A_114, %dma_start3A_115] : memref<64x896xf32, #tpu.memory_space<vmem>> -> memref<64x640xf32, #tpu.memory_space<vmem>>
    %dma_start3A_117 = arith.constant 0 : i32
    %dma_start3A_118 = tpu.memref_slice %arg3[%dma_start3A_113, %arg1, %multiple_of3A_112, %dma_start3A_117] : memref<1x16x2048x2048xf32, #tpu.memory_space<hbm>> -> memref<1x1x64x640xf32, #tpu.memory_space<hbm>>
    %dma_start3A_119 = tpu.memref_squeeze %dma_start3A_118 : memref<1x1x64x640xf32, #tpu.memory_space<hbm>> -> memref<64x640xf32, #tpu.memory_space<hbm>>
    %dma_start3A_120 = arith.constant 0 : i32
    %dma_start3A_121 = tpu.memref_slice %arg3[%dma_start3A_113, %arg1, %multiple_of3A_112, %dma_start3A_120] : memref<1x16x2048x2048xf32, #tpu.memory_space<hbm>> -> memref<1x1x64x640xf32, #tpu.memory_space<hbm>>
    %dma_start3A_122 = tpu.memref_squeeze %dma_start3A_121 : memref<1x1x64x640xf32, #tpu.memory_space<hbm>> -> memref<64x640xf32, #tpu.memory_space<hbm>>
    %dma_start3A_123 = arith.constant 0 : i32
    %dma_start3A_124 = arith.constant 256 : i32
    %dma_start3A_125 = tpu.memref_slice %arg4[%dma_start3A_123, %dma_start3A_124] : memref<64x896xf32, #tpu.memory_space<vmem>> -> memref<64x640xf32, #tpu.memory_space<vmem>>
    tpu.enqueue_dma source(%dma_start3A_125 : memref<64x640xf32, #tpu.memory_space<vmem>>) target(%dma_start3A_122 : memref<64x640xf32, #tpu.memory_space<hbm>>) target_semaphore(%arg7 : memref<!tpu.dma_semaphore, #tpu.memory_space<semaphore_mem>>)
    %mul3A_126 = arith.constant 64 : i32
    %mul3A_127 = arith.muli %mul3A_126, %arg0 : i32
    %add3A_128 = arith.constant 1792 : i32
    %add3A_129 = arith.addi %add3A_128, %mul3A_127 : i32
    %multiple_of3A_130 = tpu.assume_multiple %add3A_129, 8 : i32
    %dma_start3A_131 = arith.constant 0 : i32
    %dma_start3A_132 = arith.constant 0 : i32
    %dma_start3A_133 = arith.constant 128 : i32
    %dma_start3A_134 = tpu.memref_slice %arg4[%dma_start3A_132, %dma_start3A_133] : memref<64x896xf32, #tpu.memory_space<vmem>> -> memref<64x768xf32, #tpu.memory_space<vmem>>
    %dma_start3A_135 = arith.constant 0 : i32
    %dma_start3A_136 = tpu.memref_slice %arg3[%dma_start3A_131, %arg1, %multiple_of3A_130, %dma_start3A_135] : memref<1x16x2048x2048xf32, #tpu.memory_space<hbm>> -> memref<1x1x64x768xf32, #tpu.memory_space<hbm>>
    %dma_start3A_137 = tpu.memref_squeeze %dma_start3A_136 : memref<1x1x64x768xf32, #tpu.memory_space<hbm>> -> memref<64x768xf32, #tpu.memory_space<hbm>>
    %dma_start3A_138 = arith.constant 0 : i32
    %dma_start3A_139 = tpu.memref_slice %arg3[%dma_start3A_131, %arg1, %multiple_of3A_130, %dma_start3A_138] : memref<1x16x2048x2048xf32, #tpu.memory_space<hbm>> -> memref<1x1x64x768xf32, #tpu.memory_space<hbm>>
    %dma_start3A_140 = tpu.memref_squeeze %dma_start3A_139 : memref<1x1x64x768xf32, #tpu.memory_space<hbm>> -> memref<64x768xf32, #tpu.memory_space<hbm>>
    %dma_start3A_141 = arith.constant 0 : i32
    %dma_start3A_142 = arith.constant 128 : i32
    %dma_start3A_143 = tpu.memref_slice %arg4[%dma_start3A_141, %dma_start3A_142] : memref<64x896xf32, #tpu.memory_space<vmem>> -> memref<64x768xf32, #tpu.memory_space<vmem>>
    tpu.enqueue_dma source(%dma_start3A_143 : memref<64x768xf32, #tpu.memory_space<vmem>>) target(%dma_start3A_140 : memref<64x768xf32, #tpu.memory_space<hbm>>) target_semaphore(%arg7 : memref<!tpu.dma_semaphore, #tpu.memory_space<semaphore_mem>>)
    %mul3A_144 = arith.constant 64 : i32
    %mul3A_145 = arith.muli %mul3A_144, %arg0 : i32
    %add3A_146 = arith.constant 1920 : i32
    %add3A_147 = arith.addi %add3A_146, %mul3A_145 : i32
    %multiple_of3A_148 = tpu.assume_multiple %add3A_147, 8 : i32
    %dma_start3A_149 = arith.constant 0 : i32
    %dma_start3A_150 = arith.constant 0 : i32
    %dma_start3A_151 = arith.constant 0 : i32
    %dma_start3A_152 = tpu.memref_slice %arg4[%dma_start3A_150, %dma_start3A_151] : memref<64x896xf32, #tpu.memory_space<vmem>> -> memref<64x896xf32, #tpu.memory_space<vmem>>
    %dma_start3A_153 = arith.constant 0 : i32
    %dma_start3A_154 = tpu.memref_slice %arg3[%dma_start3A_149, %arg1, %multiple_of3A_148, %dma_start3A_153] : memref<1x16x2048x2048xf32, #tpu.memory_space<hbm>> -> memref<1x1x64x896xf32, #tpu.memory_space<hbm>>
    %dma_start3A_155 = tpu.memref_squeeze %dma_start3A_154 : memref<1x1x64x896xf32, #tpu.memory_space<hbm>> -> memref<64x896xf32, #tpu.memory_space<hbm>>
    %dma_start3A_156 = arith.constant 0 : i32
    %dma_start3A_157 = tpu.memref_slice %arg3[%dma_start3A_149, %arg1, %multiple_of3A_148, %dma_start3A_156] : memref<1x16x2048x2048xf32, #tpu.memory_space<hbm>> -> memref<1x1x64x896xf32, #tpu.memory_space<hbm>>
    %dma_start3A_158 = tpu.memref_squeeze %dma_start3A_157 : memref<1x1x64x896xf32, #tpu.memory_space<hbm>> -> memref<64x896xf32, #tpu.memory_space<hbm>>
    %dma_start3A_159 = arith.constant 0 : i32
    %dma_start3A_160 = arith.constant 0 : i32
    %dma_start3A_161 = tpu.memref_slice %arg4[%dma_start3A_159, %dma_start3A_160] : memref<64x896xf32, #tpu.memory_space<vmem>> -> memref<64x896xf32, #tpu.memory_space<vmem>>
    tpu.enqueue_dma source(%dma_start3A_161 : memref<64x896xf32, #tpu.memory_space<vmem>>) target(%dma_start3A_158 : memref<64x896xf32, #tpu.memory_space<hbm>>) target_semaphore(%arg7 : memref<!tpu.dma_semaphore, #tpu.memory_space<semaphore_mem>>)
    %dma_wait3A_162 = arith.constant 0 : i32
    %dma_wait3A_163 = arith.constant 0 : i32
    %dma_wait3A_164 = tpu.memref_slice %arg4[%dma_wait3A_162, %dma_wait3A_163] : memref<64x896xf32, #tpu.memory_space<vmem>> -> memref<64x896xf32, #tpu.memory_space<vmem>>
    %dma_wait3A_165 = arith.constant 0 : i32
    %dma_wait3A_166 = arith.constant 0 : i32
    %dma_wait3A_167 = tpu.memref_slice %arg2[%arg1, %dma_wait3A_165, %dma_wait3A_166] : memref<16x128x3968xf32, #tpu.memory_space<hbm>> -> memref<1x64x896xf32, #tpu.memory_space<hbm>>
    %dma_wait3A_168 = tpu.memref_squeeze %dma_wait3A_167 : memref<1x64x896xf32, #tpu.memory_space<hbm>> -> memref<64x896xf32, #tpu.memory_space<hbm>>
    %dma_wait3A_169 = arith.constant 0 : i32
    %dma_wait3A_170 = arith.constant 0 : i32
    %dma_wait3A_171 = tpu.memref_slice %arg4[%dma_wait3A_169, %dma_wait3A_170] : memref<64x896xf32, #tpu.memory_space<vmem>> -> memref<64x896xf32, #tpu.memory_space<vmem>>
    %dma_wait3A_172 = arith.constant 0 : i32
    %dma_wait3A_173 = arith.constant 0 : i32
    %dma_wait3A_174 = tpu.memref_slice %arg2[%arg1, %dma_wait3A_172, %dma_wait3A_173] : memref<16x128x3968xf32, #tpu.memory_space<hbm>> -> memref<1x64x896xf32, #tpu.memory_space<hbm>>
    %dma_wait3A_175 = tpu.memref_squeeze %dma_wait3A_174 : memref<1x64x896xf32, #tpu.memory_space<hbm>> -> memref<64x896xf32, #tpu.memory_space<hbm>>
    tpu.wait_dma2 semaphore(%arg6 : memref<!tpu.dma_semaphore, #tpu.memory_space<semaphore_mem>>) src(%dma_wait3A_175 : memref<64x896xf32, #tpu.memory_space<hbm>>) dst(%dma_wait3A_171 : memref<64x896xf32, #tpu.memory_space<vmem>>)
    %dma_wait3A_176 = arith.constant 0 : i32
    %dma_wait3A_177 = arith.constant 0 : i32
    %dma_wait3A_178 = arith.constant 0 : i32
    %dma_wait3A_179 = tpu.memref_slice %arg4[%dma_wait3A_177, %dma_wait3A_178] : memref<64x896xf32, #tpu.memory_space<vmem>> -> memref<64x128xf32, #tpu.memory_space<vmem>>
    %dma_wait3A_180 = arith.constant 0 : i32
    %dma_wait3A_181 = arith.constant 0 : i32
    %dma_wait3A_182 = tpu.memref_slice %arg3[%dma_wait3A_176, %arg1, %dma_wait3A_180, %dma_wait3A_181] : memref<1x16x2048x2048xf32, #tpu.memory_space<hbm>> -> memref<1x1x64x128xf32, #tpu.memory_space<hbm>>
    %dma_wait3A_183 = tpu.memref_squeeze %dma_wait3A_182 : memref<1x1x64x128xf32, #tpu.memory_space<hbm>> -> memref<64x128xf32, #tpu.memory_space<hbm>>
    %dma_wait3A_184 = arith.constant 0 : i32
    %dma_wait3A_185 = arith.constant 0 : i32
    %dma_wait3A_186 = tpu.memref_slice %arg3[%dma_wait3A_176, %arg1, %dma_wait3A_184, %dma_wait3A_185] : memref<1x16x2048x2048xf32, #tpu.memory_space<hbm>> -> memref<1x1x64x128xf32, #tpu.memory_space<hbm>>
    %dma_wait3A_187 = tpu.memref_squeeze %dma_wait3A_186 : memref<1x1x64x128xf32, #tpu.memory_space<hbm>> -> memref<64x128xf32, #tpu.memory_space<hbm>>
    %dma_wait3A_188 = arith.constant 0 : i32
    %dma_wait3A_189 = arith.constant 0 : i32
    %dma_wait3A_190 = tpu.memref_slice %arg4[%dma_wait3A_188, %dma_wait3A_189] : memref<64x896xf32, #tpu.memory_space<vmem>> -> memref<64x128xf32, #tpu.memory_space<vmem>>
    tpu.wait_dma2 semaphore(%arg7 : memref<!tpu.dma_semaphore, #tpu.memory_space<semaphore_mem>>) src(%dma_wait3A_190 : memref<64x128xf32, #tpu.memory_space<vmem>>) dst(%dma_wait3A_187 : memref<64x128xf32, #tpu.memory_space<hbm>>)
    %dma_wait3A_191 = arith.constant 0 : i32
    %dma_wait3A_192 = arith.constant 0 : i32
    %dma_wait3A_193 = arith.constant 0 : i32
    %dma_wait3A_194 = tpu.memref_slice %arg4[%dma_wait3A_192, %dma_wait3A_193] : memref<64x896xf32, #tpu.memory_space<vmem>> -> memref<64x256xf32, #tpu.memory_space<vmem>>
    %dma_wait3A_195 = arith.constant 0 : i32
    %dma_wait3A_196 = arith.constant 0 : i32
    %dma_wait3A_197 = tpu.memref_slice %arg3[%dma_wait3A_191, %arg1, %dma_wait3A_195, %dma_wait3A_196] : memref<1x16x2048x2048xf32, #tpu.memory_space<hbm>> -> memref<1x1x64x256xf32, #tpu.memory_space<hbm>>
    %dma_wait3A_198 = tpu.memref_squeeze %dma_wait3A_197 : memref<1x1x64x256xf32, #tpu.memory_space<hbm>> -> memref<64x256xf32, #tpu.memory_space<hbm>>
    %dma_wait3A_199 = arith.constant 0 : i32
    %dma_wait3A_200 = arith.constant 0 : i32
    %dma_wait3A_201 = tpu.memref_slice %arg3[%dma_wait3A_191, %arg1, %dma_wait3A_199, %dma_wait3A_200] : memref<1x16x2048x2048xf32, #tpu.memory_space<hbm>> -> memref<1x1x64x256xf32, #tpu.memory_space<hbm>>
    %dma_wait3A_202 = tpu.memref_squeeze %dma_wait3A_201 : memref<1x1x64x256xf32, #tpu.memory_space<hbm>> -> memref<64x256xf32, #tpu.memory_space<hbm>>
    %dma_wait3A_203 = arith.constant 0 : i32
    %dma_wait3A_204 = arith.constant 0 : i32
    %dma_wait3A_205 = tpu.memref_slice %arg4[%dma_wait3A_203, %dma_wait3A_204] : memref<64x896xf32, #tpu.memory_space<vmem>> -> memref<64x256xf32, #tpu.memory_space<vmem>>
    tpu.wait_dma2 semaphore(%arg7 : memref<!tpu.dma_semaphore, #tpu.memory_space<semaphore_mem>>) src(%dma_wait3A_205 : memref<64x256xf32, #tpu.memory_space<vmem>>) dst(%dma_wait3A_202 : memref<64x256xf32, #tpu.memory_space<hbm>>)
    %dma_wait3A_206 = arith.constant 0 : i32
    %dma_wait3A_207 = arith.constant 0 : i32
    %dma_wait3A_208 = arith.constant 0 : i32
    %dma_wait3A_209 = tpu.memref_slice %arg4[%dma_wait3A_207, %dma_wait3A_208] : memref<64x896xf32, #tpu.memory_space<vmem>> -> memref<64x384xf32, #tpu.memory_space<vmem>>
    %dma_wait3A_210 = arith.constant 0 : i32
    %dma_wait3A_211 = arith.constant 0 : i32
    %dma_wait3A_212 = tpu.memref_slice %arg3[%dma_wait3A_206, %arg1, %dma_wait3A_210, %dma_wait3A_211] : memref<1x16x2048x2048xf32, #tpu.memory_space<hbm>> -> memref<1x1x64x384xf32, #tpu.memory_space<hbm>>
    %dma_wait3A_213 = tpu.memref_squeeze %dma_wait3A_212 : memref<1x1x64x384xf32, #tpu.memory_space<hbm>> -> memref<64x384xf32, #tpu.memory_space<hbm>>
    %dma_wait3A_214 = arith.constant 0 : i32
    %dma_wait3A_215 = arith.constant 0 : i32
    %dma_wait3A_216 = tpu.memref_slice %arg3[%dma_wait3A_206, %arg1, %dma_wait3A_214, %dma_wait3A_215] : memref<1x16x2048x2048xf32, #tpu.memory_space<hbm>> -> memref<1x1x64x384xf32, #tpu.memory_space<hbm>>
    %dma_wait3A_217 = tpu.memref_squeeze %dma_wait3A_216 : memref<1x1x64x384xf32, #tpu.memory_space<hbm>> -> memref<64x384xf32, #tpu.memory_space<hbm>>
    %dma_wait3A_218 = arith.constant 0 : i32
    %dma_wait3A_219 = arith.constant 0 : i32
    %dma_wait3A_220 = tpu.memref_slice %arg4[%dma_wait3A_218, %dma_wait3A_219] : memref<64x896xf32, #tpu.memory_space<vmem>> -> memref<64x384xf32, #tpu.memory_space<vmem>>
    tpu.wait_dma2 semaphore(%arg7 : memref<!tpu.dma_semaphore, #tpu.memory_space<semaphore_mem>>) src(%dma_wait3A_220 : memref<64x384xf32, #tpu.memory_space<vmem>>) dst(%dma_wait3A_217 : memref<64x384xf32, #tpu.memory_space<hbm>>)
    %dma_wait3A_221 = arith.constant 0 : i32
    %dma_wait3A_222 = arith.constant 0 : i32
    %dma_wait3A_223 = arith.constant 0 : i32
    %dma_wait3A_224 = tpu.memref_slice %arg4[%dma_wait3A_222, %dma_wait3A_223] : memref<64x896xf32, #tpu.memory_space<vmem>> -> memref<64x512xf32, #tpu.memory_space<vmem>>
    %dma_wait3A_225 = arith.constant 0 : i32
    %dma_wait3A_226 = arith.constant 0 : i32
    %dma_wait3A_227 = tpu.memref_slice %arg3[%dma_wait3A_221, %arg1, %dma_wait3A_225, %dma_wait3A_226] : memref<1x16x2048x2048xf32, #tpu.memory_space<hbm>> -> memref<1x1x64x512xf32, #tpu.memory_space<hbm>>
    %dma_wait3A_228 = tpu.memref_squeeze %dma_wait3A_227 : memref<1x1x64x512xf32, #tpu.memory_space<hbm>> -> memref<64x512xf32, #tpu.memory_space<hbm>>
    %dma_wait3A_229 = arith.constant 0 : i32
    %dma_wait3A_230 = arith.constant 0 : i32
    %dma_wait3A_231 = tpu.memref_slice %arg3[%dma_wait3A_221, %arg1, %dma_wait3A_229, %dma_wait3A_230] : memref<1x16x2048x2048xf32, #tpu.memory_space<hbm>> -> memref<1x1x64x512xf32, #tpu.memory_space<hbm>>
    %dma_wait3A_232 = tpu.memref_squeeze %dma_wait3A_231 : memref<1x1x64x512xf32, #tpu.memory_space<hbm>> -> memref<64x512xf32, #tpu.memory_space<hbm>>
    %dma_wait3A_233 = arith.constant 0 : i32
    %dma_wait3A_234 = arith.constant 0 : i32
    %dma_wait3A_235 = tpu.memref_slice %arg4[%dma_wait3A_233, %dma_wait3A_234] : memref<64x896xf32, #tpu.memory_space<vmem>> -> memref<64x512xf32, #tpu.memory_space<vmem>>
    tpu.wait_dma2 semaphore(%arg7 : memref<!tpu.dma_semaphore, #tpu.memory_space<semaphore_mem>>) src(%dma_wait3A_235 : memref<64x512xf32, #tpu.memory_space<vmem>>) dst(%dma_wait3A_232 : memref<64x512xf32, #tpu.memory_space<hbm>>)
    %dma_wait3A_236 = arith.constant 0 : i32
    %dma_wait3A_237 = arith.constant 0 : i32
    %dma_wait3A_238 = arith.constant 0 : i32
    %dma_wait3A_239 = tpu.memref_slice %arg4[%dma_wait3A_237, %dma_wait3A_238] : memref<64x896xf32, #tpu.memory_space<vmem>> -> memref<64x640xf32, #tpu.memory_space<vmem>>
    %dma_wait3A_240 = arith.constant 0 : i32
    %dma_wait3A_241 = arith.constant 0 : i32
    %dma_wait3A_242 = tpu.memref_slice %arg3[%dma_wait3A_236, %arg1, %dma_wait3A_240, %dma_wait3A_241] : memref<1x16x2048x2048xf32, #tpu.memory_space<hbm>> -> memref<1x1x64x640xf32, #tpu.memory_space<hbm>>
    %dma_wait3A_243 = tpu.memref_squeeze %dma_wait3A_242 : memref<1x1x64x640xf32, #tpu.memory_space<hbm>> -> memref<64x640xf32, #tpu.memory_space<hbm>>
    %dma_wait3A_244 = arith.constant 0 : i32
    %dma_wait3A_245 = arith.constant 0 : i32
    %dma_wait3A_246 = tpu.memref_slice %arg3[%dma_wait3A_236, %arg1, %dma_wait3A_244, %dma_wait3A_245] : memref<1x16x2048x2048xf32, #tpu.memory_space<hbm>> -> memref<1x1x64x640xf32, #tpu.memory_space<hbm>>
    %dma_wait3A_247 = tpu.memref_squeeze %dma_wait3A_246 : memref<1x1x64x640xf32, #tpu.memory_space<hbm>> -> memref<64x640xf32, #tpu.memory_space<hbm>>
    %dma_wait3A_248 = arith.constant 0 : i32
    %dma_wait3A_249 = arith.constant 0 : i32
    %dma_wait3A_250 = tpu.memref_slice %arg4[%dma_wait3A_248, %dma_wait3A_249] : memref<64x896xf32, #tpu.memory_space<vmem>> -> memref<64x640xf32, #tpu.memory_space<vmem>>
    tpu.wait_dma2 semaphore(%arg7 : memref<!tpu.dma_semaphore, #tpu.memory_space<semaphore_mem>>) src(%dma_wait3A_250 : memref<64x640xf32, #tpu.memory_space<vmem>>) dst(%dma_wait3A_247 : memref<64x640xf32, #tpu.memory_space<hbm>>)
    %dma_wait3A_251 = arith.constant 0 : i32
    %dma_wait3A_252 = arith.constant 0 : i32
    %dma_wait3A_253 = arith.constant 0 : i32
    %dma_wait3A_254 = tpu.memref_slice %arg4[%dma_wait3A_252, %dma_wait3A_253] : memref<64x896xf32, #tpu.memory_space<vmem>> -> memref<64x768xf32, #tpu.memory_space<vmem>>
    %dma_wait3A_255 = arith.constant 0 : i32
    %dma_wait3A_256 = arith.constant 0 : i32
    %dma_wait3A_257 = tpu.memref_slice %arg3[%dma_wait3A_251, %arg1, %dma_wait3A_255, %dma_wait3A_256] : memref<1x16x2048x2048xf32, #tpu.memory_space<hbm>> -> memref<1x1x64x768xf32, #tpu.memory_space<hbm>>
    %dma_wait3A_258 = tpu.memref_squeeze %dma_wait3A_257 : memref<1x1x64x768xf32, #tpu.memory_space<hbm>> -> memref<64x768xf32, #tpu.memory_space<hbm>>
    %dma_wait3A_259 = arith.constant 0 : i32
    %dma_wait3A_260 = arith.constant 0 : i32
    %dma_wait3A_261 = tpu.memref_slice %arg3[%dma_wait3A_251, %arg1, %dma_wait3A_259, %dma_wait3A_260] : memref<1x16x2048x2048xf32, #tpu.memory_space<hbm>> -> memref<1x1x64x768xf32, #tpu.memory_space<hbm>>
    %dma_wait3A_262 = tpu.memref_squeeze %dma_wait3A_261 : memref<1x1x64x768xf32, #tpu.memory_space<hbm>> -> memref<64x768xf32, #tpu.memory_space<hbm>>
    %dma_wait3A_263 = arith.constant 0 : i32
    %dma_wait3A_264 = arith.constant 0 : i32
    %dma_wait3A_265 = tpu.memref_slice %arg4[%dma_wait3A_263, %dma_wait3A_264] : memref<64x896xf32, #tpu.memory_space<vmem>> -> memref<64x768xf32, #tpu.memory_space<vmem>>
    tpu.wait_dma2 semaphore(%arg7 : memref<!tpu.dma_semaphore, #tpu.memory_space<semaphore_mem>>) src(%dma_wait3A_265 : memref<64x768xf32, #tpu.memory_space<vmem>>) dst(%dma_wait3A_262 : memref<64x768xf32, #tpu.memory_space<hbm>>)
    %dma_wait3A_266 = arith.constant 0 : i32
    %dma_wait3A_267 = arith.constant 0 : i32
    %dma_wait3A_268 = arith.constant 0 : i32
    %dma_wait3A_269 = tpu.memref_slice %arg4[%dma_wait3A_267, %dma_wait3A_268] : memref<64x896xf32, #tpu.memory_space<vmem>> -> memref<64x896xf32, #tpu.memory_space<vmem>>
    %dma_wait3A_270 = arith.constant 0 : i32
    %dma_wait3A_271 = arith.constant 0 : i32
    %dma_wait3A_272 = tpu.memref_slice %arg3[%dma_wait3A_266, %arg1, %dma_wait3A_270, %dma_wait3A_271] : memref<1x16x2048x2048xf32, #tpu.memory_space<hbm>> -> memref<1x1x64x896xf32, #tpu.memory_space<hbm>>
    %dma_wait3A_273 = tpu.memref_squeeze %dma_wait3A_272 : memref<1x1x64x896xf32, #tpu.memory_space<hbm>> -> memref<64x896xf32, #tpu.memory_space<hbm>>
    %dma_wait3A_274 = arith.constant 0 : i32
    %dma_wait3A_275 = arith.constant 0 : i32
    %dma_wait3A_276 = tpu.memref_slice %arg3[%dma_wait3A_266, %arg1, %dma_wait3A_274, %dma_wait3A_275] : memref<1x16x2048x2048xf32, #tpu.memory_space<hbm>> -> memref<1x1x64x896xf32, #tpu.memory_space<hbm>>
    %dma_wait3A_277 = tpu.memref_squeeze %dma_wait3A_276 : memref<1x1x64x896xf32, #tpu.memory_space<hbm>> -> memref<64x896xf32, #tpu.memory_space<hbm>>
    %dma_wait3A_278 = arith.constant 0 : i32
    %dma_wait3A_279 = arith.constant 0 : i32
    %dma_wait3A_280 = tpu.memref_slice %arg4[%dma_wait3A_278, %dma_wait3A_279] : memref<64x896xf32, #tpu.memory_space<vmem>> -> memref<64x896xf32, #tpu.memory_space<vmem>>
    tpu.wait_dma2 semaphore(%arg7 : memref<!tpu.dma_semaphore, #tpu.memory_space<semaphore_mem>>) src(%dma_wait3A_280 : memref<64x896xf32, #tpu.memory_space<vmem>>) dst(%dma_wait3A_277 : memref<64x896xf32, #tpu.memory_space<hbm>>)
    %dma_start3A_281 = arith.constant 0 : i32
    %dma_start3A_282 = arith.constant 0 : i32
    %dma_start3A_283 = tpu.memref_slice %arg4[%dma_start3A_281, %dma_start3A_282] : memref<64x896xf32, #tpu.memory_space<vmem>> -> memref<64x896xf32, #tpu.memory_space<vmem>>
    %dma_start3A_284 = arith.constant 1792 : i32
    %dma_start3A_285 = tpu.memref_slice %arg2[%arg1, %multiple_of3A, %dma_start3A_284] : memref<16x128x3968xf32, #tpu.memory_space<hbm>> -> memref<1x64x896xf32, #tpu.memory_space<hbm>>
    %dma_start3A_286 = tpu.memref_squeeze %dma_start3A_285 : memref<1x64x896xf32, #tpu.memory_space<hbm>> -> memref<64x896xf32, #tpu.memory_space<hbm>>
    %dma_start3A_287 = arith.constant 0 : i32
    %dma_start3A_288 = arith.constant 0 : i32
    %dma_start3A_289 = tpu.memref_slice %arg4[%dma_start3A_287, %dma_start3A_288] : memref<64x896xf32, #tpu.memory_space<vmem>> -> memref<64x896xf32, #tpu.memory_space<vmem>>
    %dma_start3A_290 = arith.constant 1792 : i32
    %dma_start3A_291 = tpu.memref_slice %arg2[%arg1, %multiple_of3A, %dma_start3A_290] : memref<16x128x3968xf32, #tpu.memory_space<hbm>> -> memref<1x64x896xf32, #tpu.memory_space<hbm>>
    %dma_start3A_292 = tpu.memref_squeeze %dma_start3A_291 : memref<1x64x896xf32, #tpu.memory_space<hbm>> -> memref<64x896xf32, #tpu.memory_space<hbm>>
    tpu.enqueue_dma source(%dma_start3A_292 : memref<64x896xf32, #tpu.memory_space<hbm>>) target(%dma_start3A_289 : memref<64x896xf32, #tpu.memory_space<vmem>>) target_semaphore(%arg6 : memref<!tpu.dma_semaphore, #tpu.memory_space<semaphore_mem>>)
    %mul3A_293 = arith.constant 64 : i32
    %mul3A_294 = arith.muli %mul3A_293, %arg0 : i32
    %add3A_295 = arith.constant 256 : i32
    %add3A_296 = arith.addi %add3A_295, %mul3A_294 : i32
    %multiple_of3A_297 = tpu.assume_multiple %add3A_296, 8 : i32
    %dma_start3A_298 = arith.constant 0 : i32
    %dma_start3A_299 = arith.constant 0 : i32
    %dma_start3A_300 = arith.constant 768 : i32
    %dma_start3A_301 = tpu.memref_slice %arg5[%dma_start3A_299, %dma_start3A_300] : memref<64x896xf32, #tpu.memory_space<vmem>> -> memref<64x128xf32, #tpu.memory_space<vmem>>
    %dma_start3A_302 = arith.constant 0 : i32
    %dma_start3A_303 = tpu.memref_slice %arg3[%dma_start3A_298, %arg1, %multiple_of3A_297, %dma_start3A_302] : memref<1x16x2048x2048xf32, #tpu.memory_space<hbm>> -> memref<1x1x64x128xf32, #tpu.memory_space<hbm>>
    %dma_start3A_304 = tpu.memref_squeeze %dma_start3A_303 : memref<1x1x64x128xf32, #tpu.memory_space<hbm>> -> memref<64x128xf32, #tpu.memory_space<hbm>>
    %dma_start3A_305 = arith.constant 0 : i32
    %dma_start3A_306 = tpu.memref_slice %arg3[%dma_start3A_298, %arg1, %multiple_of3A_297, %dma_start3A_305] : memref<1x16x2048x2048xf32, #tpu.memory_space<hbm>> -> memref<1x1x64x128xf32, #tpu.memory_space<hbm>>
    %dma_start3A_307 = tpu.memref_squeeze %dma_start3A_306 : memref<1x1x64x128xf32, #tpu.memory_space<hbm>> -> memref<64x128xf32, #tpu.memory_space<hbm>>
    %dma_start3A_308 = arith.constant 0 : i32
    %dma_start3A_309 = arith.constant 768 : i32
    %dma_start3A_310 = tpu.memref_slice %arg5[%dma_start3A_308, %dma_start3A_309] : memref<64x896xf32, #tpu.memory_space<vmem>> -> memref<64x128xf32, #tpu.memory_space<vmem>>
    tpu.enqueue_dma source(%dma_start3A_310 : memref<64x128xf32, #tpu.memory_space<vmem>>) target(%dma_start3A_307 : memref<64x128xf32, #tpu.memory_space<hbm>>) target_semaphore(%arg7 : memref<!tpu.dma_semaphore, #tpu.memory_space<semaphore_mem>>)
    %mul3A_311 = arith.constant 64 : i32
    %mul3A_312 = arith.muli %mul3A_311, %arg0 : i32
    %add3A_313 = arith.constant 384 : i32
    %add3A_314 = arith.addi %add3A_313, %mul3A_312 : i32
    %multiple_of3A_315 = tpu.assume_multiple %add3A_314, 8 : i32
    %dma_start3A_316 = arith.constant 0 : i32
    %dma_start3A_317 = arith.constant 0 : i32
    %dma_start3A_318 = arith.constant 640 : i32
    %dma_start3A_319 = tpu.memref_slice %arg5[%dma_start3A_317, %dma_start3A_318] : memref<64x896xf32, #tpu.memory_space<vmem>> -> memref<64x256xf32, #tpu.memory_space<vmem>>
    %dma_start3A_320 = arith.constant 0 : i32
    %dma_start3A_321 = tpu.memref_slice %arg3[%dma_start3A_316, %arg1, %multiple_of3A_315, %dma_start3A_320] : memref<1x16x2048x2048xf32, #tpu.memory_space<hbm>> -> memref<1x1x64x256xf32, #tpu.memory_space<hbm>>
    %dma_start3A_322 = tpu.memref_squeeze %dma_start3A_321 : memref<1x1x64x256xf32, #tpu.memory_space<hbm>> -> memref<64x256xf32, #tpu.memory_space<hbm>>
    %dma_start3A_323 = arith.constant 0 : i32
    %dma_start3A_324 = tpu.memref_slice %arg3[%dma_start3A_316, %arg1, %multiple_of3A_315, %dma_start3A_323] : memref<1x16x2048x2048xf32, #tpu.memory_space<hbm>> -> memref<1x1x64x256xf32, #tpu.memory_space<hbm>>
    %dma_start3A_325 = tpu.memref_squeeze %dma_start3A_324 : memref<1x1x64x256xf32, #tpu.memory_space<hbm>> -> memref<64x256xf32, #tpu.memory_space<hbm>>
    %dma_start3A_326 = arith.constant 0 : i32
    %dma_start3A_327 = arith.constant 640 : i32
    %dma_start3A_328 = tpu.memref_slice %arg5[%dma_start3A_326, %dma_start3A_327] : memref<64x896xf32, #tpu.memory_space<vmem>> -> memref<64x256xf32, #tpu.memory_space<vmem>>
    tpu.enqueue_dma source(%dma_start3A_328 : memref<64x256xf32, #tpu.memory_space<vmem>>) target(%dma_start3A_325 : memref<64x256xf32, #tpu.memory_space<hbm>>) target_semaphore(%arg7 : memref<!tpu.dma_semaphore, #tpu.memory_space<semaphore_mem>>)
    %mul3A_329 = arith.constant 64 : i32
    %mul3A_330 = arith.muli %mul3A_329, %arg0 : i32
    %add3A_331 = arith.constant 512 : i32
    %add3A_332 = arith.addi %add3A_331, %mul3A_330 : i32
    %multiple_of3A_333 = tpu.assume_multiple %add3A_332, 8 : i32
    %dma_start3A_334 = arith.constant 0 : i32
    %dma_start3A_335 = arith.constant 0 : i32
    %dma_start3A_336 = arith.constant 512 : i32
    %dma_start3A_337 = tpu.memref_slice %arg5[%dma_start3A_335, %dma_start3A_336] : memref<64x896xf32, #tpu.memory_space<vmem>> -> memref<64x384xf32, #tpu.memory_space<vmem>>
    %dma_start3A_338 = arith.constant 0 : i32
    %dma_start3A_339 = tpu.memref_slice %arg3[%dma_start3A_334, %arg1, %multiple_of3A_333, %dma_start3A_338] : memref<1x16x2048x2048xf32, #tpu.memory_space<hbm>> -> memref<1x1x64x384xf32, #tpu.memory_space<hbm>>
    %dma_start3A_340 = tpu.memref_squeeze %dma_start3A_339 : memref<1x1x64x384xf32, #tpu.memory_space<hbm>> -> memref<64x384xf32, #tpu.memory_space<hbm>>
    %dma_start3A_341 = arith.constant 0 : i32
    %dma_start3A_342 = tpu.memref_slice %arg3[%dma_start3A_334, %arg1, %multiple_of3A_333, %dma_start3A_341] : memref<1x16x2048x2048xf32, #tpu.memory_space<hbm>> -> memref<1x1x64x384xf32, #tpu.memory_space<hbm>>
    %dma_start3A_343 = tpu.memref_squeeze %dma_start3A_342 : memref<1x1x64x384xf32, #tpu.memory_space<hbm>> -> memref<64x384xf32, #tpu.memory_space<hbm>>
    %dma_start3A_344 = arith.constant 0 : i32
    %dma_start3A_345 = arith.constant 512 : i32
    %dma_start3A_346 = tpu.memref_slice %arg5[%dma_start3A_344, %dma_start3A_345] : memref<64x896xf32, #tpu.memory_space<vmem>> -> memref<64x384xf32, #tpu.memory_space<vmem>>
    tpu.enqueue_dma source(%dma_start3A_346 : memref<64x384xf32, #tpu.memory_space<vmem>>) target(%dma_start3A_343 : memref<64x384xf32, #tpu.memory_space<hbm>>) target_semaphore(%arg7 : memref<!tpu.dma_semaphore, #tpu.memory_space<semaphore_mem>>)
    %mul3A_347 = arith.constant 64 : i32
    %mul3A_348 = arith.muli %mul3A_347, %arg0 : i32
    %add3A_349 = arith.constant 640 : i32
    %add3A_350 = arith.addi %add3A_349, %mul3A_348 : i32
    %multiple_of3A_351 = tpu.assume_multiple %add3A_350, 8 : i32
    %dma_start3A_352 = arith.constant 0 : i32
    %dma_start3A_353 = arith.constant 0 : i32
    %dma_start3A_354 = arith.constant 384 : i32
    %dma_start3A_355 = tpu.memref_slice %arg5[%dma_start3A_353, %dma_start3A_354] : memref<64x896xf32, #tpu.memory_space<vmem>> -> memref<64x512xf32, #tpu.memory_space<vmem>>
    %dma_start3A_356 = arith.constant 0 : i32
    %dma_start3A_357 = tpu.memref_slice %arg3[%dma_start3A_352, %arg1, %multiple_of3A_351, %dma_start3A_356] : memref<1x16x2048x2048xf32, #tpu.memory_space<hbm>> -> memref<1x1x64x512xf32, #tpu.memory_space<hbm>>
    %dma_start3A_358 = tpu.memref_squeeze %dma_start3A_357 : memref<1x1x64x512xf32, #tpu.memory_space<hbm>> -> memref<64x512xf32, #tpu.memory_space<hbm>>
    %dma_start3A_359 = arith.constant 0 : i32
    %dma_start3A_360 = tpu.memref_slice %arg3[%dma_start3A_352, %arg1, %multiple_of3A_351, %dma_start3A_359] : memref<1x16x2048x2048xf32, #tpu.memory_space<hbm>> -> memref<1x1x64x512xf32, #tpu.memory_space<hbm>>
    %dma_start3A_361 = tpu.memref_squeeze %dma_start3A_360 : memref<1x1x64x512xf32, #tpu.memory_space<hbm>> -> memref<64x512xf32, #tpu.memory_space<hbm>>
    %dma_start3A_362 = arith.constant 0 : i32
    %dma_start3A_363 = arith.constant 384 : i32
    %dma_start3A_364 = tpu.memref_slice %arg5[%dma_start3A_362, %dma_start3A_363] : memref<64x896xf32, #tpu.memory_space<vmem>> -> memref<64x512xf32, #tpu.memory_space<vmem>>
    tpu.enqueue_dma source(%dma_start3A_364 : memref<64x512xf32, #tpu.memory_space<vmem>>) target(%dma_start3A_361 : memref<64x512xf32, #tpu.memory_space<hbm>>) target_semaphore(%arg7 : memref<!tpu.dma_semaphore, #tpu.memory_space<semaphore_mem>>)
    %mul3A_365 = arith.constant 64 : i32
    %mul3A_366 = arith.muli %mul3A_365, %arg0 : i32
    %add3A_367 = arith.constant 768 : i32
    %add3A_368 = arith.addi %add3A_367, %mul3A_366 : i32
    %multiple_of3A_369 = tpu.assume_multiple %add3A_368, 8 : i32
    %dma_start3A_370 = arith.constant 0 : i32
    %dma_start3A_371 = arith.constant 0 : i32
    %dma_start3A_372 = arith.constant 256 : i32
    %dma_start3A_373 = tpu.memref_slice %arg5[%dma_start3A_371, %dma_start3A_372] : memref<64x896xf32, #tpu.memory_space<vmem>> -> memref<64x640xf32, #tpu.memory_space<vmem>>
    %dma_start3A_374 = arith.constant 0 : i32
    %dma_start3A_375 = tpu.memref_slice %arg3[%dma_start3A_370, %arg1, %multiple_of3A_369, %dma_start3A_374] : memref<1x16x2048x2048xf32, #tpu.memory_space<hbm>> -> memref<1x1x64x640xf32, #tpu.memory_space<hbm>>
    %dma_start3A_376 = tpu.memref_squeeze %dma_start3A_375 : memref<1x1x64x640xf32, #tpu.memory_space<hbm>> -> memref<64x640xf32, #tpu.memory_space<hbm>>
    %dma_start3A_377 = arith.constant 0 : i32
    %dma_start3A_378 = tpu.memref_slice %arg3[%dma_start3A_370, %arg1, %multiple_of3A_369, %dma_start3A_377] : memref<1x16x2048x2048xf32, #tpu.memory_space<hbm>> -> memref<1x1x64x640xf32, #tpu.memory_space<hbm>>
    %dma_start3A_379 = tpu.memref_squeeze %dma_start3A_378 : memref<1x1x64x640xf32, #tpu.memory_space<hbm>> -> memref<64x640xf32, #tpu.memory_space<hbm>>
    %dma_start3A_380 = arith.constant 0 : i32
    %dma_start3A_381 = arith.constant 256 : i32
    %dma_start3A_382 = tpu.memref_slice %arg5[%dma_start3A_380, %dma_start3A_381] : memref<64x896xf32, #tpu.memory_space<vmem>> -> memref<64x640xf32, #tpu.memory_space<vmem>>
    tpu.enqueue_dma source(%dma_start3A_382 : memref<64x640xf32, #tpu.memory_space<vmem>>) target(%dma_start3A_379 : memref<64x640xf32, #tpu.memory_space<hbm>>) target_semaphore(%arg7 : memref<!tpu.dma_semaphore, #tpu.memory_space<semaphore_mem>>)
    %mul3A_383 = arith.constant 64 : i32
    %mul3A_384 = arith.muli %mul3A_383, %arg0 : i32
    %add3A_385 = arith.constant 896 : i32
    %add3A_386 = arith.addi %add3A_385, %mul3A_384 : i32
    %multiple_of3A_387 = tpu.assume_multiple %add3A_386, 8 : i32
    %dma_start3A_388 = arith.constant 0 : i32
    %dma_start3A_389 = arith.constant 0 : i32
    %dma_start3A_390 = arith.constant 128 : i32
    %dma_start3A_391 = tpu.memref_slice %arg5[%dma_start3A_389, %dma_start3A_390] : memref<64x896xf32, #tpu.memory_space<vmem>> -> memref<64x768xf32, #tpu.memory_space<vmem>>
    %dma_start3A_392 = arith.constant 0 : i32
    %dma_start3A_393 = tpu.memref_slice %arg3[%dma_start3A_388, %arg1, %multiple_of3A_387, %dma_start3A_392] : memref<1x16x2048x2048xf32, #tpu.memory_space<hbm>> -> memref<1x1x64x768xf32, #tpu.memory_space<hbm>>
    %dma_start3A_394 = tpu.memref_squeeze %dma_start3A_393 : memref<1x1x64x768xf32, #tpu.memory_space<hbm>> -> memref<64x768xf32, #tpu.memory_space<hbm>>
    %dma_start3A_395 = arith.constant 0 : i32
    %dma_start3A_396 = tpu.memref_slice %arg3[%dma_start3A_388, %arg1, %multiple_of3A_387, %dma_start3A_395] : memref<1x16x2048x2048xf32, #tpu.memory_space<hbm>> -> memref<1x1x64x768xf32, #tpu.memory_space<hbm>>
    %dma_start3A_397 = tpu.memref_squeeze %dma_start3A_396 : memref<1x1x64x768xf32, #tpu.memory_space<hbm>> -> memref<64x768xf32, #tpu.memory_space<hbm>>
    %dma_start3A_398 = arith.constant 0 : i32
    %dma_start3A_399 = arith.constant 128 : i32
    %dma_start3A_400 = tpu.memref_slice %arg5[%dma_start3A_398, %dma_start3A_399] : memref<64x896xf32, #tpu.memory_space<vmem>> -> memref<64x768xf32, #tpu.memory_space<vmem>>
    tpu.enqueue_dma source(%dma_start3A_400 : memref<64x768xf32, #tpu.memory_space<vmem>>) target(%dma_start3A_397 : memref<64x768xf32, #tpu.memory_space<hbm>>) target_semaphore(%arg7 : memref<!tpu.dma_semaphore, #tpu.memory_space<semaphore_mem>>)
    %mul3A_401 = arith.constant 64 : i32
    %mul3A_402 = arith.muli %mul3A_401, %arg0 : i32
    %add3A_403 = arith.constant 1024 : i32
    %add3A_404 = arith.addi %add3A_403, %mul3A_402 : i32
    %multiple_of3A_405 = tpu.assume_multiple %add3A_404, 8 : i32
    %dma_start3A_406 = arith.constant 0 : i32
    %dma_start3A_407 = arith.constant 0 : i32
    %dma_start3A_408 = arith.constant 0 : i32
    %dma_start3A_409 = tpu.memref_slice %arg5[%dma_start3A_407, %dma_start3A_408] : memref<64x896xf32, #tpu.memory_space<vmem>> -> memref<64x896xf32, #tpu.memory_space<vmem>>
    %dma_start3A_410 = arith.constant 0 : i32
    %dma_start3A_411 = tpu.memref_slice %arg3[%dma_start3A_406, %arg1, %multiple_of3A_405, %dma_start3A_410] : memref<1x16x2048x2048xf32, #tpu.memory_space<hbm>> -> memref<1x1x64x896xf32, #tpu.memory_space<hbm>>
    %dma_start3A_412 = tpu.memref_squeeze %dma_start3A_411 : memref<1x1x64x896xf32, #tpu.memory_space<hbm>> -> memref<64x896xf32, #tpu.memory_space<hbm>>
    %dma_start3A_413 = arith.constant 0 : i32
    %dma_start3A_414 = tpu.memref_slice %arg3[%dma_start3A_406, %arg1, %multiple_of3A_405, %dma_start3A_413] : memref<1x16x2048x2048xf32, #tpu.memory_space<hbm>> -> memref<1x1x64x896xf32, #tpu.memory_space<hbm>>
    %dma_start3A_415 = tpu.memref_squeeze %dma_start3A_414 : memref<1x1x64x896xf32, #tpu.memory_space<hbm>> -> memref<64x896xf32, #tpu.memory_space<hbm>>
    %dma_start3A_416 = arith.constant 0 : i32
    %dma_start3A_417 = arith.constant 0 : i32
    %dma_start3A_418 = tpu.memref_slice %arg5[%dma_start3A_416, %dma_start3A_417] : memref<64x896xf32, #tpu.memory_space<vmem>> -> memref<64x896xf32, #tpu.memory_space<vmem>>
    tpu.enqueue_dma source(%dma_start3A_418 : memref<64x896xf32, #tpu.memory_space<vmem>>) target(%dma_start3A_415 : memref<64x896xf32, #tpu.memory_space<hbm>>) target_semaphore(%arg7 : memref<!tpu.dma_semaphore, #tpu.memory_space<semaphore_mem>>)
    %mul3A_419 = arith.constant 64 : i32
    %mul3A_420 = arith.muli %mul3A_419, %arg0 : i32
    %add3A_421 = arith.constant 1152 : i32
    %add3A_422 = arith.addi %add3A_421, %mul3A_420 : i32
    %multiple_of3A_423 = tpu.assume_multiple %add3A_422, 8 : i32
    %dma_start3A_424 = arith.constant 0 : i32
    %dma_start3A_425 = arith.constant 0 : i32
    %dma_start3A_426 = arith.constant 0 : i32
    %dma_start3A_427 = tpu.memref_slice %arg5[%dma_start3A_425, %dma_start3A_426] : memref<64x896xf32, #tpu.memory_space<vmem>> -> memref<64x896xf32, #tpu.memory_space<vmem>>
    %dma_start3A_428 = arith.constant 128 : i32
    %dma_start3A_429 = tpu.memref_slice %arg3[%dma_start3A_424, %arg1, %multiple_of3A_423, %dma_start3A_428] : memref<1x16x2048x2048xf32, #tpu.memory_space<hbm>> -> memref<1x1x64x896xf32, #tpu.memory_space<hbm>>
    %dma_start3A_430 = tpu.memref_squeeze %dma_start3A_429 : memref<1x1x64x896xf32, #tpu.memory_space<hbm>> -> memref<64x896xf32, #tpu.memory_space<hbm>>
    %dma_start3A_431 = arith.constant 128 : i32
    %dma_start3A_432 = tpu.memref_slice %arg3[%dma_start3A_424, %arg1, %multiple_of3A_423, %dma_start3A_431] : memref<1x16x2048x2048xf32, #tpu.memory_space<hbm>> -> memref<1x1x64x896xf32, #tpu.memory_space<hbm>>
    %dma_start3A_433 = tpu.memref_squeeze %dma_start3A_432 : memref<1x1x64x896xf32, #tpu.memory_space<hbm>> -> memref<64x896xf32, #tpu.memory_space<hbm>>
    %dma_start3A_434 = arith.constant 0 : i32
    %dma_start3A_435 = arith.constant 0 : i32
    %dma_start3A_436 = tpu.memref_slice %arg5[%dma_start3A_434, %dma_start3A_435] : memref<64x896xf32, #tpu.memory_space<vmem>> -> memref<64x896xf32, #tpu.memory_space<vmem>>
    tpu.enqueue_dma source(%dma_start3A_436 : memref<64x896xf32, #tpu.memory_space<vmem>>) target(%dma_start3A_433 : memref<64x896xf32, #tpu.memory_space<hbm>>) target_semaphore(%arg7 : memref<!tpu.dma_semaphore, #tpu.memory_space<semaphore_mem>>)
    %mul3A_437 = arith.constant 64 : i32
    %mul3A_438 = arith.muli %mul3A_437, %arg0 : i32
    %add3A_439 = arith.constant 1280 : i32
    %add3A_440 = arith.addi %add3A_439, %mul3A_438 : i32
    %multiple_of3A_441 = tpu.assume_multiple %add3A_440, 8 : i32
    %dma_start3A_442 = arith.constant 0 : i32
    %dma_start3A_443 = arith.constant 0 : i32
    %dma_start3A_444 = arith.constant 0 : i32
    %dma_start3A_445 = tpu.memref_slice %arg5[%dma_start3A_443, %dma_start3A_444] : memref<64x896xf32, #tpu.memory_space<vmem>> -> memref<64x896xf32, #tpu.memory_space<vmem>>
    %dma_start3A_446 = arith.constant 256 : i32
    %dma_start3A_447 = tpu.memref_slice %arg3[%dma_start3A_442, %arg1, %multiple_of3A_441, %dma_start3A_446] : memref<1x16x2048x2048xf32, #tpu.memory_space<hbm>> -> memref<1x1x64x896xf32, #tpu.memory_space<hbm>>
    %dma_start3A_448 = tpu.memref_squeeze %dma_start3A_447 : memref<1x1x64x896xf32, #tpu.memory_space<hbm>> -> memref<64x896xf32, #tpu.memory_space<hbm>>
    %dma_start3A_449 = arith.constant 256 : i32
    %dma_start3A_450 = tpu.memref_slice %arg3[%dma_start3A_442, %arg1, %multiple_of3A_441, %dma_start3A_449] : memref<1x16x2048x2048xf32, #tpu.memory_space<hbm>> -> memref<1x1x64x896xf32, #tpu.memory_space<hbm>>
    %dma_start3A_451 = tpu.memref_squeeze %dma_start3A_450 : memref<1x1x64x896xf32, #tpu.memory_space<hbm>> -> memref<64x896xf32, #tpu.memory_space<hbm>>
    %dma_start3A_452 = arith.constant 0 : i32
    %dma_start3A_453 = arith.constant 0 : i32
    %dma_start3A_454 = tpu.memref_slice %arg5[%dma_start3A_452, %dma_start3A_453] : memref<64x896xf32, #tpu.memory_space<vmem>> -> memref<64x896xf32, #tpu.memory_space<vmem>>
    tpu.enqueue_dma source(%dma_start3A_454 : memref<64x896xf32, #tpu.memory_space<vmem>>) target(%dma_start3A_451 : memref<64x896xf32, #tpu.memory_space<hbm>>) target_semaphore(%arg7 : memref<!tpu.dma_semaphore, #tpu.memory_space<semaphore_mem>>)
    %mul3A_455 = arith.constant 64 : i32
    %mul3A_456 = arith.muli %mul3A_455, %arg0 : i32
    %add3A_457 = arith.constant 1408 : i32
    %add3A_458 = arith.addi %add3A_457, %mul3A_456 : i32
    %multiple_of3A_459 = tpu.assume_multiple %add3A_458, 8 : i32
    %dma_start3A_460 = arith.constant 0 : i32
    %dma_start3A_461 = arith.constant 0 : i32
    %dma_start3A_462 = arith.constant 0 : i32
    %dma_start3A_463 = tpu.memref_slice %arg5[%dma_start3A_461, %dma_start3A_462] : memref<64x896xf32, #tpu.memory_space<vmem>> -> memref<64x896xf32, #tpu.memory_space<vmem>>
    %dma_start3A_464 = arith.constant 384 : i32
    %dma_start3A_465 = tpu.memref_slice %arg3[%dma_start3A_460, %arg1, %multiple_of3A_459, %dma_start3A_464] : memref<1x16x2048x2048xf32, #tpu.memory_space<hbm>> -> memref<1x1x64x896xf32, #tpu.memory_space<hbm>>
    %dma_start3A_466 = tpu.memref_squeeze %dma_start3A_465 : memref<1x1x64x896xf32, #tpu.memory_space<hbm>> -> memref<64x896xf32, #tpu.memory_space<hbm>>
    %dma_start3A_467 = arith.constant 384 : i32
    %dma_start3A_468 = tpu.memref_slice %arg3[%dma_start3A_460, %arg1, %multiple_of3A_459, %dma_start3A_467] : memref<1x16x2048x2048xf32, #tpu.memory_space<hbm>> -> memref<1x1x64x896xf32, #tpu.memory_space<hbm>>
    %dma_start3A_469 = tpu.memref_squeeze %dma_start3A_468 : memref<1x1x64x896xf32, #tpu.memory_space<hbm>> -> memref<64x896xf32, #tpu.memory_space<hbm>>
    %dma_start3A_470 = arith.constant 0 : i32
    %dma_start3A_471 = arith.constant 0 : i32
    %dma_start3A_472 = tpu.memref_slice %arg5[%dma_start3A_470, %dma_start3A_471] : memref<64x896xf32, #tpu.memory_space<vmem>> -> memref<64x896xf32, #tpu.memory_space<vmem>>
    tpu.enqueue_dma source(%dma_start3A_472 : memref<64x896xf32, #tpu.memory_space<vmem>>) target(%dma_start3A_469 : memref<64x896xf32, #tpu.memory_space<hbm>>) target_semaphore(%arg7 : memref<!tpu.dma_semaphore, #tpu.memory_space<semaphore_mem>>)
    %mul3A_473 = arith.constant 64 : i32
    %mul3A_474 = arith.muli %mul3A_473, %arg0 : i32
    %add3A_475 = arith.constant 1536 : i32
    %add3A_476 = arith.addi %add3A_475, %mul3A_474 : i32
    %multiple_of3A_477 = tpu.assume_multiple %add3A_476, 8 : i32
    %dma_start3A_478 = arith.constant 0 : i32
    %dma_start3A_479 = arith.constant 0 : i32
    %dma_start3A_480 = arith.constant 0 : i32
    %dma_start3A_481 = tpu.memref_slice %arg5[%dma_start3A_479, %dma_start3A_480] : memref<64x896xf32, #tpu.memory_space<vmem>> -> memref<64x896xf32, #tpu.memory_space<vmem>>
    %dma_start3A_482 = arith.constant 512 : i32
    %dma_start3A_483 = tpu.memref_slice %arg3[%dma_start3A_478, %arg1, %multiple_of3A_477, %dma_start3A_482] : memref<1x16x2048x2048xf32, #tpu.memory_space<hbm>> -> memref<1x1x64x896xf32, #tpu.memory_space<hbm>>
    %dma_start3A_484 = tpu.memref_squeeze %dma_start3A_483 : memref<1x1x64x896xf32, #tpu.memory_space<hbm>> -> memref<64x896xf32, #tpu.memory_space<hbm>>
    %dma_start3A_485 = arith.constant 512 : i32
    %dma_start3A_486 = tpu.memref_slice %arg3[%dma_start3A_478, %arg1, %multiple_of3A_477, %dma_start3A_485] : memref<1x16x2048x2048xf32, #tpu.memory_space<hbm>> -> memref<1x1x64x896xf32, #tpu.memory_space<hbm>>
    %dma_start3A_487 = tpu.memref_squeeze %dma_start3A_486 : memref<1x1x64x896xf32, #tpu.memory_space<hbm>> -> memref<64x896xf32, #tpu.memory_space<hbm>>
    %dma_start3A_488 = arith.constant 0 : i32
    %dma_start3A_489 = arith.constant 0 : i32
    %dma_start3A_490 = tpu.memref_slice %arg5[%dma_start3A_488, %dma_start3A_489] : memref<64x896xf32, #tpu.memory_space<vmem>> -> memref<64x896xf32, #tpu.memory_space<vmem>>
    tpu.enqueue_dma source(%dma_start3A_490 : memref<64x896xf32, #tpu.memory_space<vmem>>) target(%dma_start3A_487 : memref<64x896xf32, #tpu.memory_space<hbm>>) target_semaphore(%arg7 : memref<!tpu.dma_semaphore, #tpu.memory_space<semaphore_mem>>)
    %mul3A_491 = arith.constant 64 : i32
    %mul3A_492 = arith.muli %mul3A_491, %arg0 : i32
    %add3A_493 = arith.constant 1664 : i32
    %add3A_494 = arith.addi %add3A_493, %mul3A_492 : i32
    %multiple_of3A_495 = tpu.assume_multiple %add3A_494, 8 : i32
    %dma_start3A_496 = arith.constant 0 : i32
    %dma_start3A_497 = arith.constant 0 : i32
    %dma_start3A_498 = arith.constant 0 : i32
    %dma_start3A_499 = tpu.memref_slice %arg5[%dma_start3A_497, %dma_start3A_498] : memref<64x896xf32, #tpu.memory_space<vmem>> -> memref<64x896xf32, #tpu.memory_space<vmem>>
    %dma_start3A_500 = arith.constant 640 : i32
    %dma_start3A_501 = tpu.memref_slice %arg3[%dma_start3A_496, %arg1, %multiple_of3A_495, %dma_start3A_500] : memref<1x16x2048x2048xf32, #tpu.memory_space<hbm>> -> memref<1x1x64x896xf32, #tpu.memory_space<hbm>>
    %dma_start3A_502 = tpu.memref_squeeze %dma_start3A_501 : memref<1x1x64x896xf32, #tpu.memory_space<hbm>> -> memref<64x896xf32, #tpu.memory_space<hbm>>
    %dma_start3A_503 = arith.constant 640 : i32
    %dma_start3A_504 = tpu.memref_slice %arg3[%dma_start3A_496, %arg1, %multiple_of3A_495, %dma_start3A_503] : memref<1x16x2048x2048xf32, #tpu.memory_space<hbm>> -> memref<1x1x64x896xf32, #tpu.memory_space<hbm>>
    %dma_start3A_505 = tpu.memref_squeeze %dma_start3A_504 : memref<1x1x64x896xf32, #tpu.memory_space<hbm>> -> memref<64x896xf32, #tpu.memory_space<hbm>>
    %dma_start3A_506 = arith.constant 0 : i32
    %dma_start3A_507 = arith.constant 0 : i32
    %dma_start3A_508 = tpu.memref_slice %arg5[%dma_start3A_506, %dma_start3A_507] : memref<64x896xf32, #tpu.memory_space<vmem>> -> memref<64x896xf32, #tpu.memory_space<vmem>>
    tpu.enqueue_dma source(%dma_start3A_508 : memref<64x896xf32, #tpu.memory_space<vmem>>) target(%dma_start3A_505 : memref<64x896xf32, #tpu.memory_space<hbm>>) target_semaphore(%arg7 : memref<!tpu.dma_semaphore, #tpu.memory_space<semaphore_mem>>)
    %mul3A_509 = arith.constant 64 : i32
    %mul3A_510 = arith.muli %mul3A_509, %arg0 : i32
    %add3A_511 = arith.constant 1792 : i32
    %add3A_512 = arith.addi %add3A_511, %mul3A_510 : i32
    %multiple_of3A_513 = tpu.assume_multiple %add3A_512, 8 : i32
    %dma_start3A_514 = arith.constant 0 : i32
    %dma_start3A_515 = arith.constant 0 : i32
    %dma_start3A_516 = arith.constant 0 : i32
    %dma_start3A_517 = tpu.memref_slice %arg5[%dma_start3A_515, %dma_start3A_516] : memref<64x896xf32, #tpu.memory_space<vmem>> -> memref<64x896xf32, #tpu.memory_space<vmem>>
    %dma_start3A_518 = arith.constant 768 : i32
    %dma_start3A_519 = tpu.memref_slice %arg3[%dma_start3A_514, %arg1, %multiple_of3A_513, %dma_start3A_518] : memref<1x16x2048x2048xf32, #tpu.memory_space<hbm>> -> memref<1x1x64x896xf32, #tpu.memory_space<hbm>>
    %dma_start3A_520 = tpu.memref_squeeze %dma_start3A_519 : memref<1x1x64x896xf32, #tpu.memory_space<hbm>> -> memref<64x896xf32, #tpu.memory_space<hbm>>
    %dma_start3A_521 = arith.constant 768 : i32
    %dma_start3A_522 = tpu.memref_slice %arg3[%dma_start3A_514, %arg1, %multiple_of3A_513, %dma_start3A_521] : memref<1x16x2048x2048xf32, #tpu.memory_space<hbm>> -> memref<1x1x64x896xf32, #tpu.memory_space<hbm>>
    %dma_start3A_523 = tpu.memref_squeeze %dma_start3A_522 : memref<1x1x64x896xf32, #tpu.memory_space<hbm>> -> memref<64x896xf32, #tpu.memory_space<hbm>>
    %dma_start3A_524 = arith.constant 0 : i32
    %dma_start3A_525 = arith.constant 0 : i32
    %dma_start3A_526 = tpu.memref_slice %arg5[%dma_start3A_524, %dma_start3A_525] : memref<64x896xf32, #tpu.memory_space<vmem>> -> memref<64x896xf32, #tpu.memory_space<vmem>>
    tpu.enqueue_dma source(%dma_start3A_526 : memref<64x896xf32, #tpu.memory_space<vmem>>) target(%dma_start3A_523 : memref<64x896xf32, #tpu.memory_space<hbm>>) target_semaphore(%arg7 : memref<!tpu.dma_semaphore, #tpu.memory_space<semaphore_mem>>)
    %mul3A_527 = arith.constant 64 : i32
    %mul3A_528 = arith.muli %mul3A_527, %arg0 : i32
    %add3A_529 = arith.constant 1920 : i32
    %add3A_530 = arith.addi %add3A_529, %mul3A_528 : i32
    %multiple_of3A_531 = tpu.assume_multiple %add3A_530, 8 : i32
    %dma_start3A_532 = arith.constant 0 : i32
    %dma_start3A_533 = arith.constant 0 : i32
    %dma_start3A_534 = arith.constant 0 : i32
    %dma_start3A_535 = tpu.memref_slice %arg5[%dma_start3A_533, %dma_start3A_534] : memref<64x896xf32, #tpu.memory_space<vmem>> -> memref<64x896xf32, #tpu.memory_space<vmem>>
    %dma_start3A_536 = arith.constant 896 : i32
    %dma_start3A_537 = tpu.memref_slice %arg3[%dma_start3A_532, %arg1, %multiple_of3A_531, %dma_start3A_536] : memref<1x16x2048x2048xf32, #tpu.memory_space<hbm>> -> memref<1x1x64x896xf32, #tpu.memory_space<hbm>>
    %dma_start3A_538 = tpu.memref_squeeze %dma_start3A_537 : memref<1x1x64x896xf32, #tpu.memory_space<hbm>> -> memref<64x896xf32, #tpu.memory_space<hbm>>
    %dma_start3A_539 = arith.constant 896 : i32
    %dma_start3A_540 = tpu.memref_slice %arg3[%dma_start3A_532, %arg1, %multiple_of3A_531, %dma_start3A_539] : memref<1x16x2048x2048xf32, #tpu.memory_space<hbm>> -> memref<1x1x64x896xf32, #tpu.memory_space<hbm>>
    %dma_start3A_541 = tpu.memref_squeeze %dma_start3A_540 : memref<1x1x64x896xf32, #tpu.memory_space<hbm>> -> memref<64x896xf32, #tpu.memory_space<hbm>>
    %dma_start3A_542 = arith.constant 0 : i32
    %dma_start3A_543 = arith.constant 0 : i32
    %dma_start3A_544 = tpu.memref_slice %arg5[%dma_start3A_542, %dma_start3A_543] : memref<64x896xf32, #tpu.memory_space<vmem>> -> memref<64x896xf32, #tpu.memory_space<vmem>>
    tpu.enqueue_dma source(%dma_start3A_544 : memref<64x896xf32, #tpu.memory_space<vmem>>) target(%dma_start3A_541 : memref<64x896xf32, #tpu.memory_space<hbm>>) target_semaphore(%arg7 : memref<!tpu.dma_semaphore, #tpu.memory_space<semaphore_mem>>)
    %dma_wait3A_545 = arith.constant 0 : i32
    %dma_wait3A_546 = arith.constant 0 : i32
    %dma_wait3A_547 = tpu.memref_slice %arg4[%dma_wait3A_545, %dma_wait3A_546] : memref<64x896xf32, #tpu.memory_space<vmem>> -> memref<64x896xf32, #tpu.memory_space<vmem>>
    %dma_wait3A_548 = arith.constant 0 : i32
    %dma_wait3A_549 = arith.constant 0 : i32
    %dma_wait3A_550 = tpu.memref_slice %arg2[%arg1, %dma_wait3A_548, %dma_wait3A_549] : memref<16x128x3968xf32, #tpu.memory_space<hbm>> -> memref<1x64x896xf32, #tpu.memory_space<hbm>>
    %dma_wait3A_551 = tpu.memref_squeeze %dma_wait3A_550 : memref<1x64x896xf32, #tpu.memory_space<hbm>> -> memref<64x896xf32, #tpu.memory_space<hbm>>
    %dma_wait3A_552 = arith.constant 0 : i32
    %dma_wait3A_553 = arith.constant 0 : i32
    %dma_wait3A_554 = tpu.memref_slice %arg4[%dma_wait3A_552, %dma_wait3A_553] : memref<64x896xf32, #tpu.memory_space<vmem>> -> memref<64x896xf32, #tpu.memory_space<vmem>>
    %dma_wait3A_555 = arith.constant 0 : i32
    %dma_wait3A_556 = arith.constant 0 : i32
    %dma_wait3A_557 = tpu.memref_slice %arg2[%arg1, %dma_wait3A_555, %dma_wait3A_556] : memref<16x128x3968xf32, #tpu.memory_space<hbm>> -> memref<1x64x896xf32, #tpu.memory_space<hbm>>
    %dma_wait3A_558 = tpu.memref_squeeze %dma_wait3A_557 : memref<1x64x896xf32, #tpu.memory_space<hbm>> -> memref<64x896xf32, #tpu.memory_space<hbm>>
    tpu.wait_dma2 semaphore(%arg6 : memref<!tpu.dma_semaphore, #tpu.memory_space<semaphore_mem>>) src(%dma_wait3A_558 : memref<64x896xf32, #tpu.memory_space<hbm>>) dst(%dma_wait3A_554 : memref<64x896xf32, #tpu.memory_space<vmem>>)
    %dma_wait3A_559 = arith.constant 0 : i32
    %dma_wait3A_560 = arith.constant 0 : i32
    %dma_wait3A_561 = arith.constant 0 : i32
    %dma_wait3A_562 = tpu.memref_slice %arg4[%dma_wait3A_560, %dma_wait3A_561] : memref<64x896xf32, #tpu.memory_space<vmem>> -> memref<64x128xf32, #tpu.memory_space<vmem>>
    %dma_wait3A_563 = arith.constant 0 : i32
    %dma_wait3A_564 = arith.constant 0 : i32
    %dma_wait3A_565 = tpu.memref_slice %arg3[%dma_wait3A_559, %arg1, %dma_wait3A_563, %dma_wait3A_564] : memref<1x16x2048x2048xf32, #tpu.memory_space<hbm>> -> memref<1x1x64x128xf32, #tpu.memory_space<hbm>>
    %dma_wait3A_566 = tpu.memref_squeeze %dma_wait3A_565 : memref<1x1x64x128xf32, #tpu.memory_space<hbm>> -> memref<64x128xf32, #tpu.memory_space<hbm>>
    %dma_wait3A_567 = arith.constant 0 : i32
    %dma_wait3A_568 = arith.constant 0 : i32
    %dma_wait3A_569 = tpu.memref_slice %arg3[%dma_wait3A_559, %arg1, %dma_wait3A_567, %dma_wait3A_568] : memref<1x16x2048x2048xf32, #tpu.memory_space<hbm>> -> memref<1x1x64x128xf32, #tpu.memory_space<hbm>>
    %dma_wait3A_570 = tpu.memref_squeeze %dma_wait3A_569 : memref<1x1x64x128xf32, #tpu.memory_space<hbm>> -> memref<64x128xf32, #tpu.memory_space<hbm>>
    %dma_wait3A_571 = arith.constant 0 : i32
    %dma_wait3A_572 = arith.constant 0 : i32
    %dma_wait3A_573 = tpu.memref_slice %arg4[%dma_wait3A_571, %dma_wait3A_572] : memref<64x896xf32, #tpu.memory_space<vmem>> -> memref<64x128xf32, #tpu.memory_space<vmem>>
    tpu.wait_dma2 semaphore(%arg7 : memref<!tpu.dma_semaphore, #tpu.memory_space<semaphore_mem>>) src(%dma_wait3A_573 : memref<64x128xf32, #tpu.memory_space<vmem>>) dst(%dma_wait3A_570 : memref<64x128xf32, #tpu.memory_space<hbm>>)
    %dma_wait3A_574 = arith.constant 0 : i32
    %dma_wait3A_575 = arith.constant 0 : i32
    %dma_wait3A_576 = arith.constant 0 : i32
    %dma_wait3A_577 = tpu.memref_slice %arg4[%dma_wait3A_575, %dma_wait3A_576] : memref<64x896xf32, #tpu.memory_space<vmem>> -> memref<64x256xf32, #tpu.memory_space<vmem>>
    %dma_wait3A_578 = arith.constant 0 : i32
    %dma_wait3A_579 = arith.constant 0 : i32
    %dma_wait3A_580 = tpu.memref_slice %arg3[%dma_wait3A_574, %arg1, %dma_wait3A_578, %dma_wait3A_579] : memref<1x16x2048x2048xf32, #tpu.memory_space<hbm>> -> memref<1x1x64x256xf32, #tpu.memory_space<hbm>>
    %dma_wait3A_581 = tpu.memref_squeeze %dma_wait3A_580 : memref<1x1x64x256xf32, #tpu.memory_space<hbm>> -> memref<64x256xf32, #tpu.memory_space<hbm>>
    %dma_wait3A_582 = arith.constant 0 : i32
    %dma_wait3A_583 = arith.constant 0 : i32
    %dma_wait3A_584 = tpu.memref_slice %arg3[%dma_wait3A_574, %arg1, %dma_wait3A_582, %dma_wait3A_583] : memref<1x16x2048x2048xf32, #tpu.memory_space<hbm>> -> memref<1x1x64x256xf32, #tpu.memory_space<hbm>>
    %dma_wait3A_585 = tpu.memref_squeeze %dma_wait3A_584 : memref<1x1x64x256xf32, #tpu.memory_space<hbm>> -> memref<64x256xf32, #tpu.memory_space<hbm>>
    %dma_wait3A_586 = arith.constant 0 : i32
    %dma_wait3A_587 = arith.constant 0 : i32
    %dma_wait3A_588 = tpu.memref_slice %arg4[%dma_wait3A_586, %dma_wait3A_587] : memref<64x896xf32, #tpu.memory_space<vmem>> -> memref<64x256xf32, #tpu.memory_space<vmem>>
    tpu.wait_dma2 semaphore(%arg7 : memref<!tpu.dma_semaphore, #tpu.memory_space<semaphore_mem>>) src(%dma_wait3A_588 : memref<64x256xf32, #tpu.memory_space<vmem>>) dst(%dma_wait3A_585 : memref<64x256xf32, #tpu.memory_space<hbm>>)
    %dma_wait3A_589 = arith.constant 0 : i32
    %dma_wait3A_590 = arith.constant 0 : i32
    %dma_wait3A_591 = arith.constant 0 : i32
    %dma_wait3A_592 = tpu.memref_slice %arg4[%dma_wait3A_590, %dma_wait3A_591] : memref<64x896xf32, #tpu.memory_space<vmem>> -> memref<64x384xf32, #tpu.memory_space<vmem>>
    %dma_wait3A_593 = arith.constant 0 : i32
    %dma_wait3A_594 = arith.constant 0 : i32
    %dma_wait3A_595 = tpu.memref_slice %arg3[%dma_wait3A_589, %arg1, %dma_wait3A_593, %dma_wait3A_594] : memref<1x16x2048x2048xf32, #tpu.memory_space<hbm>> -> memref<1x1x64x384xf32, #tpu.memory_space<hbm>>
    %dma_wait3A_596 = tpu.memref_squeeze %dma_wait3A_595 : memref<1x1x64x384xf32, #tpu.memory_space<hbm>> -> memref<64x384xf32, #tpu.memory_space<hbm>>
    %dma_wait3A_597 = arith.constant 0 : i32
    %dma_wait3A_598 = arith.constant 0 : i32
    %dma_wait3A_599 = tpu.memref_slice %arg3[%dma_wait3A_589, %arg1, %dma_wait3A_597, %dma_wait3A_598] : memref<1x16x2048x2048xf32, #tpu.memory_space<hbm>> -> memref<1x1x64x384xf32, #tpu.memory_space<hbm>>
    %dma_wait3A_600 = tpu.memref_squeeze %dma_wait3A_599 : memref<1x1x64x384xf32, #tpu.memory_space<hbm>> -> memref<64x384xf32, #tpu.memory_space<hbm>>
    %dma_wait3A_601 = arith.constant 0 : i32
    %dma_wait3A_602 = arith.constant 0 : i32
    %dma_wait3A_603 = tpu.memref_slice %arg4[%dma_wait3A_601, %dma_wait3A_602] : memref<64x896xf32, #tpu.memory_space<vmem>> -> memref<64x384xf32, #tpu.memory_space<vmem>>
    tpu.wait_dma2 semaphore(%arg7 : memref<!tpu.dma_semaphore, #tpu.memory_space<semaphore_mem>>) src(%dma_wait3A_603 : memref<64x384xf32, #tpu.memory_space<vmem>>) dst(%dma_wait3A_600 : memref<64x384xf32, #tpu.memory_space<hbm>>)
    %dma_wait3A_604 = arith.constant 0 : i32
    %dma_wait3A_605 = arith.constant 0 : i32
    %dma_wait3A_606 = arith.constant 0 : i32
    %dma_wait3A_607 = tpu.memref_slice %arg4[%dma_wait3A_605, %dma_wait3A_606] : memref<64x896xf32, #tpu.memory_space<vmem>> -> memref<64x512xf32, #tpu.memory_space<vmem>>
    %dma_wait3A_608 = arith.constant 0 : i32
    %dma_wait3A_609 = arith.constant 0 : i32
    %dma_wait3A_610 = tpu.memref_slice %arg3[%dma_wait3A_604, %arg1, %dma_wait3A_608, %dma_wait3A_609] : memref<1x16x2048x2048xf32, #tpu.memory_space<hbm>> -> memref<1x1x64x512xf32, #tpu.memory_space<hbm>>
    %dma_wait3A_611 = tpu.memref_squeeze %dma_wait3A_610 : memref<1x1x64x512xf32, #tpu.memory_space<hbm>> -> memref<64x512xf32, #tpu.memory_space<hbm>>
    %dma_wait3A_612 = arith.constant 0 : i32
    %dma_wait3A_613 = arith.constant 0 : i32
    %dma_wait3A_614 = tpu.memref_slice %arg3[%dma_wait3A_604, %arg1, %dma_wait3A_612, %dma_wait3A_613] : memref<1x16x2048x2048xf32, #tpu.memory_space<hbm>> -> memref<1x1x64x512xf32, #tpu.memory_space<hbm>>
    %dma_wait3A_615 = tpu.memref_squeeze %dma_wait3A_614 : memref<1x1x64x512xf32, #tpu.memory_space<hbm>> -> memref<64x512xf32, #tpu.memory_space<hbm>>
    %dma_wait3A_616 = arith.constant 0 : i32
    %dma_wait3A_617 = arith.constant 0 : i32
    %dma_wait3A_618 = tpu.memref_slice %arg4[%dma_wait3A_616, %dma_wait3A_617] : memref<64x896xf32, #tpu.memory_space<vmem>> -> memref<64x512xf32, #tpu.memory_space<vmem>>
    tpu.wait_dma2 semaphore(%arg7 : memref<!tpu.dma_semaphore, #tpu.memory_space<semaphore_mem>>) src(%dma_wait3A_618 : memref<64x512xf32, #tpu.memory_space<vmem>>) dst(%dma_wait3A_615 : memref<64x512xf32, #tpu.memory_space<hbm>>)
    %dma_wait3A_619 = arith.constant 0 : i32
    %dma_wait3A_620 = arith.constant 0 : i32
    %dma_wait3A_621 = arith.constant 0 : i32
    %dma_wait3A_622 = tpu.memref_slice %arg4[%dma_wait3A_620, %dma_wait3A_621] : memref<64x896xf32, #tpu.memory_space<vmem>> -> memref<64x640xf32, #tpu.memory_space<vmem>>
    %dma_wait3A_623 = arith.constant 0 : i32
    %dma_wait3A_624 = arith.constant 0 : i32
    %dma_wait3A_625 = tpu.memref_slice %arg3[%dma_wait3A_619, %arg1, %dma_wait3A_623, %dma_wait3A_624] : memref<1x16x2048x2048xf32, #tpu.memory_space<hbm>> -> memref<1x1x64x640xf32, #tpu.memory_space<hbm>>
    %dma_wait3A_626 = tpu.memref_squeeze %dma_wait3A_625 : memref<1x1x64x640xf32, #tpu.memory_space<hbm>> -> memref<64x640xf32, #tpu.memory_space<hbm>>
    %dma_wait3A_627 = arith.constant 0 : i32
    %dma_wait3A_628 = arith.constant 0 : i32
    %dma_wait3A_629 = tpu.memref_slice %arg3[%dma_wait3A_619, %arg1, %dma_wait3A_627, %dma_wait3A_628] : memref<1x16x2048x2048xf32, #tpu.memory_space<hbm>> -> memref<1x1x64x640xf32, #tpu.memory_space<hbm>>
    %dma_wait3A_630 = tpu.memref_squeeze %dma_wait3A_629 : memref<1x1x64x640xf32, #tpu.memory_space<hbm>> -> memref<64x640xf32, #tpu.memory_space<hbm>>
    %dma_wait3A_631 = arith.constant 0 : i32
    %dma_wait3A_632 = arith.constant 0 : i32
    %dma_wait3A_633 = tpu.memref_slice %arg4[%dma_wait3A_631, %dma_wait3A_632] : memref<64x896xf32, #tpu.memory_space<vmem>> -> memref<64x640xf32, #tpu.memory_space<vmem>>
    tpu.wait_dma2 semaphore(%arg7 : memref<!tpu.dma_semaphore, #tpu.memory_space<semaphore_mem>>) src(%dma_wait3A_633 : memref<64x640xf32, #tpu.memory_space<vmem>>) dst(%dma_wait3A_630 : memref<64x640xf32, #tpu.memory_space<hbm>>)
    %dma_wait3A_634 = arith.constant 0 : i32
    %dma_wait3A_635 = arith.constant 0 : i32
    %dma_wait3A_636 = arith.constant 0 : i32
    %dma_wait3A_637 = tpu.memref_slice %arg4[%dma_wait3A_635, %dma_wait3A_636] : memref<64x896xf32, #tpu.memory_space<vmem>> -> memref<64x768xf32, #tpu.memory_space<vmem>>
    %dma_wait3A_638 = arith.constant 0 : i32
    %dma_wait3A_639 = arith.constant 0 : i32
    %dma_wait3A_640 = tpu.memref_slice %arg3[%dma_wait3A_634, %arg1, %dma_wait3A_638, %dma_wait3A_639] : memref<1x16x2048x2048xf32, #tpu.memory_space<hbm>> -> memref<1x1x64x768xf32, #tpu.memory_space<hbm>>
    %dma_wait3A_641 = tpu.memref_squeeze %dma_wait3A_640 : memref<1x1x64x768xf32, #tpu.memory_space<hbm>> -> memref<64x768xf32, #tpu.memory_space<hbm>>
    %dma_wait3A_642 = arith.constant 0 : i32
    %dma_wait3A_643 = arith.constant 0 : i32
    %dma_wait3A_644 = tpu.memref_slice %arg3[%dma_wait3A_634, %arg1, %dma_wait3A_642, %dma_wait3A_643] : memref<1x16x2048x2048xf32, #tpu.memory_space<hbm>> -> memref<1x1x64x768xf32, #tpu.memory_space<hbm>>
    %dma_wait3A_645 = tpu.memref_squeeze %dma_wait3A_644 : memref<1x1x64x768xf32, #tpu.memory_space<hbm>> -> memref<64x768xf32, #tpu.memory_space<hbm>>
    %dma_wait3A_646 = arith.constant 0 : i32
    %dma_wait3A_647 = arith.constant 0 : i32
    %dma_wait3A_648 = tpu.memref_slice %arg4[%dma_wait3A_646, %dma_wait3A_647] : memref<64x896xf32, #tpu.memory_space<vmem>> -> memref<64x768xf32, #tpu.memory_space<vmem>>
    tpu.wait_dma2 semaphore(%arg7 : memref<!tpu.dma_semaphore, #tpu.memory_space<semaphore_mem>>) src(%dma_wait3A_648 : memref<64x768xf32, #tpu.memory_space<vmem>>) dst(%dma_wait3A_645 : memref<64x768xf32, #tpu.memory_space<hbm>>)
    %dma_wait3A_649 = arith.constant 0 : i32
    %dma_wait3A_650 = arith.constant 0 : i32
    %dma_wait3A_651 = arith.constant 0 : i32
    %dma_wait3A_652 = tpu.memref_slice %arg4[%dma_wait3A_650, %dma_wait3A_651] : memref<64x896xf32, #tpu.memory_space<vmem>> -> memref<64x896xf32, #tpu.memory_space<vmem>>
    %dma_wait3A_653 = arith.constant 0 : i32
    %dma_wait3A_654 = arith.constant 0 : i32
    %dma_wait3A_655 = tpu.memref_slice %arg3[%dma_wait3A_649, %arg1, %dma_wait3A_653, %dma_wait3A_654] : memref<1x16x2048x2048xf32, #tpu.memory_space<hbm>> -> memref<1x1x64x896xf32, #tpu.memory_space<hbm>>
    %dma_wait3A_656 = tpu.memref_squeeze %dma_wait3A_655 : memref<1x1x64x896xf32, #tpu.memory_space<hbm>> -> memref<64x896xf32, #tpu.memory_space<hbm>>
    %dma_wait3A_657 = arith.constant 0 : i32
    %dma_wait3A_658 = arith.constant 0 : i32
    %dma_wait3A_659 = tpu.memref_slice %arg3[%dma_wait3A_649, %arg1, %dma_wait3A_657, %dma_wait3A_658] : memref<1x16x2048x2048xf32, #tpu.memory_space<hbm>> -> memref<1x1x64x896xf32, #tpu.memory_space<hbm>>
    %dma_wait3A_660 = tpu.memref_squeeze %dma_wait3A_659 : memref<1x1x64x896xf32, #tpu.memory_space<hbm>> -> memref<64x896xf32, #tpu.memory_space<hbm>>
    %dma_wait3A_661 = arith.constant 0 : i32
    %dma_wait3A_662 = arith.constant 0 : i32
    %dma_wait3A_663 = tpu.memref_slice %arg4[%dma_wait3A_661, %dma_wait3A_662] : memref<64x896xf32, #tpu.memory_space<vmem>> -> memref<64x896xf32, #tpu.memory_space<vmem>>
    tpu.wait_dma2 semaphore(%arg7 : memref<!tpu.dma_semaphore, #tpu.memory_space<semaphore_mem>>) src(%dma_wait3A_663 : memref<64x896xf32, #tpu.memory_space<vmem>>) dst(%dma_wait3A_660 : memref<64x896xf32, #tpu.memory_space<hbm>>)
    %dma_wait3A_664 = arith.constant 0 : i32
    %dma_wait3A_665 = arith.constant 0 : i32
    %dma_wait3A_666 = arith.constant 0 : i32
    %dma_wait3A_667 = tpu.memref_slice %arg4[%dma_wait3A_665, %dma_wait3A_666] : memref<64x896xf32, #tpu.memory_space<vmem>> -> memref<64x896xf32, #tpu.memory_space<vmem>>
    %dma_wait3A_668 = arith.constant 0 : i32
    %dma_wait3A_669 = arith.constant 0 : i32
    %dma_wait3A_670 = tpu.memref_slice %arg3[%dma_wait3A_664, %arg1, %dma_wait3A_668, %dma_wait3A_669] : memref<1x16x2048x2048xf32, #tpu.memory_space<hbm>> -> memref<1x1x64x896xf32, #tpu.memory_space<hbm>>
    %dma_wait3A_671 = tpu.memref_squeeze %dma_wait3A_670 : memref<1x1x64x896xf32, #tpu.memory_space<hbm>> -> memref<64x896xf32, #tpu.memory_space<hbm>>
    %dma_wait3A_672 = arith.constant 0 : i32
    %dma_wait3A_673 = arith.constant 0 : i32
    %dma_wait3A_674 = tpu.memref_slice %arg3[%dma_wait3A_664, %arg1, %dma_wait3A_672, %dma_wait3A_673] : memref<1x16x2048x2048xf32, #tpu.memory_space<hbm>> -> memref<1x1x64x896xf32, #tpu.memory_space<hbm>>
    %dma_wait3A_675 = tpu.memref_squeeze %dma_wait3A_674 : memref<1x1x64x896xf32, #tpu.memory_space<hbm>> -> memref<64x896xf32, #tpu.memory_space<hbm>>
    %dma_wait3A_676 = arith.constant 0 : i32
    %dma_wait3A_677 = arith.constant 0 : i32
    %dma_wait3A_678 = tpu.memref_slice %arg4[%dma_wait3A_676, %dma_wait3A_677] : memref<64x896xf32, #tpu.memory_space<vmem>> -> memref<64x896xf32, #tpu.memory_space<vmem>>
    tpu.wait_dma2 semaphore(%arg7 : memref<!tpu.dma_semaphore, #tpu.memory_space<semaphore_mem>>) src(%dma_wait3A_678 : memref<64x896xf32, #tpu.memory_space<vmem>>) dst(%dma_wait3A_675 : memref<64x896xf32, #tpu.memory_space<hbm>>)
    %dma_wait3A_679 = arith.constant 0 : i32
    %dma_wait3A_680 = arith.constant 0 : i32
    %dma_wait3A_681 = arith.constant 0 : i32
    %dma_wait3A_682 = tpu.memref_slice %arg4[%dma_wait3A_680, %dma_wait3A_681] : memref<64x896xf32, #tpu.memory_space<vmem>> -> memref<64x896xf32, #tpu.memory_space<vmem>>
    %dma_wait3A_683 = arith.constant 0 : i32
    %dma_wait3A_684 = arith.constant 0 : i32
    %dma_wait3A_685 = tpu.memref_slice %arg3[%dma_wait3A_679, %arg1, %dma_wait3A_683, %dma_wait3A_684] : memref<1x16x2048x2048xf32, #tpu.memory_space<hbm>> -> memref<1x1x64x896xf32, #tpu.memory_space<hbm>>
    %dma_wait3A_686 = tpu.memref_squeeze %dma_wait3A_685 : memref<1x1x64x896xf32, #tpu.memory_space<hbm>> -> memref<64x896xf32, #tpu.memory_space<hbm>>
    %dma_wait3A_687 = arith.constant 0 : i32
    %dma_wait3A_688 = arith.constant 0 : i32
    %dma_wait3A_689 = tpu.memref_slice %arg3[%dma_wait3A_679, %arg1, %dma_wait3A_687, %dma_wait3A_688] : memref<1x16x2048x2048xf32, #tpu.memory_space<hbm>> -> memref<1x1x64x896xf32, #tpu.memory_space<hbm>>
    %dma_wait3A_690 = tpu.memref_squeeze %dma_wait3A_689 : memref<1x1x64x896xf32, #tpu.memory_space<hbm>> -> memref<64x896xf32, #tpu.memory_space<hbm>>
    %dma_wait3A_691 = arith.constant 0 : i32
    %dma_wait3A_692 = arith.constant 0 : i32
    %dma_wait3A_693 = tpu.memref_slice %arg4[%dma_wait3A_691, %dma_wait3A_692] : memref<64x896xf32, #tpu.memory_space<vmem>> -> memref<64x896xf32, #tpu.memory_space<vmem>>
    tpu.wait_dma2 semaphore(%arg7 : memref<!tpu.dma_semaphore, #tpu.memory_space<semaphore_mem>>) src(%dma_wait3A_693 : memref<64x896xf32, #tpu.memory_space<vmem>>) dst(%dma_wait3A_690 : memref<64x896xf32, #tpu.memory_space<hbm>>)
    %dma_wait3A_694 = arith.constant 0 : i32
    %dma_wait3A_695 = arith.constant 0 : i32
    %dma_wait3A_696 = arith.constant 0 : i32
    %dma_wait3A_697 = tpu.memref_slice %arg4[%dma_wait3A_695, %dma_wait3A_696] : memref<64x896xf32, #tpu.memory_space<vmem>> -> memref<64x896xf32, #tpu.memory_space<vmem>>
    %dma_wait3A_698 = arith.constant 0 : i32
    %dma_wait3A_699 = arith.constant 0 : i32
    %dma_wait3A_700 = tpu.memref_slice %arg3[%dma_wait3A_694, %arg1, %dma_wait3A_698, %dma_wait3A_699] : memref<1x16x2048x2048xf32, #tpu.memory_space<hbm>> -> memref<1x1x64x896xf32, #tpu.memory_space<hbm>>
    %dma_wait3A_701 = tpu.memref_squeeze %dma_wait3A_700 : memref<1x1x64x896xf32, #tpu.memory_space<hbm>> -> memref<64x896xf32, #tpu.memory_space<hbm>>
    %dma_wait3A_702 = arith.constant 0 : i32
    %dma_wait3A_703 = arith.constant 0 : i32
    %dma_wait3A_704 = tpu.memref_slice %arg3[%dma_wait3A_694, %arg1, %dma_wait3A_702, %dma_wait3A_703] : memref<1x16x2048x2048xf32, #tpu.memory_space<hbm>> -> memref<1x1x64x896xf32, #tpu.memory_space<hbm>>
    %dma_wait3A_705 = tpu.memref_squeeze %dma_wait3A_704 : memref<1x1x64x896xf32, #tpu.memory_space<hbm>> -> memref<64x896xf32, #tpu.memory_space<hbm>>
    %dma_wait3A_706 = arith.constant 0 : i32
    %dma_wait3A_707 = arith.constant 0 : i32
    %dma_wait3A_708 = tpu.memref_slice %arg4[%dma_wait3A_706, %dma_wait3A_707] : memref<64x896xf32, #tpu.memory_space<vmem>> -> memref<64x896xf32, #tpu.memory_space<vmem>>
    tpu.wait_dma2 semaphore(%arg7 : memref<!tpu.dma_semaphore, #tpu.memory_space<semaphore_mem>>) src(%dma_wait3A_708 : memref<64x896xf32, #tpu.memory_space<vmem>>) dst(%dma_wait3A_705 : memref<64x896xf32, #tpu.memory_space<hbm>>)
    %dma_wait3A_709 = arith.constant 0 : i32
    %dma_wait3A_710 = arith.constant 0 : i32
    %dma_wait3A_711 = arith.constant 0 : i32
    %dma_wait3A_712 = tpu.memref_slice %arg4[%dma_wait3A_710, %dma_wait3A_711] : memref<64x896xf32, #tpu.memory_space<vmem>> -> memref<64x896xf32, #tpu.memory_space<vmem>>
    %dma_wait3A_713 = arith.constant 0 : i32
    %dma_wait3A_714 = arith.constant 0 : i32
    %dma_wait3A_715 = tpu.memref_slice %arg3[%dma_wait3A_709, %arg1, %dma_wait3A_713, %dma_wait3A_714] : memref<1x16x2048x2048xf32, #tpu.memory_space<hbm>> -> memref<1x1x64x896xf32, #tpu.memory_space<hbm>>
    %dma_wait3A_716 = tpu.memref_squeeze %dma_wait3A_715 : memref<1x1x64x896xf32, #tpu.memory_space<hbm>> -> memref<64x896xf32, #tpu.memory_space<hbm>>
    %dma_wait3A_717 = arith.constant 0 : i32
    %dma_wait3A_718 = arith.constant 0 : i32
    %dma_wait3A_719 = tpu.memref_slice %arg3[%dma_wait3A_709, %arg1, %dma_wait3A_717, %dma_wait3A_718] : memref<1x16x2048x2048xf32, #tpu.memory_space<hbm>> -> memref<1x1x64x896xf32, #tpu.memory_space<hbm>>
    %dma_wait3A_720 = tpu.memref_squeeze %dma_wait3A_719 : memref<1x1x64x896xf32, #tpu.memory_space<hbm>> -> memref<64x896xf32, #tpu.memory_space<hbm>>
    %dma_wait3A_721 = arith.constant 0 : i32
    %dma_wait3A_722 = arith.constant 0 : i32
    %dma_wait3A_723 = tpu.memref_slice %arg4[%dma_wait3A_721, %dma_wait3A_722] : memref<64x896xf32, #tpu.memory_space<vmem>> -> memref<64x896xf32, #tpu.memory_space<vmem>>
    tpu.wait_dma2 semaphore(%arg7 : memref<!tpu.dma_semaphore, #tpu.memory_space<semaphore_mem>>) src(%dma_wait3A_723 : memref<64x896xf32, #tpu.memory_space<vmem>>) dst(%dma_wait3A_720 : memref<64x896xf32, #tpu.memory_space<hbm>>)
    %dma_wait3A_724 = arith.constant 0 : i32
    %dma_wait3A_725 = arith.constant 0 : i32
    %dma_wait3A_726 = arith.constant 0 : i32
    %dma_wait3A_727 = tpu.memref_slice %arg4[%dma_wait3A_725, %dma_wait3A_726] : memref<64x896xf32, #tpu.memory_space<vmem>> -> memref<64x896xf32, #tpu.memory_space<vmem>>
    %dma_wait3A_728 = arith.constant 0 : i32
    %dma_wait3A_729 = arith.constant 0 : i32
    %dma_wait3A_730 = tpu.memref_slice %arg3[%dma_wait3A_724, %arg1, %dma_wait3A_728, %dma_wait3A_729] : memref<1x16x2048x2048xf32, #tpu.memory_space<hbm>> -> memref<1x1x64x896xf32, #tpu.memory_space<hbm>>
    %dma_wait3A_731 = tpu.memref_squeeze %dma_wait3A_730 : memref<1x1x64x896xf32, #tpu.memory_space<hbm>> -> memref<64x896xf32, #tpu.memory_space<hbm>>
    %dma_wait3A_732 = arith.constant 0 : i32
    %dma_wait3A_733 = arith.constant 0 : i32
    %dma_wait3A_734 = tpu.memref_slice %arg3[%dma_wait3A_724, %arg1, %dma_wait3A_732, %dma_wait3A_733] : memref<1x16x2048x2048xf32, #tpu.memory_space<hbm>> -> memref<1x1x64x896xf32, #tpu.memory_space<hbm>>
    %dma_wait3A_735 = tpu.memref_squeeze %dma_wait3A_734 : memref<1x1x64x896xf32, #tpu.memory_space<hbm>> -> memref<64x896xf32, #tpu.memory_space<hbm>>
    %dma_wait3A_736 = arith.constant 0 : i32
    %dma_wait3A_737 = arith.constant 0 : i32
    %dma_wait3A_738 = tpu.memref_slice %arg4[%dma_wait3A_736, %dma_wait3A_737] : memref<64x896xf32, #tpu.memory_space<vmem>> -> memref<64x896xf32, #tpu.memory_space<vmem>>
    tpu.wait_dma2 semaphore(%arg7 : memref<!tpu.dma_semaphore, #tpu.memory_space<semaphore_mem>>) src(%dma_wait3A_738 : memref<64x896xf32, #tpu.memory_space<vmem>>) dst(%dma_wait3A_735 : memref<64x896xf32, #tpu.memory_space<hbm>>)
    %dma_wait3A_739 = arith.constant 0 : i32
    %dma_wait3A_740 = arith.constant 0 : i32
    %dma_wait3A_741 = arith.constant 0 : i32
    %dma_wait3A_742 = tpu.memref_slice %arg4[%dma_wait3A_740, %dma_wait3A_741] : memref<64x896xf32, #tpu.memory_space<vmem>> -> memref<64x896xf32, #tpu.memory_space<vmem>>
    %dma_wait3A_743 = arith.constant 0 : i32
    %dma_wait3A_744 = arith.constant 0 : i32
    %dma_wait3A_745 = tpu.memref_slice %arg3[%dma_wait3A_739, %arg1, %dma_wait3A_743, %dma_wait3A_744] : memref<1x16x2048x2048xf32, #tpu.memory_space<hbm>> -> memref<1x1x64x896xf32, #tpu.memory_space<hbm>>
    %dma_wait3A_746 = tpu.memref_squeeze %dma_wait3A_745 : memref<1x1x64x896xf32, #tpu.memory_space<hbm>> -> memref<64x896xf32, #tpu.memory_space<hbm>>
    %dma_wait3A_747 = arith.constant 0 : i32
    %dma_wait3A_748 = arith.constant 0 : i32
    %dma_wait3A_749 = tpu.memref_slice %arg3[%dma_wait3A_739, %arg1, %dma_wait3A_747, %dma_wait3A_748] : memref<1x16x2048x2048xf32, #tpu.memory_space<hbm>> -> memref<1x1x64x896xf32, #tpu.memory_space<hbm>>
    %dma_wait3A_750 = tpu.memref_squeeze %dma_wait3A_749 : memref<1x1x64x896xf32, #tpu.memory_space<hbm>> -> memref<64x896xf32, #tpu.memory_space<hbm>>
    %dma_wait3A_751 = arith.constant 0 : i32
    %dma_wait3A_752 = arith.constant 0 : i32
    %dma_wait3A_753 = tpu.memref_slice %arg4[%dma_wait3A_751, %dma_wait3A_752] : memref<64x896xf32, #tpu.memory_space<vmem>> -> memref<64x896xf32, #tpu.memory_space<vmem>>
    tpu.wait_dma2 semaphore(%arg7 : memref<!tpu.dma_semaphore, #tpu.memory_space<semaphore_mem>>) src(%dma_wait3A_753 : memref<64x896xf32, #tpu.memory_space<vmem>>) dst(%dma_wait3A_750 : memref<64x896xf32, #tpu.memory_space<hbm>>)
    %dma_wait3A_754 = arith.constant 0 : i32
    %dma_wait3A_755 = arith.constant 0 : i32
    %dma_wait3A_756 = arith.constant 0 : i32
    %dma_wait3A_757 = tpu.memref_slice %arg4[%dma_wait3A_755, %dma_wait3A_756] : memref<64x896xf32, #tpu.memory_space<vmem>> -> memref<64x896xf32, #tpu.memory_space<vmem>>
    %dma_wait3A_758 = arith.constant 0 : i32
    %dma_wait3A_759 = arith.constant 0 : i32
    %dma_wait3A_760 = tpu.memref_slice %arg3[%dma_wait3A_754, %arg1, %dma_wait3A_758, %dma_wait3A_759] : memref<1x16x2048x2048xf32, #tpu.memory_space<hbm>> -> memref<1x1x64x896xf32, #tpu.memory_space<hbm>>
    %dma_wait3A_761 = tpu.memref_squeeze %dma_wait3A_760 : memref<1x1x64x896xf32, #tpu.memory_space<hbm>> -> memref<64x896xf32, #tpu.memory_space<hbm>>
    %dma_wait3A_762 = arith.constant 0 : i32
    %dma_wait3A_763 = arith.constant 0 : i32
    %dma_wait3A_764 = tpu.memref_slice %arg3[%dma_wait3A_754, %arg1, %dma_wait3A_762, %dma_wait3A_763] : memref<1x16x2048x2048xf32, #tpu.memory_space<hbm>> -> memref<1x1x64x896xf32, #tpu.memory_space<hbm>>
    %dma_wait3A_765 = tpu.memref_squeeze %dma_wait3A_764 : memref<1x1x64x896xf32, #tpu.memory_space<hbm>> -> memref<64x896xf32, #tpu.memory_space<hbm>>
    %dma_wait3A_766 = arith.constant 0 : i32
    %dma_wait3A_767 = arith.constant 0 : i32
    %dma_wait3A_768 = tpu.memref_slice %arg4[%dma_wait3A_766, %dma_wait3A_767] : memref<64x896xf32, #tpu.memory_space<vmem>> -> memref<64x896xf32, #tpu.memory_space<vmem>>
    tpu.wait_dma2 semaphore(%arg7 : memref<!tpu.dma_semaphore, #tpu.memory_space<semaphore_mem>>) src(%dma_wait3A_768 : memref<64x896xf32, #tpu.memory_space<vmem>>) dst(%dma_wait3A_765 : memref<64x896xf32, #tpu.memory_space<hbm>>)
    %dma_start3A_769 = arith.constant 0 : i32
    %dma_start3A_770 = arith.constant 0 : i32
    %dma_start3A_771 = tpu.memref_slice %arg5[%dma_start3A_769, %dma_start3A_770] : memref<64x896xf32, #tpu.memory_space<vmem>> -> memref<64x896xf32, #tpu.memory_space<vmem>>
    %dma_start3A_772 = arith.constant 2688 : i32
    %dma_start3A_773 = tpu.memref_slice %arg2[%arg1, %multiple_of3A, %dma_start3A_772] : memref<16x128x3968xf32, #tpu.memory_space<hbm>> -> memref<1x64x896xf32, #tpu.memory_space<hbm>>
    %dma_start3A_774 = tpu.memref_squeeze %dma_start3A_773 : memref<1x64x896xf32, #tpu.memory_space<hbm>> -> memref<64x896xf32, #tpu.memory_space<hbm>>
    %dma_start3A_775 = arith.constant 0 : i32
    %dma_start3A_776 = arith.constant 0 : i32
    %dma_start3A_777 = tpu.memref_slice %arg5[%dma_start3A_775, %dma_start3A_776] : memref<64x896xf32, #tpu.memory_space<vmem>> -> memref<64x896xf32, #tpu.memory_space<vmem>>
    %dma_start3A_778 = arith.constant 2688 : i32
    %dma_start3A_779 = tpu.memref_slice %arg2[%arg1, %multiple_of3A, %dma_start3A_778] : memref<16x128x3968xf32, #tpu.memory_space<hbm>> -> memref<1x64x896xf32, #tpu.memory_space<hbm>>
    %dma_start3A_780 = tpu.memref_squeeze %dma_start3A_779 : memref<1x64x896xf32, #tpu.memory_space<hbm>> -> memref<64x896xf32, #tpu.memory_space<hbm>>
    tpu.enqueue_dma source(%dma_start3A_780 : memref<64x896xf32, #tpu.memory_space<hbm>>) target(%dma_start3A_777 : memref<64x896xf32, #tpu.memory_space<vmem>>) target_semaphore(%arg6 : memref<!tpu.dma_semaphore, #tpu.memory_space<semaphore_mem>>)
    %mul3A_781 = arith.constant 64 : i32
    %mul3A_782 = arith.muli %mul3A_781, %arg0 : i32
    %add3A_783 = arith.constant 0 : i32
    %add3A_784 = arith.addi %add3A_783, %mul3A_782 : i32
    %multiple_of3A_785 = tpu.assume_multiple %add3A_784, 8 : i32
    %dma_start3A_786 = arith.constant 0 : i32
    %dma_start3A_787 = arith.constant 0 : i32
    %dma_start3A_788 = arith.constant 128 : i32
    %dma_start3A_789 = tpu.memref_slice %arg4[%dma_start3A_787, %dma_start3A_788] : memref<64x896xf32, #tpu.memory_space<vmem>> -> memref<64x768xf32, #tpu.memory_space<vmem>>
    %dma_start3A_790 = arith.constant 0 : i32
    %dma_start3A_791 = tpu.memref_slice %arg3[%dma_start3A_786, %arg1, %multiple_of3A_785, %dma_start3A_790] : memref<1x16x2048x2048xf32, #tpu.memory_space<hbm>> -> memref<1x1x64x768xf32, #tpu.memory_space<hbm>>
    %dma_start3A_792 = tpu.memref_squeeze %dma_start3A_791 : memref<1x1x64x768xf32, #tpu.memory_space<hbm>> -> memref<64x768xf32, #tpu.memory_space<hbm>>
    %dma_start3A_793 = arith.constant 0 : i32
    %dma_start3A_794 = tpu.memref_slice %arg3[%dma_start3A_786, %arg1, %multiple_of3A_785, %dma_start3A_793] : memref<1x16x2048x2048xf32, #tpu.memory_space<hbm>> -> memref<1x1x64x768xf32, #tpu.memory_space<hbm>>
    %dma_start3A_795 = tpu.memref_squeeze %dma_start3A_794 : memref<1x1x64x768xf32, #tpu.memory_space<hbm>> -> memref<64x768xf32, #tpu.memory_space<hbm>>
    %dma_start3A_796 = arith.constant 0 : i32
    %dma_start3A_797 = arith.constant 128 : i32
    %dma_start3A_798 = tpu.memref_slice %arg4[%dma_start3A_796, %dma_start3A_797] : memref<64x896xf32, #tpu.memory_space<vmem>> -> memref<64x768xf32, #tpu.memory_space<vmem>>
    tpu.enqueue_dma source(%dma_start3A_798 : memref<64x768xf32, #tpu.memory_space<vmem>>) target(%dma_start3A_795 : memref<64x768xf32, #tpu.memory_space<hbm>>) target_semaphore(%arg7 : memref<!tpu.dma_semaphore, #tpu.memory_space<semaphore_mem>>)
    %mul3A_799 = arith.constant 64 : i32
    %mul3A_800 = arith.muli %mul3A_799, %arg0 : i32
    %add3A_801 = arith.constant 128 : i32
    %add3A_802 = arith.addi %add3A_801, %mul3A_800 : i32
    %multiple_of3A_803 = tpu.assume_multiple %add3A_802, 8 : i32
    %dma_start3A_804 = arith.constant 0 : i32
    %dma_start3A_805 = arith.constant 0 : i32
    %dma_start3A_806 = arith.constant 0 : i32
    %dma_start3A_807 = tpu.memref_slice %arg4[%dma_start3A_805, %dma_start3A_806] : memref<64x896xf32, #tpu.memory_space<vmem>> -> memref<64x896xf32, #tpu.memory_space<vmem>>
    %dma_start3A_808 = arith.constant 0 : i32
    %dma_start3A_809 = tpu.memref_slice %arg3[%dma_start3A_804, %arg1, %multiple_of3A_803, %dma_start3A_808] : memref<1x16x2048x2048xf32, #tpu.memory_space<hbm>> -> memref<1x1x64x896xf32, #tpu.memory_space<hbm>>
    %dma_start3A_810 = tpu.memref_squeeze %dma_start3A_809 : memref<1x1x64x896xf32, #tpu.memory_space<hbm>> -> memref<64x896xf32, #tpu.memory_space<hbm>>
    %dma_start3A_811 = arith.constant 0 : i32
    %dma_start3A_812 = tpu.memref_slice %arg3[%dma_start3A_804, %arg1, %multiple_of3A_803, %dma_start3A_811] : memref<1x16x2048x2048xf32, #tpu.memory_space<hbm>> -> memref<1x1x64x896xf32, #tpu.memory_space<hbm>>
    %dma_start3A_813 = tpu.memref_squeeze %dma_start3A_812 : memref<1x1x64x896xf32, #tpu.memory_space<hbm>> -> memref<64x896xf32, #tpu.memory_space<hbm>>
    %dma_start3A_814 = arith.constant 0 : i32
    %dma_start3A_815 = arith.constant 0 : i32
    %dma_start3A_816 = tpu.memref_slice %arg4[%dma_start3A_814, %dma_start3A_815] : memref<64x896xf32, #tpu.memory_space<vmem>> -> memref<64x896xf32, #tpu.memory_space<vmem>>
    tpu.enqueue_dma source(%dma_start3A_816 : memref<64x896xf32, #tpu.memory_space<vmem>>) target(%dma_start3A_813 : memref<64x896xf32, #tpu.memory_space<hbm>>) target_semaphore(%arg7 : memref<!tpu.dma_semaphore, #tpu.memory_space<semaphore_mem>>)
    %mul3A_817 = arith.constant 64 : i32
    %mul3A_818 = arith.muli %mul3A_817, %arg0 : i32
    %add3A_819 = arith.constant 256 : i32
    %add3A_820 = arith.addi %add3A_819, %mul3A_818 : i32
    %multiple_of3A_821 = tpu.assume_multiple %add3A_820, 8 : i32
    %dma_start3A_822 = arith.constant 0 : i32
    %dma_start3A_823 = arith.constant 0 : i32
    %dma_start3A_824 = arith.constant 0 : i32
    %dma_start3A_825 = tpu.memref_slice %arg4[%dma_start3A_823, %dma_start3A_824] : memref<64x896xf32, #tpu.memory_space<vmem>> -> memref<64x896xf32, #tpu.memory_space<vmem>>
    %dma_start3A_826 = arith.constant 128 : i32
    %dma_start3A_827 = tpu.memref_slice %arg3[%dma_start3A_822, %arg1, %multiple_of3A_821, %dma_start3A_826] : memref<1x16x2048x2048xf32, #tpu.memory_space<hbm>> -> memref<1x1x64x896xf32, #tpu.memory_space<hbm>>
    %dma_start3A_828 = tpu.memref_squeeze %dma_start3A_827 : memref<1x1x64x896xf32, #tpu.memory_space<hbm>> -> memref<64x896xf32, #tpu.memory_space<hbm>>
    %dma_start3A_829 = arith.constant 128 : i32
    %dma_start3A_830 = tpu.memref_slice %arg3[%dma_start3A_822, %arg1, %multiple_of3A_821, %dma_start3A_829] : memref<1x16x2048x2048xf32, #tpu.memory_space<hbm>> -> memref<1x1x64x896xf32, #tpu.memory_space<hbm>>
    %dma_start3A_831 = tpu.memref_squeeze %dma_start3A_830 : memref<1x1x64x896xf32, #tpu.memory_space<hbm>> -> memref<64x896xf32, #tpu.memory_space<hbm>>
    %dma_start3A_832 = arith.constant 0 : i32
    %dma_start3A_833 = arith.constant 0 : i32
    %dma_start3A_834 = tpu.memref_slice %arg4[%dma_start3A_832, %dma_start3A_833] : memref<64x896xf32, #tpu.memory_space<vmem>> -> memref<64x896xf32, #tpu.memory_space<vmem>>
    tpu.enqueue_dma source(%dma_start3A_834 : memref<64x896xf32, #tpu.memory_space<vmem>>) target(%dma_start3A_831 : memref<64x896xf32, #tpu.memory_space<hbm>>) target_semaphore(%arg7 : memref<!tpu.dma_semaphore, #tpu.memory_space<semaphore_mem>>)
    %mul3A_835 = arith.constant 64 : i32
    %mul3A_836 = arith.muli %mul3A_835, %arg0 : i32
    %add3A_837 = arith.constant 384 : i32
    %add3A_838 = arith.addi %add3A_837, %mul3A_836 : i32
    %multiple_of3A_839 = tpu.assume_multiple %add3A_838, 8 : i32
    %dma_start3A_840 = arith.constant 0 : i32
    %dma_start3A_841 = arith.constant 0 : i32
    %dma_start3A_842 = arith.constant 0 : i32
    %dma_start3A_843 = tpu.memref_slice %arg4[%dma_start3A_841, %dma_start3A_842] : memref<64x896xf32, #tpu.memory_space<vmem>> -> memref<64x896xf32, #tpu.memory_space<vmem>>
    %dma_start3A_844 = arith.constant 256 : i32
    %dma_start3A_845 = tpu.memref_slice %arg3[%dma_start3A_840, %arg1, %multiple_of3A_839, %dma_start3A_844] : memref<1x16x2048x2048xf32, #tpu.memory_space<hbm>> -> memref<1x1x64x896xf32, #tpu.memory_space<hbm>>
    %dma_start3A_846 = tpu.memref_squeeze %dma_start3A_845 : memref<1x1x64x896xf32, #tpu.memory_space<hbm>> -> memref<64x896xf32, #tpu.memory_space<hbm>>
    %dma_start3A_847 = arith.constant 256 : i32
    %dma_start3A_848 = tpu.memref_slice %arg3[%dma_start3A_840, %arg1, %multiple_of3A_839, %dma_start3A_847] : memref<1x16x2048x2048xf32, #tpu.memory_space<hbm>> -> memref<1x1x64x896xf32, #tpu.memory_space<hbm>>
    %dma_start3A_849 = tpu.memref_squeeze %dma_start3A_848 : memref<1x1x64x896xf32, #tpu.memory_space<hbm>> -> memref<64x896xf32, #tpu.memory_space<hbm>>
    %dma_start3A_850 = arith.constant 0 : i32
    %dma_start3A_851 = arith.constant 0 : i32
    %dma_start3A_852 = tpu.memref_slice %arg4[%dma_start3A_850, %dma_start3A_851] : memref<64x896xf32, #tpu.memory_space<vmem>> -> memref<64x896xf32, #tpu.memory_space<vmem>>
    tpu.enqueue_dma source(%dma_start3A_852 : memref<64x896xf32, #tpu.memory_space<vmem>>) target(%dma_start3A_849 : memref<64x896xf32, #tpu.memory_space<hbm>>) target_semaphore(%arg7 : memref<!tpu.dma_semaphore, #tpu.memory_space<semaphore_mem>>)
    %mul3A_853 = arith.constant 64 : i32
    %mul3A_854 = arith.muli %mul3A_853, %arg0 : i32
    %add3A_855 = arith.constant 512 : i32
    %add3A_856 = arith.addi %add3A_855, %mul3A_854 : i32
    %multiple_of3A_857 = tpu.assume_multiple %add3A_856, 8 : i32
    %dma_start3A_858 = arith.constant 0 : i32
    %dma_start3A_859 = arith.constant 0 : i32
    %dma_start3A_860 = arith.constant 0 : i32
    %dma_start3A_861 = tpu.memref_slice %arg4[%dma_start3A_859, %dma_start3A_860] : memref<64x896xf32, #tpu.memory_space<vmem>> -> memref<64x896xf32, #tpu.memory_space<vmem>>
    %dma_start3A_862 = arith.constant 384 : i32
    %dma_start3A_863 = tpu.memref_slice %arg3[%dma_start3A_858, %arg1, %multiple_of3A_857, %dma_start3A_862] : memref<1x16x2048x2048xf32, #tpu.memory_space<hbm>> -> memref<1x1x64x896xf32, #tpu.memory_space<hbm>>
    %dma_start3A_864 = tpu.memref_squeeze %dma_start3A_863 : memref<1x1x64x896xf32, #tpu.memory_space<hbm>> -> memref<64x896xf32, #tpu.memory_space<hbm>>
    %dma_start3A_865 = arith.constant 384 : i32
    %dma_start3A_866 = tpu.memref_slice %arg3[%dma_start3A_858, %arg1, %multiple_of3A_857, %dma_start3A_865] : memref<1x16x2048x2048xf32, #tpu.memory_space<hbm>> -> memref<1x1x64x896xf32, #tpu.memory_space<hbm>>
    %dma_start3A_867 = tpu.memref_squeeze %dma_start3A_866 : memref<1x1x64x896xf32, #tpu.memory_space<hbm>> -> memref<64x896xf32, #tpu.memory_space<hbm>>
    %dma_start3A_868 = arith.constant 0 : i32
    %dma_start3A_869 = arith.constant 0 : i32
    %dma_start3A_870 = tpu.memref_slice %arg4[%dma_start3A_868, %dma_start3A_869] : memref<64x896xf32, #tpu.memory_space<vmem>> -> memref<64x896xf32, #tpu.memory_space<vmem>>
    tpu.enqueue_dma source(%dma_start3A_870 : memref<64x896xf32, #tpu.memory_space<vmem>>) target(%dma_start3A_867 : memref<64x896xf32, #tpu.memory_space<hbm>>) target_semaphore(%arg7 : memref<!tpu.dma_semaphore, #tpu.memory_space<semaphore_mem>>)
    %mul3A_871 = arith.constant 64 : i32
    %mul3A_872 = arith.muli %mul3A_871, %arg0 : i32
    %add3A_873 = arith.constant 640 : i32
    %add3A_874 = arith.addi %add3A_873, %mul3A_872 : i32
    %multiple_of3A_875 = tpu.assume_multiple %add3A_874, 8 : i32
    %dma_start3A_876 = arith.constant 0 : i32
    %dma_start3A_877 = arith.constant 0 : i32
    %dma_start3A_878 = arith.constant 0 : i32
    %dma_start3A_879 = tpu.memref_slice %arg4[%dma_start3A_877, %dma_start3A_878] : memref<64x896xf32, #tpu.memory_space<vmem>> -> memref<64x896xf32, #tpu.memory_space<vmem>>
    %dma_start3A_880 = arith.constant 512 : i32
    %dma_start3A_881 = tpu.memref_slice %arg3[%dma_start3A_876, %arg1, %multiple_of3A_875, %dma_start3A_880] : memref<1x16x2048x2048xf32, #tpu.memory_space<hbm>> -> memref<1x1x64x896xf32, #tpu.memory_space<hbm>>
    %dma_start3A_882 = tpu.memref_squeeze %dma_start3A_881 : memref<1x1x64x896xf32, #tpu.memory_space<hbm>> -> memref<64x896xf32, #tpu.memory_space<hbm>>
    %dma_start3A_883 = arith.constant 512 : i32
    %dma_start3A_884 = tpu.memref_slice %arg3[%dma_start3A_876, %arg1, %multiple_of3A_875, %dma_start3A_883] : memref<1x16x2048x2048xf32, #tpu.memory_space<hbm>> -> memref<1x1x64x896xf32, #tpu.memory_space<hbm>>
    %dma_start3A_885 = tpu.memref_squeeze %dma_start3A_884 : memref<1x1x64x896xf32, #tpu.memory_space<hbm>> -> memref<64x896xf32, #tpu.memory_space<hbm>>
    %dma_start3A_886 = arith.constant 0 : i32
    %dma_start3A_887 = arith.constant 0 : i32
    %dma_start3A_888 = tpu.memref_slice %arg4[%dma_start3A_886, %dma_start3A_887] : memref<64x896xf32, #tpu.memory_space<vmem>> -> memref<64x896xf32, #tpu.memory_space<vmem>>
    tpu.enqueue_dma source(%dma_start3A_888 : memref<64x896xf32, #tpu.memory_space<vmem>>) target(%dma_start3A_885 : memref<64x896xf32, #tpu.memory_space<hbm>>) target_semaphore(%arg7 : memref<!tpu.dma_semaphore, #tpu.memory_space<semaphore_mem>>)
    %mul3A_889 = arith.constant 64 : i32
    %mul3A_890 = arith.muli %mul3A_889, %arg0 : i32
    %add3A_891 = arith.constant 768 : i32
    %add3A_892 = arith.addi %add3A_891, %mul3A_890 : i32
    %multiple_of3A_893 = tpu.assume_multiple %add3A_892, 8 : i32
    %dma_start3A_894 = arith.constant 0 : i32
    %dma_start3A_895 = arith.constant 0 : i32
    %dma_start3A_896 = arith.constant 0 : i32
    %dma_start3A_897 = tpu.memref_slice %arg4[%dma_start3A_895, %dma_start3A_896] : memref<64x896xf32, #tpu.memory_space<vmem>> -> memref<64x896xf32, #tpu.memory_space<vmem>>
    %dma_start3A_898 = arith.constant 640 : i32
    %dma_start3A_899 = tpu.memref_slice %arg3[%dma_start3A_894, %arg1, %multiple_of3A_893, %dma_start3A_898] : memref<1x16x2048x2048xf32, #tpu.memory_space<hbm>> -> memref<1x1x64x896xf32, #tpu.memory_space<hbm>>
    %dma_start3A_900 = tpu.memref_squeeze %dma_start3A_899 : memref<1x1x64x896xf32, #tpu.memory_space<hbm>> -> memref<64x896xf32, #tpu.memory_space<hbm>>
    %dma_start3A_901 = arith.constant 640 : i32
    %dma_start3A_902 = tpu.memref_slice %arg3[%dma_start3A_894, %arg1, %multiple_of3A_893, %dma_start3A_901] : memref<1x16x2048x2048xf32, #tpu.memory_space<hbm>> -> memref<1x1x64x896xf32, #tpu.memory_space<hbm>>
    %dma_start3A_903 = tpu.memref_squeeze %dma_start3A_902 : memref<1x1x64x896xf32, #tpu.memory_space<hbm>> -> memref<64x896xf32, #tpu.memory_space<hbm>>
    %dma_start3A_904 = arith.constant 0 : i32
    %dma_start3A_905 = arith.constant 0 : i32
    %dma_start3A_906 = tpu.memref_slice %arg4[%dma_start3A_904, %dma_start3A_905] : memref<64x896xf32, #tpu.memory_space<vmem>> -> memref<64x896xf32, #tpu.memory_space<vmem>>
    tpu.enqueue_dma source(%dma_start3A_906 : memref<64x896xf32, #tpu.memory_space<vmem>>) target(%dma_start3A_903 : memref<64x896xf32, #tpu.memory_space<hbm>>) target_semaphore(%arg7 : memref<!tpu.dma_semaphore, #tpu.memory_space<semaphore_mem>>)
    %mul3A_907 = arith.constant 64 : i32
    %mul3A_908 = arith.muli %mul3A_907, %arg0 : i32
    %add3A_909 = arith.constant 896 : i32
    %add3A_910 = arith.addi %add3A_909, %mul3A_908 : i32
    %multiple_of3A_911 = tpu.assume_multiple %add3A_910, 8 : i32
    %dma_start3A_912 = arith.constant 0 : i32
    %dma_start3A_913 = arith.constant 0 : i32
    %dma_start3A_914 = arith.constant 0 : i32
    %dma_start3A_915 = tpu.memref_slice %arg4[%dma_start3A_913, %dma_start3A_914] : memref<64x896xf32, #tpu.memory_space<vmem>> -> memref<64x896xf32, #tpu.memory_space<vmem>>
    %dma_start3A_916 = arith.constant 768 : i32
    %dma_start3A_917 = tpu.memref_slice %arg3[%dma_start3A_912, %arg1, %multiple_of3A_911, %dma_start3A_916] : memref<1x16x2048x2048xf32, #tpu.memory_space<hbm>> -> memref<1x1x64x896xf32, #tpu.memory_space<hbm>>
    %dma_start3A_918 = tpu.memref_squeeze %dma_start3A_917 : memref<1x1x64x896xf32, #tpu.memory_space<hbm>> -> memref<64x896xf32, #tpu.memory_space<hbm>>
    %dma_start3A_919 = arith.constant 768 : i32
    %dma_start3A_920 = tpu.memref_slice %arg3[%dma_start3A_912, %arg1, %multiple_of3A_911, %dma_start3A_919] : memref<1x16x2048x2048xf32, #tpu.memory_space<hbm>> -> memref<1x1x64x896xf32, #tpu.memory_space<hbm>>
    %dma_start3A_921 = tpu.memref_squeeze %dma_start3A_920 : memref<1x1x64x896xf32, #tpu.memory_space<hbm>> -> memref<64x896xf32, #tpu.memory_space<hbm>>
    %dma_start3A_922 = arith.constant 0 : i32
    %dma_start3A_923 = arith.constant 0 : i32
    %dma_start3A_924 = tpu.memref_slice %arg4[%dma_start3A_922, %dma_start3A_923] : memref<64x896xf32, #tpu.memory_space<vmem>> -> memref<64x896xf32, #tpu.memory_space<vmem>>
    tpu.enqueue_dma source(%dma_start3A_924 : memref<64x896xf32, #tpu.memory_space<vmem>>) target(%dma_start3A_921 : memref<64x896xf32, #tpu.memory_space<hbm>>) target_semaphore(%arg7 : memref<!tpu.dma_semaphore, #tpu.memory_space<semaphore_mem>>)
    %mul3A_925 = arith.constant 64 : i32
    %mul3A_926 = arith.muli %mul3A_925, %arg0 : i32
    %add3A_927 = arith.constant 1024 : i32
    %add3A_928 = arith.addi %add3A_927, %mul3A_926 : i32
    %multiple_of3A_929 = tpu.assume_multiple %add3A_928, 8 : i32
    %dma_start3A_930 = arith.constant 0 : i32
    %dma_start3A_931 = arith.constant 0 : i32
    %dma_start3A_932 = arith.constant 0 : i32
    %dma_start3A_933 = tpu.memref_slice %arg4[%dma_start3A_931, %dma_start3A_932] : memref<64x896xf32, #tpu.memory_space<vmem>> -> memref<64x896xf32, #tpu.memory_space<vmem>>
    %dma_start3A_934 = arith.constant 896 : i32
    %dma_start3A_935 = tpu.memref_slice %arg3[%dma_start3A_930, %arg1, %multiple_of3A_929, %dma_start3A_934] : memref<1x16x2048x2048xf32, #tpu.memory_space<hbm>> -> memref<1x1x64x896xf32, #tpu.memory_space<hbm>>
    %dma_start3A_936 = tpu.memref_squeeze %dma_start3A_935 : memref<1x1x64x896xf32, #tpu.memory_space<hbm>> -> memref<64x896xf32, #tpu.memory_space<hbm>>
    %dma_start3A_937 = arith.constant 896 : i32
    %dma_start3A_938 = tpu.memref_slice %arg3[%dma_start3A_930, %arg1, %multiple_of3A_929, %dma_start3A_937] : memref<1x16x2048x2048xf32, #tpu.memory_space<hbm>> -> memref<1x1x64x896xf32, #tpu.memory_space<hbm>>
    %dma_start3A_939 = tpu.memref_squeeze %dma_start3A_938 : memref<1x1x64x896xf32, #tpu.memory_space<hbm>> -> memref<64x896xf32, #tpu.memory_space<hbm>>
    %dma_start3A_940 = arith.constant 0 : i32
    %dma_start3A_941 = arith.constant 0 : i32
    %dma_start3A_942 = tpu.memref_slice %arg4[%dma_start3A_940, %dma_start3A_941] : memref<64x896xf32, #tpu.memory_space<vmem>> -> memref<64x896xf32, #tpu.memory_space<vmem>>
    tpu.enqueue_dma source(%dma_start3A_942 : memref<64x896xf32, #tpu.memory_space<vmem>>) target(%dma_start3A_939 : memref<64x896xf32, #tpu.memory_space<hbm>>) target_semaphore(%arg7 : memref<!tpu.dma_semaphore, #tpu.memory_space<semaphore_mem>>)
    %mul3A_943 = arith.constant 64 : i32
    %mul3A_944 = arith.muli %mul3A_943, %arg0 : i32
    %add3A_945 = arith.constant 1152 : i32
    %add3A_946 = arith.addi %add3A_945, %mul3A_944 : i32
    %multiple_of3A_947 = tpu.assume_multiple %add3A_946, 8 : i32
    %dma_start3A_948 = arith.constant 0 : i32
    %dma_start3A_949 = arith.constant 0 : i32
    %dma_start3A_950 = arith.constant 0 : i32
    %dma_start3A_951 = tpu.memref_slice %arg4[%dma_start3A_949, %dma_start3A_950] : memref<64x896xf32, #tpu.memory_space<vmem>> -> memref<64x896xf32, #tpu.memory_space<vmem>>
    %dma_start3A_952 = arith.constant 1024 : i32
    %dma_start3A_953 = tpu.memref_slice %arg3[%dma_start3A_948, %arg1, %multiple_of3A_947, %dma_start3A_952] : memref<1x16x2048x2048xf32, #tpu.memory_space<hbm>> -> memref<1x1x64x896xf32, #tpu.memory_space<hbm>>
    %dma_start3A_954 = tpu.memref_squeeze %dma_start3A_953 : memref<1x1x64x896xf32, #tpu.memory_space<hbm>> -> memref<64x896xf32, #tpu.memory_space<hbm>>
    %dma_start3A_955 = arith.constant 1024 : i32
    %dma_start3A_956 = tpu.memref_slice %arg3[%dma_start3A_948, %arg1, %multiple_of3A_947, %dma_start3A_955] : memref<1x16x2048x2048xf32, #tpu.memory_space<hbm>> -> memref<1x1x64x896xf32, #tpu.memory_space<hbm>>
    %dma_start3A_957 = tpu.memref_squeeze %dma_start3A_956 : memref<1x1x64x896xf32, #tpu.memory_space<hbm>> -> memref<64x896xf32, #tpu.memory_space<hbm>>
    %dma_start3A_958 = arith.constant 0 : i32
    %dma_start3A_959 = arith.constant 0 : i32
    %dma_start3A_960 = tpu.memref_slice %arg4[%dma_start3A_958, %dma_start3A_959] : memref<64x896xf32, #tpu.memory_space<vmem>> -> memref<64x896xf32, #tpu.memory_space<vmem>>
    tpu.enqueue_dma source(%dma_start3A_960 : memref<64x896xf32, #tpu.memory_space<vmem>>) target(%dma_start3A_957 : memref<64x896xf32, #tpu.memory_space<hbm>>) target_semaphore(%arg7 : memref<!tpu.dma_semaphore, #tpu.memory_space<semaphore_mem>>)
    %mul3A_961 = arith.constant 64 : i32
    %mul3A_962 = arith.muli %mul3A_961, %arg0 : i32
    %add3A_963 = arith.constant 1280 : i32
    %add3A_964 = arith.addi %add3A_963, %mul3A_962 : i32
    %multiple_of3A_965 = tpu.assume_multiple %add3A_964, 8 : i32
    %dma_start3A_966 = arith.constant 0 : i32
    %dma_start3A_967 = arith.constant 0 : i32
    %dma_start3A_968 = arith.constant 0 : i32
    %dma_start3A_969 = tpu.memref_slice %arg4[%dma_start3A_967, %dma_start3A_968] : memref<64x896xf32, #tpu.memory_space<vmem>> -> memref<64x896xf32, #tpu.memory_space<vmem>>
    %dma_start3A_970 = arith.constant 1152 : i32
    %dma_start3A_971 = tpu.memref_slice %arg3[%dma_start3A_966, %arg1, %multiple_of3A_965, %dma_start3A_970] : memref<1x16x2048x2048xf32, #tpu.memory_space<hbm>> -> memref<1x1x64x896xf32, #tpu.memory_space<hbm>>
    %dma_start3A_972 = tpu.memref_squeeze %dma_start3A_971 : memref<1x1x64x896xf32, #tpu.memory_space<hbm>> -> memref<64x896xf32, #tpu.memory_space<hbm>>
    %dma_start3A_973 = arith.constant 1152 : i32
    %dma_start3A_974 = tpu.memref_slice %arg3[%dma_start3A_966, %arg1, %multiple_of3A_965, %dma_start3A_973] : memref<1x16x2048x2048xf32, #tpu.memory_space<hbm>> -> memref<1x1x64x896xf32, #tpu.memory_space<hbm>>
    %dma_start3A_975 = tpu.memref_squeeze %dma_start3A_974 : memref<1x1x64x896xf32, #tpu.memory_space<hbm>> -> memref<64x896xf32, #tpu.memory_space<hbm>>
    %dma_start3A_976 = arith.constant 0 : i32
    %dma_start3A_977 = arith.constant 0 : i32
    %dma_start3A_978 = tpu.memref_slice %arg4[%dma_start3A_976, %dma_start3A_977] : memref<64x896xf32, #tpu.memory_space<vmem>> -> memref<64x896xf32, #tpu.memory_space<vmem>>
    tpu.enqueue_dma source(%dma_start3A_978 : memref<64x896xf32, #tpu.memory_space<vmem>>) target(%dma_start3A_975 : memref<64x896xf32, #tpu.memory_space<hbm>>) target_semaphore(%arg7 : memref<!tpu.dma_semaphore, #tpu.memory_space<semaphore_mem>>)
    %mul3A_979 = arith.constant 64 : i32
    %mul3A_980 = arith.muli %mul3A_979, %arg0 : i32
    %add3A_981 = arith.constant 1408 : i32
    %add3A_982 = arith.addi %add3A_981, %mul3A_980 : i32
    %multiple_of3A_983 = tpu.assume_multiple %add3A_982, 8 : i32
    %dma_start3A_984 = arith.constant 0 : i32
    %dma_start3A_985 = arith.constant 0 : i32
    %dma_start3A_986 = arith.constant 0 : i32
    %dma_start3A_987 = tpu.memref_slice %arg4[%dma_start3A_985, %dma_start3A_986] : memref<64x896xf32, #tpu.memory_space<vmem>> -> memref<64x768xf32, #tpu.memory_space<vmem>>
    %dma_start3A_988 = arith.constant 1280 : i32
    %dma_start3A_989 = tpu.memref_slice %arg3[%dma_start3A_984, %arg1, %multiple_of3A_983, %dma_start3A_988] : memref<1x16x2048x2048xf32, #tpu.memory_space<hbm>> -> memref<1x1x64x768xf32, #tpu.memory_space<hbm>>
    %dma_start3A_990 = tpu.memref_squeeze %dma_start3A_989 : memref<1x1x64x768xf32, #tpu.memory_space<hbm>> -> memref<64x768xf32, #tpu.memory_space<hbm>>
    %dma_start3A_991 = arith.constant 1280 : i32
    %dma_start3A_992 = tpu.memref_slice %arg3[%dma_start3A_984, %arg1, %multiple_of3A_983, %dma_start3A_991] : memref<1x16x2048x2048xf32, #tpu.memory_space<hbm>> -> memref<1x1x64x768xf32, #tpu.memory_space<hbm>>
    %dma_start3A_993 = tpu.memref_squeeze %dma_start3A_992 : memref<1x1x64x768xf32, #tpu.memory_space<hbm>> -> memref<64x768xf32, #tpu.memory_space<hbm>>
    %dma_start3A_994 = arith.constant 0 : i32
    %dma_start3A_995 = arith.constant 0 : i32
    %dma_start3A_996 = tpu.memref_slice %arg4[%dma_start3A_994, %dma_start3A_995] : memref<64x896xf32, #tpu.memory_space<vmem>> -> memref<64x768xf32, #tpu.memory_space<vmem>>
    tpu.enqueue_dma source(%dma_start3A_996 : memref<64x768xf32, #tpu.memory_space<vmem>>) target(%dma_start3A_993 : memref<64x768xf32, #tpu.memory_space<hbm>>) target_semaphore(%arg7 : memref<!tpu.dma_semaphore, #tpu.memory_space<semaphore_mem>>)
    %mul3A_997 = arith.constant 64 : i32
    %mul3A_998 = arith.muli %mul3A_997, %arg0 : i32
    %add3A_999 = arith.constant 1536 : i32
    %add3A_1000 = arith.addi %add3A_999, %mul3A_998 : i32
    %multiple_of3A_1001 = tpu.assume_multiple %add3A_1000, 8 : i32
    %dma_start3A_1002 = arith.constant 0 : i32
    %dma_start3A_1003 = arith.constant 0 : i32
    %dma_start3A_1004 = arith.constant 0 : i32
    %dma_start3A_1005 = tpu.memref_slice %arg4[%dma_start3A_1003, %dma_start3A_1004] : memref<64x896xf32, #tpu.memory_space<vmem>> -> memref<64x640xf32, #tpu.memory_space<vmem>>
    %dma_start3A_1006 = arith.constant 1408 : i32
    %dma_start3A_1007 = tpu.memref_slice %arg3[%dma_start3A_1002, %arg1, %multiple_of3A_1001, %dma_start3A_1006] : memref<1x16x2048x2048xf32, #tpu.memory_space<hbm>> -> memref<1x1x64x640xf32, #tpu.memory_space<hbm>>
    %dma_start3A_1008 = tpu.memref_squeeze %dma_start3A_1007 : memref<1x1x64x640xf32, #tpu.memory_space<hbm>> -> memref<64x640xf32, #tpu.memory_space<hbm>>
    %dma_start3A_1009 = arith.constant 1408 : i32
    %dma_start3A_1010 = tpu.memref_slice %arg3[%dma_start3A_1002, %arg1, %multiple_of3A_1001, %dma_start3A_1009] : memref<1x16x2048x2048xf32, #tpu.memory_space<hbm>> -> memref<1x1x64x640xf32, #tpu.memory_space<hbm>>
    %dma_start3A_1011 = tpu.memref_squeeze %dma_start3A_1010 : memref<1x1x64x640xf32, #tpu.memory_space<hbm>> -> memref<64x640xf32, #tpu.memory_space<hbm>>
    %dma_start3A_1012 = arith.constant 0 : i32
    %dma_start3A_1013 = arith.constant 0 : i32
    %dma_start3A_1014 = tpu.memref_slice %arg4[%dma_start3A_1012, %dma_start3A_1013] : memref<64x896xf32, #tpu.memory_space<vmem>> -> memref<64x640xf32, #tpu.memory_space<vmem>>
    tpu.enqueue_dma source(%dma_start3A_1014 : memref<64x640xf32, #tpu.memory_space<vmem>>) target(%dma_start3A_1011 : memref<64x640xf32, #tpu.memory_space<hbm>>) target_semaphore(%arg7 : memref<!tpu.dma_semaphore, #tpu.memory_space<semaphore_mem>>)
    %mul3A_1015 = arith.constant 64 : i32
    %mul3A_1016 = arith.muli %mul3A_1015, %arg0 : i32
    %add3A_1017 = arith.constant 1664 : i32
    %add3A_1018 = arith.addi %add3A_1017, %mul3A_1016 : i32
    %multiple_of3A_1019 = tpu.assume_multiple %add3A_1018, 8 : i32
    %dma_start3A_1020 = arith.constant 0 : i32
    %dma_start3A_1021 = arith.constant 0 : i32
    %dma_start3A_1022 = arith.constant 0 : i32
    %dma_start3A_1023 = tpu.memref_slice %arg4[%dma_start3A_1021, %dma_start3A_1022] : memref<64x896xf32, #tpu.memory_space<vmem>> -> memref<64x512xf32, #tpu.memory_space<vmem>>
    %dma_start3A_1024 = arith.constant 1536 : i32
    %dma_start3A_1025 = tpu.memref_slice %arg3[%dma_start3A_1020, %arg1, %multiple_of3A_1019, %dma_start3A_1024] : memref<1x16x2048x2048xf32, #tpu.memory_space<hbm>> -> memref<1x1x64x512xf32, #tpu.memory_space<hbm>>
    %dma_start3A_1026 = tpu.memref_squeeze %dma_start3A_1025 : memref<1x1x64x512xf32, #tpu.memory_space<hbm>> -> memref<64x512xf32, #tpu.memory_space<hbm>>
    %dma_start3A_1027 = arith.constant 1536 : i32
    %dma_start3A_1028 = tpu.memref_slice %arg3[%dma_start3A_1020, %arg1, %multiple_of3A_1019, %dma_start3A_1027] : memref<1x16x2048x2048xf32, #tpu.memory_space<hbm>> -> memref<1x1x64x512xf32, #tpu.memory_space<hbm>>
    %dma_start3A_1029 = tpu.memref_squeeze %dma_start3A_1028 : memref<1x1x64x512xf32, #tpu.memory_space<hbm>> -> memref<64x512xf32, #tpu.memory_space<hbm>>
    %dma_start3A_1030 = arith.constant 0 : i32
    %dma_start3A_1031 = arith.constant 0 : i32
    %dma_start3A_1032 = tpu.memref_slice %arg4[%dma_start3A_1030, %dma_start3A_1031] : memref<64x896xf32, #tpu.memory_space<vmem>> -> memref<64x512xf32, #tpu.memory_space<vmem>>
    tpu.enqueue_dma source(%dma_start3A_1032 : memref<64x512xf32, #tpu.memory_space<vmem>>) target(%dma_start3A_1029 : memref<64x512xf32, #tpu.memory_space<hbm>>) target_semaphore(%arg7 : memref<!tpu.dma_semaphore, #tpu.memory_space<semaphore_mem>>)
    %mul3A_1033 = arith.constant 64 : i32
    %mul3A_1034 = arith.muli %mul3A_1033, %arg0 : i32
    %add3A_1035 = arith.constant 1792 : i32
    %add3A_1036 = arith.addi %add3A_1035, %mul3A_1034 : i32
    %multiple_of3A_1037 = tpu.assume_multiple %add3A_1036, 8 : i32
    %dma_start3A_1038 = arith.constant 0 : i32
    %dma_start3A_1039 = arith.constant 0 : i32
    %dma_start3A_1040 = arith.constant 0 : i32
    %dma_start3A_1041 = tpu.memref_slice %arg4[%dma_start3A_1039, %dma_start3A_1040] : memref<64x896xf32, #tpu.memory_space<vmem>> -> memref<64x384xf32, #tpu.memory_space<vmem>>
    %dma_start3A_1042 = arith.constant 1664 : i32
    %dma_start3A_1043 = tpu.memref_slice %arg3[%dma_start3A_1038, %arg1, %multiple_of3A_1037, %dma_start3A_1042] : memref<1x16x2048x2048xf32, #tpu.memory_space<hbm>> -> memref<1x1x64x384xf32, #tpu.memory_space<hbm>>
    %dma_start3A_1044 = tpu.memref_squeeze %dma_start3A_1043 : memref<1x1x64x384xf32, #tpu.memory_space<hbm>> -> memref<64x384xf32, #tpu.memory_space<hbm>>
    %dma_start3A_1045 = arith.constant 1664 : i32
    %dma_start3A_1046 = tpu.memref_slice %arg3[%dma_start3A_1038, %arg1, %multiple_of3A_1037, %dma_start3A_1045] : memref<1x16x2048x2048xf32, #tpu.memory_space<hbm>> -> memref<1x1x64x384xf32, #tpu.memory_space<hbm>>
    %dma_start3A_1047 = tpu.memref_squeeze %dma_start3A_1046 : memref<1x1x64x384xf32, #tpu.memory_space<hbm>> -> memref<64x384xf32, #tpu.memory_space<hbm>>
    %dma_start3A_1048 = arith.constant 0 : i32
    %dma_start3A_1049 = arith.constant 0 : i32
    %dma_start3A_1050 = tpu.memref_slice %arg4[%dma_start3A_1048, %dma_start3A_1049] : memref<64x896xf32, #tpu.memory_space<vmem>> -> memref<64x384xf32, #tpu.memory_space<vmem>>
    tpu.enqueue_dma source(%dma_start3A_1050 : memref<64x384xf32, #tpu.memory_space<vmem>>) target(%dma_start3A_1047 : memref<64x384xf32, #tpu.memory_space<hbm>>) target_semaphore(%arg7 : memref<!tpu.dma_semaphore, #tpu.memory_space<semaphore_mem>>)
    %mul3A_1051 = arith.constant 64 : i32
    %mul3A_1052 = arith.muli %mul3A_1051, %arg0 : i32
    %add3A_1053 = arith.constant 1920 : i32
    %add3A_1054 = arith.addi %add3A_1053, %mul3A_1052 : i32
    %multiple_of3A_1055 = tpu.assume_multiple %add3A_1054, 8 : i32
    %dma_start3A_1056 = arith.constant 0 : i32
    %dma_start3A_1057 = arith.constant 0 : i32
    %dma_start3A_1058 = arith.constant 0 : i32
    %dma_start3A_1059 = tpu.memref_slice %arg4[%dma_start3A_1057, %dma_start3A_1058] : memref<64x896xf32, #tpu.memory_space<vmem>> -> memref<64x256xf32, #tpu.memory_space<vmem>>
    %dma_start3A_1060 = arith.constant 1792 : i32
    %dma_start3A_1061 = tpu.memref_slice %arg3[%dma_start3A_1056, %arg1, %multiple_of3A_1055, %dma_start3A_1060] : memref<1x16x2048x2048xf32, #tpu.memory_space<hbm>> -> memref<1x1x64x256xf32, #tpu.memory_space<hbm>>
    %dma_start3A_1062 = tpu.memref_squeeze %dma_start3A_1061 : memref<1x1x64x256xf32, #tpu.memory_space<hbm>> -> memref<64x256xf32, #tpu.memory_space<hbm>>
    %dma_start3A_1063 = arith.constant 1792 : i32
    %dma_start3A_1064 = tpu.memref_slice %arg3[%dma_start3A_1056, %arg1, %multiple_of3A_1055, %dma_start3A_1063] : memref<1x16x2048x2048xf32, #tpu.memory_space<hbm>> -> memref<1x1x64x256xf32, #tpu.memory_space<hbm>>
    %dma_start3A_1065 = tpu.memref_squeeze %dma_start3A_1064 : memref<1x1x64x256xf32, #tpu.memory_space<hbm>> -> memref<64x256xf32, #tpu.memory_space<hbm>>
    %dma_start3A_1066 = arith.constant 0 : i32
    %dma_start3A_1067 = arith.constant 0 : i32
    %dma_start3A_1068 = tpu.memref_slice %arg4[%dma_start3A_1066, %dma_start3A_1067] : memref<64x896xf32, #tpu.memory_space<vmem>> -> memref<64x256xf32, #tpu.memory_space<vmem>>
    tpu.enqueue_dma source(%dma_start3A_1068 : memref<64x256xf32, #tpu.memory_space<vmem>>) target(%dma_start3A_1065 : memref<64x256xf32, #tpu.memory_space<hbm>>) target_semaphore(%arg7 : memref<!tpu.dma_semaphore, #tpu.memory_space<semaphore_mem>>)
    %dma_wait3A_1069 = arith.constant 0 : i32
    %dma_wait3A_1070 = arith.constant 0 : i32
    %dma_wait3A_1071 = tpu.memref_slice %arg4[%dma_wait3A_1069, %dma_wait3A_1070] : memref<64x896xf32, #tpu.memory_space<vmem>> -> memref<64x896xf32, #tpu.memory_space<vmem>>
    %dma_wait3A_1072 = arith.constant 0 : i32
    %dma_wait3A_1073 = arith.constant 0 : i32
    %dma_wait3A_1074 = tpu.memref_slice %arg2[%arg1, %dma_wait3A_1072, %dma_wait3A_1073] : memref<16x128x3968xf32, #tpu.memory_space<hbm>> -> memref<1x64x896xf32, #tpu.memory_space<hbm>>
    %dma_wait3A_1075 = tpu.memref_squeeze %dma_wait3A_1074 : memref<1x64x896xf32, #tpu.memory_space<hbm>> -> memref<64x896xf32, #tpu.memory_space<hbm>>
    %dma_wait3A_1076 = arith.constant 0 : i32
    %dma_wait3A_1077 = arith.constant 0 : i32
    %dma_wait3A_1078 = tpu.memref_slice %arg4[%dma_wait3A_1076, %dma_wait3A_1077] : memref<64x896xf32, #tpu.memory_space<vmem>> -> memref<64x896xf32, #tpu.memory_space<vmem>>
    %dma_wait3A_1079 = arith.constant 0 : i32
    %dma_wait3A_1080 = arith.constant 0 : i32
    %dma_wait3A_1081 = tpu.memref_slice %arg2[%arg1, %dma_wait3A_1079, %dma_wait3A_1080] : memref<16x128x3968xf32, #tpu.memory_space<hbm>> -> memref<1x64x896xf32, #tpu.memory_space<hbm>>
    %dma_wait3A_1082 = tpu.memref_squeeze %dma_wait3A_1081 : memref<1x64x896xf32, #tpu.memory_space<hbm>> -> memref<64x896xf32, #tpu.memory_space<hbm>>
    tpu.wait_dma2 semaphore(%arg6 : memref<!tpu.dma_semaphore, #tpu.memory_space<semaphore_mem>>) src(%dma_wait3A_1082 : memref<64x896xf32, #tpu.memory_space<hbm>>) dst(%dma_wait3A_1078 : memref<64x896xf32, #tpu.memory_space<vmem>>)
    %dma_wait3A_1083 = arith.constant 0 : i32
    %dma_wait3A_1084 = arith.constant 0 : i32
    %dma_wait3A_1085 = arith.constant 0 : i32
    %dma_wait3A_1086 = tpu.memref_slice %arg4[%dma_wait3A_1084, %dma_wait3A_1085] : memref<64x896xf32, #tpu.memory_space<vmem>> -> memref<64x768xf32, #tpu.memory_space<vmem>>
    %dma_wait3A_1087 = arith.constant 0 : i32
    %dma_wait3A_1088 = arith.constant 0 : i32
    %dma_wait3A_1089 = tpu.memref_slice %arg3[%dma_wait3A_1083, %arg1, %dma_wait3A_1087, %dma_wait3A_1088] : memref<1x16x2048x2048xf32, #tpu.memory_space<hbm>> -> memref<1x1x64x768xf32, #tpu.memory_space<hbm>>
    %dma_wait3A_1090 = tpu.memref_squeeze %dma_wait3A_1089 : memref<1x1x64x768xf32, #tpu.memory_space<hbm>> -> memref<64x768xf32, #tpu.memory_space<hbm>>
    %dma_wait3A_1091 = arith.constant 0 : i32
    %dma_wait3A_1092 = arith.constant 0 : i32
    %dma_wait3A_1093 = tpu.memref_slice %arg3[%dma_wait3A_1083, %arg1, %dma_wait3A_1091, %dma_wait3A_1092] : memref<1x16x2048x2048xf32, #tpu.memory_space<hbm>> -> memref<1x1x64x768xf32, #tpu.memory_space<hbm>>
    %dma_wait3A_1094 = tpu.memref_squeeze %dma_wait3A_1093 : memref<1x1x64x768xf32, #tpu.memory_space<hbm>> -> memref<64x768xf32, #tpu.memory_space<hbm>>
    %dma_wait3A_1095 = arith.constant 0 : i32
    %dma_wait3A_1096 = arith.constant 0 : i32
    %dma_wait3A_1097 = tpu.memref_slice %arg4[%dma_wait3A_1095, %dma_wait3A_1096] : memref<64x896xf32, #tpu.memory_space<vmem>> -> memref<64x768xf32, #tpu.memory_space<vmem>>
    tpu.wait_dma2 semaphore(%arg7 : memref<!tpu.dma_semaphore, #tpu.memory_space<semaphore_mem>>) src(%dma_wait3A_1097 : memref<64x768xf32, #tpu.memory_space<vmem>>) dst(%dma_wait3A_1094 : memref<64x768xf32, #tpu.memory_space<hbm>>)
    %dma_wait3A_1098 = arith.constant 0 : i32
    %dma_wait3A_1099 = arith.constant 0 : i32
    %dma_wait3A_1100 = arith.constant 0 : i32
    %dma_wait3A_1101 = tpu.memref_slice %arg4[%dma_wait3A_1099, %dma_wait3A_1100] : memref<64x896xf32, #tpu.memory_space<vmem>> -> memref<64x896xf32, #tpu.memory_space<vmem>>
    %dma_wait3A_1102 = arith.constant 0 : i32
    %dma_wait3A_1103 = arith.constant 0 : i32
    %dma_wait3A_1104 = tpu.memref_slice %arg3[%dma_wait3A_1098, %arg1, %dma_wait3A_1102, %dma_wait3A_1103] : memref<1x16x2048x2048xf32, #tpu.memory_space<hbm>> -> memref<1x1x64x896xf32, #tpu.memory_space<hbm>>
    %dma_wait3A_1105 = tpu.memref_squeeze %dma_wait3A_1104 : memref<1x1x64x896xf32, #tpu.memory_space<hbm>> -> memref<64x896xf32, #tpu.memory_space<hbm>>
    %dma_wait3A_1106 = arith.constant 0 : i32
    %dma_wait3A_1107 = arith.constant 0 : i32
    %dma_wait3A_1108 = tpu.memref_slice %arg3[%dma_wait3A_1098, %arg1, %dma_wait3A_1106, %dma_wait3A_1107] : memref<1x16x2048x2048xf32, #tpu.memory_space<hbm>> -> memref<1x1x64x896xf32, #tpu.memory_space<hbm>>
    %dma_wait3A_1109 = tpu.memref_squeeze %dma_wait3A_1108 : memref<1x1x64x896xf32, #tpu.memory_space<hbm>> -> memref<64x896xf32, #tpu.memory_space<hbm>>
    %dma_wait3A_1110 = arith.constant 0 : i32
    %dma_wait3A_1111 = arith.constant 0 : i32
    %dma_wait3A_1112 = tpu.memref_slice %arg4[%dma_wait3A_1110, %dma_wait3A_1111] : memref<64x896xf32, #tpu.memory_space<vmem>> -> memref<64x896xf32, #tpu.memory_space<vmem>>
    tpu.wait_dma2 semaphore(%arg7 : memref<!tpu.dma_semaphore, #tpu.memory_space<semaphore_mem>>) src(%dma_wait3A_1112 : memref<64x896xf32, #tpu.memory_space<vmem>>) dst(%dma_wait3A_1109 : memref<64x896xf32, #tpu.memory_space<hbm>>)
    %dma_wait3A_1113 = arith.constant 0 : i32
    %dma_wait3A_1114 = arith.constant 0 : i32
    %dma_wait3A_1115 = arith.constant 0 : i32
    %dma_wait3A_1116 = tpu.memref_slice %arg4[%dma_wait3A_1114, %dma_wait3A_1115] : memref<64x896xf32, #tpu.memory_space<vmem>> -> memref<64x896xf32, #tpu.memory_space<vmem>>
    %dma_wait3A_1117 = arith.constant 0 : i32
    %dma_wait3A_1118 = arith.constant 0 : i32
    %dma_wait3A_1119 = tpu.memref_slice %arg3[%dma_wait3A_1113, %arg1, %dma_wait3A_1117, %dma_wait3A_1118] : memref<1x16x2048x2048xf32, #tpu.memory_space<hbm>> -> memref<1x1x64x896xf32, #tpu.memory_space<hbm>>
    %dma_wait3A_1120 = tpu.memref_squeeze %dma_wait3A_1119 : memref<1x1x64x896xf32, #tpu.memory_space<hbm>> -> memref<64x896xf32, #tpu.memory_space<hbm>>
    %dma_wait3A_1121 = arith.constant 0 : i32
    %dma_wait3A_1122 = arith.constant 0 : i32
    %dma_wait3A_1123 = tpu.memref_slice %arg3[%dma_wait3A_1113, %arg1, %dma_wait3A_1121, %dma_wait3A_1122] : memref<1x16x2048x2048xf32, #tpu.memory_space<hbm>> -> memref<1x1x64x896xf32, #tpu.memory_space<hbm>>
    %dma_wait3A_1124 = tpu.memref_squeeze %dma_wait3A_1123 : memref<1x1x64x896xf32, #tpu.memory_space<hbm>> -> memref<64x896xf32, #tpu.memory_space<hbm>>
    %dma_wait3A_1125 = arith.constant 0 : i32
    %dma_wait3A_1126 = arith.constant 0 : i32
    %dma_wait3A_1127 = tpu.memref_slice %arg4[%dma_wait3A_1125, %dma_wait3A_1126] : memref<64x896xf32, #tpu.memory_space<vmem>> -> memref<64x896xf32, #tpu.memory_space<vmem>>
    tpu.wait_dma2 semaphore(%arg7 : memref<!tpu.dma_semaphore, #tpu.memory_space<semaphore_mem>>) src(%dma_wait3A_1127 : memref<64x896xf32, #tpu.memory_space<vmem>>) dst(%dma_wait3A_1124 : memref<64x896xf32, #tpu.memory_space<hbm>>)
    %dma_wait3A_1128 = arith.constant 0 : i32
    %dma_wait3A_1129 = arith.constant 0 : i32
    %dma_wait3A_1130 = arith.constant 0 : i32
    %dma_wait3A_1131 = tpu.memref_slice %arg4[%dma_wait3A_1129, %dma_wait3A_1130] : memref<64x896xf32, #tpu.memory_space<vmem>> -> memref<64x896xf32, #tpu.memory_space<vmem>>
    %dma_wait3A_1132 = arith.constant 0 : i32
    %dma_wait3A_1133 = arith.constant 0 : i32
    %dma_wait3A_1134 = tpu.memref_slice %arg3[%dma_wait3A_1128, %arg1, %dma_wait3A_1132, %dma_wait3A_1133] : memref<1x16x2048x2048xf32, #tpu.memory_space<hbm>> -> memref<1x1x64x896xf32, #tpu.memory_space<hbm>>
    %dma_wait3A_1135 = tpu.memref_squeeze %dma_wait3A_1134 : memref<1x1x64x896xf32, #tpu.memory_space<hbm>> -> memref<64x896xf32, #tpu.memory_space<hbm>>
    %dma_wait3A_1136 = arith.constant 0 : i32
    %dma_wait3A_1137 = arith.constant 0 : i32
    %dma_wait3A_1138 = tpu.memref_slice %arg3[%dma_wait3A_1128, %arg1, %dma_wait3A_1136, %dma_wait3A_1137] : memref<1x16x2048x2048xf32, #tpu.memory_space<hbm>> -> memref<1x1x64x896xf32, #tpu.memory_space<hbm>>
    %dma_wait3A_1139 = tpu.memref_squeeze %dma_wait3A_1138 : memref<1x1x64x896xf32, #tpu.memory_space<hbm>> -> memref<64x896xf32, #tpu.memory_space<hbm>>
    %dma_wait3A_1140 = arith.constant 0 : i32
    %dma_wait3A_1141 = arith.constant 0 : i32
    %dma_wait3A_1142 = tpu.memref_slice %arg4[%dma_wait3A_1140, %dma_wait3A_1141] : memref<64x896xf32, #tpu.memory_space<vmem>> -> memref<64x896xf32, #tpu.memory_space<vmem>>
    tpu.wait_dma2 semaphore(%arg7 : memref<!tpu.dma_semaphore, #tpu.memory_space<semaphore_mem>>) src(%dma_wait3A_1142 : memref<64x896xf32, #tpu.memory_space<vmem>>) dst(%dma_wait3A_1139 : memref<64x896xf32, #tpu.memory_space<hbm>>)
    %dma_wait3A_1143 = arith.constant 0 : i32
    %dma_wait3A_1144 = arith.constant 0 : i32
    %dma_wait3A_1145 = arith.constant 0 : i32
    %dma_wait3A_1146 = tpu.memref_slice %arg4[%dma_wait3A_1144, %dma_wait3A_1145] : memref<64x896xf32, #tpu.memory_space<vmem>> -> memref<64x896xf32, #tpu.memory_space<vmem>>
    %dma_wait3A_1147 = arith.constant 0 : i32
    %dma_wait3A_1148 = arith.constant 0 : i32
    %dma_wait3A_1149 = tpu.memref_slice %arg3[%dma_wait3A_1143, %arg1, %dma_wait3A_1147, %dma_wait3A_1148] : memref<1x16x2048x2048xf32, #tpu.memory_space<hbm>> -> memref<1x1x64x896xf32, #tpu.memory_space<hbm>>
    %dma_wait3A_1150 = tpu.memref_squeeze %dma_wait3A_1149 : memref<1x1x64x896xf32, #tpu.memory_space<hbm>> -> memref<64x896xf32, #tpu.memory_space<hbm>>
    %dma_wait3A_1151 = arith.constant 0 : i32
    %dma_wait3A_1152 = arith.constant 0 : i32
    %dma_wait3A_1153 = tpu.memref_slice %arg3[%dma_wait3A_1143, %arg1, %dma_wait3A_1151, %dma_wait3A_1152] : memref<1x16x2048x2048xf32, #tpu.memory_space<hbm>> -> memref<1x1x64x896xf32, #tpu.memory_space<hbm>>
    %dma_wait3A_1154 = tpu.memref_squeeze %dma_wait3A_1153 : memref<1x1x64x896xf32, #tpu.memory_space<hbm>> -> memref<64x896xf32, #tpu.memory_space<hbm>>
    %dma_wait3A_1155 = arith.constant 0 : i32
    %dma_wait3A_1156 = arith.constant 0 : i32
    %dma_wait3A_1157 = tpu.memref_slice %arg4[%dma_wait3A_1155, %dma_wait3A_1156] : memref<64x896xf32, #tpu.memory_space<vmem>> -> memref<64x896xf32, #tpu.memory_space<vmem>>
    tpu.wait_dma2 semaphore(%arg7 : memref<!tpu.dma_semaphore, #tpu.memory_space<semaphore_mem>>) src(%dma_wait3A_1157 : memref<64x896xf32, #tpu.memory_space<vmem>>) dst(%dma_wait3A_1154 : memref<64x896xf32, #tpu.memory_space<hbm>>)
    %dma_wait3A_1158 = arith.constant 0 : i32
    %dma_wait3A_1159 = arith.constant 0 : i32
    %dma_wait3A_1160 = arith.constant 0 : i32
    %dma_wait3A_1161 = tpu.memref_slice %arg4[%dma_wait3A_1159, %dma_wait3A_1160] : memref<64x896xf32, #tpu.memory_space<vmem>> -> memref<64x896xf32, #tpu.memory_space<vmem>>
    %dma_wait3A_1162 = arith.constant 0 : i32
    %dma_wait3A_1163 = arith.constant 0 : i32
    %dma_wait3A_1164 = tpu.memref_slice %arg3[%dma_wait3A_1158, %arg1, %dma_wait3A_1162, %dma_wait3A_1163] : memref<1x16x2048x2048xf32, #tpu.memory_space<hbm>> -> memref<1x1x64x896xf32, #tpu.memory_space<hbm>>
    %dma_wait3A_1165 = tpu.memref_squeeze %dma_wait3A_1164 : memref<1x1x64x896xf32, #tpu.memory_space<hbm>> -> memref<64x896xf32, #tpu.memory_space<hbm>>
    %dma_wait3A_1166 = arith.constant 0 : i32
    %dma_wait3A_1167 = arith.constant 0 : i32
    %dma_wait3A_1168 = tpu.memref_slice %arg3[%dma_wait3A_1158, %arg1, %dma_wait3A_1166, %dma_wait3A_1167] : memref<1x16x2048x2048xf32, #tpu.memory_space<hbm>> -> memref<1x1x64x896xf32, #tpu.memory_space<hbm>>
    %dma_wait3A_1169 = tpu.memref_squeeze %dma_wait3A_1168 : memref<1x1x64x896xf32, #tpu.memory_space<hbm>> -> memref<64x896xf32, #tpu.memory_space<hbm>>
    %dma_wait3A_1170 = arith.constant 0 : i32
    %dma_wait3A_1171 = arith.constant 0 : i32
    %dma_wait3A_1172 = tpu.memref_slice %arg4[%dma_wait3A_1170, %dma_wait3A_1171] : memref<64x896xf32, #tpu.memory_space<vmem>> -> memref<64x896xf32, #tpu.memory_space<vmem>>
    tpu.wait_dma2 semaphore(%arg7 : memref<!tpu.dma_semaphore, #tpu.memory_space<semaphore_mem>>) src(%dma_wait3A_1172 : memref<64x896xf32, #tpu.memory_space<vmem>>) dst(%dma_wait3A_1169 : memref<64x896xf32, #tpu.memory_space<hbm>>)
    %dma_wait3A_1173 = arith.constant 0 : i32
    %dma_wait3A_1174 = arith.constant 0 : i32
    %dma_wait3A_1175 = arith.constant 0 : i32
    %dma_wait3A_1176 = tpu.memref_slice %arg4[%dma_wait3A_1174, %dma_wait3A_1175] : memref<64x896xf32, #tpu.memory_space<vmem>> -> memref<64x896xf32, #tpu.memory_space<vmem>>
    %dma_wait3A_1177 = arith.constant 0 : i32
    %dma_wait3A_1178 = arith.constant 0 : i32
    %dma_wait3A_1179 = tpu.memref_slice %arg3[%dma_wait3A_1173, %arg1, %dma_wait3A_1177, %dma_wait3A_1178] : memref<1x16x2048x2048xf32, #tpu.memory_space<hbm>> -> memref<1x1x64x896xf32, #tpu.memory_space<hbm>>
    %dma_wait3A_1180 = tpu.memref_squeeze %dma_wait3A_1179 : memref<1x1x64x896xf32, #tpu.memory_space<hbm>> -> memref<64x896xf32, #tpu.memory_space<hbm>>
    %dma_wait3A_1181 = arith.constant 0 : i32
    %dma_wait3A_1182 = arith.constant 0 : i32
    %dma_wait3A_1183 = tpu.memref_slice %arg3[%dma_wait3A_1173, %arg1, %dma_wait3A_1181, %dma_wait3A_1182] : memref<1x16x2048x2048xf32, #tpu.memory_space<hbm>> -> memref<1x1x64x896xf32, #tpu.memory_space<hbm>>
    %dma_wait3A_1184 = tpu.memref_squeeze %dma_wait3A_1183 : memref<1x1x64x896xf32, #tpu.memory_space<hbm>> -> memref<64x896xf32, #tpu.memory_space<hbm>>
    %dma_wait3A_1185 = arith.constant 0 : i32
    %dma_wait3A_1186 = arith.constant 0 : i32
    %dma_wait3A_1187 = tpu.memref_slice %arg4[%dma_wait3A_1185, %dma_wait3A_1186] : memref<64x896xf32, #tpu.memory_space<vmem>> -> memref<64x896xf32, #tpu.memory_space<vmem>>
    tpu.wait_dma2 semaphore(%arg7 : memref<!tpu.dma_semaphore, #tpu.memory_space<semaphore_mem>>) src(%dma_wait3A_1187 : memref<64x896xf32, #tpu.memory_space<vmem>>) dst(%dma_wait3A_1184 : memref<64x896xf32, #tpu.memory_space<hbm>>)
    %dma_wait3A_1188 = arith.constant 0 : i32
    %dma_wait3A_1189 = arith.constant 0 : i32
    %dma_wait3A_1190 = arith.constant 0 : i32
    %dma_wait3A_1191 = tpu.memref_slice %arg4[%dma_wait3A_1189, %dma_wait3A_1190] : memref<64x896xf32, #tpu.memory_space<vmem>> -> memref<64x896xf32, #tpu.memory_space<vmem>>
    %dma_wait3A_1192 = arith.constant 0 : i32
    %dma_wait3A_1193 = arith.constant 0 : i32
    %dma_wait3A_1194 = tpu.memref_slice %arg3[%dma_wait3A_1188, %arg1, %dma_wait3A_1192, %dma_wait3A_1193] : memref<1x16x2048x2048xf32, #tpu.memory_space<hbm>> -> memref<1x1x64x896xf32, #tpu.memory_space<hbm>>
    %dma_wait3A_1195 = tpu.memref_squeeze %dma_wait3A_1194 : memref<1x1x64x896xf32, #tpu.memory_space<hbm>> -> memref<64x896xf32, #tpu.memory_space<hbm>>
    %dma_wait3A_1196 = arith.constant 0 : i32
    %dma_wait3A_1197 = arith.constant 0 : i32
    %dma_wait3A_1198 = tpu.memref_slice %arg3[%dma_wait3A_1188, %arg1, %dma_wait3A_1196, %dma_wait3A_1197] : memref<1x16x2048x2048xf32, #tpu.memory_space<hbm>> -> memref<1x1x64x896xf32, #tpu.memory_space<hbm>>
    %dma_wait3A_1199 = tpu.memref_squeeze %dma_wait3A_1198 : memref<1x1x64x896xf32, #tpu.memory_space<hbm>> -> memref<64x896xf32, #tpu.memory_space<hbm>>
    %dma_wait3A_1200 = arith.constant 0 : i32
    %dma_wait3A_1201 = arith.constant 0 : i32
    %dma_wait3A_1202 = tpu.memref_slice %arg4[%dma_wait3A_1200, %dma_wait3A_1201] : memref<64x896xf32, #tpu.memory_space<vmem>> -> memref<64x896xf32, #tpu.memory_space<vmem>>
    tpu.wait_dma2 semaphore(%arg7 : memref<!tpu.dma_semaphore, #tpu.memory_space<semaphore_mem>>) src(%dma_wait3A_1202 : memref<64x896xf32, #tpu.memory_space<vmem>>) dst(%dma_wait3A_1199 : memref<64x896xf32, #tpu.memory_space<hbm>>)
    %dma_wait3A_1203 = arith.constant 0 : i32
    %dma_wait3A_1204 = arith.constant 0 : i32
    %dma_wait3A_1205 = arith.constant 0 : i32
    %dma_wait3A_1206 = tpu.memref_slice %arg4[%dma_wait3A_1204, %dma_wait3A_1205] : memref<64x896xf32, #tpu.memory_space<vmem>> -> memref<64x896xf32, #tpu.memory_space<vmem>>
    %dma_wait3A_1207 = arith.constant 0 : i32
    %dma_wait3A_1208 = arith.constant 0 : i32
    %dma_wait3A_1209 = tpu.memref_slice %arg3[%dma_wait3A_1203, %arg1, %dma_wait3A_1207, %dma_wait3A_1208] : memref<1x16x2048x2048xf32, #tpu.memory_space<hbm>> -> memref<1x1x64x896xf32, #tpu.memory_space<hbm>>
    %dma_wait3A_1210 = tpu.memref_squeeze %dma_wait3A_1209 : memref<1x1x64x896xf32, #tpu.memory_space<hbm>> -> memref<64x896xf32, #tpu.memory_space<hbm>>
    %dma_wait3A_1211 = arith.constant 0 : i32
    %dma_wait3A_1212 = arith.constant 0 : i32
    %dma_wait3A_1213 = tpu.memref_slice %arg3[%dma_wait3A_1203, %arg1, %dma_wait3A_1211, %dma_wait3A_1212] : memref<1x16x2048x2048xf32, #tpu.memory_space<hbm>> -> memref<1x1x64x896xf32, #tpu.memory_space<hbm>>
    %dma_wait3A_1214 = tpu.memref_squeeze %dma_wait3A_1213 : memref<1x1x64x896xf32, #tpu.memory_space<hbm>> -> memref<64x896xf32, #tpu.memory_space<hbm>>
    %dma_wait3A_1215 = arith.constant 0 : i32
    %dma_wait3A_1216 = arith.constant 0 : i32
    %dma_wait3A_1217 = tpu.memref_slice %arg4[%dma_wait3A_1215, %dma_wait3A_1216] : memref<64x896xf32, #tpu.memory_space<vmem>> -> memref<64x896xf32, #tpu.memory_space<vmem>>
    tpu.wait_dma2 semaphore(%arg7 : memref<!tpu.dma_semaphore, #tpu.memory_space<semaphore_mem>>) src(%dma_wait3A_1217 : memref<64x896xf32, #tpu.memory_space<vmem>>) dst(%dma_wait3A_1214 : memref<64x896xf32, #tpu.memory_space<hbm>>)
    %dma_wait3A_1218 = arith.constant 0 : i32
    %dma_wait3A_1219 = arith.constant 0 : i32
    %dma_wait3A_1220 = arith.constant 0 : i32
    %dma_wait3A_1221 = tpu.memref_slice %arg4[%dma_wait3A_1219, %dma_wait3A_1220] : memref<64x896xf32, #tpu.memory_space<vmem>> -> memref<64x896xf32, #tpu.memory_space<vmem>>
    %dma_wait3A_1222 = arith.constant 0 : i32
    %dma_wait3A_1223 = arith.constant 0 : i32
    %dma_wait3A_1224 = tpu.memref_slice %arg3[%dma_wait3A_1218, %arg1, %dma_wait3A_1222, %dma_wait3A_1223] : memref<1x16x2048x2048xf32, #tpu.memory_space<hbm>> -> memref<1x1x64x896xf32, #tpu.memory_space<hbm>>
    %dma_wait3A_1225 = tpu.memref_squeeze %dma_wait3A_1224 : memref<1x1x64x896xf32, #tpu.memory_space<hbm>> -> memref<64x896xf32, #tpu.memory_space<hbm>>
    %dma_wait3A_1226 = arith.constant 0 : i32
    %dma_wait3A_1227 = arith.constant 0 : i32
    %dma_wait3A_1228 = tpu.memref_slice %arg3[%dma_wait3A_1218, %arg1, %dma_wait3A_1226, %dma_wait3A_1227] : memref<1x16x2048x2048xf32, #tpu.memory_space<hbm>> -> memref<1x1x64x896xf32, #tpu.memory_space<hbm>>
    %dma_wait3A_1229 = tpu.memref_squeeze %dma_wait3A_1228 : memref<1x1x64x896xf32, #tpu.memory_space<hbm>> -> memref<64x896xf32, #tpu.memory_space<hbm>>
    %dma_wait3A_1230 = arith.constant 0 : i32
    %dma_wait3A_1231 = arith.constant 0 : i32
    %dma_wait3A_1232 = tpu.memref_slice %arg4[%dma_wait3A_1230, %dma_wait3A_1231] : memref<64x896xf32, #tpu.memory_space<vmem>> -> memref<64x896xf32, #tpu.memory_space<vmem>>
    tpu.wait_dma2 semaphore(%arg7 : memref<!tpu.dma_semaphore, #tpu.memory_space<semaphore_mem>>) src(%dma_wait3A_1232 : memref<64x896xf32, #tpu.memory_space<vmem>>) dst(%dma_wait3A_1229 : memref<64x896xf32, #tpu.memory_space<hbm>>)
    %dma_wait3A_1233 = arith.constant 0 : i32
    %dma_wait3A_1234 = arith.constant 0 : i32
    %dma_wait3A_1235 = arith.constant 0 : i32
    %dma_wait3A_1236 = tpu.memref_slice %arg4[%dma_wait3A_1234, %dma_wait3A_1235] : memref<64x896xf32, #tpu.memory_space<vmem>> -> memref<64x896xf32, #tpu.memory_space<vmem>>
    %dma_wait3A_1237 = arith.constant 0 : i32
    %dma_wait3A_1238 = arith.constant 0 : i32
    %dma_wait3A_1239 = tpu.memref_slice %arg3[%dma_wait3A_1233, %arg1, %dma_wait3A_1237, %dma_wait3A_1238] : memref<1x16x2048x2048xf32, #tpu.memory_space<hbm>> -> memref<1x1x64x896xf32, #tpu.memory_space<hbm>>
    %dma_wait3A_1240 = tpu.memref_squeeze %dma_wait3A_1239 : memref<1x1x64x896xf32, #tpu.memory_space<hbm>> -> memref<64x896xf32, #tpu.memory_space<hbm>>
    %dma_wait3A_1241 = arith.constant 0 : i32
    %dma_wait3A_1242 = arith.constant 0 : i32
    %dma_wait3A_1243 = tpu.memref_slice %arg3[%dma_wait3A_1233, %arg1, %dma_wait3A_1241, %dma_wait3A_1242] : memref<1x16x2048x2048xf32, #tpu.memory_space<hbm>> -> memref<1x1x64x896xf32, #tpu.memory_space<hbm>>
    %dma_wait3A_1244 = tpu.memref_squeeze %dma_wait3A_1243 : memref<1x1x64x896xf32, #tpu.memory_space<hbm>> -> memref<64x896xf32, #tpu.memory_space<hbm>>
    %dma_wait3A_1245 = arith.constant 0 : i32
    %dma_wait3A_1246 = arith.constant 0 : i32
    %dma_wait3A_1247 = tpu.memref_slice %arg4[%dma_wait3A_1245, %dma_wait3A_1246] : memref<64x896xf32, #tpu.memory_space<vmem>> -> memref<64x896xf32, #tpu.memory_space<vmem>>
    tpu.wait_dma2 semaphore(%arg7 : memref<!tpu.dma_semaphore, #tpu.memory_space<semaphore_mem>>) src(%dma_wait3A_1247 : memref<64x896xf32, #tpu.memory_space<vmem>>) dst(%dma_wait3A_1244 : memref<64x896xf32, #tpu.memory_space<hbm>>)
    %dma_wait3A_1248 = arith.constant 0 : i32
    %dma_wait3A_1249 = arith.constant 0 : i32
    %dma_wait3A_1250 = arith.constant 0 : i32
    %dma_wait3A_1251 = tpu.memref_slice %arg4[%dma_wait3A_1249, %dma_wait3A_1250] : memref<64x896xf32, #tpu.memory_space<vmem>> -> memref<64x768xf32, #tpu.memory_space<vmem>>
    %dma_wait3A_1252 = arith.constant 0 : i32
    %dma_wait3A_1253 = arith.constant 0 : i32
    %dma_wait3A_1254 = tpu.memref_slice %arg3[%dma_wait3A_1248, %arg1, %dma_wait3A_1252, %dma_wait3A_1253] : memref<1x16x2048x2048xf32, #tpu.memory_space<hbm>> -> memref<1x1x64x768xf32, #tpu.memory_space<hbm>>
    %dma_wait3A_1255 = tpu.memref_squeeze %dma_wait3A_1254 : memref<1x1x64x768xf32, #tpu.memory_space<hbm>> -> memref<64x768xf32, #tpu.memory_space<hbm>>
    %dma_wait3A_1256 = arith.constant 0 : i32
    %dma_wait3A_1257 = arith.constant 0 : i32
    %dma_wait3A_1258 = tpu.memref_slice %arg3[%dma_wait3A_1248, %arg1, %dma_wait3A_1256, %dma_wait3A_1257] : memref<1x16x2048x2048xf32, #tpu.memory_space<hbm>> -> memref<1x1x64x768xf32, #tpu.memory_space<hbm>>
    %dma_wait3A_1259 = tpu.memref_squeeze %dma_wait3A_1258 : memref<1x1x64x768xf32, #tpu.memory_space<hbm>> -> memref<64x768xf32, #tpu.memory_space<hbm>>
    %dma_wait3A_1260 = arith.constant 0 : i32
    %dma_wait3A_1261 = arith.constant 0 : i32
    %dma_wait3A_1262 = tpu.memref_slice %arg4[%dma_wait3A_1260, %dma_wait3A_1261] : memref<64x896xf32, #tpu.memory_space<vmem>> -> memref<64x768xf32, #tpu.memory_space<vmem>>
    tpu.wait_dma2 semaphore(%arg7 : memref<!tpu.dma_semaphore, #tpu.memory_space<semaphore_mem>>) src(%dma_wait3A_1262 : memref<64x768xf32, #tpu.memory_space<vmem>>) dst(%dma_wait3A_1259 : memref<64x768xf32, #tpu.memory_space<hbm>>)
    %dma_wait3A_1263 = arith.constant 0 : i32
    %dma_wait3A_1264 = arith.constant 0 : i32
    %dma_wait3A_1265 = arith.constant 0 : i32
    %dma_wait3A_1266 = tpu.memref_slice %arg4[%dma_wait3A_1264, %dma_wait3A_1265] : memref<64x896xf32, #tpu.memory_space<vmem>> -> memref<64x640xf32, #tpu.memory_space<vmem>>
    %dma_wait3A_1267 = arith.constant 0 : i32
    %dma_wait3A_1268 = arith.constant 0 : i32
    %dma_wait3A_1269 = tpu.memref_slice %arg3[%dma_wait3A_1263, %arg1, %dma_wait3A_1267, %dma_wait3A_1268] : memref<1x16x2048x2048xf32, #tpu.memory_space<hbm>> -> memref<1x1x64x640xf32, #tpu.memory_space<hbm>>
    %dma_wait3A_1270 = tpu.memref_squeeze %dma_wait3A_1269 : memref<1x1x64x640xf32, #tpu.memory_space<hbm>> -> memref<64x640xf32, #tpu.memory_space<hbm>>
    %dma_wait3A_1271 = arith.constant 0 : i32
    %dma_wait3A_1272 = arith.constant 0 : i32
    %dma_wait3A_1273 = tpu.memref_slice %arg3[%dma_wait3A_1263, %arg1, %dma_wait3A_1271, %dma_wait3A_1272] : memref<1x16x2048x2048xf32, #tpu.memory_space<hbm>> -> memref<1x1x64x640xf32, #tpu.memory_space<hbm>>
    %dma_wait3A_1274 = tpu.memref_squeeze %dma_wait3A_1273 : memref<1x1x64x640xf32, #tpu.memory_space<hbm>> -> memref<64x640xf32, #tpu.memory_space<hbm>>
    %dma_wait3A_1275 = arith.constant 0 : i32
    %dma_wait3A_1276 = arith.constant 0 : i32
    %dma_wait3A_1277 = tpu.memref_slice %arg4[%dma_wait3A_1275, %dma_wait3A_1276] : memref<64x896xf32, #tpu.memory_space<vmem>> -> memref<64x640xf32, #tpu.memory_space<vmem>>
    tpu.wait_dma2 semaphore(%arg7 : memref<!tpu.dma_semaphore, #tpu.memory_space<semaphore_mem>>) src(%dma_wait3A_1277 : memref<64x640xf32, #tpu.memory_space<vmem>>) dst(%dma_wait3A_1274 : memref<64x640xf32, #tpu.memory_space<hbm>>)
    %dma_wait3A_1278 = arith.constant 0 : i32
    %dma_wait3A_1279 = arith.constant 0 : i32
    %dma_wait3A_1280 = arith.constant 0 : i32
    %dma_wait3A_1281 = tpu.memref_slice %arg4[%dma_wait3A_1279, %dma_wait3A_1280] : memref<64x896xf32, #tpu.memory_space<vmem>> -> memref<64x512xf32, #tpu.memory_space<vmem>>
    %dma_wait3A_1282 = arith.constant 0 : i32
    %dma_wait3A_1283 = arith.constant 0 : i32
    %dma_wait3A_1284 = tpu.memref_slice %arg3[%dma_wait3A_1278, %arg1, %dma_wait3A_1282, %dma_wait3A_1283] : memref<1x16x2048x2048xf32, #tpu.memory_space<hbm>> -> memref<1x1x64x512xf32, #tpu.memory_space<hbm>>
    %dma_wait3A_1285 = tpu.memref_squeeze %dma_wait3A_1284 : memref<1x1x64x512xf32, #tpu.memory_space<hbm>> -> memref<64x512xf32, #tpu.memory_space<hbm>>
    %dma_wait3A_1286 = arith.constant 0 : i32
    %dma_wait3A_1287 = arith.constant 0 : i32
    %dma_wait3A_1288 = tpu.memref_slice %arg3[%dma_wait3A_1278, %arg1, %dma_wait3A_1286, %dma_wait3A_1287] : memref<1x16x2048x2048xf32, #tpu.memory_space<hbm>> -> memref<1x1x64x512xf32, #tpu.memory_space<hbm>>
    %dma_wait3A_1289 = tpu.memref_squeeze %dma_wait3A_1288 : memref<1x1x64x512xf32, #tpu.memory_space<hbm>> -> memref<64x512xf32, #tpu.memory_space<hbm>>
    %dma_wait3A_1290 = arith.constant 0 : i32
    %dma_wait3A_1291 = arith.constant 0 : i32
    %dma_wait3A_1292 = tpu.memref_slice %arg4[%dma_wait3A_1290, %dma_wait3A_1291] : memref<64x896xf32, #tpu.memory_space<vmem>> -> memref<64x512xf32, #tpu.memory_space<vmem>>
    tpu.wait_dma2 semaphore(%arg7 : memref<!tpu.dma_semaphore, #tpu.memory_space<semaphore_mem>>) src(%dma_wait3A_1292 : memref<64x512xf32, #tpu.memory_space<vmem>>) dst(%dma_wait3A_1289 : memref<64x512xf32, #tpu.memory_space<hbm>>)
    %dma_wait3A_1293 = arith.constant 0 : i32
    %dma_wait3A_1294 = arith.constant 0 : i32
    %dma_wait3A_1295 = arith.constant 0 : i32
    %dma_wait3A_1296 = tpu.memref_slice %arg4[%dma_wait3A_1294, %dma_wait3A_1295] : memref<64x896xf32, #tpu.memory_space<vmem>> -> memref<64x384xf32, #tpu.memory_space<vmem>>
    %dma_wait3A_1297 = arith.constant 0 : i32
    %dma_wait3A_1298 = arith.constant 0 : i32
    %dma_wait3A_1299 = tpu.memref_slice %arg3[%dma_wait3A_1293, %arg1, %dma_wait3A_1297, %dma_wait3A_1298] : memref<1x16x2048x2048xf32, #tpu.memory_space<hbm>> -> memref<1x1x64x384xf32, #tpu.memory_space<hbm>>
    %dma_wait3A_1300 = tpu.memref_squeeze %dma_wait3A_1299 : memref<1x1x64x384xf32, #tpu.memory_space<hbm>> -> memref<64x384xf32, #tpu.memory_space<hbm>>
    %dma_wait3A_1301 = arith.constant 0 : i32
    %dma_wait3A_1302 = arith.constant 0 : i32
    %dma_wait3A_1303 = tpu.memref_slice %arg3[%dma_wait3A_1293, %arg1, %dma_wait3A_1301, %dma_wait3A_1302] : memref<1x16x2048x2048xf32, #tpu.memory_space<hbm>> -> memref<1x1x64x384xf32, #tpu.memory_space<hbm>>
    %dma_wait3A_1304 = tpu.memref_squeeze %dma_wait3A_1303 : memref<1x1x64x384xf32, #tpu.memory_space<hbm>> -> memref<64x384xf32, #tpu.memory_space<hbm>>
    %dma_wait3A_1305 = arith.constant 0 : i32
    %dma_wait3A_1306 = arith.constant 0 : i32
    %dma_wait3A_1307 = tpu.memref_slice %arg4[%dma_wait3A_1305, %dma_wait3A_1306] : memref<64x896xf32, #tpu.memory_space<vmem>> -> memref<64x384xf32, #tpu.memory_space<vmem>>
    tpu.wait_dma2 semaphore(%arg7 : memref<!tpu.dma_semaphore, #tpu.memory_space<semaphore_mem>>) src(%dma_wait3A_1307 : memref<64x384xf32, #tpu.memory_space<vmem>>) dst(%dma_wait3A_1304 : memref<64x384xf32, #tpu.memory_space<hbm>>)
    %dma_wait3A_1308 = arith.constant 0 : i32
    %dma_wait3A_1309 = arith.constant 0 : i32
    %dma_wait3A_1310 = arith.constant 0 : i32
    %dma_wait3A_1311 = tpu.memref_slice %arg4[%dma_wait3A_1309, %dma_wait3A_1310] : memref<64x896xf32, #tpu.memory_space<vmem>> -> memref<64x256xf32, #tpu.memory_space<vmem>>
    %dma_wait3A_1312 = arith.constant 0 : i32
    %dma_wait3A_1313 = arith.constant 0 : i32
    %dma_wait3A_1314 = tpu.memref_slice %arg3[%dma_wait3A_1308, %arg1, %dma_wait3A_1312, %dma_wait3A_1313] : memref<1x16x2048x2048xf32, #tpu.memory_space<hbm>> -> memref<1x1x64x256xf32, #tpu.memory_space<hbm>>
    %dma_wait3A_1315 = tpu.memref_squeeze %dma_wait3A_1314 : memref<1x1x64x256xf32, #tpu.memory_space<hbm>> -> memref<64x256xf32, #tpu.memory_space<hbm>>
    %dma_wait3A_1316 = arith.constant 0 : i32
    %dma_wait3A_1317 = arith.constant 0 : i32
    %dma_wait3A_1318 = tpu.memref_slice %arg3[%dma_wait3A_1308, %arg1, %dma_wait3A_1316, %dma_wait3A_1317] : memref<1x16x2048x2048xf32, #tpu.memory_space<hbm>> -> memref<1x1x64x256xf32, #tpu.memory_space<hbm>>
    %dma_wait3A_1319 = tpu.memref_squeeze %dma_wait3A_1318 : memref<1x1x64x256xf32, #tpu.memory_space<hbm>> -> memref<64x256xf32, #tpu.memory_space<hbm>>
    %dma_wait3A_1320 = arith.constant 0 : i32
    %dma_wait3A_1321 = arith.constant 0 : i32
    %dma_wait3A_1322 = tpu.memref_slice %arg4[%dma_wait3A_1320, %dma_wait3A_1321] : memref<64x896xf32, #tpu.memory_space<vmem>> -> memref<64x256xf32, #tpu.memory_space<vmem>>
    tpu.wait_dma2 semaphore(%arg7 : memref<!tpu.dma_semaphore, #tpu.memory_space<semaphore_mem>>) src(%dma_wait3A_1322 : memref<64x256xf32, #tpu.memory_space<vmem>>) dst(%dma_wait3A_1319 : memref<64x256xf32, #tpu.memory_space<hbm>>)
    %dma_start3A_1323 = arith.constant 0 : i32
    %dma_start3A_1324 = arith.constant 0 : i32
    %dma_start3A_1325 = tpu.memref_slice %arg4[%dma_start3A_1323, %dma_start3A_1324] : memref<64x896xf32, #tpu.memory_space<vmem>> -> memref<64x384xf32, #tpu.memory_space<vmem>>
    %dma_start3A_1326 = arith.constant 3584 : i32
    %dma_start3A_1327 = tpu.memref_slice %arg2[%arg1, %multiple_of3A, %dma_start3A_1326] : memref<16x128x3968xf32, #tpu.memory_space<hbm>> -> memref<1x64x384xf32, #tpu.memory_space<hbm>>
    %dma_start3A_1328 = tpu.memref_squeeze %dma_start3A_1327 : memref<1x64x384xf32, #tpu.memory_space<hbm>> -> memref<64x384xf32, #tpu.memory_space<hbm>>
    %dma_start3A_1329 = arith.constant 0 : i32
    %dma_start3A_1330 = arith.constant 0 : i32
    %dma_start3A_1331 = tpu.memref_slice %arg4[%dma_start3A_1329, %dma_start3A_1330] : memref<64x896xf32, #tpu.memory_space<vmem>> -> memref<64x384xf32, #tpu.memory_space<vmem>>
    %dma_start3A_1332 = arith.constant 3584 : i32
    %dma_start3A_1333 = tpu.memref_slice %arg2[%arg1, %multiple_of3A, %dma_start3A_1332] : memref<16x128x3968xf32, #tpu.memory_space<hbm>> -> memref<1x64x384xf32, #tpu.memory_space<hbm>>
    %dma_start3A_1334 = tpu.memref_squeeze %dma_start3A_1333 : memref<1x64x384xf32, #tpu.memory_space<hbm>> -> memref<64x384xf32, #tpu.memory_space<hbm>>
    tpu.enqueue_dma source(%dma_start3A_1334 : memref<64x384xf32, #tpu.memory_space<hbm>>) target(%dma_start3A_1331 : memref<64x384xf32, #tpu.memory_space<vmem>>) target_semaphore(%arg6 : memref<!tpu.dma_semaphore, #tpu.memory_space<semaphore_mem>>)
    %mul3A_1335 = arith.constant 64 : i32
    %mul3A_1336 = arith.muli %mul3A_1335, %arg0 : i32
    %add3A_1337 = arith.constant 0 : i32
    %add3A_1338 = arith.addi %add3A_1337, %mul3A_1336 : i32
    %multiple_of3A_1339 = tpu.assume_multiple %add3A_1338, 8 : i32
    %dma_start3A_1340 = arith.constant 0 : i32
    %dma_start3A_1341 = arith.constant 0 : i32
    %dma_start3A_1342 = arith.constant 0 : i32
    %dma_start3A_1343 = tpu.memref_slice %arg5[%dma_start3A_1341, %dma_start3A_1342] : memref<64x896xf32, #tpu.memory_space<vmem>> -> memref<64x896xf32, #tpu.memory_space<vmem>>
    %dma_start3A_1344 = arith.constant 768 : i32
    %dma_start3A_1345 = tpu.memref_slice %arg3[%dma_start3A_1340, %arg1, %multiple_of3A_1339, %dma_start3A_1344] : memref<1x16x2048x2048xf32, #tpu.memory_space<hbm>> -> memref<1x1x64x896xf32, #tpu.memory_space<hbm>>
    %dma_start3A_1346 = tpu.memref_squeeze %dma_start3A_1345 : memref<1x1x64x896xf32, #tpu.memory_space<hbm>> -> memref<64x896xf32, #tpu.memory_space<hbm>>
    %dma_start3A_1347 = arith.constant 768 : i32
    %dma_start3A_1348 = tpu.memref_slice %arg3[%dma_start3A_1340, %arg1, %multiple_of3A_1339, %dma_start3A_1347] : memref<1x16x2048x2048xf32, #tpu.memory_space<hbm>> -> memref<1x1x64x896xf32, #tpu.memory_space<hbm>>
    %dma_start3A_1349 = tpu.memref_squeeze %dma_start3A_1348 : memref<1x1x64x896xf32, #tpu.memory_space<hbm>> -> memref<64x896xf32, #tpu.memory_space<hbm>>
    %dma_start3A_1350 = arith.constant 0 : i32
    %dma_start3A_1351 = arith.constant 0 : i32
    %dma_start3A_1352 = tpu.memref_slice %arg5[%dma_start3A_1350, %dma_start3A_1351] : memref<64x896xf32, #tpu.memory_space<vmem>> -> memref<64x896xf32, #tpu.memory_space<vmem>>
    tpu.enqueue_dma source(%dma_start3A_1352 : memref<64x896xf32, #tpu.memory_space<vmem>>) target(%dma_start3A_1349 : memref<64x896xf32, #tpu.memory_space<hbm>>) target_semaphore(%arg7 : memref<!tpu.dma_semaphore, #tpu.memory_space<semaphore_mem>>)
    %mul3A_1353 = arith.constant 64 : i32
    %mul3A_1354 = arith.muli %mul3A_1353, %arg0 : i32
    %add3A_1355 = arith.constant 128 : i32
    %add3A_1356 = arith.addi %add3A_1355, %mul3A_1354 : i32
    %multiple_of3A_1357 = tpu.assume_multiple %add3A_1356, 8 : i32
    %dma_start3A_1358 = arith.constant 0 : i32
    %dma_start3A_1359 = arith.constant 0 : i32
    %dma_start3A_1360 = arith.constant 0 : i32
    %dma_start3A_1361 = tpu.memref_slice %arg5[%dma_start3A_1359, %dma_start3A_1360] : memref<64x896xf32, #tpu.memory_space<vmem>> -> memref<64x896xf32, #tpu.memory_space<vmem>>
    %dma_start3A_1362 = arith.constant 896 : i32
    %dma_start3A_1363 = tpu.memref_slice %arg3[%dma_start3A_1358, %arg1, %multiple_of3A_1357, %dma_start3A_1362] : memref<1x16x2048x2048xf32, #tpu.memory_space<hbm>> -> memref<1x1x64x896xf32, #tpu.memory_space<hbm>>
    %dma_start3A_1364 = tpu.memref_squeeze %dma_start3A_1363 : memref<1x1x64x896xf32, #tpu.memory_space<hbm>> -> memref<64x896xf32, #tpu.memory_space<hbm>>
    %dma_start3A_1365 = arith.constant 896 : i32
    %dma_start3A_1366 = tpu.memref_slice %arg3[%dma_start3A_1358, %arg1, %multiple_of3A_1357, %dma_start3A_1365] : memref<1x16x2048x2048xf32, #tpu.memory_space<hbm>> -> memref<1x1x64x896xf32, #tpu.memory_space<hbm>>
    %dma_start3A_1367 = tpu.memref_squeeze %dma_start3A_1366 : memref<1x1x64x896xf32, #tpu.memory_space<hbm>> -> memref<64x896xf32, #tpu.memory_space<hbm>>
    %dma_start3A_1368 = arith.constant 0 : i32
    %dma_start3A_1369 = arith.constant 0 : i32
    %dma_start3A_1370 = tpu.memref_slice %arg5[%dma_start3A_1368, %dma_start3A_1369] : memref<64x896xf32, #tpu.memory_space<vmem>> -> memref<64x896xf32, #tpu.memory_space<vmem>>
    tpu.enqueue_dma source(%dma_start3A_1370 : memref<64x896xf32, #tpu.memory_space<vmem>>) target(%dma_start3A_1367 : memref<64x896xf32, #tpu.memory_space<hbm>>) target_semaphore(%arg7 : memref<!tpu.dma_semaphore, #tpu.memory_space<semaphore_mem>>)
    %mul3A_1371 = arith.constant 64 : i32
    %mul3A_1372 = arith.muli %mul3A_1371, %arg0 : i32
    %add3A_1373 = arith.constant 256 : i32
    %add3A_1374 = arith.addi %add3A_1373, %mul3A_1372 : i32
    %multiple_of3A_1375 = tpu.assume_multiple %add3A_1374, 8 : i32
    %dma_start3A_1376 = arith.constant 0 : i32
    %dma_start3A_1377 = arith.constant 0 : i32
    %dma_start3A_1378 = arith.constant 0 : i32
    %dma_start3A_1379 = tpu.memref_slice %arg5[%dma_start3A_1377, %dma_start3A_1378] : memref<64x896xf32, #tpu.memory_space<vmem>> -> memref<64x896xf32, #tpu.memory_space<vmem>>
    %dma_start3A_1380 = arith.constant 1024 : i32
    %dma_start3A_1381 = tpu.memref_slice %arg3[%dma_start3A_1376, %arg1, %multiple_of3A_1375, %dma_start3A_1380] : memref<1x16x2048x2048xf32, #tpu.memory_space<hbm>> -> memref<1x1x64x896xf32, #tpu.memory_space<hbm>>
    %dma_start3A_1382 = tpu.memref_squeeze %dma_start3A_1381 : memref<1x1x64x896xf32, #tpu.memory_space<hbm>> -> memref<64x896xf32, #tpu.memory_space<hbm>>
    %dma_start3A_1383 = arith.constant 1024 : i32
    %dma_start3A_1384 = tpu.memref_slice %arg3[%dma_start3A_1376, %arg1, %multiple_of3A_1375, %dma_start3A_1383] : memref<1x16x2048x2048xf32, #tpu.memory_space<hbm>> -> memref<1x1x64x896xf32, #tpu.memory_space<hbm>>
    %dma_start3A_1385 = tpu.memref_squeeze %dma_start3A_1384 : memref<1x1x64x896xf32, #tpu.memory_space<hbm>> -> memref<64x896xf32, #tpu.memory_space<hbm>>
    %dma_start3A_1386 = arith.constant 0 : i32
    %dma_start3A_1387 = arith.constant 0 : i32
    %dma_start3A_1388 = tpu.memref_slice %arg5[%dma_start3A_1386, %dma_start3A_1387] : memref<64x896xf32, #tpu.memory_space<vmem>> -> memref<64x896xf32, #tpu.memory_space<vmem>>
    tpu.enqueue_dma source(%dma_start3A_1388 : memref<64x896xf32, #tpu.memory_space<vmem>>) target(%dma_start3A_1385 : memref<64x896xf32, #tpu.memory_space<hbm>>) target_semaphore(%arg7 : memref<!tpu.dma_semaphore, #tpu.memory_space<semaphore_mem>>)
    %mul3A_1389 = arith.constant 64 : i32
    %mul3A_1390 = arith.muli %mul3A_1389, %arg0 : i32
    %add3A_1391 = arith.constant 384 : i32
    %add3A_1392 = arith.addi %add3A_1391, %mul3A_1390 : i32
    %multiple_of3A_1393 = tpu.assume_multiple %add3A_1392, 8 : i32
    %dma_start3A_1394 = arith.constant 0 : i32
    %dma_start3A_1395 = arith.constant 0 : i32
    %dma_start3A_1396 = arith.constant 0 : i32
    %dma_start3A_1397 = tpu.memref_slice %arg5[%dma_start3A_1395, %dma_start3A_1396] : memref<64x896xf32, #tpu.memory_space<vmem>> -> memref<64x896xf32, #tpu.memory_space<vmem>>
    %dma_start3A_1398 = arith.constant 1152 : i32
    %dma_start3A_1399 = tpu.memref_slice %arg3[%dma_start3A_1394, %arg1, %multiple_of3A_1393, %dma_start3A_1398] : memref<1x16x2048x2048xf32, #tpu.memory_space<hbm>> -> memref<1x1x64x896xf32, #tpu.memory_space<hbm>>
    %dma_start3A_1400 = tpu.memref_squeeze %dma_start3A_1399 : memref<1x1x64x896xf32, #tpu.memory_space<hbm>> -> memref<64x896xf32, #tpu.memory_space<hbm>>
    %dma_start3A_1401 = arith.constant 1152 : i32
    %dma_start3A_1402 = tpu.memref_slice %arg3[%dma_start3A_1394, %arg1, %multiple_of3A_1393, %dma_start3A_1401] : memref<1x16x2048x2048xf32, #tpu.memory_space<hbm>> -> memref<1x1x64x896xf32, #tpu.memory_space<hbm>>
    %dma_start3A_1403 = tpu.memref_squeeze %dma_start3A_1402 : memref<1x1x64x896xf32, #tpu.memory_space<hbm>> -> memref<64x896xf32, #tpu.memory_space<hbm>>
    %dma_start3A_1404 = arith.constant 0 : i32
    %dma_start3A_1405 = arith.constant 0 : i32
    %dma_start3A_1406 = tpu.memref_slice %arg5[%dma_start3A_1404, %dma_start3A_1405] : memref<64x896xf32, #tpu.memory_space<vmem>> -> memref<64x896xf32, #tpu.memory_space<vmem>>
    tpu.enqueue_dma source(%dma_start3A_1406 : memref<64x896xf32, #tpu.memory_space<vmem>>) target(%dma_start3A_1403 : memref<64x896xf32, #tpu.memory_space<hbm>>) target_semaphore(%arg7 : memref<!tpu.dma_semaphore, #tpu.memory_space<semaphore_mem>>)
    %mul3A_1407 = arith.constant 64 : i32
    %mul3A_1408 = arith.muli %mul3A_1407, %arg0 : i32
    %add3A_1409 = arith.constant 512 : i32
    %add3A_1410 = arith.addi %add3A_1409, %mul3A_1408 : i32
    %multiple_of3A_1411 = tpu.assume_multiple %add3A_1410, 8 : i32
    %dma_start3A_1412 = arith.constant 0 : i32
    %dma_start3A_1413 = arith.constant 0 : i32
    %dma_start3A_1414 = arith.constant 0 : i32
    %dma_start3A_1415 = tpu.memref_slice %arg5[%dma_start3A_1413, %dma_start3A_1414] : memref<64x896xf32, #tpu.memory_space<vmem>> -> memref<64x768xf32, #tpu.memory_space<vmem>>
    %dma_start3A_1416 = arith.constant 1280 : i32
    %dma_start3A_1417 = tpu.memref_slice %arg3[%dma_start3A_1412, %arg1, %multiple_of3A_1411, %dma_start3A_1416] : memref<1x16x2048x2048xf32, #tpu.memory_space<hbm>> -> memref<1x1x64x768xf32, #tpu.memory_space<hbm>>
    %dma_start3A_1418 = tpu.memref_squeeze %dma_start3A_1417 : memref<1x1x64x768xf32, #tpu.memory_space<hbm>> -> memref<64x768xf32, #tpu.memory_space<hbm>>
    %dma_start3A_1419 = arith.constant 1280 : i32
    %dma_start3A_1420 = tpu.memref_slice %arg3[%dma_start3A_1412, %arg1, %multiple_of3A_1411, %dma_start3A_1419] : memref<1x16x2048x2048xf32, #tpu.memory_space<hbm>> -> memref<1x1x64x768xf32, #tpu.memory_space<hbm>>
    %dma_start3A_1421 = tpu.memref_squeeze %dma_start3A_1420 : memref<1x1x64x768xf32, #tpu.memory_space<hbm>> -> memref<64x768xf32, #tpu.memory_space<hbm>>
    %dma_start3A_1422 = arith.constant 0 : i32
    %dma_start3A_1423 = arith.constant 0 : i32
    %dma_start3A_1424 = tpu.memref_slice %arg5[%dma_start3A_1422, %dma_start3A_1423] : memref<64x896xf32, #tpu.memory_space<vmem>> -> memref<64x768xf32, #tpu.memory_space<vmem>>
    tpu.enqueue_dma source(%dma_start3A_1424 : memref<64x768xf32, #tpu.memory_space<vmem>>) target(%dma_start3A_1421 : memref<64x768xf32, #tpu.memory_space<hbm>>) target_semaphore(%arg7 : memref<!tpu.dma_semaphore, #tpu.memory_space<semaphore_mem>>)
    %mul3A_1425 = arith.constant 64 : i32
    %mul3A_1426 = arith.muli %mul3A_1425, %arg0 : i32
    %add3A_1427 = arith.constant 640 : i32
    %add3A_1428 = arith.addi %add3A_1427, %mul3A_1426 : i32
    %multiple_of3A_1429 = tpu.assume_multiple %add3A_1428, 8 : i32
    %dma_start3A_1430 = arith.constant 0 : i32
    %dma_start3A_1431 = arith.constant 0 : i32
    %dma_start3A_1432 = arith.constant 0 : i32
    %dma_start3A_1433 = tpu.memref_slice %arg5[%dma_start3A_1431, %dma_start3A_1432] : memref<64x896xf32, #tpu.memory_space<vmem>> -> memref<64x640xf32, #tpu.memory_space<vmem>>
    %dma_start3A_1434 = arith.constant 1408 : i32
    %dma_start3A_1435 = tpu.memref_slice %arg3[%dma_start3A_1430, %arg1, %multiple_of3A_1429, %dma_start3A_1434] : memref<1x16x2048x2048xf32, #tpu.memory_space<hbm>> -> memref<1x1x64x640xf32, #tpu.memory_space<hbm>>
    %dma_start3A_1436 = tpu.memref_squeeze %dma_start3A_1435 : memref<1x1x64x640xf32, #tpu.memory_space<hbm>> -> memref<64x640xf32, #tpu.memory_space<hbm>>
    %dma_start3A_1437 = arith.constant 1408 : i32
    %dma_start3A_1438 = tpu.memref_slice %arg3[%dma_start3A_1430, %arg1, %multiple_of3A_1429, %dma_start3A_1437] : memref<1x16x2048x2048xf32, #tpu.memory_space<hbm>> -> memref<1x1x64x640xf32, #tpu.memory_space<hbm>>
    %dma_start3A_1439 = tpu.memref_squeeze %dma_start3A_1438 : memref<1x1x64x640xf32, #tpu.memory_space<hbm>> -> memref<64x640xf32, #tpu.memory_space<hbm>>
    %dma_start3A_1440 = arith.constant 0 : i32
    %dma_start3A_1441 = arith.constant 0 : i32
    %dma_start3A_1442 = tpu.memref_slice %arg5[%dma_start3A_1440, %dma_start3A_1441] : memref<64x896xf32, #tpu.memory_space<vmem>> -> memref<64x640xf32, #tpu.memory_space<vmem>>
    tpu.enqueue_dma source(%dma_start3A_1442 : memref<64x640xf32, #tpu.memory_space<vmem>>) target(%dma_start3A_1439 : memref<64x640xf32, #tpu.memory_space<hbm>>) target_semaphore(%arg7 : memref<!tpu.dma_semaphore, #tpu.memory_space<semaphore_mem>>)
    %mul3A_1443 = arith.constant 64 : i32
    %mul3A_1444 = arith.muli %mul3A_1443, %arg0 : i32
    %add3A_1445 = arith.constant 768 : i32
    %add3A_1446 = arith.addi %add3A_1445, %mul3A_1444 : i32
    %multiple_of3A_1447 = tpu.assume_multiple %add3A_1446, 8 : i32
    %dma_start3A_1448 = arith.constant 0 : i32
    %dma_start3A_1449 = arith.constant 0 : i32
    %dma_start3A_1450 = arith.constant 0 : i32
    %dma_start3A_1451 = tpu.memref_slice %arg5[%dma_start3A_1449, %dma_start3A_1450] : memref<64x896xf32, #tpu.memory_space<vmem>> -> memref<64x512xf32, #tpu.memory_space<vmem>>
    %dma_start3A_1452 = arith.constant 1536 : i32
    %dma_start3A_1453 = tpu.memref_slice %arg3[%dma_start3A_1448, %arg1, %multiple_of3A_1447, %dma_start3A_1452] : memref<1x16x2048x2048xf32, #tpu.memory_space<hbm>> -> memref<1x1x64x512xf32, #tpu.memory_space<hbm>>
    %dma_start3A_1454 = tpu.memref_squeeze %dma_start3A_1453 : memref<1x1x64x512xf32, #tpu.memory_space<hbm>> -> memref<64x512xf32, #tpu.memory_space<hbm>>
    %dma_start3A_1455 = arith.constant 1536 : i32
    %dma_start3A_1456 = tpu.memref_slice %arg3[%dma_start3A_1448, %arg1, %multiple_of3A_1447, %dma_start3A_1455] : memref<1x16x2048x2048xf32, #tpu.memory_space<hbm>> -> memref<1x1x64x512xf32, #tpu.memory_space<hbm>>
    %dma_start3A_1457 = tpu.memref_squeeze %dma_start3A_1456 : memref<1x1x64x512xf32, #tpu.memory_space<hbm>> -> memref<64x512xf32, #tpu.memory_space<hbm>>
    %dma_start3A_1458 = arith.constant 0 : i32
    %dma_start3A_1459 = arith.constant 0 : i32
    %dma_start3A_1460 = tpu.memref_slice %arg5[%dma_start3A_1458, %dma_start3A_1459] : memref<64x896xf32, #tpu.memory_space<vmem>> -> memref<64x512xf32, #tpu.memory_space<vmem>>
    tpu.enqueue_dma source(%dma_start3A_1460 : memref<64x512xf32, #tpu.memory_space<vmem>>) target(%dma_start3A_1457 : memref<64x512xf32, #tpu.memory_space<hbm>>) target_semaphore(%arg7 : memref<!tpu.dma_semaphore, #tpu.memory_space<semaphore_mem>>)
    %mul3A_1461 = arith.constant 64 : i32
    %mul3A_1462 = arith.muli %mul3A_1461, %arg0 : i32
    %add3A_1463 = arith.constant 896 : i32
    %add3A_1464 = arith.addi %add3A_1463, %mul3A_1462 : i32
    %multiple_of3A_1465 = tpu.assume_multiple %add3A_1464, 8 : i32
    %dma_start3A_1466 = arith.constant 0 : i32
    %dma_start3A_1467 = arith.constant 0 : i32
    %dma_start3A_1468 = arith.constant 0 : i32
    %dma_start3A_1469 = tpu.memref_slice %arg5[%dma_start3A_1467, %dma_start3A_1468] : memref<64x896xf32, #tpu.memory_space<vmem>> -> memref<64x384xf32, #tpu.memory_space<vmem>>
    %dma_start3A_1470 = arith.constant 1664 : i32
    %dma_start3A_1471 = tpu.memref_slice %arg3[%dma_start3A_1466, %arg1, %multiple_of3A_1465, %dma_start3A_1470] : memref<1x16x2048x2048xf32, #tpu.memory_space<hbm>> -> memref<1x1x64x384xf32, #tpu.memory_space<hbm>>
    %dma_start3A_1472 = tpu.memref_squeeze %dma_start3A_1471 : memref<1x1x64x384xf32, #tpu.memory_space<hbm>> -> memref<64x384xf32, #tpu.memory_space<hbm>>
    %dma_start3A_1473 = arith.constant 1664 : i32
    %dma_start3A_1474 = tpu.memref_slice %arg3[%dma_start3A_1466, %arg1, %multiple_of3A_1465, %dma_start3A_1473] : memref<1x16x2048x2048xf32, #tpu.memory_space<hbm>> -> memref<1x1x64x384xf32, #tpu.memory_space<hbm>>
    %dma_start3A_1475 = tpu.memref_squeeze %dma_start3A_1474 : memref<1x1x64x384xf32, #tpu.memory_space<hbm>> -> memref<64x384xf32, #tpu.memory_space<hbm>>
    %dma_start3A_1476 = arith.constant 0 : i32
    %dma_start3A_1477 = arith.constant 0 : i32
    %dma_start3A_1478 = tpu.memref_slice %arg5[%dma_start3A_1476, %dma_start3A_1477] : memref<64x896xf32, #tpu.memory_space<vmem>> -> memref<64x384xf32, #tpu.memory_space<vmem>>
    tpu.enqueue_dma source(%dma_start3A_1478 : memref<64x384xf32, #tpu.memory_space<vmem>>) target(%dma_start3A_1475 : memref<64x384xf32, #tpu.memory_space<hbm>>) target_semaphore(%arg7 : memref<!tpu.dma_semaphore, #tpu.memory_space<semaphore_mem>>)
    %mul3A_1479 = arith.constant 64 : i32
    %mul3A_1480 = arith.muli %mul3A_1479, %arg0 : i32
    %add3A_1481 = arith.constant 1024 : i32
    %add3A_1482 = arith.addi %add3A_1481, %mul3A_1480 : i32
    %multiple_of3A_1483 = tpu.assume_multiple %add3A_1482, 8 : i32
    %dma_start3A_1484 = arith.constant 0 : i32
    %dma_start3A_1485 = arith.constant 0 : i32
    %dma_start3A_1486 = arith.constant 0 : i32
    %dma_start3A_1487 = tpu.memref_slice %arg5[%dma_start3A_1485, %dma_start3A_1486] : memref<64x896xf32, #tpu.memory_space<vmem>> -> memref<64x256xf32, #tpu.memory_space<vmem>>
    %dma_start3A_1488 = arith.constant 1792 : i32
    %dma_start3A_1489 = tpu.memref_slice %arg3[%dma_start3A_1484, %arg1, %multiple_of3A_1483, %dma_start3A_1488] : memref<1x16x2048x2048xf32, #tpu.memory_space<hbm>> -> memref<1x1x64x256xf32, #tpu.memory_space<hbm>>
    %dma_start3A_1490 = tpu.memref_squeeze %dma_start3A_1489 : memref<1x1x64x256xf32, #tpu.memory_space<hbm>> -> memref<64x256xf32, #tpu.memory_space<hbm>>
    %dma_start3A_1491 = arith.constant 1792 : i32
    %dma_start3A_1492 = tpu.memref_slice %arg3[%dma_start3A_1484, %arg1, %multiple_of3A_1483, %dma_start3A_1491] : memref<1x16x2048x2048xf32, #tpu.memory_space<hbm>> -> memref<1x1x64x256xf32, #tpu.memory_space<hbm>>
    %dma_start3A_1493 = tpu.memref_squeeze %dma_start3A_1492 : memref<1x1x64x256xf32, #tpu.memory_space<hbm>> -> memref<64x256xf32, #tpu.memory_space<hbm>>
    %dma_start3A_1494 = arith.constant 0 : i32
    %dma_start3A_1495 = arith.constant 0 : i32
    %dma_start3A_1496 = tpu.memref_slice %arg5[%dma_start3A_1494, %dma_start3A_1495] : memref<64x896xf32, #tpu.memory_space<vmem>> -> memref<64x256xf32, #tpu.memory_space<vmem>>
    tpu.enqueue_dma source(%dma_start3A_1496 : memref<64x256xf32, #tpu.memory_space<vmem>>) target(%dma_start3A_1493 : memref<64x256xf32, #tpu.memory_space<hbm>>) target_semaphore(%arg7 : memref<!tpu.dma_semaphore, #tpu.memory_space<semaphore_mem>>)
    %mul3A_1497 = arith.constant 64 : i32
    %mul3A_1498 = arith.muli %mul3A_1497, %arg0 : i32
    %add3A_1499 = arith.constant 1152 : i32
    %add3A_1500 = arith.addi %add3A_1499, %mul3A_1498 : i32
    %multiple_of3A_1501 = tpu.assume_multiple %add3A_1500, 8 : i32
    %dma_start3A_1502 = arith.constant 0 : i32
    %dma_start3A_1503 = arith.constant 0 : i32
    %dma_start3A_1504 = arith.constant 0 : i32
    %dma_start3A_1505 = tpu.memref_slice %arg5[%dma_start3A_1503, %dma_start3A_1504] : memref<64x896xf32, #tpu.memory_space<vmem>> -> memref<64x128xf32, #tpu.memory_space<vmem>>
    %dma_start3A_1506 = arith.constant 1920 : i32
    %dma_start3A_1507 = tpu.memref_slice %arg3[%dma_start3A_1502, %arg1, %multiple_of3A_1501, %dma_start3A_1506] : memref<1x16x2048x2048xf32, #tpu.memory_space<hbm>> -> memref<1x1x64x128xf32, #tpu.memory_space<hbm>>
    %dma_start3A_1508 = tpu.memref_squeeze %dma_start3A_1507 : memref<1x1x64x128xf32, #tpu.memory_space<hbm>> -> memref<64x128xf32, #tpu.memory_space<hbm>>
    %dma_start3A_1509 = arith.constant 1920 : i32
    %dma_start3A_1510 = tpu.memref_slice %arg3[%dma_start3A_1502, %arg1, %multiple_of3A_1501, %dma_start3A_1509] : memref<1x16x2048x2048xf32, #tpu.memory_space<hbm>> -> memref<1x1x64x128xf32, #tpu.memory_space<hbm>>
    %dma_start3A_1511 = tpu.memref_squeeze %dma_start3A_1510 : memref<1x1x64x128xf32, #tpu.memory_space<hbm>> -> memref<64x128xf32, #tpu.memory_space<hbm>>
    %dma_start3A_1512 = arith.constant 0 : i32
    %dma_start3A_1513 = arith.constant 0 : i32
    %dma_start3A_1514 = tpu.memref_slice %arg5[%dma_start3A_1512, %dma_start3A_1513] : memref<64x896xf32, #tpu.memory_space<vmem>> -> memref<64x128xf32, #tpu.memory_space<vmem>>
    tpu.enqueue_dma source(%dma_start3A_1514 : memref<64x128xf32, #tpu.memory_space<vmem>>) target(%dma_start3A_1511 : memref<64x128xf32, #tpu.memory_space<hbm>>) target_semaphore(%arg7 : memref<!tpu.dma_semaphore, #tpu.memory_space<semaphore_mem>>)
    %dma_wait3A_1515 = arith.constant 0 : i32
    %dma_wait3A_1516 = arith.constant 0 : i32
    %dma_wait3A_1517 = tpu.memref_slice %arg4[%dma_wait3A_1515, %dma_wait3A_1516] : memref<64x896xf32, #tpu.memory_space<vmem>> -> memref<64x384xf32, #tpu.memory_space<vmem>>
    %dma_wait3A_1518 = arith.constant 0 : i32
    %dma_wait3A_1519 = arith.constant 0 : i32
    %dma_wait3A_1520 = tpu.memref_slice %arg2[%arg1, %dma_wait3A_1518, %dma_wait3A_1519] : memref<16x128x3968xf32, #tpu.memory_space<hbm>> -> memref<1x64x384xf32, #tpu.memory_space<hbm>>
    %dma_wait3A_1521 = tpu.memref_squeeze %dma_wait3A_1520 : memref<1x64x384xf32, #tpu.memory_space<hbm>> -> memref<64x384xf32, #tpu.memory_space<hbm>>
    %dma_wait3A_1522 = arith.constant 0 : i32
    %dma_wait3A_1523 = arith.constant 0 : i32
    %dma_wait3A_1524 = tpu.memref_slice %arg4[%dma_wait3A_1522, %dma_wait3A_1523] : memref<64x896xf32, #tpu.memory_space<vmem>> -> memref<64x384xf32, #tpu.memory_space<vmem>>
    %dma_wait3A_1525 = arith.constant 0 : i32
    %dma_wait3A_1526 = arith.constant 0 : i32
    %dma_wait3A_1527 = tpu.memref_slice %arg2[%arg1, %dma_wait3A_1525, %dma_wait3A_1526] : memref<16x128x3968xf32, #tpu.memory_space<hbm>> -> memref<1x64x384xf32, #tpu.memory_space<hbm>>
    %dma_wait3A_1528 = tpu.memref_squeeze %dma_wait3A_1527 : memref<1x64x384xf32, #tpu.memory_space<hbm>> -> memref<64x384xf32, #tpu.memory_space<hbm>>
    tpu.wait_dma2 semaphore(%arg6 : memref<!tpu.dma_semaphore, #tpu.memory_space<semaphore_mem>>) src(%dma_wait3A_1528 : memref<64x384xf32, #tpu.memory_space<hbm>>) dst(%dma_wait3A_1524 : memref<64x384xf32, #tpu.memory_space<vmem>>)
    %dma_wait3A_1529 = arith.constant 0 : i32
    %dma_wait3A_1530 = arith.constant 0 : i32
    %dma_wait3A_1531 = arith.constant 0 : i32
    %dma_wait3A_1532 = tpu.memref_slice %arg4[%dma_wait3A_1530, %dma_wait3A_1531] : memref<64x896xf32, #tpu.memory_space<vmem>> -> memref<64x896xf32, #tpu.memory_space<vmem>>
    %dma_wait3A_1533 = arith.constant 0 : i32
    %dma_wait3A_1534 = arith.constant 0 : i32
    %dma_wait3A_1535 = tpu.memref_slice %arg3[%dma_wait3A_1529, %arg1, %dma_wait3A_1533, %dma_wait3A_1534] : memref<1x16x2048x2048xf32, #tpu.memory_space<hbm>> -> memref<1x1x64x896xf32, #tpu.memory_space<hbm>>
    %dma_wait3A_1536 = tpu.memref_squeeze %dma_wait3A_1535 : memref<1x1x64x896xf32, #tpu.memory_space<hbm>> -> memref<64x896xf32, #tpu.memory_space<hbm>>
    %dma_wait3A_1537 = arith.constant 0 : i32
    %dma_wait3A_1538 = arith.constant 0 : i32
    %dma_wait3A_1539 = tpu.memref_slice %arg3[%dma_wait3A_1529, %arg1, %dma_wait3A_1537, %dma_wait3A_1538] : memref<1x16x2048x2048xf32, #tpu.memory_space<hbm>> -> memref<1x1x64x896xf32, #tpu.memory_space<hbm>>
    %dma_wait3A_1540 = tpu.memref_squeeze %dma_wait3A_1539 : memref<1x1x64x896xf32, #tpu.memory_space<hbm>> -> memref<64x896xf32, #tpu.memory_space<hbm>>
    %dma_wait3A_1541 = arith.constant 0 : i32
    %dma_wait3A_1542 = arith.constant 0 : i32
    %dma_wait3A_1543 = tpu.memref_slice %arg4[%dma_wait3A_1541, %dma_wait3A_1542] : memref<64x896xf32, #tpu.memory_space<vmem>> -> memref<64x896xf32, #tpu.memory_space<vmem>>
    tpu.wait_dma2 semaphore(%arg7 : memref<!tpu.dma_semaphore, #tpu.memory_space<semaphore_mem>>) src(%dma_wait3A_1543 : memref<64x896xf32, #tpu.memory_space<vmem>>) dst(%dma_wait3A_1540 : memref<64x896xf32, #tpu.memory_space<hbm>>)
    %dma_wait3A_1544 = arith.constant 0 : i32
    %dma_wait3A_1545 = arith.constant 0 : i32
    %dma_wait3A_1546 = arith.constant 0 : i32
    %dma_wait3A_1547 = tpu.memref_slice %arg4[%dma_wait3A_1545, %dma_wait3A_1546] : memref<64x896xf32, #tpu.memory_space<vmem>> -> memref<64x896xf32, #tpu.memory_space<vmem>>
    %dma_wait3A_1548 = arith.constant 0 : i32
    %dma_wait3A_1549 = arith.constant 0 : i32
    %dma_wait3A_1550 = tpu.memref_slice %arg3[%dma_wait3A_1544, %arg1, %dma_wait3A_1548, %dma_wait3A_1549] : memref<1x16x2048x2048xf32, #tpu.memory_space<hbm>> -> memref<1x1x64x896xf32, #tpu.memory_space<hbm>>
    %dma_wait3A_1551 = tpu.memref_squeeze %dma_wait3A_1550 : memref<1x1x64x896xf32, #tpu.memory_space<hbm>> -> memref<64x896xf32, #tpu.memory_space<hbm>>
    %dma_wait3A_1552 = arith.constant 0 : i32
    %dma_wait3A_1553 = arith.constant 0 : i32
    %dma_wait3A_1554 = tpu.memref_slice %arg3[%dma_wait3A_1544, %arg1, %dma_wait3A_1552, %dma_wait3A_1553] : memref<1x16x2048x2048xf32, #tpu.memory_space<hbm>> -> memref<1x1x64x896xf32, #tpu.memory_space<hbm>>
    %dma_wait3A_1555 = tpu.memref_squeeze %dma_wait3A_1554 : memref<1x1x64x896xf32, #tpu.memory_space<hbm>> -> memref<64x896xf32, #tpu.memory_space<hbm>>
    %dma_wait3A_1556 = arith.constant 0 : i32
    %dma_wait3A_1557 = arith.constant 0 : i32
    %dma_wait3A_1558 = tpu.memref_slice %arg4[%dma_wait3A_1556, %dma_wait3A_1557] : memref<64x896xf32, #tpu.memory_space<vmem>> -> memref<64x896xf32, #tpu.memory_space<vmem>>
    tpu.wait_dma2 semaphore(%arg7 : memref<!tpu.dma_semaphore, #tpu.memory_space<semaphore_mem>>) src(%dma_wait3A_1558 : memref<64x896xf32, #tpu.memory_space<vmem>>) dst(%dma_wait3A_1555 : memref<64x896xf32, #tpu.memory_space<hbm>>)
    %dma_wait3A_1559 = arith.constant 0 : i32
    %dma_wait3A_1560 = arith.constant 0 : i32
    %dma_wait3A_1561 = arith.constant 0 : i32
    %dma_wait3A_1562 = tpu.memref_slice %arg4[%dma_wait3A_1560, %dma_wait3A_1561] : memref<64x896xf32, #tpu.memory_space<vmem>> -> memref<64x896xf32, #tpu.memory_space<vmem>>
    %dma_wait3A_1563 = arith.constant 0 : i32
    %dma_wait3A_1564 = arith.constant 0 : i32
    %dma_wait3A_1565 = tpu.memref_slice %arg3[%dma_wait3A_1559, %arg1, %dma_wait3A_1563, %dma_wait3A_1564] : memref<1x16x2048x2048xf32, #tpu.memory_space<hbm>> -> memref<1x1x64x896xf32, #tpu.memory_space<hbm>>
    %dma_wait3A_1566 = tpu.memref_squeeze %dma_wait3A_1565 : memref<1x1x64x896xf32, #tpu.memory_space<hbm>> -> memref<64x896xf32, #tpu.memory_space<hbm>>
    %dma_wait3A_1567 = arith.constant 0 : i32
    %dma_wait3A_1568 = arith.constant 0 : i32
    %dma_wait3A_1569 = tpu.memref_slice %arg3[%dma_wait3A_1559, %arg1, %dma_wait3A_1567, %dma_wait3A_1568] : memref<1x16x2048x2048xf32, #tpu.memory_space<hbm>> -> memref<1x1x64x896xf32, #tpu.memory_space<hbm>>
    %dma_wait3A_1570 = tpu.memref_squeeze %dma_wait3A_1569 : memref<1x1x64x896xf32, #tpu.memory_space<hbm>> -> memref<64x896xf32, #tpu.memory_space<hbm>>
    %dma_wait3A_1571 = arith.constant 0 : i32
    %dma_wait3A_1572 = arith.constant 0 : i32
    %dma_wait3A_1573 = tpu.memref_slice %arg4[%dma_wait3A_1571, %dma_wait3A_1572] : memref<64x896xf32, #tpu.memory_space<vmem>> -> memref<64x896xf32, #tpu.memory_space<vmem>>
    tpu.wait_dma2 semaphore(%arg7 : memref<!tpu.dma_semaphore, #tpu.memory_space<semaphore_mem>>) src(%dma_wait3A_1573 : memref<64x896xf32, #tpu.memory_space<vmem>>) dst(%dma_wait3A_1570 : memref<64x896xf32, #tpu.memory_space<hbm>>)
    %dma_wait3A_1574 = arith.constant 0 : i32
    %dma_wait3A_1575 = arith.constant 0 : i32
    %dma_wait3A_1576 = arith.constant 0 : i32
    %dma_wait3A_1577 = tpu.memref_slice %arg4[%dma_wait3A_1575, %dma_wait3A_1576] : memref<64x896xf32, #tpu.memory_space<vmem>> -> memref<64x896xf32, #tpu.memory_space<vmem>>
    %dma_wait3A_1578 = arith.constant 0 : i32
    %dma_wait3A_1579 = arith.constant 0 : i32
    %dma_wait3A_1580 = tpu.memref_slice %arg3[%dma_wait3A_1574, %arg1, %dma_wait3A_1578, %dma_wait3A_1579] : memref<1x16x2048x2048xf32, #tpu.memory_space<hbm>> -> memref<1x1x64x896xf32, #tpu.memory_space<hbm>>
    %dma_wait3A_1581 = tpu.memref_squeeze %dma_wait3A_1580 : memref<1x1x64x896xf32, #tpu.memory_space<hbm>> -> memref<64x896xf32, #tpu.memory_space<hbm>>
    %dma_wait3A_1582 = arith.constant 0 : i32
    %dma_wait3A_1583 = arith.constant 0 : i32
    %dma_wait3A_1584 = tpu.memref_slice %arg3[%dma_wait3A_1574, %arg1, %dma_wait3A_1582, %dma_wait3A_1583] : memref<1x16x2048x2048xf32, #tpu.memory_space<hbm>> -> memref<1x1x64x896xf32, #tpu.memory_space<hbm>>
    %dma_wait3A_1585 = tpu.memref_squeeze %dma_wait3A_1584 : memref<1x1x64x896xf32, #tpu.memory_space<hbm>> -> memref<64x896xf32, #tpu.memory_space<hbm>>
    %dma_wait3A_1586 = arith.constant 0 : i32
    %dma_wait3A_1587 = arith.constant 0 : i32
    %dma_wait3A_1588 = tpu.memref_slice %arg4[%dma_wait3A_1586, %dma_wait3A_1587] : memref<64x896xf32, #tpu.memory_space<vmem>> -> memref<64x896xf32, #tpu.memory_space<vmem>>
    tpu.wait_dma2 semaphore(%arg7 : memref<!tpu.dma_semaphore, #tpu.memory_space<semaphore_mem>>) src(%dma_wait3A_1588 : memref<64x896xf32, #tpu.memory_space<vmem>>) dst(%dma_wait3A_1585 : memref<64x896xf32, #tpu.memory_space<hbm>>)
    %dma_wait3A_1589 = arith.constant 0 : i32
    %dma_wait3A_1590 = arith.constant 0 : i32
    %dma_wait3A_1591 = arith.constant 0 : i32
    %dma_wait3A_1592 = tpu.memref_slice %arg4[%dma_wait3A_1590, %dma_wait3A_1591] : memref<64x896xf32, #tpu.memory_space<vmem>> -> memref<64x768xf32, #tpu.memory_space<vmem>>
    %dma_wait3A_1593 = arith.constant 0 : i32
    %dma_wait3A_1594 = arith.constant 0 : i32
    %dma_wait3A_1595 = tpu.memref_slice %arg3[%dma_wait3A_1589, %arg1, %dma_wait3A_1593, %dma_wait3A_1594] : memref<1x16x2048x2048xf32, #tpu.memory_space<hbm>> -> memref<1x1x64x768xf32, #tpu.memory_space<hbm>>
    %dma_wait3A_1596 = tpu.memref_squeeze %dma_wait3A_1595 : memref<1x1x64x768xf32, #tpu.memory_space<hbm>> -> memref<64x768xf32, #tpu.memory_space<hbm>>
    %dma_wait3A_1597 = arith.constant 0 : i32
    %dma_wait3A_1598 = arith.constant 0 : i32
    %dma_wait3A_1599 = tpu.memref_slice %arg3[%dma_wait3A_1589, %arg1, %dma_wait3A_1597, %dma_wait3A_1598] : memref<1x16x2048x2048xf32, #tpu.memory_space<hbm>> -> memref<1x1x64x768xf32, #tpu.memory_space<hbm>>
    %dma_wait3A_1600 = tpu.memref_squeeze %dma_wait3A_1599 : memref<1x1x64x768xf32, #tpu.memory_space<hbm>> -> memref<64x768xf32, #tpu.memory_space<hbm>>
    %dma_wait3A_1601 = arith.constant 0 : i32
    %dma_wait3A_1602 = arith.constant 0 : i32
    %dma_wait3A_1603 = tpu.memref_slice %arg4[%dma_wait3A_1601, %dma_wait3A_1602] : memref<64x896xf32, #tpu.memory_space<vmem>> -> memref<64x768xf32, #tpu.memory_space<vmem>>
    tpu.wait_dma2 semaphore(%arg7 : memref<!tpu.dma_semaphore, #tpu.memory_space<semaphore_mem>>) src(%dma_wait3A_1603 : memref<64x768xf32, #tpu.memory_space<vmem>>) dst(%dma_wait3A_1600 : memref<64x768xf32, #tpu.memory_space<hbm>>)
    %dma_wait3A_1604 = arith.constant 0 : i32
    %dma_wait3A_1605 = arith.constant 0 : i32
    %dma_wait3A_1606 = arith.constant 0 : i32
    %dma_wait3A_1607 = tpu.memref_slice %arg4[%dma_wait3A_1605, %dma_wait3A_1606] : memref<64x896xf32, #tpu.memory_space<vmem>> -> memref<64x640xf32, #tpu.memory_space<vmem>>
    %dma_wait3A_1608 = arith.constant 0 : i32
    %dma_wait3A_1609 = arith.constant 0 : i32
    %dma_wait3A_1610 = tpu.memref_slice %arg3[%dma_wait3A_1604, %arg1, %dma_wait3A_1608, %dma_wait3A_1609] : memref<1x16x2048x2048xf32, #tpu.memory_space<hbm>> -> memref<1x1x64x640xf32, #tpu.memory_space<hbm>>
    %dma_wait3A_1611 = tpu.memref_squeeze %dma_wait3A_1610 : memref<1x1x64x640xf32, #tpu.memory_space<hbm>> -> memref<64x640xf32, #tpu.memory_space<hbm>>
    %dma_wait3A_1612 = arith.constant 0 : i32
    %dma_wait3A_1613 = arith.constant 0 : i32
    %dma_wait3A_1614 = tpu.memref_slice %arg3[%dma_wait3A_1604, %arg1, %dma_wait3A_1612, %dma_wait3A_1613] : memref<1x16x2048x2048xf32, #tpu.memory_space<hbm>> -> memref<1x1x64x640xf32, #tpu.memory_space<hbm>>
    %dma_wait3A_1615 = tpu.memref_squeeze %dma_wait3A_1614 : memref<1x1x64x640xf32, #tpu.memory_space<hbm>> -> memref<64x640xf32, #tpu.memory_space<hbm>>
    %dma_wait3A_1616 = arith.constant 0 : i32
    %dma_wait3A_1617 = arith.constant 0 : i32
    %dma_wait3A_1618 = tpu.memref_slice %arg4[%dma_wait3A_1616, %dma_wait3A_1617] : memref<64x896xf32, #tpu.memory_space<vmem>> -> memref<64x640xf32, #tpu.memory_space<vmem>>
    tpu.wait_dma2 semaphore(%arg7 : memref<!tpu.dma_semaphore, #tpu.memory_space<semaphore_mem>>) src(%dma_wait3A_1618 : memref<64x640xf32, #tpu.memory_space<vmem>>) dst(%dma_wait3A_1615 : memref<64x640xf32, #tpu.memory_space<hbm>>)
    %dma_wait3A_1619 = arith.constant 0 : i32
    %dma_wait3A_1620 = arith.constant 0 : i32
    %dma_wait3A_1621 = arith.constant 0 : i32
    %dma_wait3A_1622 = tpu.memref_slice %arg4[%dma_wait3A_1620, %dma_wait3A_1621] : memref<64x896xf32, #tpu.memory_space<vmem>> -> memref<64x512xf32, #tpu.memory_space<vmem>>
    %dma_wait3A_1623 = arith.constant 0 : i32
    %dma_wait3A_1624 = arith.constant 0 : i32
    %dma_wait3A_1625 = tpu.memref_slice %arg3[%dma_wait3A_1619, %arg1, %dma_wait3A_1623, %dma_wait3A_1624] : memref<1x16x2048x2048xf32, #tpu.memory_space<hbm>> -> memref<1x1x64x512xf32, #tpu.memory_space<hbm>>
    %dma_wait3A_1626 = tpu.memref_squeeze %dma_wait3A_1625 : memref<1x1x64x512xf32, #tpu.memory_space<hbm>> -> memref<64x512xf32, #tpu.memory_space<hbm>>
    %dma_wait3A_1627 = arith.constant 0 : i32
    %dma_wait3A_1628 = arith.constant 0 : i32
    %dma_wait3A_1629 = tpu.memref_slice %arg3[%dma_wait3A_1619, %arg1, %dma_wait3A_1627, %dma_wait3A_1628] : memref<1x16x2048x2048xf32, #tpu.memory_space<hbm>> -> memref<1x1x64x512xf32, #tpu.memory_space<hbm>>
    %dma_wait3A_1630 = tpu.memref_squeeze %dma_wait3A_1629 : memref<1x1x64x512xf32, #tpu.memory_space<hbm>> -> memref<64x512xf32, #tpu.memory_space<hbm>>
    %dma_wait3A_1631 = arith.constant 0 : i32
    %dma_wait3A_1632 = arith.constant 0 : i32
    %dma_wait3A_1633 = tpu.memref_slice %arg4[%dma_wait3A_1631, %dma_wait3A_1632] : memref<64x896xf32, #tpu.memory_space<vmem>> -> memref<64x512xf32, #tpu.memory_space<vmem>>
    tpu.wait_dma2 semaphore(%arg7 : memref<!tpu.dma_semaphore, #tpu.memory_space<semaphore_mem>>) src(%dma_wait3A_1633 : memref<64x512xf32, #tpu.memory_space<vmem>>) dst(%dma_wait3A_1630 : memref<64x512xf32, #tpu.memory_space<hbm>>)
    %dma_wait3A_1634 = arith.constant 0 : i32
    %dma_wait3A_1635 = arith.constant 0 : i32
    %dma_wait3A_1636 = arith.constant 0 : i32
    %dma_wait3A_1637 = tpu.memref_slice %arg4[%dma_wait3A_1635, %dma_wait3A_1636] : memref<64x896xf32, #tpu.memory_space<vmem>> -> memref<64x384xf32, #tpu.memory_space<vmem>>
    %dma_wait3A_1638 = arith.constant 0 : i32
    %dma_wait3A_1639 = arith.constant 0 : i32
    %dma_wait3A_1640 = tpu.memref_slice %arg3[%dma_wait3A_1634, %arg1, %dma_wait3A_1638, %dma_wait3A_1639] : memref<1x16x2048x2048xf32, #tpu.memory_space<hbm>> -> memref<1x1x64x384xf32, #tpu.memory_space<hbm>>
    %dma_wait3A_1641 = tpu.memref_squeeze %dma_wait3A_1640 : memref<1x1x64x384xf32, #tpu.memory_space<hbm>> -> memref<64x384xf32, #tpu.memory_space<hbm>>
    %dma_wait3A_1642 = arith.constant 0 : i32
    %dma_wait3A_1643 = arith.constant 0 : i32
    %dma_wait3A_1644 = tpu.memref_slice %arg3[%dma_wait3A_1634, %arg1, %dma_wait3A_1642, %dma_wait3A_1643] : memref<1x16x2048x2048xf32, #tpu.memory_space<hbm>> -> memref<1x1x64x384xf32, #tpu.memory_space<hbm>>
    %dma_wait3A_1645 = tpu.memref_squeeze %dma_wait3A_1644 : memref<1x1x64x384xf32, #tpu.memory_space<hbm>> -> memref<64x384xf32, #tpu.memory_space<hbm>>
    %dma_wait3A_1646 = arith.constant 0 : i32
    %dma_wait3A_1647 = arith.constant 0 : i32
    %dma_wait3A_1648 = tpu.memref_slice %arg4[%dma_wait3A_1646, %dma_wait3A_1647] : memref<64x896xf32, #tpu.memory_space<vmem>> -> memref<64x384xf32, #tpu.memory_space<vmem>>
    tpu.wait_dma2 semaphore(%arg7 : memref<!tpu.dma_semaphore, #tpu.memory_space<semaphore_mem>>) src(%dma_wait3A_1648 : memref<64x384xf32, #tpu.memory_space<vmem>>) dst(%dma_wait3A_1645 : memref<64x384xf32, #tpu.memory_space<hbm>>)
    %dma_wait3A_1649 = arith.constant 0 : i32
    %dma_wait3A_1650 = arith.constant 0 : i32
    %dma_wait3A_1651 = arith.constant 0 : i32
    %dma_wait3A_1652 = tpu.memref_slice %arg4[%dma_wait3A_1650, %dma_wait3A_1651] : memref<64x896xf32, #tpu.memory_space<vmem>> -> memref<64x256xf32, #tpu.memory_space<vmem>>
    %dma_wait3A_1653 = arith.constant 0 : i32
    %dma_wait3A_1654 = arith.constant 0 : i32
    %dma_wait3A_1655 = tpu.memref_slice %arg3[%dma_wait3A_1649, %arg1, %dma_wait3A_1653, %dma_wait3A_1654] : memref<1x16x2048x2048xf32, #tpu.memory_space<hbm>> -> memref<1x1x64x256xf32, #tpu.memory_space<hbm>>
    %dma_wait3A_1656 = tpu.memref_squeeze %dma_wait3A_1655 : memref<1x1x64x256xf32, #tpu.memory_space<hbm>> -> memref<64x256xf32, #tpu.memory_space<hbm>>
    %dma_wait3A_1657 = arith.constant 0 : i32
    %dma_wait3A_1658 = arith.constant 0 : i32
    %dma_wait3A_1659 = tpu.memref_slice %arg3[%dma_wait3A_1649, %arg1, %dma_wait3A_1657, %dma_wait3A_1658] : memref<1x16x2048x2048xf32, #tpu.memory_space<hbm>> -> memref<1x1x64x256xf32, #tpu.memory_space<hbm>>
    %dma_wait3A_1660 = tpu.memref_squeeze %dma_wait3A_1659 : memref<1x1x64x256xf32, #tpu.memory_space<hbm>> -> memref<64x256xf32, #tpu.memory_space<hbm>>
    %dma_wait3A_1661 = arith.constant 0 : i32
    %dma_wait3A_1662 = arith.constant 0 : i32
    %dma_wait3A_1663 = tpu.memref_slice %arg4[%dma_wait3A_1661, %dma_wait3A_1662] : memref<64x896xf32, #tpu.memory_space<vmem>> -> memref<64x256xf32, #tpu.memory_space<vmem>>
    tpu.wait_dma2 semaphore(%arg7 : memref<!tpu.dma_semaphore, #tpu.memory_space<semaphore_mem>>) src(%dma_wait3A_1663 : memref<64x256xf32, #tpu.memory_space<vmem>>) dst(%dma_wait3A_1660 : memref<64x256xf32, #tpu.memory_space<hbm>>)
    %dma_wait3A_1664 = arith.constant 0 : i32
    %dma_wait3A_1665 = arith.constant 0 : i32
    %dma_wait3A_1666 = arith.constant 0 : i32
    %dma_wait3A_1667 = tpu.memref_slice %arg4[%dma_wait3A_1665, %dma_wait3A_1666] : memref<64x896xf32, #tpu.memory_space<vmem>> -> memref<64x128xf32, #tpu.memory_space<vmem>>
    %dma_wait3A_1668 = arith.constant 0 : i32
    %dma_wait3A_1669 = arith.constant 0 : i32
    %dma_wait3A_1670 = tpu.memref_slice %arg3[%dma_wait3A_1664, %arg1, %dma_wait3A_1668, %dma_wait3A_1669] : memref<1x16x2048x2048xf32, #tpu.memory_space<hbm>> -> memref<1x1x64x128xf32, #tpu.memory_space<hbm>>
    %dma_wait3A_1671 = tpu.memref_squeeze %dma_wait3A_1670 : memref<1x1x64x128xf32, #tpu.memory_space<hbm>> -> memref<64x128xf32, #tpu.memory_space<hbm>>
    %dma_wait3A_1672 = arith.constant 0 : i32
    %dma_wait3A_1673 = arith.constant 0 : i32
    %dma_wait3A_1674 = tpu.memref_slice %arg3[%dma_wait3A_1664, %arg1, %dma_wait3A_1672, %dma_wait3A_1673] : memref<1x16x2048x2048xf32, #tpu.memory_space<hbm>> -> memref<1x1x64x128xf32, #tpu.memory_space<hbm>>
    %dma_wait3A_1675 = tpu.memref_squeeze %dma_wait3A_1674 : memref<1x1x64x128xf32, #tpu.memory_space<hbm>> -> memref<64x128xf32, #tpu.memory_space<hbm>>
    %dma_wait3A_1676 = arith.constant 0 : i32
    %dma_wait3A_1677 = arith.constant 0 : i32
    %dma_wait3A_1678 = tpu.memref_slice %arg4[%dma_wait3A_1676, %dma_wait3A_1677] : memref<64x896xf32, #tpu.memory_space<vmem>> -> memref<64x128xf32, #tpu.memory_space<vmem>>
    tpu.wait_dma2 semaphore(%arg7 : memref<!tpu.dma_semaphore, #tpu.memory_space<semaphore_mem>>) src(%dma_wait3A_1678 : memref<64x128xf32, #tpu.memory_space<vmem>>) dst(%dma_wait3A_1675 : memref<64x128xf32, #tpu.memory_space<hbm>>)
    %mul3A_1679 = arith.constant 64 : i32
    %mul3A_1680 = arith.muli %mul3A_1679, %arg0 : i32
    %add3A_1681 = arith.constant 0 : i32
    %add3A_1682 = arith.addi %add3A_1681, %mul3A_1680 : i32
    %multiple_of3A_1683 = tpu.assume_multiple %add3A_1682, 8 : i32
    %dma_start3A_1684 = arith.constant 0 : i32
    %dma_start3A_1685 = arith.constant 0 : i32
    %dma_start3A_1686 = arith.constant 0 : i32
    %dma_start3A_1687 = tpu.memref_slice %arg4[%dma_start3A_1685, %dma_start3A_1686] : memref<64x896xf32, #tpu.memory_space<vmem>> -> memref<64x384xf32, #tpu.memory_space<vmem>>
    %dma_start3A_1688 = arith.constant 1664 : i32
    %dma_start3A_1689 = tpu.memref_slice %arg3[%dma_start3A_1684, %arg1, %multiple_of3A_1683, %dma_start3A_1688] : memref<1x16x2048x2048xf32, #tpu.memory_space<hbm>> -> memref<1x1x64x384xf32, #tpu.memory_space<hbm>>
    %dma_start3A_1690 = tpu.memref_squeeze %dma_start3A_1689 : memref<1x1x64x384xf32, #tpu.memory_space<hbm>> -> memref<64x384xf32, #tpu.memory_space<hbm>>
    %dma_start3A_1691 = arith.constant 1664 : i32
    %dma_start3A_1692 = tpu.memref_slice %arg3[%dma_start3A_1684, %arg1, %multiple_of3A_1683, %dma_start3A_1691] : memref<1x16x2048x2048xf32, #tpu.memory_space<hbm>> -> memref<1x1x64x384xf32, #tpu.memory_space<hbm>>
    %dma_start3A_1693 = tpu.memref_squeeze %dma_start3A_1692 : memref<1x1x64x384xf32, #tpu.memory_space<hbm>> -> memref<64x384xf32, #tpu.memory_space<hbm>>
    %dma_start3A_1694 = arith.constant 0 : i32
    %dma_start3A_1695 = arith.constant 0 : i32
    %dma_start3A_1696 = tpu.memref_slice %arg4[%dma_start3A_1694, %dma_start3A_1695] : memref<64x896xf32, #tpu.memory_space<vmem>> -> memref<64x384xf32, #tpu.memory_space<vmem>>
    tpu.enqueue_dma source(%dma_start3A_1696 : memref<64x384xf32, #tpu.memory_space<vmem>>) target(%dma_start3A_1693 : memref<64x384xf32, #tpu.memory_space<hbm>>) target_semaphore(%arg7 : memref<!tpu.dma_semaphore, #tpu.memory_space<semaphore_mem>>)
    %mul3A_1697 = arith.constant 64 : i32
    %mul3A_1698 = arith.muli %mul3A_1697, %arg0 : i32
    %add3A_1699 = arith.constant 128 : i32
    %add3A_1700 = arith.addi %add3A_1699, %mul3A_1698 : i32
    %multiple_of3A_1701 = tpu.assume_multiple %add3A_1700, 8 : i32
    %dma_start3A_1702 = arith.constant 0 : i32
    %dma_start3A_1703 = arith.constant 0 : i32
    %dma_start3A_1704 = arith.constant 0 : i32
    %dma_start3A_1705 = tpu.memref_slice %arg4[%dma_start3A_1703, %dma_start3A_1704] : memref<64x896xf32, #tpu.memory_space<vmem>> -> memref<64x256xf32, #tpu.memory_space<vmem>>
    %dma_start3A_1706 = arith.constant 1792 : i32
    %dma_start3A_1707 = tpu.memref_slice %arg3[%dma_start3A_1702, %arg1, %multiple_of3A_1701, %dma_start3A_1706] : memref<1x16x2048x2048xf32, #tpu.memory_space<hbm>> -> memref<1x1x64x256xf32, #tpu.memory_space<hbm>>
    %dma_start3A_1708 = tpu.memref_squeeze %dma_start3A_1707 : memref<1x1x64x256xf32, #tpu.memory_space<hbm>> -> memref<64x256xf32, #tpu.memory_space<hbm>>
    %dma_start3A_1709 = arith.constant 1792 : i32
    %dma_start3A_1710 = tpu.memref_slice %arg3[%dma_start3A_1702, %arg1, %multiple_of3A_1701, %dma_start3A_1709] : memref<1x16x2048x2048xf32, #tpu.memory_space<hbm>> -> memref<1x1x64x256xf32, #tpu.memory_space<hbm>>
    %dma_start3A_1711 = tpu.memref_squeeze %dma_start3A_1710 : memref<1x1x64x256xf32, #tpu.memory_space<hbm>> -> memref<64x256xf32, #tpu.memory_space<hbm>>
    %dma_start3A_1712 = arith.constant 0 : i32
    %dma_start3A_1713 = arith.constant 0 : i32
    %dma_start3A_1714 = tpu.memref_slice %arg4[%dma_start3A_1712, %dma_start3A_1713] : memref<64x896xf32, #tpu.memory_space<vmem>> -> memref<64x256xf32, #tpu.memory_space<vmem>>
    tpu.enqueue_dma source(%dma_start3A_1714 : memref<64x256xf32, #tpu.memory_space<vmem>>) target(%dma_start3A_1711 : memref<64x256xf32, #tpu.memory_space<hbm>>) target_semaphore(%arg7 : memref<!tpu.dma_semaphore, #tpu.memory_space<semaphore_mem>>)
    %mul3A_1715 = arith.constant 64 : i32
    %mul3A_1716 = arith.muli %mul3A_1715, %arg0 : i32
    %add3A_1717 = arith.constant 256 : i32
    %add3A_1718 = arith.addi %add3A_1717, %mul3A_1716 : i32
    %multiple_of3A_1719 = tpu.assume_multiple %add3A_1718, 8 : i32
    %dma_start3A_1720 = arith.constant 0 : i32
    %dma_start3A_1721 = arith.constant 0 : i32
    %dma_start3A_1722 = arith.constant 0 : i32
    %dma_start3A_1723 = tpu.memref_slice %arg4[%dma_start3A_1721, %dma_start3A_1722] : memref<64x896xf32, #tpu.memory_space<vmem>> -> memref<64x128xf32, #tpu.memory_space<vmem>>
    %dma_start3A_1724 = arith.constant 1920 : i32
    %dma_start3A_1725 = tpu.memref_slice %arg3[%dma_start3A_1720, %arg1, %multiple_of3A_1719, %dma_start3A_1724] : memref<1x16x2048x2048xf32, #tpu.memory_space<hbm>> -> memref<1x1x64x128xf32, #tpu.memory_space<hbm>>
    %dma_start3A_1726 = tpu.memref_squeeze %dma_start3A_1725 : memref<1x1x64x128xf32, #tpu.memory_space<hbm>> -> memref<64x128xf32, #tpu.memory_space<hbm>>
    %dma_start3A_1727 = arith.constant 1920 : i32
    %dma_start3A_1728 = tpu.memref_slice %arg3[%dma_start3A_1720, %arg1, %multiple_of3A_1719, %dma_start3A_1727] : memref<1x16x2048x2048xf32, #tpu.memory_space<hbm>> -> memref<1x1x64x128xf32, #tpu.memory_space<hbm>>
    %dma_start3A_1729 = tpu.memref_squeeze %dma_start3A_1728 : memref<1x1x64x128xf32, #tpu.memory_space<hbm>> -> memref<64x128xf32, #tpu.memory_space<hbm>>
    %dma_start3A_1730 = arith.constant 0 : i32
    %dma_start3A_1731 = arith.constant 0 : i32
    %dma_start3A_1732 = tpu.memref_slice %arg4[%dma_start3A_1730, %dma_start3A_1731] : memref<64x896xf32, #tpu.memory_space<vmem>> -> memref<64x128xf32, #tpu.memory_space<vmem>>
    tpu.enqueue_dma source(%dma_start3A_1732 : memref<64x128xf32, #tpu.memory_space<vmem>>) target(%dma_start3A_1729 : memref<64x128xf32, #tpu.memory_space<hbm>>) target_semaphore(%arg7 : memref<!tpu.dma_semaphore, #tpu.memory_space<semaphore_mem>>)
    %dma_wait3A_1733 = arith.constant 0 : i32
    %dma_wait3A_1734 = arith.constant 0 : i32
    %dma_wait3A_1735 = arith.constant 0 : i32
    %dma_wait3A_1736 = tpu.memref_slice %arg4[%dma_wait3A_1734, %dma_wait3A_1735] : memref<64x896xf32, #tpu.memory_space<vmem>> -> memref<64x384xf32, #tpu.memory_space<vmem>>
    %dma_wait3A_1737 = arith.constant 0 : i32
    %dma_wait3A_1738 = arith.constant 0 : i32
    %dma_wait3A_1739 = tpu.memref_slice %arg3[%dma_wait3A_1733, %arg1, %dma_wait3A_1737, %dma_wait3A_1738] : memref<1x16x2048x2048xf32, #tpu.memory_space<hbm>> -> memref<1x1x64x384xf32, #tpu.memory_space<hbm>>
    %dma_wait3A_1740 = tpu.memref_squeeze %dma_wait3A_1739 : memref<1x1x64x384xf32, #tpu.memory_space<hbm>> -> memref<64x384xf32, #tpu.memory_space<hbm>>
    %dma_wait3A_1741 = arith.constant 0 : i32
    %dma_wait3A_1742 = arith.constant 0 : i32
    %dma_wait3A_1743 = tpu.memref_slice %arg3[%dma_wait3A_1733, %arg1, %dma_wait3A_1741, %dma_wait3A_1742] : memref<1x16x2048x2048xf32, #tpu.memory_space<hbm>> -> memref<1x1x64x384xf32, #tpu.memory_space<hbm>>
    %dma_wait3A_1744 = tpu.memref_squeeze %dma_wait3A_1743 : memref<1x1x64x384xf32, #tpu.memory_space<hbm>> -> memref<64x384xf32, #tpu.memory_space<hbm>>
    %dma_wait3A_1745 = arith.constant 0 : i32
    %dma_wait3A_1746 = arith.constant 0 : i32
    %dma_wait3A_1747 = tpu.memref_slice %arg4[%dma_wait3A_1745, %dma_wait3A_1746] : memref<64x896xf32, #tpu.memory_space<vmem>> -> memref<64x384xf32, #tpu.memory_space<vmem>>
    tpu.wait_dma2 semaphore(%arg7 : memref<!tpu.dma_semaphore, #tpu.memory_space<semaphore_mem>>) src(%dma_wait3A_1747 : memref<64x384xf32, #tpu.memory_space<vmem>>) dst(%dma_wait3A_1744 : memref<64x384xf32, #tpu.memory_space<hbm>>)
    %dma_wait3A_1748 = arith.constant 0 : i32
    %dma_wait3A_1749 = arith.constant 0 : i32
    %dma_wait3A_1750 = arith.constant 0 : i32
    %dma_wait3A_1751 = tpu.memref_slice %arg4[%dma_wait3A_1749, %dma_wait3A_1750] : memref<64x896xf32, #tpu.memory_space<vmem>> -> memref<64x256xf32, #tpu.memory_space<vmem>>
    %dma_wait3A_1752 = arith.constant 0 : i32
    %dma_wait3A_1753 = arith.constant 0 : i32
    %dma_wait3A_1754 = tpu.memref_slice %arg3[%dma_wait3A_1748, %arg1, %dma_wait3A_1752, %dma_wait3A_1753] : memref<1x16x2048x2048xf32, #tpu.memory_space<hbm>> -> memref<1x1x64x256xf32, #tpu.memory_space<hbm>>
    %dma_wait3A_1755 = tpu.memref_squeeze %dma_wait3A_1754 : memref<1x1x64x256xf32, #tpu.memory_space<hbm>> -> memref<64x256xf32, #tpu.memory_space<hbm>>
    %dma_wait3A_1756 = arith.constant 0 : i32
    %dma_wait3A_1757 = arith.constant 0 : i32
    %dma_wait3A_1758 = tpu.memref_slice %arg3[%dma_wait3A_1748, %arg1, %dma_wait3A_1756, %dma_wait3A_1757] : memref<1x16x2048x2048xf32, #tpu.memory_space<hbm>> -> memref<1x1x64x256xf32, #tpu.memory_space<hbm>>
    %dma_wait3A_1759 = tpu.memref_squeeze %dma_wait3A_1758 : memref<1x1x64x256xf32, #tpu.memory_space<hbm>> -> memref<64x256xf32, #tpu.memory_space<hbm>>
    %dma_wait3A_1760 = arith.constant 0 : i32
    %dma_wait3A_1761 = arith.constant 0 : i32
    %dma_wait3A_1762 = tpu.memref_slice %arg4[%dma_wait3A_1760, %dma_wait3A_1761] : memref<64x896xf32, #tpu.memory_space<vmem>> -> memref<64x256xf32, #tpu.memory_space<vmem>>
    tpu.wait_dma2 semaphore(%arg7 : memref<!tpu.dma_semaphore, #tpu.memory_space<semaphore_mem>>) src(%dma_wait3A_1762 : memref<64x256xf32, #tpu.memory_space<vmem>>) dst(%dma_wait3A_1759 : memref<64x256xf32, #tpu.memory_space<hbm>>)
    %dma_wait3A_1763 = arith.constant 0 : i32
    %dma_wait3A_1764 = arith.constant 0 : i32
    %dma_wait3A_1765 = arith.constant 0 : i32
    %dma_wait3A_1766 = tpu.memref_slice %arg4[%dma_wait3A_1764, %dma_wait3A_1765] : memref<64x896xf32, #tpu.memory_space<vmem>> -> memref<64x128xf32, #tpu.memory_space<vmem>>
    %dma_wait3A_1767 = arith.constant 0 : i32
    %dma_wait3A_1768 = arith.constant 0 : i32
    %dma_wait3A_1769 = tpu.memref_slice %arg3[%dma_wait3A_1763, %arg1, %dma_wait3A_1767, %dma_wait3A_1768] : memref<1x16x2048x2048xf32, #tpu.memory_space<hbm>> -> memref<1x1x64x128xf32, #tpu.memory_space<hbm>>
    %dma_wait3A_1770 = tpu.memref_squeeze %dma_wait3A_1769 : memref<1x1x64x128xf32, #tpu.memory_space<hbm>> -> memref<64x128xf32, #tpu.memory_space<hbm>>
    %dma_wait3A_1771 = arith.constant 0 : i32
    %dma_wait3A_1772 = arith.constant 0 : i32
    %dma_wait3A_1773 = tpu.memref_slice %arg3[%dma_wait3A_1763, %arg1, %dma_wait3A_1771, %dma_wait3A_1772] : memref<1x16x2048x2048xf32, #tpu.memory_space<hbm>> -> memref<1x1x64x128xf32, #tpu.memory_space<hbm>>
    %dma_wait3A_1774 = tpu.memref_squeeze %dma_wait3A_1773 : memref<1x1x64x128xf32, #tpu.memory_space<hbm>> -> memref<64x128xf32, #tpu.memory_space<hbm>>
    %dma_wait3A_1775 = arith.constant 0 : i32
    %dma_wait3A_1776 = arith.constant 0 : i32
    %dma_wait3A_1777 = tpu.memref_slice %arg4[%dma_wait3A_1775, %dma_wait3A_1776] : memref<64x896xf32, #tpu.memory_space<vmem>> -> memref<64x128xf32, #tpu.memory_space<vmem>>
    tpu.wait_dma2 semaphore(%arg7 : memref<!tpu.dma_semaphore, #tpu.memory_space<semaphore_mem>>) src(%dma_wait3A_1777 : memref<64x128xf32, #tpu.memory_space<vmem>>) dst(%dma_wait3A_1774 : memref<64x128xf32, #tpu.memory_space<hbm>>)
    return
  }
}

module attributes {stable_mosaic.version = 14 : i64} {
  func.func @_shift_table_kernel(%arg0: i32, %arg1: memref<1x1x32xf32, #tpu.memory_space<vmem>>, %arg2: memref<1x128x3968xf32, #tpu.memory_space<vmem>>) attributes {dimension_semantics = [#tpu.dimension_semantics<arbitrary>], iteration_bounds = array<i64: 16>, scalar_prefetch = 0 : i64, scratch_operands = 0 : i64, tpu.core_type = #tpu.core_type<tc>, window_params = [{transform_indices = @transform_0, window_bounds = array<i64: 1, 1, 32>}, {transform_indices = @transform_1, window_bounds = array<i64: 1, 128, 3968>}]} {
    %iota3A = tpu.iota {dimensions = array<i32: 0>} : vector<8x4096xi32>
    %iota3A_0 = tpu.iota {dimensions = array<i32: 1>} : vector<8x4096xi32>
    %sub3A = arith.constant 7 : i32
    %sub3A_1 = vector.broadcast %sub3A : i32 to vector<8x4096xi32>
    %sub3A_2 = arith.subi %sub3A_1, %iota3A : vector<8x4096xi32>
    %add3A = arith.addi %iota3A_0, %sub3A_2 : vector<8x4096xi32>
    %sub3A_3 = arith.constant 2047 : i32
    %sub3A_4 = vector.broadcast %sub3A_3 : i32 to vector<8x4096xi32>
    %sub3A_5 = arith.subi %add3A, %sub3A_4 : vector<8x4096xi32>
    %gt3A = arith.constant 0 : i32
    %gt3A_6 = vector.broadcast %gt3A : i32 to vector<8x4096xi32>
    %gt3A_7 = arith.cmpi sgt, %sub3A_5, %gt3A_6 : vector<8x4096xi32>
    %convert_element_type3A = arith.extui %gt3A_7 : vector<8x4096xi1> to vector<8x4096xi32>
    %mul3A = arith.constant 16 : i32
    %mul3A_8 = vector.broadcast %mul3A : i32 to vector<8x4096xi32>
    %mul3A_9 = arith.muli %convert_element_type3A, %mul3A_8 : vector<8x4096xi32>
    %abs3A = math.absi %sub3A_5 : vector<8x4096xi32>
    %lt3A = arith.constant 8 : i32
    %lt3A_10 = vector.broadcast %lt3A : i32 to vector<8x4096xi32>
    %lt3A_11 = arith.cmpi slt, %abs3A, %lt3A_10 : vector<8x4096xi32>
    %convert_element_type3A_12 = arith.sitofp %abs3A : vector<8x4096xi32> to vector<8x4096xf32>
    %div3A = arith.constant 8.000000e+00 : f32
    %div3A_13 = vector.broadcast %div3A : f32 to vector<8x4096xf32>
    %div3A_14 = arith.divf %convert_element_type3A_12, %div3A_13 : vector<8x4096xf32>
    %log3A = math.log %div3A_14 : vector<8x4096xf32>
    %div3A_15 = arith.constant 2.77258873 : f32
    %div3A_16 = vector.broadcast %div3A_15 : f32 to vector<8x4096xf32>
    %div3A_17 = arith.divf %log3A, %div3A_16 : vector<8x4096xf32>
    %mul3A_18 = arith.constant 8.000000e+00 : f32
    %mul3A_19 = vector.broadcast %mul3A_18 : f32 to vector<8x4096xf32>
    %mul3A_20 = arith.mulf %div3A_17, %mul3A_19 : vector<8x4096xf32>
    %add3A_21 = arith.constant 8.000000e+00 : f32
    %add3A_22 = vector.broadcast %add3A_21 : f32 to vector<8x4096xf32>
    %add3A_23 = arith.addf %add3A_22, %mul3A_20 : vector<8x4096xf32>
    %broadcast_in_dim3A = arith.constant 1.500000e+01 : f32
    %broadcast_in_dim3A_24 = vector.broadcast %broadcast_in_dim3A : f32 to vector<8x4096xf32>
    %min3A = arith.minimumf %add3A_23, %broadcast_in_dim3A_24 : vector<8x4096xf32>
    %convert_element_type3A_25 = arith.sitofp %mul3A_9 : vector<8x4096xi32> to vector<8x4096xf32>
    %select_n3A = arith.select %lt3A_11, %convert_element_type3A_12, %min3A : vector<8x4096xi1>, vector<8x4096xf32>
    %add3A_26 = arith.addf %convert_element_type3A_25, %select_n3A : vector<8x4096xf32>
    %convert_element_type3A_27 = arith.fptosi %add3A_26 : vector<8x4096xf32> to vector<8x4096xi32>
    %broadcast_in_dim3A_28 = arith.constant 0.000000e+00 : f32
    %broadcast_in_dim3A_29 = vector.broadcast %broadcast_in_dim3A_28 : f32 to vector<8x4096xf32>
    %broadcast_in_dim3A_30 = arith.constant 0.000000e+00 : f32
    %broadcast_in_dim3A_31 = vector.broadcast %broadcast_in_dim3A_30 : f32 to vector<8x4096xf32>
    %broadcast_in_dim3A_32 = arith.constant 0.000000e+00 : f32
    %broadcast_in_dim3A_33 = vector.broadcast %broadcast_in_dim3A_32 : f32 to vector<8x4096xf32>
    %broadcast_in_dim3A_34 = arith.constant 0.000000e+00 : f32
    %broadcast_in_dim3A_35 = vector.broadcast %broadcast_in_dim3A_34 : f32 to vector<8x4096xf32>
    %eq3A = arith.constant 0 : i32
    %eq3A_36 = vector.broadcast %eq3A : i32 to vector<8x4096xi32>
    %eq3A_37 = arith.cmpi eq, %convert_element_type3A_27, %eq3A_36 : vector<8x4096xi32>
    %get3A = arith.constant 0 : index
    %get3A_38 = arith.constant 0 : index
    %get3A_39 = arith.constant 0 : index
    %get3A_40 = vector.load %arg1[%get3A, %get3A_38, %get3A_39] : memref<1x1x32xf32, #tpu.memory_space<vmem>>, vector<1x1x1xf32>
    %get3A_41 = vector.extract %get3A_40[0, 0, 0] : f32 from vector<1x1x1xf32>
    %broadcast_in_dim3A_42 = vector.broadcast %get3A_41 : f32 to vector<8x4096xf32>
    %select_n3A_43 = arith.select %eq3A_37, %broadcast_in_dim3A_42, %broadcast_in_dim3A_29 : vector<8x4096xi1>, vector<8x4096xf32>
    %eq3A_44 = arith.constant 1 : i32
    %eq3A_45 = vector.broadcast %eq3A_44 : i32 to vector<8x4096xi32>
    %eq3A_46 = arith.cmpi eq, %convert_element_type3A_27, %eq3A_45 : vector<8x4096xi32>
    %get3A_47 = arith.constant 0 : index
    %get3A_48 = arith.constant 0 : index
    %get3A_49 = arith.constant 1 : index
    %get3A_50 = vector.load %arg1[%get3A_47, %get3A_48, %get3A_49] : memref<1x1x32xf32, #tpu.memory_space<vmem>>, vector<1x1x1xf32>
    %get3A_51 = vector.extract %get3A_50[0, 0, 0] : f32 from vector<1x1x1xf32>
    %broadcast_in_dim3A_52 = vector.broadcast %get3A_51 : f32 to vector<8x4096xf32>
    %select_n3A_53 = arith.select %eq3A_46, %broadcast_in_dim3A_52, %select_n3A_43 : vector<8x4096xi1>, vector<8x4096xf32>
    %eq3A_54 = arith.constant 2 : i32
    %eq3A_55 = vector.broadcast %eq3A_54 : i32 to vector<8x4096xi32>
    %eq3A_56 = arith.cmpi eq, %convert_element_type3A_27, %eq3A_55 : vector<8x4096xi32>
    %get3A_57 = arith.constant 0 : index
    %get3A_58 = arith.constant 0 : index
    %get3A_59 = arith.constant 2 : index
    %get3A_60 = vector.load %arg1[%get3A_57, %get3A_58, %get3A_59] : memref<1x1x32xf32, #tpu.memory_space<vmem>>, vector<1x1x1xf32>
    %get3A_61 = vector.extract %get3A_60[0, 0, 0] : f32 from vector<1x1x1xf32>
    %broadcast_in_dim3A_62 = vector.broadcast %get3A_61 : f32 to vector<8x4096xf32>
    %select_n3A_63 = arith.select %eq3A_56, %broadcast_in_dim3A_62, %select_n3A_53 : vector<8x4096xi1>, vector<8x4096xf32>
    %eq3A_64 = arith.constant 3 : i32
    %eq3A_65 = vector.broadcast %eq3A_64 : i32 to vector<8x4096xi32>
    %eq3A_66 = arith.cmpi eq, %convert_element_type3A_27, %eq3A_65 : vector<8x4096xi32>
    %get3A_67 = arith.constant 0 : index
    %get3A_68 = arith.constant 0 : index
    %get3A_69 = arith.constant 3 : index
    %get3A_70 = vector.load %arg1[%get3A_67, %get3A_68, %get3A_69] : memref<1x1x32xf32, #tpu.memory_space<vmem>>, vector<1x1x1xf32>
    %get3A_71 = vector.extract %get3A_70[0, 0, 0] : f32 from vector<1x1x1xf32>
    %broadcast_in_dim3A_72 = vector.broadcast %get3A_71 : f32 to vector<8x4096xf32>
    %select_n3A_73 = arith.select %eq3A_66, %broadcast_in_dim3A_72, %select_n3A_63 : vector<8x4096xi1>, vector<8x4096xf32>
    %eq3A_74 = arith.constant 4 : i32
    %eq3A_75 = vector.broadcast %eq3A_74 : i32 to vector<8x4096xi32>
    %eq3A_76 = arith.cmpi eq, %convert_element_type3A_27, %eq3A_75 : vector<8x4096xi32>
    %get3A_77 = arith.constant 0 : index
    %get3A_78 = arith.constant 0 : index
    %get3A_79 = arith.constant 4 : index
    %get3A_80 = vector.load %arg1[%get3A_77, %get3A_78, %get3A_79] : memref<1x1x32xf32, #tpu.memory_space<vmem>>, vector<1x1x1xf32>
    %get3A_81 = vector.extract %get3A_80[0, 0, 0] : f32 from vector<1x1x1xf32>
    %broadcast_in_dim3A_82 = vector.broadcast %get3A_81 : f32 to vector<8x4096xf32>
    %select_n3A_83 = arith.select %eq3A_76, %broadcast_in_dim3A_82, %select_n3A_73 : vector<8x4096xi1>, vector<8x4096xf32>
    %eq3A_84 = arith.constant 5 : i32
    %eq3A_85 = vector.broadcast %eq3A_84 : i32 to vector<8x4096xi32>
    %eq3A_86 = arith.cmpi eq, %convert_element_type3A_27, %eq3A_85 : vector<8x4096xi32>
    %get3A_87 = arith.constant 0 : index
    %get3A_88 = arith.constant 0 : index
    %get3A_89 = arith.constant 5 : index
    %get3A_90 = vector.load %arg1[%get3A_87, %get3A_88, %get3A_89] : memref<1x1x32xf32, #tpu.memory_space<vmem>>, vector<1x1x1xf32>
    %get3A_91 = vector.extract %get3A_90[0, 0, 0] : f32 from vector<1x1x1xf32>
    %broadcast_in_dim3A_92 = vector.broadcast %get3A_91 : f32 to vector<8x4096xf32>
    %select_n3A_93 = arith.select %eq3A_86, %broadcast_in_dim3A_92, %select_n3A_83 : vector<8x4096xi1>, vector<8x4096xf32>
    %eq3A_94 = arith.constant 6 : i32
    %eq3A_95 = vector.broadcast %eq3A_94 : i32 to vector<8x4096xi32>
    %eq3A_96 = arith.cmpi eq, %convert_element_type3A_27, %eq3A_95 : vector<8x4096xi32>
    %get3A_97 = arith.constant 0 : index
    %get3A_98 = arith.constant 0 : index
    %get3A_99 = arith.constant 6 : index
    %get3A_100 = vector.load %arg1[%get3A_97, %get3A_98, %get3A_99] : memref<1x1x32xf32, #tpu.memory_space<vmem>>, vector<1x1x1xf32>
    %get3A_101 = vector.extract %get3A_100[0, 0, 0] : f32 from vector<1x1x1xf32>
    %broadcast_in_dim3A_102 = vector.broadcast %get3A_101 : f32 to vector<8x4096xf32>
    %select_n3A_103 = arith.select %eq3A_96, %broadcast_in_dim3A_102, %select_n3A_93 : vector<8x4096xi1>, vector<8x4096xf32>
    %eq3A_104 = arith.constant 7 : i32
    %eq3A_105 = vector.broadcast %eq3A_104 : i32 to vector<8x4096xi32>
    %eq3A_106 = arith.cmpi eq, %convert_element_type3A_27, %eq3A_105 : vector<8x4096xi32>
    %get3A_107 = arith.constant 0 : index
    %get3A_108 = arith.constant 0 : index
    %get3A_109 = arith.constant 7 : index
    %get3A_110 = vector.load %arg1[%get3A_107, %get3A_108, %get3A_109] : memref<1x1x32xf32, #tpu.memory_space<vmem>>, vector<1x1x1xf32>
    %get3A_111 = vector.extract %get3A_110[0, 0, 0] : f32 from vector<1x1x1xf32>
    %broadcast_in_dim3A_112 = vector.broadcast %get3A_111 : f32 to vector<8x4096xf32>
    %select_n3A_113 = arith.select %eq3A_106, %broadcast_in_dim3A_112, %select_n3A_103 : vector<8x4096xi1>, vector<8x4096xf32>
    %eq3A_114 = arith.constant 8 : i32
    %eq3A_115 = vector.broadcast %eq3A_114 : i32 to vector<8x4096xi32>
    %eq3A_116 = arith.cmpi eq, %convert_element_type3A_27, %eq3A_115 : vector<8x4096xi32>
    %get3A_117 = arith.constant 0 : index
    %get3A_118 = arith.constant 0 : index
    %get3A_119 = arith.constant 8 : index
    %get3A_120 = vector.load %arg1[%get3A_117, %get3A_118, %get3A_119] : memref<1x1x32xf32, #tpu.memory_space<vmem>>, vector<1x1x1xf32>
    %get3A_121 = vector.extract %get3A_120[0, 0, 0] : f32 from vector<1x1x1xf32>
    %broadcast_in_dim3A_122 = vector.broadcast %get3A_121 : f32 to vector<8x4096xf32>
    %select_n3A_123 = arith.select %eq3A_116, %broadcast_in_dim3A_122, %broadcast_in_dim3A_31 : vector<8x4096xi1>, vector<8x4096xf32>
    %eq3A_124 = arith.constant 9 : i32
    %eq3A_125 = vector.broadcast %eq3A_124 : i32 to vector<8x4096xi32>
    %eq3A_126 = arith.cmpi eq, %convert_element_type3A_27, %eq3A_125 : vector<8x4096xi32>
    %get3A_127 = arith.constant 0 : index
    %get3A_128 = arith.constant 0 : index
    %get3A_129 = arith.constant 9 : index
    %get3A_130 = vector.load %arg1[%get3A_127, %get3A_128, %get3A_129] : memref<1x1x32xf32, #tpu.memory_space<vmem>>, vector<1x1x1xf32>
    %get3A_131 = vector.extract %get3A_130[0, 0, 0] : f32 from vector<1x1x1xf32>
    %broadcast_in_dim3A_132 = vector.broadcast %get3A_131 : f32 to vector<8x4096xf32>
    %select_n3A_133 = arith.select %eq3A_126, %broadcast_in_dim3A_132, %select_n3A_123 : vector<8x4096xi1>, vector<8x4096xf32>
    %eq3A_134 = arith.constant 10 : i32
    %eq3A_135 = vector.broadcast %eq3A_134 : i32 to vector<8x4096xi32>
    %eq3A_136 = arith.cmpi eq, %convert_element_type3A_27, %eq3A_135 : vector<8x4096xi32>
    %get3A_137 = arith.constant 0 : index
    %get3A_138 = arith.constant 0 : index
    %get3A_139 = arith.constant 10 : index
    %get3A_140 = vector.load %arg1[%get3A_137, %get3A_138, %get3A_139] : memref<1x1x32xf32, #tpu.memory_space<vmem>>, vector<1x1x1xf32>
    %get3A_141 = vector.extract %get3A_140[0, 0, 0] : f32 from vector<1x1x1xf32>
    %broadcast_in_dim3A_142 = vector.broadcast %get3A_141 : f32 to vector<8x4096xf32>
    %select_n3A_143 = arith.select %eq3A_136, %broadcast_in_dim3A_142, %select_n3A_133 : vector<8x4096xi1>, vector<8x4096xf32>
    %eq3A_144 = arith.constant 11 : i32
    %eq3A_145 = vector.broadcast %eq3A_144 : i32 to vector<8x4096xi32>
    %eq3A_146 = arith.cmpi eq, %convert_element_type3A_27, %eq3A_145 : vector<8x4096xi32>
    %get3A_147 = arith.constant 0 : index
    %get3A_148 = arith.constant 0 : index
    %get3A_149 = arith.constant 11 : index
    %get3A_150 = vector.load %arg1[%get3A_147, %get3A_148, %get3A_149] : memref<1x1x32xf32, #tpu.memory_space<vmem>>, vector<1x1x1xf32>
    %get3A_151 = vector.extract %get3A_150[0, 0, 0] : f32 from vector<1x1x1xf32>
    %broadcast_in_dim3A_152 = vector.broadcast %get3A_151 : f32 to vector<8x4096xf32>
    %select_n3A_153 = arith.select %eq3A_146, %broadcast_in_dim3A_152, %select_n3A_143 : vector<8x4096xi1>, vector<8x4096xf32>
    %eq3A_154 = arith.constant 12 : i32
    %eq3A_155 = vector.broadcast %eq3A_154 : i32 to vector<8x4096xi32>
    %eq3A_156 = arith.cmpi eq, %convert_element_type3A_27, %eq3A_155 : vector<8x4096xi32>
    %get3A_157 = arith.constant 0 : index
    %get3A_158 = arith.constant 0 : index
    %get3A_159 = arith.constant 12 : index
    %get3A_160 = vector.load %arg1[%get3A_157, %get3A_158, %get3A_159] : memref<1x1x32xf32, #tpu.memory_space<vmem>>, vector<1x1x1xf32>
    %get3A_161 = vector.extract %get3A_160[0, 0, 0] : f32 from vector<1x1x1xf32>
    %broadcast_in_dim3A_162 = vector.broadcast %get3A_161 : f32 to vector<8x4096xf32>
    %select_n3A_163 = arith.select %eq3A_156, %broadcast_in_dim3A_162, %select_n3A_153 : vector<8x4096xi1>, vector<8x4096xf32>
    %eq3A_164 = arith.constant 13 : i32
    %eq3A_165 = vector.broadcast %eq3A_164 : i32 to vector<8x4096xi32>
    %eq3A_166 = arith.cmpi eq, %convert_element_type3A_27, %eq3A_165 : vector<8x4096xi32>
    %get3A_167 = arith.constant 0 : index
    %get3A_168 = arith.constant 0 : index
    %get3A_169 = arith.constant 13 : index
    %get3A_170 = vector.load %arg1[%get3A_167, %get3A_168, %get3A_169] : memref<1x1x32xf32, #tpu.memory_space<vmem>>, vector<1x1x1xf32>
    %get3A_171 = vector.extract %get3A_170[0, 0, 0] : f32 from vector<1x1x1xf32>
    %broadcast_in_dim3A_172 = vector.broadcast %get3A_171 : f32 to vector<8x4096xf32>
    %select_n3A_173 = arith.select %eq3A_166, %broadcast_in_dim3A_172, %select_n3A_163 : vector<8x4096xi1>, vector<8x4096xf32>
    %eq3A_174 = arith.constant 14 : i32
    %eq3A_175 = vector.broadcast %eq3A_174 : i32 to vector<8x4096xi32>
    %eq3A_176 = arith.cmpi eq, %convert_element_type3A_27, %eq3A_175 : vector<8x4096xi32>
    %get3A_177 = arith.constant 0 : index
    %get3A_178 = arith.constant 0 : index
    %get3A_179 = arith.constant 14 : index
    %get3A_180 = vector.load %arg1[%get3A_177, %get3A_178, %get3A_179] : memref<1x1x32xf32, #tpu.memory_space<vmem>>, vector<1x1x1xf32>
    %get3A_181 = vector.extract %get3A_180[0, 0, 0] : f32 from vector<1x1x1xf32>
    %broadcast_in_dim3A_182 = vector.broadcast %get3A_181 : f32 to vector<8x4096xf32>
    %select_n3A_183 = arith.select %eq3A_176, %broadcast_in_dim3A_182, %select_n3A_173 : vector<8x4096xi1>, vector<8x4096xf32>
    %eq3A_184 = arith.constant 15 : i32
    %eq3A_185 = vector.broadcast %eq3A_184 : i32 to vector<8x4096xi32>
    %eq3A_186 = arith.cmpi eq, %convert_element_type3A_27, %eq3A_185 : vector<8x4096xi32>
    %get3A_187 = arith.constant 0 : index
    %get3A_188 = arith.constant 0 : index
    %get3A_189 = arith.constant 15 : index
    %get3A_190 = vector.load %arg1[%get3A_187, %get3A_188, %get3A_189] : memref<1x1x32xf32, #tpu.memory_space<vmem>>, vector<1x1x1xf32>
    %get3A_191 = vector.extract %get3A_190[0, 0, 0] : f32 from vector<1x1x1xf32>
    %broadcast_in_dim3A_192 = vector.broadcast %get3A_191 : f32 to vector<8x4096xf32>
    %select_n3A_193 = arith.select %eq3A_186, %broadcast_in_dim3A_192, %select_n3A_183 : vector<8x4096xi1>, vector<8x4096xf32>
    %eq3A_194 = arith.constant 16 : i32
    %eq3A_195 = vector.broadcast %eq3A_194 : i32 to vector<8x4096xi32>
    %eq3A_196 = arith.cmpi eq, %convert_element_type3A_27, %eq3A_195 : vector<8x4096xi32>
    %get3A_197 = arith.constant 0 : index
    %get3A_198 = arith.constant 0 : index
    %get3A_199 = arith.constant 16 : index
    %get3A_200 = vector.load %arg1[%get3A_197, %get3A_198, %get3A_199] : memref<1x1x32xf32, #tpu.memory_space<vmem>>, vector<1x1x1xf32>
    %get3A_201 = vector.extract %get3A_200[0, 0, 0] : f32 from vector<1x1x1xf32>
    %broadcast_in_dim3A_202 = vector.broadcast %get3A_201 : f32 to vector<8x4096xf32>
    %select_n3A_203 = arith.select %eq3A_196, %broadcast_in_dim3A_202, %broadcast_in_dim3A_33 : vector<8x4096xi1>, vector<8x4096xf32>
    %eq3A_204 = arith.constant 17 : i32
    %eq3A_205 = vector.broadcast %eq3A_204 : i32 to vector<8x4096xi32>
    %eq3A_206 = arith.cmpi eq, %convert_element_type3A_27, %eq3A_205 : vector<8x4096xi32>
    %get3A_207 = arith.constant 0 : index
    %get3A_208 = arith.constant 0 : index
    %get3A_209 = arith.constant 17 : index
    %get3A_210 = vector.load %arg1[%get3A_207, %get3A_208, %get3A_209] : memref<1x1x32xf32, #tpu.memory_space<vmem>>, vector<1x1x1xf32>
    %get3A_211 = vector.extract %get3A_210[0, 0, 0] : f32 from vector<1x1x1xf32>
    %broadcast_in_dim3A_212 = vector.broadcast %get3A_211 : f32 to vector<8x4096xf32>
    %select_n3A_213 = arith.select %eq3A_206, %broadcast_in_dim3A_212, %select_n3A_203 : vector<8x4096xi1>, vector<8x4096xf32>
    %eq3A_214 = arith.constant 18 : i32
    %eq3A_215 = vector.broadcast %eq3A_214 : i32 to vector<8x4096xi32>
    %eq3A_216 = arith.cmpi eq, %convert_element_type3A_27, %eq3A_215 : vector<8x4096xi32>
    %get3A_217 = arith.constant 0 : index
    %get3A_218 = arith.constant 0 : index
    %get3A_219 = arith.constant 18 : index
    %get3A_220 = vector.load %arg1[%get3A_217, %get3A_218, %get3A_219] : memref<1x1x32xf32, #tpu.memory_space<vmem>>, vector<1x1x1xf32>
    %get3A_221 = vector.extract %get3A_220[0, 0, 0] : f32 from vector<1x1x1xf32>
    %broadcast_in_dim3A_222 = vector.broadcast %get3A_221 : f32 to vector<8x4096xf32>
    %select_n3A_223 = arith.select %eq3A_216, %broadcast_in_dim3A_222, %select_n3A_213 : vector<8x4096xi1>, vector<8x4096xf32>
    %eq3A_224 = arith.constant 19 : i32
    %eq3A_225 = vector.broadcast %eq3A_224 : i32 to vector<8x4096xi32>
    %eq3A_226 = arith.cmpi eq, %convert_element_type3A_27, %eq3A_225 : vector<8x4096xi32>
    %get3A_227 = arith.constant 0 : index
    %get3A_228 = arith.constant 0 : index
    %get3A_229 = arith.constant 19 : index
    %get3A_230 = vector.load %arg1[%get3A_227, %get3A_228, %get3A_229] : memref<1x1x32xf32, #tpu.memory_space<vmem>>, vector<1x1x1xf32>
    %get3A_231 = vector.extract %get3A_230[0, 0, 0] : f32 from vector<1x1x1xf32>
    %broadcast_in_dim3A_232 = vector.broadcast %get3A_231 : f32 to vector<8x4096xf32>
    %select_n3A_233 = arith.select %eq3A_226, %broadcast_in_dim3A_232, %select_n3A_223 : vector<8x4096xi1>, vector<8x4096xf32>
    %eq3A_234 = arith.constant 20 : i32
    %eq3A_235 = vector.broadcast %eq3A_234 : i32 to vector<8x4096xi32>
    %eq3A_236 = arith.cmpi eq, %convert_element_type3A_27, %eq3A_235 : vector<8x4096xi32>
    %get3A_237 = arith.constant 0 : index
    %get3A_238 = arith.constant 0 : index
    %get3A_239 = arith.constant 20 : index
    %get3A_240 = vector.load %arg1[%get3A_237, %get3A_238, %get3A_239] : memref<1x1x32xf32, #tpu.memory_space<vmem>>, vector<1x1x1xf32>
    %get3A_241 = vector.extract %get3A_240[0, 0, 0] : f32 from vector<1x1x1xf32>
    %broadcast_in_dim3A_242 = vector.broadcast %get3A_241 : f32 to vector<8x4096xf32>
    %select_n3A_243 = arith.select %eq3A_236, %broadcast_in_dim3A_242, %select_n3A_233 : vector<8x4096xi1>, vector<8x4096xf32>
    %eq3A_244 = arith.constant 21 : i32
    %eq3A_245 = vector.broadcast %eq3A_244 : i32 to vector<8x4096xi32>
    %eq3A_246 = arith.cmpi eq, %convert_element_type3A_27, %eq3A_245 : vector<8x4096xi32>
    %get3A_247 = arith.constant 0 : index
    %get3A_248 = arith.constant 0 : index
    %get3A_249 = arith.constant 21 : index
    %get3A_250 = vector.load %arg1[%get3A_247, %get3A_248, %get3A_249] : memref<1x1x32xf32, #tpu.memory_space<vmem>>, vector<1x1x1xf32>
    %get3A_251 = vector.extract %get3A_250[0, 0, 0] : f32 from vector<1x1x1xf32>
    %broadcast_in_dim3A_252 = vector.broadcast %get3A_251 : f32 to vector<8x4096xf32>
    %select_n3A_253 = arith.select %eq3A_246, %broadcast_in_dim3A_252, %select_n3A_243 : vector<8x4096xi1>, vector<8x4096xf32>
    %eq3A_254 = arith.constant 22 : i32
    %eq3A_255 = vector.broadcast %eq3A_254 : i32 to vector<8x4096xi32>
    %eq3A_256 = arith.cmpi eq, %convert_element_type3A_27, %eq3A_255 : vector<8x4096xi32>
    %get3A_257 = arith.constant 0 : index
    %get3A_258 = arith.constant 0 : index
    %get3A_259 = arith.constant 22 : index
    %get3A_260 = vector.load %arg1[%get3A_257, %get3A_258, %get3A_259] : memref<1x1x32xf32, #tpu.memory_space<vmem>>, vector<1x1x1xf32>
    %get3A_261 = vector.extract %get3A_260[0, 0, 0] : f32 from vector<1x1x1xf32>
    %broadcast_in_dim3A_262 = vector.broadcast %get3A_261 : f32 to vector<8x4096xf32>
    %select_n3A_263 = arith.select %eq3A_256, %broadcast_in_dim3A_262, %select_n3A_253 : vector<8x4096xi1>, vector<8x4096xf32>
    %eq3A_264 = arith.constant 23 : i32
    %eq3A_265 = vector.broadcast %eq3A_264 : i32 to vector<8x4096xi32>
    %eq3A_266 = arith.cmpi eq, %convert_element_type3A_27, %eq3A_265 : vector<8x4096xi32>
    %get3A_267 = arith.constant 0 : index
    %get3A_268 = arith.constant 0 : index
    %get3A_269 = arith.constant 23 : index
    %get3A_270 = vector.load %arg1[%get3A_267, %get3A_268, %get3A_269] : memref<1x1x32xf32, #tpu.memory_space<vmem>>, vector<1x1x1xf32>
    %get3A_271 = vector.extract %get3A_270[0, 0, 0] : f32 from vector<1x1x1xf32>
    %broadcast_in_dim3A_272 = vector.broadcast %get3A_271 : f32 to vector<8x4096xf32>
    %select_n3A_273 = arith.select %eq3A_266, %broadcast_in_dim3A_272, %select_n3A_263 : vector<8x4096xi1>, vector<8x4096xf32>
    %eq3A_274 = arith.constant 24 : i32
    %eq3A_275 = vector.broadcast %eq3A_274 : i32 to vector<8x4096xi32>
    %eq3A_276 = arith.cmpi eq, %convert_element_type3A_27, %eq3A_275 : vector<8x4096xi32>
    %get3A_277 = arith.constant 0 : index
    %get3A_278 = arith.constant 0 : index
    %get3A_279 = arith.constant 24 : index
    %get3A_280 = vector.load %arg1[%get3A_277, %get3A_278, %get3A_279] : memref<1x1x32xf32, #tpu.memory_space<vmem>>, vector<1x1x1xf32>
    %get3A_281 = vector.extract %get3A_280[0, 0, 0] : f32 from vector<1x1x1xf32>
    %broadcast_in_dim3A_282 = vector.broadcast %get3A_281 : f32 to vector<8x4096xf32>
    %select_n3A_283 = arith.select %eq3A_276, %broadcast_in_dim3A_282, %broadcast_in_dim3A_35 : vector<8x4096xi1>, vector<8x4096xf32>
    %eq3A_284 = arith.constant 25 : i32
    %eq3A_285 = vector.broadcast %eq3A_284 : i32 to vector<8x4096xi32>
    %eq3A_286 = arith.cmpi eq, %convert_element_type3A_27, %eq3A_285 : vector<8x4096xi32>
    %get3A_287 = arith.constant 0 : index
    %get3A_288 = arith.constant 0 : index
    %get3A_289 = arith.constant 25 : index
    %get3A_290 = vector.load %arg1[%get3A_287, %get3A_288, %get3A_289] : memref<1x1x32xf32, #tpu.memory_space<vmem>>, vector<1x1x1xf32>
    %get3A_291 = vector.extract %get3A_290[0, 0, 0] : f32 from vector<1x1x1xf32>
    %broadcast_in_dim3A_292 = vector.broadcast %get3A_291 : f32 to vector<8x4096xf32>
    %select_n3A_293 = arith.select %eq3A_286, %broadcast_in_dim3A_292, %select_n3A_283 : vector<8x4096xi1>, vector<8x4096xf32>
    %eq3A_294 = arith.constant 26 : i32
    %eq3A_295 = vector.broadcast %eq3A_294 : i32 to vector<8x4096xi32>
    %eq3A_296 = arith.cmpi eq, %convert_element_type3A_27, %eq3A_295 : vector<8x4096xi32>
    %get3A_297 = arith.constant 0 : index
    %get3A_298 = arith.constant 0 : index
    %get3A_299 = arith.constant 26 : index
    %get3A_300 = vector.load %arg1[%get3A_297, %get3A_298, %get3A_299] : memref<1x1x32xf32, #tpu.memory_space<vmem>>, vector<1x1x1xf32>
    %get3A_301 = vector.extract %get3A_300[0, 0, 0] : f32 from vector<1x1x1xf32>
    %broadcast_in_dim3A_302 = vector.broadcast %get3A_301 : f32 to vector<8x4096xf32>
    %select_n3A_303 = arith.select %eq3A_296, %broadcast_in_dim3A_302, %select_n3A_293 : vector<8x4096xi1>, vector<8x4096xf32>
    %eq3A_304 = arith.constant 27 : i32
    %eq3A_305 = vector.broadcast %eq3A_304 : i32 to vector<8x4096xi32>
    %eq3A_306 = arith.cmpi eq, %convert_element_type3A_27, %eq3A_305 : vector<8x4096xi32>
    %get3A_307 = arith.constant 0 : index
    %get3A_308 = arith.constant 0 : index
    %get3A_309 = arith.constant 27 : index
    %get3A_310 = vector.load %arg1[%get3A_307, %get3A_308, %get3A_309] : memref<1x1x32xf32, #tpu.memory_space<vmem>>, vector<1x1x1xf32>
    %get3A_311 = vector.extract %get3A_310[0, 0, 0] : f32 from vector<1x1x1xf32>
    %broadcast_in_dim3A_312 = vector.broadcast %get3A_311 : f32 to vector<8x4096xf32>
    %select_n3A_313 = arith.select %eq3A_306, %broadcast_in_dim3A_312, %select_n3A_303 : vector<8x4096xi1>, vector<8x4096xf32>
    %eq3A_314 = arith.constant 28 : i32
    %eq3A_315 = vector.broadcast %eq3A_314 : i32 to vector<8x4096xi32>
    %eq3A_316 = arith.cmpi eq, %convert_element_type3A_27, %eq3A_315 : vector<8x4096xi32>
    %get3A_317 = arith.constant 0 : index
    %get3A_318 = arith.constant 0 : index
    %get3A_319 = arith.constant 28 : index
    %get3A_320 = vector.load %arg1[%get3A_317, %get3A_318, %get3A_319] : memref<1x1x32xf32, #tpu.memory_space<vmem>>, vector<1x1x1xf32>
    %get3A_321 = vector.extract %get3A_320[0, 0, 0] : f32 from vector<1x1x1xf32>
    %broadcast_in_dim3A_322 = vector.broadcast %get3A_321 : f32 to vector<8x4096xf32>
    %select_n3A_323 = arith.select %eq3A_316, %broadcast_in_dim3A_322, %select_n3A_313 : vector<8x4096xi1>, vector<8x4096xf32>
    %eq3A_324 = arith.constant 29 : i32
    %eq3A_325 = vector.broadcast %eq3A_324 : i32 to vector<8x4096xi32>
    %eq3A_326 = arith.cmpi eq, %convert_element_type3A_27, %eq3A_325 : vector<8x4096xi32>
    %get3A_327 = arith.constant 0 : index
    %get3A_328 = arith.constant 0 : index
    %get3A_329 = arith.constant 29 : index
    %get3A_330 = vector.load %arg1[%get3A_327, %get3A_328, %get3A_329] : memref<1x1x32xf32, #tpu.memory_space<vmem>>, vector<1x1x1xf32>
    %get3A_331 = vector.extract %get3A_330[0, 0, 0] : f32 from vector<1x1x1xf32>
    %broadcast_in_dim3A_332 = vector.broadcast %get3A_331 : f32 to vector<8x4096xf32>
    %select_n3A_333 = arith.select %eq3A_326, %broadcast_in_dim3A_332, %select_n3A_323 : vector<8x4096xi1>, vector<8x4096xf32>
    %eq3A_334 = arith.constant 30 : i32
    %eq3A_335 = vector.broadcast %eq3A_334 : i32 to vector<8x4096xi32>
    %eq3A_336 = arith.cmpi eq, %convert_element_type3A_27, %eq3A_335 : vector<8x4096xi32>
    %get3A_337 = arith.constant 0 : index
    %get3A_338 = arith.constant 0 : index
    %get3A_339 = arith.constant 30 : index
    %get3A_340 = vector.load %arg1[%get3A_337, %get3A_338, %get3A_339] : memref<1x1x32xf32, #tpu.memory_space<vmem>>, vector<1x1x1xf32>
    %get3A_341 = vector.extract %get3A_340[0, 0, 0] : f32 from vector<1x1x1xf32>
    %broadcast_in_dim3A_342 = vector.broadcast %get3A_341 : f32 to vector<8x4096xf32>
    %select_n3A_343 = arith.select %eq3A_336, %broadcast_in_dim3A_342, %select_n3A_333 : vector<8x4096xi1>, vector<8x4096xf32>
    %eq3A_344 = arith.constant 31 : i32
    %eq3A_345 = vector.broadcast %eq3A_344 : i32 to vector<8x4096xi32>
    %eq3A_346 = arith.cmpi eq, %convert_element_type3A_27, %eq3A_345 : vector<8x4096xi32>
    %get3A_347 = arith.constant 0 : index
    %get3A_348 = arith.constant 0 : index
    %get3A_349 = arith.constant 31 : index
    %get3A_350 = vector.load %arg1[%get3A_347, %get3A_348, %get3A_349] : memref<1x1x32xf32, #tpu.memory_space<vmem>>, vector<1x1x1xf32>
    %get3A_351 = vector.extract %get3A_350[0, 0, 0] : f32 from vector<1x1x1xf32>
    %broadcast_in_dim3A_352 = vector.broadcast %get3A_351 : f32 to vector<8x4096xf32>
    %select_n3A_353 = arith.select %eq3A_346, %broadcast_in_dim3A_352, %select_n3A_343 : vector<8x4096xi1>, vector<8x4096xf32>
    %add3A_354 = arith.addf %select_n3A_113, %select_n3A_193 : vector<8x4096xf32>
    %add3A_355 = arith.addf %select_n3A_273, %select_n3A_353 : vector<8x4096xf32>
    %add3A_356 = arith.addf %add3A_354, %add3A_355 : vector<8x4096xf32>
    %slice3A = vector.extract_strided_slice %add3A_356 {offsets = [0, 120], sizes = [8, 3968], strides = [1, 1]} : vector<8x4096xf32> to vector<8x3968xf32>
    %swap3A = arith.constant 0 : index
    %swap3A_357 = arith.constant 0 : index
    %swap3A_358 = arith.constant 0 : index
    %swap3A_359 = vector.load %arg2[%swap3A, %swap3A_357, %swap3A_358] : memref<1x128x3968xf32, #tpu.memory_space<vmem>>, vector<1x8x3968xf32>
    %swap3A_360 = vector.shape_cast %swap3A_359 : vector<1x8x3968xf32> to vector<8x3968xf32>
    %swap3A_361 = vector.shape_cast %slice3A : vector<8x3968xf32> to vector<1x8x3968xf32>
    tpu.vector_store %arg2[%swap3A, %swap3A_357, %swap3A_358], %swap3A_361 {strides = array<i32>} : memref<1x128x3968xf32, #tpu.memory_space<vmem>>, vector<1x8x3968xf32>,
    %slice3A_362 = vector.extract_strided_slice %add3A_356 {offsets = [0, 112], sizes = [8, 3968], strides = [1, 1]} : vector<8x4096xf32> to vector<8x3968xf32>
    %swap3A_363 = arith.constant 0 : index
    %swap3A_364 = arith.constant 8 : index
    %swap3A_365 = arith.constant 0 : index
    %swap3A_366 = vector.load %arg2[%swap3A_363, %swap3A_364, %swap3A_365] : memref<1x128x3968xf32, #tpu.memory_space<vmem>>, vector<1x8x3968xf32>
    %swap3A_367 = vector.shape_cast %swap3A_366 : vector<1x8x3968xf32> to vector<8x3968xf32>
    %swap3A_368 = vector.shape_cast %slice3A_362 : vector<8x3968xf32> to vector<1x8x3968xf32>
    tpu.vector_store %arg2[%swap3A_363, %swap3A_364, %swap3A_365], %swap3A_368 {strides = array<i32>} : memref<1x128x3968xf32, #tpu.memory_space<vmem>>, vector<1x8x3968xf32>,
    %slice3A_369 = vector.extract_strided_slice %add3A_356 {offsets = [0, 104], sizes = [8, 3968], strides = [1, 1]} : vector<8x4096xf32> to vector<8x3968xf32>
    %swap3A_370 = arith.constant 0 : index
    %swap3A_371 = arith.constant 16 : index
    %swap3A_372 = arith.constant 0 : index
    %swap3A_373 = vector.load %arg2[%swap3A_370, %swap3A_371, %swap3A_372] : memref<1x128x3968xf32, #tpu.memory_space<vmem>>, vector<1x8x3968xf32>
    %swap3A_374 = vector.shape_cast %swap3A_373 : vector<1x8x3968xf32> to vector<8x3968xf32>
    %swap3A_375 = vector.shape_cast %slice3A_369 : vector<8x3968xf32> to vector<1x8x3968xf32>
    tpu.vector_store %arg2[%swap3A_370, %swap3A_371, %swap3A_372], %swap3A_375 {strides = array<i32>} : memref<1x128x3968xf32, #tpu.memory_space<vmem>>, vector<1x8x3968xf32>,
    %slice3A_376 = vector.extract_strided_slice %add3A_356 {offsets = [0, 96], sizes = [8, 3968], strides = [1, 1]} : vector<8x4096xf32> to vector<8x3968xf32>
    %swap3A_377 = arith.constant 0 : index
    %swap3A_378 = arith.constant 24 : index
    %swap3A_379 = arith.constant 0 : index
    %swap3A_380 = vector.load %arg2[%swap3A_377, %swap3A_378, %swap3A_379] : memref<1x128x3968xf32, #tpu.memory_space<vmem>>, vector<1x8x3968xf32>
    %swap3A_381 = vector.shape_cast %swap3A_380 : vector<1x8x3968xf32> to vector<8x3968xf32>
    %swap3A_382 = vector.shape_cast %slice3A_376 : vector<8x3968xf32> to vector<1x8x3968xf32>
    tpu.vector_store %arg2[%swap3A_377, %swap3A_378, %swap3A_379], %swap3A_382 {strides = array<i32>} : memref<1x128x3968xf32, #tpu.memory_space<vmem>>, vector<1x8x3968xf32>,
    %slice3A_383 = vector.extract_strided_slice %add3A_356 {offsets = [0, 88], sizes = [8, 3968], strides = [1, 1]} : vector<8x4096xf32> to vector<8x3968xf32>
    %swap3A_384 = arith.constant 0 : index
    %swap3A_385 = arith.constant 32 : index
    %swap3A_386 = arith.constant 0 : index
    %swap3A_387 = vector.load %arg2[%swap3A_384, %swap3A_385, %swap3A_386] : memref<1x128x3968xf32, #tpu.memory_space<vmem>>, vector<1x8x3968xf32>
    %swap3A_388 = vector.shape_cast %swap3A_387 : vector<1x8x3968xf32> to vector<8x3968xf32>
    %swap3A_389 = vector.shape_cast %slice3A_383 : vector<8x3968xf32> to vector<1x8x3968xf32>
    tpu.vector_store %arg2[%swap3A_384, %swap3A_385, %swap3A_386], %swap3A_389 {strides = array<i32>} : memref<1x128x3968xf32, #tpu.memory_space<vmem>>, vector<1x8x3968xf32>,
    %slice3A_390 = vector.extract_strided_slice %add3A_356 {offsets = [0, 80], sizes = [8, 3968], strides = [1, 1]} : vector<8x4096xf32> to vector<8x3968xf32>
    %swap3A_391 = arith.constant 0 : index
    %swap3A_392 = arith.constant 40 : index
    %swap3A_393 = arith.constant 0 : index
    %swap3A_394 = vector.load %arg2[%swap3A_391, %swap3A_392, %swap3A_393] : memref<1x128x3968xf32, #tpu.memory_space<vmem>>, vector<1x8x3968xf32>
    %swap3A_395 = vector.shape_cast %swap3A_394 : vector<1x8x3968xf32> to vector<8x3968xf32>
    %swap3A_396 = vector.shape_cast %slice3A_390 : vector<8x3968xf32> to vector<1x8x3968xf32>
    tpu.vector_store %arg2[%swap3A_391, %swap3A_392, %swap3A_393], %swap3A_396 {strides = array<i32>} : memref<1x128x3968xf32, #tpu.memory_space<vmem>>, vector<1x8x3968xf32>,
    %slice3A_397 = vector.extract_strided_slice %add3A_356 {offsets = [0, 72], sizes = [8, 3968], strides = [1, 1]} : vector<8x4096xf32> to vector<8x3968xf32>
    %swap3A_398 = arith.constant 0 : index
    %swap3A_399 = arith.constant 48 : index
    %swap3A_400 = arith.constant 0 : index
    %swap3A_401 = vector.load %arg2[%swap3A_398, %swap3A_399, %swap3A_400] : memref<1x128x3968xf32, #tpu.memory_space<vmem>>, vector<1x8x3968xf32>
    %swap3A_402 = vector.shape_cast %swap3A_401 : vector<1x8x3968xf32> to vector<8x3968xf32>
    %swap3A_403 = vector.shape_cast %slice3A_397 : vector<8x3968xf32> to vector<1x8x3968xf32>
    tpu.vector_store %arg2[%swap3A_398, %swap3A_399, %swap3A_400], %swap3A_403 {strides = array<i32>} : memref<1x128x3968xf32, #tpu.memory_space<vmem>>, vector<1x8x3968xf32>,
    %slice3A_404 = vector.extract_strided_slice %add3A_356 {offsets = [0, 64], sizes = [8, 3968], strides = [1, 1]} : vector<8x4096xf32> to vector<8x3968xf32>
    %swap3A_405 = arith.constant 0 : index
    %swap3A_406 = arith.constant 56 : index
    %swap3A_407 = arith.constant 0 : index
    %swap3A_408 = vector.load %arg2[%swap3A_405, %swap3A_406, %swap3A_407] : memref<1x128x3968xf32, #tpu.memory_space<vmem>>, vector<1x8x3968xf32>
    %swap3A_409 = vector.shape_cast %swap3A_408 : vector<1x8x3968xf32> to vector<8x3968xf32>
    %swap3A_410 = vector.shape_cast %slice3A_404 : vector<8x3968xf32> to vector<1x8x3968xf32>
    tpu.vector_store %arg2[%swap3A_405, %swap3A_406, %swap3A_407], %swap3A_410 {strides = array<i32>} : memref<1x128x3968xf32, #tpu.memory_space<vmem>>, vector<1x8x3968xf32>,
    %slice3A_411 = vector.extract_strided_slice %add3A_356 {offsets = [0, 56], sizes = [8, 3968], strides = [1, 1]} : vector<8x4096xf32> to vector<8x3968xf32>
    %swap3A_412 = arith.constant 0 : index
    %swap3A_413 = arith.constant 64 : index
    %swap3A_414 = arith.constant 0 : index
    %swap3A_415 = vector.load %arg2[%swap3A_412, %swap3A_413, %swap3A_414] : memref<1x128x3968xf32, #tpu.memory_space<vmem>>, vector<1x8x3968xf32>
    %swap3A_416 = vector.shape_cast %swap3A_415 : vector<1x8x3968xf32> to vector<8x3968xf32>
    %swap3A_417 = vector.shape_cast %slice3A_411 : vector<8x3968xf32> to vector<1x8x3968xf32>
    tpu.vector_store %arg2[%swap3A_412, %swap3A_413, %swap3A_414], %swap3A_417 {strides = array<i32>} : memref<1x128x3968xf32, #tpu.memory_space<vmem>>, vector<1x8x3968xf32>,
    %slice3A_418 = vector.extract_strided_slice %add3A_356 {offsets = [0, 48], sizes = [8, 3968], strides = [1, 1]} : vector<8x4096xf32> to vector<8x3968xf32>
    %swap3A_419 = arith.constant 0 : index
    %swap3A_420 = arith.constant 72 : index
    %swap3A_421 = arith.constant 0 : index
    %swap3A_422 = vector.load %arg2[%swap3A_419, %swap3A_420, %swap3A_421] : memref<1x128x3968xf32, #tpu.memory_space<vmem>>, vector<1x8x3968xf32>
    %swap3A_423 = vector.shape_cast %swap3A_422 : vector<1x8x3968xf32> to vector<8x3968xf32>
    %swap3A_424 = vector.shape_cast %slice3A_418 : vector<8x3968xf32> to vector<1x8x3968xf32>
    tpu.vector_store %arg2[%swap3A_419, %swap3A_420, %swap3A_421], %swap3A_424 {strides = array<i32>} : memref<1x128x3968xf32, #tpu.memory_space<vmem>>, vector<1x8x3968xf32>,
    %slice3A_425 = vector.extract_strided_slice %add3A_356 {offsets = [0, 40], sizes = [8, 3968], strides = [1, 1]} : vector<8x4096xf32> to vector<8x3968xf32>
    %swap3A_426 = arith.constant 0 : index
    %swap3A_427 = arith.constant 80 : index
    %swap3A_428 = arith.constant 0 : index
    %swap3A_429 = vector.load %arg2[%swap3A_426, %swap3A_427, %swap3A_428] : memref<1x128x3968xf32, #tpu.memory_space<vmem>>, vector<1x8x3968xf32>
    %swap3A_430 = vector.shape_cast %swap3A_429 : vector<1x8x3968xf32> to vector<8x3968xf32>
    %swap3A_431 = vector.shape_cast %slice3A_425 : vector<8x3968xf32> to vector<1x8x3968xf32>
    tpu.vector_store %arg2[%swap3A_426, %swap3A_427, %swap3A_428], %swap3A_431 {strides = array<i32>} : memref<1x128x3968xf32, #tpu.memory_space<vmem>>, vector<1x8x3968xf32>,
    %slice3A_432 = vector.extract_strided_slice %add3A_356 {offsets = [0, 32], sizes = [8, 3968], strides = [1, 1]} : vector<8x4096xf32> to vector<8x3968xf32>
    %swap3A_433 = arith.constant 0 : index
    %swap3A_434 = arith.constant 88 : index
    %swap3A_435 = arith.constant 0 : index
    %swap3A_436 = vector.load %arg2[%swap3A_433, %swap3A_434, %swap3A_435] : memref<1x128x3968xf32, #tpu.memory_space<vmem>>, vector<1x8x3968xf32>
    %swap3A_437 = vector.shape_cast %swap3A_436 : vector<1x8x3968xf32> to vector<8x3968xf32>
    %swap3A_438 = vector.shape_cast %slice3A_432 : vector<8x3968xf32> to vector<1x8x3968xf32>
    tpu.vector_store %arg2[%swap3A_433, %swap3A_434, %swap3A_435], %swap3A_438 {strides = array<i32>} : memref<1x128x3968xf32, #tpu.memory_space<vmem>>, vector<1x8x3968xf32>,
    %slice3A_439 = vector.extract_strided_slice %add3A_356 {offsets = [0, 24], sizes = [8, 3968], strides = [1, 1]} : vector<8x4096xf32> to vector<8x3968xf32>
    %swap3A_440 = arith.constant 0 : index
    %swap3A_441 = arith.constant 96 : index
    %swap3A_442 = arith.constant 0 : index
    %swap3A_443 = vector.load %arg2[%swap3A_440, %swap3A_441, %swap3A_442] : memref<1x128x3968xf32, #tpu.memory_space<vmem>>, vector<1x8x3968xf32>
    %swap3A_444 = vector.shape_cast %swap3A_443 : vector<1x8x3968xf32> to vector<8x3968xf32>
    %swap3A_445 = vector.shape_cast %slice3A_439 : vector<8x3968xf32> to vector<1x8x3968xf32>
    tpu.vector_store %arg2[%swap3A_440, %swap3A_441, %swap3A_442], %swap3A_445 {strides = array<i32>} : memref<1x128x3968xf32, #tpu.memory_space<vmem>>, vector<1x8x3968xf32>,
    %slice3A_446 = vector.extract_strided_slice %add3A_356 {offsets = [0, 16], sizes = [8, 3968], strides = [1, 1]} : vector<8x4096xf32> to vector<8x3968xf32>
    %swap3A_447 = arith.constant 0 : index
    %swap3A_448 = arith.constant 104 : index
    %swap3A_449 = arith.constant 0 : index
    %swap3A_450 = vector.load %arg2[%swap3A_447, %swap3A_448, %swap3A_449] : memref<1x128x3968xf32, #tpu.memory_space<vmem>>, vector<1x8x3968xf32>
    %swap3A_451 = vector.shape_cast %swap3A_450 : vector<1x8x3968xf32> to vector<8x3968xf32>
    %swap3A_452 = vector.shape_cast %slice3A_446 : vector<8x3968xf32> to vector<1x8x3968xf32>
    tpu.vector_store %arg2[%swap3A_447, %swap3A_448, %swap3A_449], %swap3A_452 {strides = array<i32>} : memref<1x128x3968xf32, #tpu.memory_space<vmem>>, vector<1x8x3968xf32>,
    %slice3A_453 = vector.extract_strided_slice %add3A_356 {offsets = [0, 8], sizes = [8, 3968], strides = [1, 1]} : vector<8x4096xf32> to vector<8x3968xf32>
    %swap3A_454 = arith.constant 0 : index
    %swap3A_455 = arith.constant 112 : index
    %swap3A_456 = arith.constant 0 : index
    %swap3A_457 = vector.load %arg2[%swap3A_454, %swap3A_455, %swap3A_456] : memref<1x128x3968xf32, #tpu.memory_space<vmem>>, vector<1x8x3968xf32>
    %swap3A_458 = vector.shape_cast %swap3A_457 : vector<1x8x3968xf32> to vector<8x3968xf32>
    %swap3A_459 = vector.shape_cast %slice3A_453 : vector<8x3968xf32> to vector<1x8x3968xf32>
    tpu.vector_store %arg2[%swap3A_454, %swap3A_455, %swap3A_456], %swap3A_459 {strides = array<i32>} : memref<1x128x3968xf32, #tpu.memory_space<vmem>>, vector<1x8x3968xf32>,
    %slice3A_460 = vector.extract_strided_slice %add3A_356 {offsets = [0, 0], sizes = [8, 3968], strides = [1, 1]} : vector<8x4096xf32> to vector<8x3968xf32>
    %swap3A_461 = arith.constant 0 : index
    %swap3A_462 = arith.constant 120 : index
    %swap3A_463 = arith.constant 0 : index
    %swap3A_464 = vector.load %arg2[%swap3A_461, %swap3A_462, %swap3A_463] : memref<1x128x3968xf32, #tpu.memory_space<vmem>>, vector<1x8x3968xf32>
    %swap3A_465 = vector.shape_cast %swap3A_464 : vector<1x8x3968xf32> to vector<8x3968xf32>
    %swap3A_466 = vector.shape_cast %slice3A_460 : vector<8x3968xf32> to vector<1x8x3968xf32>
    tpu.vector_store %arg2[%swap3A_461, %swap3A_462, %swap3A_463], %swap3A_466 {strides = array<i32>} : memref<1x128x3968xf32, #tpu.memory_space<vmem>>, vector<1x8x3968xf32>,
    return
  }
  func.func @transform_0(%arg0: i32) -> (i32, i32, i32) {
    %c0_i32 = arith.constant 0 : i32
    %c0_i32_0 = arith.constant 0 : i32
    %c0_i32_1 = arith.constant 0 : i32
    return %arg0, %c0_i32, %c0_i32_0 : i32, i32, i32
  }
  func.func @transform_1(%arg0: i32) -> (i32, i32, i32) {
    %c0_i32 = arith.constant 0 : i32
    %c0_i32_0 = arith.constant 0 : i32
    %c0_i32_1 = arith.constant 0 : i32
    return %arg0, %c0_i32, %c0_i32_0 : i32, i32, i32
  }
}

</mosaic_0001>

<sc_bundles>
// kernel: kernel.4.cloned.1.call-start
scs
__scs_entry_jumppad:
0x0: {  	(pc) =	sbr.rel $0x88, $3  }
0x1: {  	(tag) =	ssettag $0x0;
	lr =	simm.s32 $0x1  }
0x2: {  	[smem:$0x3FA0] =	sst lr;
	_ =	strace $0xD0000000  }
0x3: {  	_ = 	snop  }
0x4: {  	_ = 	snop  }
0x5: {  	_ = 	snop  }
0x6: {  	_ = 	snop  }
0x7: {  	_ = 	snop  }
__scs_overlays_trampoline_lowered:
0x8: {  	[smem:$0x3FAF] =	sst s0  }
0x9: {  	[smem:$0x3FB0] =	sst s1  }
0xa: {  	[smem:$0x3FB1] =	sst s2  }
0xb: {  	[smem:$0x3FB2] =	sst s3  }
0xc: {  	[smem:$0x3FB3] =	sst s4  }
0xd: {  	[smem:$0x3FB4] =	sst s5  }
0xe: {  	[smem:$0x3FB5] =	sst s6  }
0xf: {  	[smem:$0x3FB6] =	sst s7  }
0x10: {  	[smem:$0x3FB7] =	sst s8  }
0x11: {  	[smem:$0x3FB8] =	sst s9;
	s0 =	simm.s32 @!p0 $0x0  }
0x12: {  	s1 =	sld [smem:$0x3F9E];
	s0 =	simm.s32 @p0 $0x1  }
0x13: {  	[smem:$0x3FB9] =	sst s0;
	s0 =	simm.s32 @!p1 $0x0  }
0x14: {  	s2 =	sld [smem:$0x3F9D];
	s0 =	simm.s32 @p1 $0x1  }
0x15: {  	[smem:$0x3FBA] =	sst s0;
	s0 =	simm.s32 @!p2 $0x0  }
0x16: {  	s3 =	sld [smem:$0x3FDB];
	s0 =	simm.s32 @p2 $0x1  }
0x17: {  	s4 =	simm.s32 $0x1BF5;
	[smem:$0x3FBC] =	sst s0  }
0x18: {  	s0 =	sld [smem:$0x3F9F];
	_ =	swait.ge [sflag:s4], $0x0  }
0x19: {  	s7 =	sld [smem:$0x3FA0]  }
0x1a: {  	s8 =	sadd.s32 $0xFFFFE003, lr  }
0x1b: {  	s9 =	sadd.s32 $0xFFFFFEF7, lr;
	s5 =	simm.s32 $0xFFFFFFFF;
	p2 =	slt.u32 s8, $0xFFFFF086  }
0x1c: {  	p1 =	slt.u32 s9, $0xF7A;
	s5 =	simm.s32 @!p2 $0x0  }
0x1d: {  	s5 =	simm.s32 @p1 $0x1;
	p0 =	seq.s32 s7, s2  }
0x1e: {  	s7 =	smul.u32 @!p0 $0xF7A, s2;
	p2 =	seq.s32 @!p0 s5, $0x0  }
0x1f: {  	s9 =	smul.u32 $0xF7A, s1;
	s8 =	simm.s32 @!p0 $0x1BF5;
	p2 =	por !p2, p0  }
0x20: {  	[sflag:s8] =	ssyncset.s32 @!p0 $0xFFFFF086;
	s6 =	sadd.s32 @!p0 s3, s7;
	s7 =	simm.s32 @!p0 $0x108  }
0x21: {  	s3 =	sadd.s32 s3, s9;
	s6 =	sadd.s32 @!p0 $0x88, s6;
	s7 =	simm.s32 @p2 $0x1082  }
0x22: {  	[simem:s7], [sflag:s8] =	dma.local @!p0 [hbm:s6], $0xF7A  }
0x23: {  	s9 =	sor.u32 $0xD0000000, s2;
	s6 =	simm.s32 $0x108;
	_ =	swait.ge @!p0 [sflag:s8], $0x0  }
0x24: {  	s3 =	sadd.s32 $0x88, s3;
	s6 =	simm.s32 @!p1 $0x1082;
	[sflag:s4] =	ssyncset.s32 $0xFFFFF086  }
0x25: {  	[simem:s6], [sflag:s4] =	dma.local [hbm:s3], $0xF7A  }
0x26: {  	[smem:$0x3FA0] =	sst s1;
	(tag) =	ssettag s2;
	_ =	strace s9  }
0x27: {  	s1 =	sld [smem:$0x3FB0]  }
0x28: {  	s2 =	sld [smem:$0x3FB1]  }
0x29: {  	s4 =	sld [smem:$0x3FB3]  }
0x2a: {  	p0 =	seq.s32 s5, $0x0;
	s5 =	sld [smem:$0x3FB4]  }
0x2b: {  	s6 =	sld [smem:$0x3FB5]  }
0x2c: {  	s7 =	sld [smem:$0x3FB6]  }
0x2d: {  	s3 =	simm.s32 $0x108;
	s8 =	sld [smem:$0x3FB7]  }
0x2e: {  	s3 =	simm.s32 @!p0 $0x1082;
	s9 =	sld [smem:$0x3FB8]  }
0x2f: {  	lr =	sadd.s32 s0, s3;
	s0 =	sld [smem:$0x3FAF]  }
0x30: {  	s3 =	sld [smem:$0x3FB2]  }
0x31: {  	[smem:$0x3FBB] =	sst s10  }
0x32: {  	s10 =	sld [smem:$0x3FB9];
	_ =	sdelay $0x3  }
0x33: {  	p0 =	seq.s32 s10, $0x1;
	s10 =	sld [smem:$0x3FBB];
	_ =	sdelay $0x3  }
0x34: {  	[smem:$0x3FBB] =	sst s10  }
0x35: {  	s10 =	sld [smem:$0x3FBA];
	_ =	sdelay $0x3  }
0x36: {  	p1 =	seq.s32 s10, $0x1;
	s10 =	sld [smem:$0x3FBB];
	_ =	sdelay $0x3  }
0x37: {  	[smem:$0x3FBB] =	sst s10  }
0x38: {  	s10 =	sld [smem:$0x3FBC]  }
0x39: {  	_ = 	snop;
	(pc) =	sbr.ind lr, $3  }
0x3a: {  	_ = 	snop  }
0x3b: {  	_ = 	snop  }
0x3c: {  	p2 =	seq.s32 s10, $0x1;
	s10 =	sld [smem:$0x3FBB]  }
0x3d: {  	_ =	shalt  }
0x3e: {  	_ =	shalt  }
0x3f: {  	_ =	shalt  }
0x40: {  	_ =	shalt  }
0x41: {  	_ =	shalt  }
0x42: {  	_ =	shalt  }
0x43: {  	_ =	shalt  }
0x44: {  	_ =	shalt  }
0x45: {  	_ =	shalt  }
0x46: {  	_ =	shalt  }
0x47: {  	_ =	shalt  }
0x48: {  	_ =	shalt  }
0x49: {  	_ =	shalt  }
0x4a: {  	_ =	shalt  }
0x4b: {  	_ =	shalt  }
0x4c: {  	_ =	shalt  }
0x4d: {  	_ =	shalt  }
0x4e: {  	_ =	shalt  }
0x4f: {  	_ =	shalt  }
0x50: {  	_ =	shalt  }
0x51: {  	_ =	shalt  }
0x52: {  	_ =	shalt  }
0x53: {  	_ =	shalt  }
0x54: {  	_ =	shalt  }
0x55: {  	_ =	shalt  }
0x56: {  	_ =	shalt  }
0x57: {  	_ =	shalt  }
0x58: {  	_ =	shalt  }
0x59: {  	_ =	shalt  }
0x5a: {  	_ =	shalt  }
0x5b: {  	_ =	shalt  }
0x5c: {  	_ =	shalt  }
0x5d: {  	_ =	shalt  }
0x5e: {  	_ =	shalt  }
0x5f: {  	_ =	shalt  }
0x60: {  	_ =	shalt  }
0x61: {  	_ =	shalt  }
0x62: {  	_ =	shalt  }
0x63: {  	_ =	shalt  }
0x64: {  	_ =	shalt  }
0x65: {  	_ =	shalt  }
0x66: {  	_ =	shalt  }
0x67: {  	_ =	shalt  }
0x68: {  	_ =	shalt  }
0x69: {  	_ =	shalt  }
0x6a: {  	_ =	shalt  }
0x6b: {  	_ =	shalt  }
0x6c: {  	_ =	shalt  }
0x6d: {  	_ =	shalt  }
0x6e: {  	_ =	shalt  }
0x6f: {  	_ =	shalt  }
0x70: {  	_ =	shalt  }
0x71: {  	_ =	shalt  }
0x72: {  	_ =	shalt  }
0x73: {  	_ =	shalt  }
0x74: {  	_ =	shalt  }
0x75: {  	_ =	shalt  }
0x76: {  	_ =	shalt  }
0x77: {  	_ =	shalt  }
0x78: {  	_ =	shalt  }
0x79: {  	_ =	shalt  }
0x7a: {  	_ =	shalt  }
0x7b: {  	_ =	shalt  }
0x7c: {  	_ =	shalt  }
0x7d: {  	_ =	shalt  }
0x7e: {  	_ =	shalt  }
0x7f: {  	_ =	shalt  }
0x80: {  	_ =	shalt  }
0x81: {  	_ =	shalt  }
0x82: {  	_ =	shalt  }
0x83: {  	_ =	shalt  }
0x84: {  	_ =	shalt  }
0x85: {  	_ =	shalt  }
0x86: {  	_ =	shalt  }
0x87: {  	_ =	shalt  }
.Lfunc_end0:
.L_simem_size_0:
called_computation_lowered:
.L_overlay_start_0:
0x88: {  	s2 =	sld [smem:$0x3FD9]  }
0x89: {  	s3 =	sld [smem:$0x3FFE];
	_ =	sdelay $0x1  }
0x8a: {  	s1 =	srdreg.scid  }
0x8b: {  	s0 =	sand.u32 $0x1, s1  }
0x8c: {  	s17 =	sshll.u32 s0, $0xA;
	s2 =	sadd.s32 s3, s2  }
0x8d: {  	s2 =	sadd.s32 s2, s17  }
0x8e: {  	[smem:$0x3FC7] =	sst s2  }
0x8f: {  	_ = 	snop  }
0x90: {  	s2 =	sld [smem:$0x3FD0];
	(tm) =	ssettm $0x1  }
0x91: {  	s18 =	sld [smem:$0x3FFB];
	_ =	sdelay $0x3  }
0x92: {  	_ =	strace s18  }
0x93: {  	s3 =	sld [smem:$0x3FFC];
	_ =	sdelay $0x3  }
0x94: {  	_ =	strace s3  }
0x95: {  	s3 =	sld [smem:$0x3FFD];
	_ =	sdelay $0x3  }
0x96: {  	_ =	strace s3  }
0x97: {  	_ =	strace $0x8FFFFFFF  }
0x98: {  	s19 =	sld [smem:$0x3FDB];
	_ =	sdelay $0x1  }
0x99: {  	s4 =	simm.s32 $_scs_section_size  }
0x9a: {  	s5 =	simm.s32 $_size__tile_overlayer_lowered;
	s6 =	simm.s32 $_tile_overlayer_lowered  }
0x9b: {  	s22 =	simm.s32 $0x1BFF;
	s21 =	sshll.u32 s6, $0x1;
	s3 =	sadd.s32 s4, s19  }
0x9c: {  	s7 =	simm.s32 $0x0;
	s20 =	sshll.u32 s5, $0x1;
	s5 =	sadd.s32 s21, s3  }
0x9d: {  	[timem:s7], [sflag:s22] =	dma.local [hbm:s5], s20  }
0x9e: {  	_ =	swait.ge [sflag:s22], s20  }
0x9f: {  	s4 =	ssub.s32 $0x0, s20;
	[sflag:s22] =	ssyncset.done $0x0  }
0xa0: {  	[sflag:s22] =	ssyncadd.s32 s4;
	_ =	sdelay $0x1  }
0xa1: {  	s23 =	simm.s32 $0x1B8B  }
0xa2: {  	_ =	swait.ge [sflag:s23], $0x1  }
0xa3: {  	[sflag:s23] =	ssyncset.done $0x0  }
0xa4: {  	s25 =	simm.s32 $0x1B8E;
	s24 =	sld [smem:$0x3FFE];
	[sflag:s23] =	ssyncadd.s32 $0xFFFFFFFF  }
0xa5: {  	s26 =	simm.s32 $execute0_lowered;
	[smem:$0x3FD2] =	sst s25  }
0xa6: {  	s5 =	sshll.u32 s26, $0x1;
	_ =	strace $0x80000046;
	[dreg:$0x1] =	wrdreg $0xFFFFFFFF  }
0xa7: {  	s28 =	simm.s32 $_size_execute0_lowered;
	s3 =	sadd.s32 s3, s5;
	[dreg:$0x0] =	wrdreg $0x0  }
0xa8: {  	s5 =	sshll.u32 s28, $0x1;
	[dreg:$0x2] =	wrdreg s3  }
0xa9: {  	[dreg:$0x3] =	wrdreg s5  }
0xaa: {  	[dreg:$0x4] =	wrdreg $0xC0  }
0xab: {  	_ =	task [dreg:s7], $0x5FFFF  }
0xac: {  	[dreg:$0x1] =	wrdreg $0xFFFFFFFF  }
0xad: {  	[dreg:$0x0] =	wrdreg $0x60  }
0xae: {  	[dreg:$0x2] =	wrdreg s24  }
0xaf: {  	[dreg:$0x3] =	wrdreg s2  }
0xb0: {  	[dreg:$0x4] =	wrdreg $0x9  }
0xb1: {  	_ =	task.clear_ibuf [dreg:s7], $0x5FFFF;
	_ =	strace $0x90000046  }
0xb2: {  	s29 =	simm.s32 $0x9;
	_ =	strace $0x80000048  }
0xb3: {  	_ =	swait.ge [sflag:s29], $0x1  }
0xb4: {  	[sflag:s29] =	ssyncadd.s32 $0xFFFFFFFF  }
0xb5: {  	_ =	strace $0x90000048  }
0xb6: {  	_ =	sfence  }
0xb7: {  	s30 =	sld [smem:$0x0];
	_ =	sdelay $0x2  }
0xb8: {  	s31 =	sshll.u32 s1, $0xD;
	s1 =	sshrl.u32 s1, $0x2  }
0xb9: {  	s3 =	sand.u32 $0x4000, s31;
	s1 =	sadd.s32 s1, s30  }
0xba: {  	s0 =	sor.u32 s3, s0;
	s1 =	sshll.u32 s1, $0x11  }
0xbb: {  	s0 =	sor.u32 s1, s0  }
0xbc: {  	s0 =	sadd.s32 $0x8F2B, s0  }
0xbd: {  	[sflag:s0] =	ssyncadd.remote.s32 $0x1  }
0xbe: {  	_ =	sfence.sel $0xFFFF  }
0xbf: {  	[dreg:$0x0] =	wrdreg $0xFFFFFFFF;
	(pc) =	sbr.abs _section_cstart, $3  }
0xc0: {  	[dreg:$0x1] =	wrdreg $0xFFFFFFFF  }
0xc1: {  	_ =	task.clear_ibuf [dreg:s7], $0x2FFFF;
	_ =	strace $0x9FFFFFFF  }
0xc2: {  	(tm) =	ssettm $0x7FFFFFFF  }
0xc3: {  	_ =	shalt  }
tec
execute0_lowered:
.L_overlay_start_1:
0x0: {  	(tag) =	ssettag $0x1  }
0x1: {  	s0 =	srdreg.scid;
	s3 =	rddreg [dreg:$0x0]  }
0x2: {  	s5 =	stileid.u32;
	s1 =	rddreg [dreg:$0x1]  }
0x3: {  	s2 =	simm.s32 $0x0;
	s11 =	sand.u32 $0x1, s0;
	s19 =	smul.u32 $0x7C000, s5  }
0x4: {  	[smem:$0x7FF] =	sst s2;
	s4 =	smul.u32 $0x3E000, s11  }
0x5: {  	s20 =	sshll.u32 s5, $0x13;
	s15 =	sadd.s32 $0x100, s1;
	s21 =	sshll.u32 s11, $0xE  }
0x6: {  	_ =	strace $0x80000047;
	s0 =	sadd.s32 s4, s19;
	s4 =	sor.u32 s21, s20  }
0x7: {  	s20 =	sadd.s32 $0x180, s1;
	s21 =	sadd.s32 $0x200, s1;
	s10 =	sor.u32 $0x78000, s4  }
0x8: {  	s0 =	sshrl.u32 s0, $0x3;
	s12 =	sor.u32 $0x40000, s4;
	s9 =	sadd.s32 s1, s10  }
0x9: {  	s13 =	sor.u32 $0x50000, s4;
	s24 =	sadd.s32 s1, s12;
	[dreg:$0x5] =	wrdreg s9  }
0xa: {  	s8 =	sor.u32 $0x58000, s4;
	s26 =	sadd.s32 s13, s15;
	[dreg:$0x7] =	wrdreg s24  }
0xb: {  	s7 =	sor.u32 $0x60000, s4;
	s16 =	sadd.s32 s8, s20;
	[dreg:$0x9] =	wrdreg s26  }
0xc: {  	s0 =	sadd.s32 s0, s3;
	s17 =	sadd.s32 s7, s21;
	[dreg:$0xa] =	wrdreg s16  }
0xd: {  	s3 =	sadd.s32 $0x600, s0;
	[dreg:$0xb] =	wrdreg s17  }
0xe: {  	s14 =	sadd.s32 $0x80, s1;
	s22 =	sadd.s32 $0x980, s0;
	[dreg:$0x3] =	wrdreg s3  }
0xf: {  	s6 =	sor.u32 $0x68000, s4;
	s23 =	sadd.s32 $0xD00, s0;
	[dreg:$0x4] =	wrdreg s22  }
0x10: {  	s5 =	sor.u32 $0x70000, s4;
	s16 =	sadd.s32 $0x1080, s0;
	[dreg:$0x6] =	wrdreg s23  }
0x11: {  	s0 =	sadd.s32 $0x1400, s0;
	s3 =	sor.u32 $0x48000, s4;
	[dreg:$0xf] =	wrdreg s16  }
0x12: {  	s22 =	sadd.s32 $0x280, s1;
	[smem:$0x7FA] =	sst s0;
	s25 =	sadd.s32 s3, s14  }
0x13: {  	s23 =	sadd.s32 $0x300, s1;
	s18 =	sadd.s32 s6, s22;
	[dreg:$0x8] =	wrdreg s25  }
0x14: {  	s9 =	sor.u32 $0x10000, s4;
	s19 =	sadd.s32 s5, s23;
	[dreg:$0xc] =	wrdreg s18  }
0x15: {  	s16 =	sor.u32 $0x20000, s4;
	s14 =	sadd.s32 s9, s14;
	[dreg:$0xd] =	wrdreg s19  }
0x16: {  	s24 =	sadd.s32 $0x380, s1;
	s20 =	sadd.s32 s16, s20;
	[dreg:$0x11] =	wrdreg s14  }
0x17: {  	s25 =	sadd.s32 s10, s24;
	s18 =	sor.u32 $0x8000, s4;
	[dreg:$0x13] =	wrdreg s20  }
0x18: {  	s19 =	sor.u32 $0x18000, s4;
	[dreg:$0xe] =	wrdreg s25;
	s26 =	sadd.s32 s1, s18  }
0x19: {  	s17 =	sor.u32 $0x28000, s4;
	s15 =	sadd.s32 s19, s15;
	[dreg:$0x10] =	wrdreg s26  }
0x1a: {  	s14 =	sor.u32 $0x38000, s4;
	s25 =	sadd.s32 s17, s21;
	[dreg:$0x12] =	wrdreg s15  }
0x1b: {  	s21 =	sadd.s32 s14, s23;
	[dreg:$0x14] =	wrdreg s25  }
0x1c: {  	s23 =	sadd.s32 s4, s23;
	[dreg:$0x16] =	wrdreg s21  }
0x1d: {  	s15 =	sor.u32 $0x30000, s4;
	[dreg:$0x1a] =	wrdreg s23;
	s23 =	simm.s32 $0x5000  }
0x1e: {  	s26 =	sadd.s32 s15, s22;
	[smem:$0x792] =	sst s23  }
0x1f: {  	s21 =	sadd.s32 $0x400, s1;
	s22 =	sadd.s32 s12, s24;
	[dreg:$0x15] =	wrdreg s26  }
0x20: {  	s25 =	sadd.s32 s3, s21;
	[dreg:$0x17] =	wrdreg s22  }
0x21: {  	s24 =	sadd.s32 s18, s24;
	[dreg:$0x18] =	wrdreg s25  }
0x22: {  	s23 =	simm.s32 $0x1400;
	[dreg:$0x1b] =	wrdreg s24  }
0x23: {  	s25 =	sadd.s32 s9, s21;
	[smem:$0x798] =	sst s23  }
0x24: {  	s21 =	simm.s32 $0x1800;
	[dreg:$0x1c] =	wrdreg s25  }
0x25: {  	s24 =	simm.s32 $0x6C00;
	[dreg:$0x1e] =	wrdreg s21  }
0x26: {  	s22 =	sadd.s32 $0x480, s1;
	s23 =	simm.s32 $0xBC00;
	[smem:$0x793] =	sst s24  }
0x27: {  	s26 =	sadd.s32 s13, s22;
	[smem:$0x79E] =	sst s23  }
0x28: {  	s25 =	simm.s32 $0x8800;
	[dreg:$0x19] =	wrdreg s26  }
0x29: {  	s21 =	simm.s32 $0xC000;
	[smem:$0x794] =	sst s25  }
0x2a: {  	s24 =	simm.s32 $0x3000;
	[smem:$0x796] =	sst s21  }
0x2b: {  	s23 =	simm.s32 $0x8000;
	[smem:$0x799] =	sst s24  }
0x2c: {  	s13 =	sadd.s32 s1, s13;
	[smem:$0x7A4] =	sst s23  }
0x2d: {  	s26 =	sadd.s32 s19, s22;
	[smem:$0x7D8] =	sst s13  }
0x2e: {  	s22 =	simm.s32 $0x3400;
	[dreg:$0x1d] =	wrdreg s26  }
0x2f: {  	s25 =	simm.s32 $0x4C00;
	[dreg:$0x1f] =	wrdreg s22  }
0x30: {  	s21 =	simm.s32 $0x8400;
	[smem:$0x79A] =	sst s25  }
0x31: {  	s24 =	simm.s32 $0xD800;
	[smem:$0x79C] =	sst s21  }
0x32: {  	s23 =	simm.s32 $0x4400;
	[smem:$0x79F] =	sst s24  }
0x33: {  	s19 =	sadd.s32 s1, s19;
	[smem:$0x7AA] =	sst s23  }
0x34: {  	s13 =	simm.s32 $0x10000;
	[smem:$0x7DE] =	sst s19  }
0x35: {  	s26 =	simm.s32 $0xA400;
	[smem:$0x7E5] =	sst s13  }
0x36: {  	s22 =	simm.s32 $0xDC00;
	[smem:$0x795] =	sst s26  }
0x37: {  	s25 =	simm.s32 $0x1000;
	[smem:$0x797] =	sst s22  }
0x38: {  	s21 =	simm.s32 $0x4800;
	[smem:$0x7A0] =	sst s25  }
0x39: {  	s24 =	simm.s32 $0x9C00;
	[smem:$0x7A2] =	sst s21  }
0x3a: {  	s23 =	simm.s32 $0x2400;
	[smem:$0x7A5] =	sst s24  }
0x3b: {  	s26 =	simm.s32 $0x6800;
	[smem:$0x7B0] =	sst s23  }
0x3c: {  	s22 =	simm.s32 $0xA000;
	[smem:$0x79B] =	sst s26  }
0x3d: {  	s25 =	simm.s32 $0xB800;
	[smem:$0x79D] =	sst s22  }
0x3e: {  	s21 =	simm.s32 $0xC00;
	[smem:$0x7A6] =	sst s25  }
0x3f: {  	s24 =	simm.s32 $0x6000;
	[smem:$0x7A8] =	sst s21  }
0x40: {  	s23 =	simm.s32 $0xF800;
	[smem:$0x7AB] =	sst s24  }
0x41: {  	s26 =	simm.s32 $0x2C00;
	[smem:$0x7B6] =	sst s23  }
0x42: {  	s22 =	simm.s32 $0x6400;
	[smem:$0x7A1] =	sst s26  }
0x43: {  	s25 =	simm.s32 $0x9800;
	[smem:$0x7A3] =	sst s22  }
0x44: {  	s21 =	simm.s32 $0xD000;
	[smem:$0x7AC] =	sst s25  }
0x45: {  	s24 =	simm.s32 $0x5C00;
	[smem:$0x7AE] =	sst s21  }
0x46: {  	s23 =	simm.s32 $0x1A000;
	[smem:$0x7B1] =	sst s24  }
0x47: {  	s26 =	simm.s32 $0xD400;
	[smem:$0x7BC] =	sst s23  }
0x48: {  	s22 =	simm.s32 $0x2800;
	[smem:$0x7A7] =	sst s26  }
0x49: {  	s25 =	simm.s32 $0x7800;
	[smem:$0x7A9] =	sst s22  }
0x4a: {  	s21 =	simm.s32 $0xB000;
	[smem:$0x7B2] =	sst s25  }
0x4b: {  	s24 =	simm.s32 $0x11400;
	[smem:$0x7B4] =	sst s21  }
0x4c: {  	s23 =	simm.s32 $0x16400;
	[smem:$0x7B7] =	sst s24  }
0x4d: {  	s26 =	simm.s32 $0xB400;
	[smem:$0x7C2] =	sst s23  }
0x4e: {  	s22 =	simm.s32 $0x800;
	[smem:$0x7AD] =	sst s26  }
0x4f: {  	s25 =	simm.s32 $0x13000;
	[smem:$0x7AF] =	sst s22  }
0x50: {  	s21 =	simm.s32 $0x16800;
	[smem:$0x7B8] =	sst s25  }
0x51: {  	s24 =	simm.s32 $0x1BC00;
	[smem:$0x7BA] =	sst s21  }
0x52: {  	s23 =	simm.s32 $0x12800;
	[smem:$0x7BD] =	sst s24  }
0x53: {  	s26 =	simm.s32 $0x9400;
	[smem:$0x7C8] =	sst s23  }
0x54: {  	s22 =	simm.s32 $0xCC00;
	[smem:$0x7B3] =	sst s26  }
0x55: {  	s25 =	simm.s32 $0xF400;
	[smem:$0x7B5] =	sst s22  }
0x56: {  	s21 =	simm.s32 $0x12C00;
	[smem:$0x7BE] =	sst s25  }
0x57: {  	s24 =	simm.s32 $0x18000;
	[smem:$0x7C0] =	sst s21  }
0x58: {  	s23 =	simm.s32 $0xEC00;
	[smem:$0x7C3] =	sst s24  }
0x59: {  	s26 =	simm.s32 $0x14C00;
	[smem:$0x7CE] =	sst s23  }
0x5a: {  	s22 =	simm.s32 $0x18400;
	[smem:$0x7B9] =	sst s26  }
0x5b: {  	s25 =	simm.s32 $0x19C00;
	[smem:$0x7BB] =	sst s22  }
0x5c: {  	s21 =	simm.s32 $0xF000;
	[smem:$0x7C4] =	sst s25  }
0x5d: {  	s24 =	simm.s32 $0x14400;
	[smem:$0x7C6] =	sst s21  }
0x5e: {  	s23 =	simm.s32 $0x19400;
	[smem:$0x7C9] =	sst s24  }
0x5f: {  	s26 =	simm.s32 $0x11000;
	[smem:$0x7D4] =	sst s23  }
0x60: {  	s22 =	simm.s32 $0x14800;
	[smem:$0x7BF] =	sst s26  }
0x61: {  	s25 =	simm.s32 $0x16000;
	[smem:$0x7C1] =	sst s22  }
0x62: {  	s21 =	simm.s32 $0x19800;
	[smem:$0x7CA] =	sst s25  }
0x63: {  	s24 =	simm.s32 $0x10800;
	[smem:$0x7CC] =	sst s21  }
0x64: {  	s23 =	simm.s32 $0x12000;
	[smem:$0x7CF] =	sst s24  }
0x65: {  	s26 =	simm.s32 $0x1B800;
	[smem:$0x7D9] =	sst s23  }
0x66: {  	s22 =	simm.s32 $0x10C00;
	[smem:$0x7C5] =	sst s26  }
0x67: {  	s25 =	simm.s32 $0x12400;
	[smem:$0x7C7] =	sst s22  }
0x68: {  	s21 =	simm.s32 $0x15C00;
	[smem:$0x7D0] =	sst s25  }
0x69: {  	s24 =	simm.s32 $0x1B000;
	[smem:$0x7D2] =	sst s21  }
0x6a: {  	s23 =	simm.s32 $0x19000;
	[smem:$0x7D5] =	sst s24  }
0x6b: {  	s26 =	simm.s32 $0x17C00;
	[smem:$0x7E0] =	sst s23  }
0x6c: {  	s22 =	simm.s32 $0x1B400;
	[smem:$0x7CB] =	sst s26  }
0x6d: {  	s25 =	simm.s32 $0xE800;
	[smem:$0x7CD] =	sst s22  }
0x6e: {  	s24 =	simm.s32 $0x13C00;
	[smem:$0x7D6] =	sst s25  }
0x6f: {  	s21 =	sadd.s32 s1, s7;
	[smem:$0x7DB] =	sst s24  }
0x70: {  	p0 =	por $0x0, $0x0;
	s26 =	simm.s32 $0x14000;
	[smem:$0x7DC] =	sst s21  }
0x71: {  	s30 =	simm.s32 $0x4000;
	s22 =	simm.s32 $0x17800;
	[smem:$0x7D1] =	sst s26  }
0x72: {  	s19 =	sadd.s32 $0x500, s1;
	s25 =	sadd.s32 s1, s8;
	[smem:$0x7D3] =	sst s22  }
0x73: {  	s28 =	simm.s32 $0xFC00;
	s8 =	sadd.s32 s8, s19;
	[smem:$0x7DA] =	sst s25  }
0x74: {  	s23 =	sadd.s32 $0x580, s1;
	s21 =	simm.s32 $0x13800;
	[smem:$0x7E7] =	sst s8  }
0x75: {  	s29 =	simm.s32 $0x1A400;
	s7 =	sadd.s32 s7, s23;
	[smem:$0x7E8] =	sst s21  }
0x76: {  	s24 =	sadd.s32 $0x700, s1;
	s22 =	simm.s32 $0x10400;
	[smem:$0x7EC] =	sst s7  }
0x77: {  	s11 =	ssub.s32 $0x2, s11;
	s10 =	sadd.s32 s10, s24;
	[smem:$0x7D7] =	sst s22  }
0x78: {  	s26 =	sshrl.u32 s11, $0x1;
	s25 =	simm.s32 $0x1AC00;
	[smem:$0x7E1] =	sst s10  }
0x79: {  	s12 =	sadd.s32 s12, s24;
	s20 =	sadd.s32 s18, s24;
	[smem:$0x7E2] =	sst s25  }
0x7a: {  	s18 =	simm.s32 $0x11C00;
	s24 =	sadd.s32 s16, s19;
	[smem:$0x7E3] =	sst s12  }
0x7b: {  	s8 =	sadd.s32 s1, s17;
	s19 =	sadd.s32 s1, s5;
	[smem:$0x7E6] =	sst s18  }
0x7c: {  	s21 =	sadd.s32 $0x780, s1;
	s11 =	ssub.s32 s11, s26;
	[smem:$0x7EA] =	sst s24  }
0x7d: {  	s26 =	simm.s32 $0x15800;
	s22 =	simm.s32 $0x17400;
	[smem:$0x7EE] =	sst s8  }
0x7e: {  	s25 =	sadd.s32 s1, s16;
	s10 =	sadd.s32 s1, s6;
	[smem:$0x7FC] =	sst s19  }
0x7f: {  	s12 =	sadd.s32 $0x600, s1;
	s16 =	sadd.s32 $0x680, s1;
	[smem:$0x7FD] =	sst s20  }
0x80: {  	s18 =	sadd.s32 s1, s14;
	s31 =	sadd.s32 s3, s21;
	[smem:$0x7DD] =	sst s26  }
0x81: {  	s7 =	sadd.s32 s9, s21;
	s8 =	simm.s32 $0xC400;
	[smem:$0x7DF] =	sst s22  }
0x82: {  	s21 =	simm.s32 $0x18800;
	s26 =	simm.s32 $0xE400;
	[smem:$0x7EB] =	sst s25  }
0x83: {  	s22 =	simm.s32 $0x15400;
	[smem:$0x7EF] =	sst s10;
	s6 =	sadd.s32 s6, s12  }
0x84: {  	s13 =	sadd.s32 s15, s12;
	s5 =	sadd.s32 s5, s16;
	[smem:$0x7F4] =	sst s18  }
0x85: {  	s25 =	sadd.s32 s1, s3;
	s24 =	smax.u32 s11, $0x1;
	[smem:$0x7E4] =	sst s26  }
0x86: {  	s3 =	simm.s32 $0x7C00;
	s18 =	simm.s32 $0xE000;
	[smem:$0x7E9] =	sst s22  }
0x87: {  	s12 =	simm.s32 $0x5400;
	s11 =	simm.s32 $0x7000;
	[smem:$0x7F0] =	sst s6  }
0x88: {  	s10 =	simm.s32 $0x8C00;
	s26 =	sadd.s32 s17, s23;
	[smem:$0x7F1] =	sst s13  }
0x89: {  	s17 =	sadd.s32 s1, s15;
	[smem:$0x7F3] =	sst s5;
	s15 =	sadd.s32 s14, s16  }
0x8a: {  	s22 =	simm.s32 $0x17000;
	s23 =	simm.s32 $0x18C00;
	[smem:$0x7ED] =	sst s26  }
0x8b: {  	p1 =	sne.s32 s24, $0x1;
	s0 =	sadd.s32 $0xFFFFFFFF, s24;
	[smem:$0x7F2] =	sst s17  }
0x8c: {  	s6 =	simm.s32 $0x1C00;
	s5 =	simm.s32 $0x2;
	[smem:$0x7F7] =	sst s22  }
0x8d: {  	s13 =	simm.s32 $0x3800;
	s17 =	sadd.s32 s4, s16;
	[smem:$0x7F8] =	sst s23  }
.Ltmp0:
0x8e: {  	s4 =	sadd.s32 s1, s4;
	[smem:$0x7FB] =	sst s15;
	(pc) =	sbr.rel @!p1 .LBB2_1-.Ltmp0, $4  }
0x8f: {  	s24 =	simm.s32 $0x13400;
	s1 =	sadd.s32 s1, s9;
	[smem:$0x7F5] =	sst s4  }
0x90: {  	s26 =	simm.s32 $0x1A800;
	s16 =	simm.s32 $0x1;
	[smem:$0x7F6] =	sst s1  }
0x91: {  	s9 =	simm.s32 $0xA800;
	s23 =	simm.s32 $0x15000;
	[smem:$0x7F9] =	sst s26  }
0x92: {  	s22 =	simm.s32 $0x16C00;
	s26 =	simm.s32 $0x11800;
	s4 =	rddreg [dreg:$0x3]  }
0x93: {  	[tilespmem:s2], [sflag:$0x1] =	stream.strided.gather [hbm4b:s4+s6], $0xE000, s3, s6, $0x38;
	[tilespmem:$0x1C000] =	vst v63  }
0x94: {  	_ =	swait.ge [sflag:s16], $0xE000  }
0x95: {  	[smem:$0x791] =	sst s0  }
0x96: {  	s14 =	rddreg [dreg:$0x4]  }
0x97: {  	s1 =	rddreg [dreg:$0x1e]  }
0x98: {  	[sflag:s16] =	ssyncset.done $0x0;
	s22 =	rddreg [dreg:$0x1f]  }
0x99: {  	s0 =	sld [smem:$0x793];
	[sflag:s16] =	ssyncadd.s32 $0xFFFF2000  }
0x9a: {  	[tilespmem:s18], [sflag:$0x1] =	stream.strided.gather [hbm4b:s14+s6], $0xE000, s3, s6, $0x38;
	[tilespmem:$0x1C000] =	vst v63  }
0x9b: {  	s4 =	sld [smem:$0x7D8]  }
0x9c: {  	[hbm4b:s25+s2] =	stream.linear.scatter [tilespmem:s1], [sflag:$0x2], $0x400, $0x38;
	[tilespmem:$0x1C000] =	vst v63  }
0x9d: {  	s14 =	sld [smem:$0x792];
	s1 =	sadd.s32 $0x800, s25  }
0x9e: {  	[smem:$0x6CB] =	sst s1  }
0x9f: {  	[hbm4b:s1+s2] =	stream.linear.scatter [tilespmem:s22], [sflag:$0x2], $0x400, $0x38;
	[tilespmem:$0x1C000] =	vst v63  }
0xa0: {  	s22 =	sadd.s32 $0x1000, s25;
	s1 =	sld [smem:$0x796]  }
0xa1: {  	[smem:$0x6CC] =	sst s22  }
0xa2: {  	[hbm4b:s22+s2] =	stream.linear.scatter [tilespmem:s14], [sflag:$0x2], $0x400, $0x38;
	[tilespmem:$0x1C000] =	vst v63  }
0xa3: {  	s14 =	sadd.s32 $0x1800, s25;
	s22 =	sld [smem:$0x794]  }
0xa4: {  	[smem:$0x6CD] =	sst s14  }
0xa5: {  	[hbm4b:s14+s2] =	stream.linear.scatter [tilespmem:s0], [sflag:$0x2], $0x400, $0x38;
	[tilespmem:$0x1C000] =	vst v63  }
0xa6: {  	s0 =	sadd.s32 $0x2000, s25;
	s14 =	sld [smem:$0x795]  }
0xa7: {  	[smem:$0x6CE] =	sst s0  }
0xa8: {  	[hbm4b:s0+s2] =	stream.linear.scatter [tilespmem:s22], [sflag:$0x2], $0x400, $0x38;
	[tilespmem:$0x1C000] =	vst v63  }
0xa9: {  	s22 =	sadd.s32 $0x2800, s25;
	s0 =	sld [smem:$0x79B]  }
0xaa: {  	[smem:$0x6CF] =	sst s22  }
0xab: {  	[hbm4b:s22+s2] =	stream.linear.scatter [tilespmem:s14], [sflag:$0x2], $0x400, $0x38;
	[tilespmem:$0x1C000] =	vst v63  }
0xac: {  	s14 =	sadd.s32 $0x3000, s25;
	s22 =	sld [smem:$0x797]  }
0xad: {  	[smem:$0x6D0] =	sst s14  }
0xae: {  	[hbm4b:s14+s2] =	stream.linear.scatter [tilespmem:s1], [sflag:$0x2], $0x400, $0x38;
	[tilespmem:$0x1C000] =	vst v63  }
0xaf: {  	s1 =	sadd.s32 $0x3800, s25;
	s14 =	sld [smem:$0x798]  }
0xb0: {  	[smem:$0x6D1] =	sst s1  }
0xb1: {  	[hbm4b:s1+s2] =	stream.linear.scatter [tilespmem:s22], [sflag:$0x2], $0x400, $0x38;
	[tilespmem:$0x1C000] =	vst v63  }
0xb2: {  	s22 =	sld [smem:$0x799]  }
0xb3: {  	[hbm4b:s4+s2] =	stream.linear.scatter [tilespmem:s14], [sflag:$0x2], $0x800, $0x38;
	[tilespmem:$0x1C000] =	vst v63  }
0xb4: {  	s1 =	sld [smem:$0x79A];
	s14 =	sadd.s32 $0x800, s4  }
0xb5: {  	[hbm4b:s14+s2] =	stream.linear.scatter [tilespmem:s22], [sflag:$0x2], $0x800, $0x38;
	[tilespmem:$0x1C000] =	vst v63  }
0xb6: {  	[smem:$0x6D2] =	sst s14;
	s22 =	sadd.s32 $0x1000, s4  }
0xb7: {  	[smem:$0x6D3] =	sst s22  }
0xb8: {  	[hbm4b:s22+s2] =	stream.linear.scatter [tilespmem:s1], [sflag:$0x2], $0x800, $0x38;
	[tilespmem:$0x1C000] =	vst v63  }
0xb9: {  	s22 =	sadd.s32 $0x1800, s4;
	s1 =	sld [smem:$0x79C]  }
0xba: {  	[smem:$0x6D4] =	sst s22  }
0xbb: {  	[hbm4b:s22+s2] =	stream.linear.scatter [tilespmem:s0], [sflag:$0x2], $0x800, $0x38;
	[tilespmem:$0x1C000] =	vst v63  }
0xbc: {  	s22 =	sadd.s32 $0x2000, s4;
	s0 =	sld [smem:$0x79D]  }
0xbd: {  	[smem:$0x6D5] =	sst s22  }
0xbe: {  	[hbm4b:s22+s2] =	stream.linear.scatter [tilespmem:s1], [sflag:$0x2], $0x800, $0x38;
	[tilespmem:$0x1C000] =	vst v63  }
0xbf: {  	s22 =	sadd.s32 $0x2800, s4;
	s1 =	sld [smem:$0x79E]  }
0xc0: {  	[smem:$0x6D6] =	sst s22  }
0xc1: {  	[hbm4b:s22+s2] =	stream.linear.scatter [tilespmem:s0], [sflag:$0x2], $0x800, $0x38;
	[tilespmem:$0x1C000] =	vst v63  }
0xc2: {  	s22 =	sadd.s32 $0x3000, s4;
	s0 =	sld [smem:$0x79F]  }
0xc3: {  	s4 =	sadd.s32 $0x3800, s4;
	[smem:$0x6D7] =	sst s22  }
0xc4: {  	[smem:$0x6D8] =	sst s4  }
0xc5: {  	[hbm4b:s22+s2] =	stream.linear.scatter [tilespmem:s1], [sflag:$0x2], $0x800, $0x38;
	[tilespmem:$0x1C000] =	vst v63  }
0xc6: {  	s22 =	sld [smem:$0x7A0]  }
0xc7: {  	[hbm4b:s4+s2] =	stream.linear.scatter [tilespmem:s0], [sflag:$0x2], $0x800, $0x38;
	[tilespmem:$0x1C000] =	vst v63  }
0xc8: {  	s4 =	sld [smem:$0x7DA]  }
0xc9: {  	s14 =	sld [smem:$0x7A1]  }
0xca: {  	s1 =	sld [smem:$0x7A2]  }
0xcb: {  	[hbm4b:s4+s2] =	stream.linear.scatter [tilespmem:s22], [sflag:$0x2], $0xC00, $0x38;
	[tilespmem:$0x1C000] =	vst v63  }
0xcc: {  	s0 =	sld [smem:$0x7A3];
	s22 =	sadd.s32 $0x800, s4  }
0xcd: {  	[hbm4b:s22+s2] =	stream.linear.scatter [tilespmem:s14], [sflag:$0x2], $0xC00, $0x38;
	[tilespmem:$0x1C000] =	vst v63  }
0xce: {  	[smem:$0x6D9] =	sst s22;
	s22 =	sadd.s32 $0x1000, s4  }
0xcf: {  	[smem:$0x6DA] =	sst s22  }
0xd0: {  	[hbm4b:s22+s2] =	stream.linear.scatter [tilespmem:s1], [sflag:$0x2], $0xC00, $0x38;
	[tilespmem:$0x1C000] =	vst v63  }
0xd1: {  	s22 =	sadd.s32 $0x1800, s4;
	s1 =	sld [smem:$0x7A4]  }
0xd2: {  	[smem:$0x6DB] =	sst s22  }
0xd3: {  	[hbm4b:s22+s2] =	stream.linear.scatter [tilespmem:s0], [sflag:$0x2], $0xC00, $0x38;
	[tilespmem:$0x1C000] =	vst v63  }
0xd4: {  	s22 =	sadd.s32 $0x2000, s4;
	s0 =	sld [smem:$0x7A5]  }
0xd5: {  	[smem:$0x6DC] =	sst s22  }
0xd6: {  	[hbm4b:s22+s2] =	stream.linear.scatter [tilespmem:s1], [sflag:$0x2], $0xC00, $0x38;
	[tilespmem:$0x1C000] =	vst v63  }
0xd7: {  	s22 =	sadd.s32 $0x2800, s4;
	s1 =	sld [smem:$0x7A6]  }
0xd8: {  	[smem:$0x6DD] =	sst s22  }
0xd9: {  	[hbm4b:s22+s2] =	stream.linear.scatter [tilespmem:s0], [sflag:$0x2], $0xC00, $0x38;
	[tilespmem:$0x1C000] =	vst v63  }
0xda: {  	s22 =	sadd.s32 $0x3000, s4;
	s0 =	sld [smem:$0x7A7]  }
0xdb: {  	s4 =	sadd.s32 $0x3800, s4;
	[smem:$0x6DE] =	sst s22  }
0xdc: {  	[smem:$0x6DF] =	sst s4  }
0xdd: {  	[hbm4b:s22+s2] =	stream.linear.scatter [tilespmem:s1], [sflag:$0x2], $0xC00, $0x38;
	[tilespmem:$0x1C000] =	vst v63  }
0xde: {  	s22 =	sld [smem:$0x7A8]  }
0xdf: {  	[hbm4b:s4+s2] =	stream.linear.scatter [tilespmem:s0], [sflag:$0x2], $0xC00, $0x38;
	[tilespmem:$0x1C000] =	vst v63  }
0xe0: {  	s4 =	sld [smem:$0x7DC]  }
0xe1: {  	s14 =	sld [smem:$0x7A9]  }
0xe2: {  	s1 =	sld [smem:$0x7AA]  }
0xe3: {  	[hbm4b:s4+s2] =	stream.linear.scatter [tilespmem:s22], [sflag:$0x2], $0x1000, $0x38;
	[tilespmem:$0x1C000] =	vst v63  }
0xe4: {  	s0 =	sld [smem:$0x7AB];
	s22 =	sadd.s32 $0x800, s4  }
0xe5: {  	[smem:$0x6E0] =	sst s22  }
0xe6: {  	[hbm4b:s22+s2] =	stream.linear.scatter [tilespmem:s14], [sflag:$0x2], $0x1000, $0x38;
	[tilespmem:$0x1C000] =	vst v63  }
0xe7: {  	s22 =	sadd.s32 $0x1000, s4;
	s14 =	sld [smem:$0x7AC]  }
0xe8: {  	[smem:$0x6E1] =	sst s22  }
0xe9: {  	[hbm4b:s22+s2] =	stream.linear.scatter [tilespmem:s1], [sflag:$0x2], $0x1000, $0x38;
	[tilespmem:$0x1C000] =	vst v63  }
0xea: {  	s22 =	sadd.s32 $0x1800, s4;
	s1 =	sld [smem:$0x7AD]  }
0xeb: {  	[hbm4b:s22+s2] =	stream.linear.scatter [tilespmem:s0], [sflag:$0x2], $0x1000, $0x38;
	[tilespmem:$0x1C000] =	vst v63  }
0xec: {  	[smem:$0x6E2] =	sst s22;
	s0 =	sadd.s32 $0x2000, s4;
	s22 =	sadd.s32 $0x2800, s4  }
0xed: {  	[hbm4b:s0+s2] =	stream.linear.scatter [tilespmem:s3], [sflag:$0x2], $0x1000, $0x38;
	[tilespmem:$0x1C000] =	vst v63  }
0xee: {  	[smem:$0x6E4] =	sst s22  }
0xef: {  	[hbm4b:s22+s2] =	stream.linear.scatter [tilespmem:s14], [sflag:$0x2], $0x1000, $0x38;
	[tilespmem:$0x1C000] =	vst v63  }
0xf0: {  	s14 =	sadd.s32 $0x3000, s4;
	s22 =	sld [smem:$0x7AE]  }
0xf1: {  	s4 =	sadd.s32 $0x3800, s4;
	[smem:$0x6E5] =	sst s14  }
0xf2: {  	[smem:$0x6E6] =	sst s4  }
0xf3: {  	[hbm4b:s14+s2] =	stream.linear.scatter [tilespmem:s1], [sflag:$0x2], $0x1000, $0x38;
	[tilespmem:$0x1C000] =	vst v63  }
0xf4: {  	s14 =	sld [smem:$0x7AF]  }
0xf5: {  	[hbm4b:s4+s2] =	stream.linear.scatter [tilespmem:s22], [sflag:$0x2], $0x1000, $0x38;
	[tilespmem:$0x1C000] =	vst v63  }
0xf6: {  	s4 =	sld [smem:$0x7EF]  }
0xf7: {  	[smem:$0x6E3] =	sst s0  }
0xf8: {  	s0 =	sld [smem:$0x7B3]  }
0xf9: {  	[hbm4b:s4+s2] =	stream.linear.scatter [tilespmem:s14], [sflag:$0x2], $0x1400, $0x38;
	[tilespmem:$0x1C000] =	vst v63  }
0xfa: {  	s22 =	sld [smem:$0x7B0];
	s3 =	sadd.s32 $0x800, s4  }
0xfb: {  	s14 =	sadd.s32 $0x1000, s4;
	[smem:$0x6E7] =	sst s3  }
0xfc: {  	[smem:$0x6E8] =	sst s14  }
0xfd: {  	[hbm4b:s3+s2] =	stream.linear.scatter [tilespmem:s22], [sflag:$0x2], $0x1400, $0x38;
	[tilespmem:$0x1C000] =	vst v63  }
0xfe: {  	s22 =	sld [smem:$0x7B1]  }
0xff: {  	[hbm4b:s14+s2] =	stream.linear.scatter [tilespmem:s30], [sflag:$0x2], $0x1400, $0x38;
	[tilespmem:$0x1C000] =	vst v63  }
0x100: {  	s1 =	sadd.s32 $0x1800, s4;
	s14 =	sld [smem:$0x7B2]  }
0x101: {  	[hbm4b:s1+s2] =	stream.linear.scatter [tilespmem:s22], [sflag:$0x2], $0x1400, $0x38;
	[tilespmem:$0x1C000] =	vst v63  }
0x102: {  	[smem:$0x6E9] =	sst s1;
	s22 =	sadd.s32 $0x2000, s4  }
0x103: {  	[smem:$0x6EA] =	sst s22  }
0x104: {  	[hbm4b:s22+s2] =	stream.linear.scatter [tilespmem:s14], [sflag:$0x2], $0x1400, $0x38;
	[tilespmem:$0x1C000] =	vst v63  }
0x105: {  	s14 =	sadd.s32 $0x2800, s4;
	s22 =	sld [smem:$0x7B4]  }
0x106: {  	[smem:$0x6EB] =	sst s14  }
0x107: {  	[hbm4b:s14+s2] =	stream.linear.scatter [tilespmem:s0], [sflag:$0x2], $0x1400, $0x38;
	[tilespmem:$0x1C000] =	vst v63  }
0x108: {  	s1 =	sadd.s32 $0x800, s19;
	s0 =	sadd.s32 $0x3000, s4;
	s14 =	sld [smem:$0x7B5]  }
0x109: {  	[hbm4b:s0+s2] =	stream.linear.scatter [tilespmem:s22], [sflag:$0x2], $0x1400, $0x38;
	[tilespmem:$0x1C000] =	vst v63  }
0x10a: {  	[smem:$0x6EE] =	sst s1;
	s22 =	sadd.s32 $0x3800, s4  }
0x10b: {  	[hbm4b:s22+s2] =	stream.linear.scatter [tilespmem:s14], [sflag:$0x2], $0x1400, $0x38;
	[tilespmem:$0x1C000] =	vst v63  }
0x10c: {  	s29 =	simm.s32 $0x400;
	[smem:$0x6EC] =	sst s0  }
0x10d: {  	[hbm4b:s19+s2] =	stream.linear.scatter [tilespmem:s29], [sflag:$0x2], $0x1800, $0x38;
	[tilespmem:$0x1C000] =	vst v63  }
0x10e: {  	s4 =	simm.s32 $0x2000;
	[smem:$0x6ED] =	sst s22;
	s14 =	sadd.s32 $0x1000, s19  }
0x10f: {  	[hbm4b:s1+s2] =	stream.linear.scatter [tilespmem:s4], [sflag:$0x2], $0x1800, $0x38;
	[tilespmem:$0x1C000] =	vst v63  }
0x110: {  	s22 =	simm.s32 $0x3C00;
	[smem:$0x6EF] =	sst s14;
	s1 =	sadd.s32 $0x1800, s19  }
0x111: {  	[hbm4b:s14+s2] =	stream.linear.scatter [tilespmem:s22], [sflag:$0x2], $0x1800, $0x38;
	[tilespmem:$0x1C000] =	vst v63  }
0x112: {  	s4 =	simm.s32 $0x5800;
	[smem:$0x6F0] =	sst s1;
	s14 =	sadd.s32 $0x2000, s19  }
0x113: {  	[hbm4b:s1+s2] =	stream.linear.scatter [tilespmem:s4], [sflag:$0x2], $0x1800, $0x38;
	[tilespmem:$0x1C000] =	vst v63  }
0x114: {  	s21 =	simm.s32 $0x7400;
	[smem:$0x6F1] =	sst s14;
	s1 =	sadd.s32 $0x3000, s19  }
0x115: {  	[hbm4b:s14+s2] =	stream.linear.scatter [tilespmem:s21], [sflag:$0x2], $0x1800, $0x38;
	[tilespmem:$0x1C000] =	vst v63  }
0x116: {  	s22 =	simm.s32 $0x9000;
	[smem:$0x6F3] =	sst s1;
	s21 =	sadd.s32 $0x2800, s19  }
0x117: {  	[hbm4b:s21+s2] =	stream.linear.scatter [tilespmem:s22], [sflag:$0x2], $0x1800, $0x38;
	[tilespmem:$0x1C000] =	vst v63  }
0x118: {  	s4 =	simm.s32 $0xAC00;
	s14 =	sadd.s32 $0x3800, s19;
	s19 =	rddreg [dreg:$0x5]  }
0x119: {  	[hbm4b:s1+s2] =	stream.linear.scatter [tilespmem:s4], [sflag:$0x2], $0x1800, $0x38;
	[tilespmem:$0x1C000] =	vst v63  }
0x11a: {  	[smem:$0x6F2] =	sst s21;
	s21 =	simm.s32 $0xC800  }
0x11b: {  	[hbm4b:s14+s2] =	stream.linear.scatter [tilespmem:s21], [sflag:$0x2], $0x1800, $0x38;
	[tilespmem:$0x1C000] =	vst v63  }
0x11c: {  	[smem:$0x6F4] =	sst s14  }
0x11d: {  	[hbm4b:s19+s6] =	stream.strided.scatter [tilespmem:s2], [sflag:$0x2], $0xE000, s30, s6, $0x38;
	[tilespmem:$0x1C000] =	vst v63  }
0x11e: {  	_ =	swait.ge [sflag:s16], $0xE000  }
0x11f: {  	[sflag:s16] =	ssyncset.done $0x0  }
0x120: {  	[sflag:s16] =	ssyncadd.s32 $0xFFFF2000  }
0x121: {  	_ =	swait.ge [sflag:s5], $0x2000  }
0x122: {  	[sflag:s5] =	ssyncset.done $0x0  }
0x123: {  	[sflag:s5] =	ssyncadd.s32 $0xFFFFE000  }
0x124: {  	_ =	swait.ge [sflag:s5], $0x4000  }
0x125: {  	[sflag:s5] =	ssyncset.done $0x0  }
0x126: {  	[sflag:s5] =	ssyncadd.s32 $0xFFFFC000  }
0x127: {  	_ =	swait.ge [sflag:s5], $0x6000  }
0x128: {  	[sflag:s5] =	ssyncset.done $0x0  }
0x129: {  	[sflag:s5] =	ssyncadd.s32 $0xFFFFA000  }
0x12a: {  	_ =	swait.ge [sflag:s5], $0x8000  }
0x12b: {  	[sflag:s5] =	ssyncset.done $0x0  }
0x12c: {  	[sflag:s5] =	ssyncadd.s32 $0xFFFF8000  }
0x12d: {  	_ =	swait.ge [sflag:s5], $0xA000  }
0x12e: {  	[sflag:s5] =	ssyncset.done $0x0  }
0x12f: {  	[sflag:s5] =	ssyncadd.s32 $0xFFFF6000  }
0x130: {  	_ =	swait.ge [sflag:s5], $0xC000  }
0x131: {  	[sflag:s5] =	ssyncset.done $0x0  }
0x132: {  	[sflag:s5] =	ssyncadd.s32 $0xFFFF4000  }
0x133: {  	_ =	swait.ge [sflag:s5], $0xE000  }
0x134: {  	s3 =	smov.u32 s20;
	s4 =	rddreg [dreg:$0x6];
	[sflag:s5] =	ssyncset.done $0x0  }
0x135: {  	s20 =	simm.s32 $0x7C00;
	s14 =	sld [smem:$0x7B6];
	[sflag:s5] =	ssyncadd.s32 $0xFFFF2000  }
0x136: {  	[tilespmem:s2], [sflag:$0x1] =	stream.strided.gather [hbm4b:s4+s6], $0xE000, s20, s6, $0x38;
	[tilespmem:$0x1C000] =	vst v63  }
0x137: {  	s4 =	sld [smem:$0x7F6];
	_ =	sdelay $0x1  }
0x138: {  	s0 =	sld [smem:$0x7B7]  }
0x139: {  	[hbm4b:s4+s2] =	stream.linear.scatter [tilespmem:s14], [sflag:$0x2], $0x400, $0x38;
	[tilespmem:$0x1C000] =	vst v63  }
0x13a: {  	s1 =	sld [smem:$0x7B8];
	s19 =	sadd.s32 $0x800, s4  }
0x13b: {  	[smem:$0x6F5] =	sst s19  }
0x13c: {  	[hbm4b:s19+s2] =	stream.linear.scatter [tilespmem:s0], [sflag:$0x2], $0x400, $0x38;
	[tilespmem:$0x1C000] =	vst v63  }
0x13d: {  	s19 =	sadd.s32 $0x1000, s4;
	s0 =	sld [smem:$0x7B9]  }
0x13e: {  	[smem:$0x6F6] =	sst s19  }
0x13f: {  	[hbm4b:s19+s2] =	stream.linear.scatter [tilespmem:s1], [sflag:$0x2], $0x400, $0x38;
	[tilespmem:$0x1C000] =	vst v63  }
0x140: {  	s19 =	sadd.s32 $0x1800, s4;
	s1 =	sld [smem:$0x7BA]  }
0x141: {  	[smem:$0x6F7] =	sst s19  }
0x142: {  	[hbm4b:s19+s2] =	stream.linear.scatter [tilespmem:s0], [sflag:$0x2], $0x400, $0x38;
	[tilespmem:$0x1C000] =	vst v63  }
0x143: {  	s19 =	sadd.s32 $0x2000, s4;
	s0 =	sld [smem:$0x7BB]  }
0x144: {  	[smem:$0x6F8] =	sst s19  }
0x145: {  	[hbm4b:s19+s2] =	stream.linear.scatter [tilespmem:s1], [sflag:$0x2], $0x400, $0x38;
	[tilespmem:$0x1C000] =	vst v63  }
0x146: {  	s19 =	sadd.s32 $0x2800, s4;
	s1 =	sld [smem:$0x7BC]  }
0x147: {  	[smem:$0x6F9] =	sst s19  }
0x148: {  	[hbm4b:s19+s2] =	stream.linear.scatter [tilespmem:s0], [sflag:$0x2], $0x400, $0x38;
	[tilespmem:$0x1C000] =	vst v63  }
0x149: {  	s19 =	sadd.s32 $0x3000, s4;
	s0 =	sld [smem:$0x7BD]  }
0x14a: {  	s4 =	sadd.s32 $0x3800, s4;
	[smem:$0x6FA] =	sst s19  }
0x14b: {  	[smem:$0x6FB] =	sst s4  }
0x14c: {  	[hbm4b:s19+s2] =	stream.linear.scatter [tilespmem:s1], [sflag:$0x2], $0x400, $0x38;
	[tilespmem:$0x1C000] =	vst v63  }
0x14d: {  	s19 =	sld [smem:$0x7BE]  }
0x14e: {  	[hbm4b:s4+s2] =	stream.linear.scatter [tilespmem:s0], [sflag:$0x2], $0x400, $0x38;
	[tilespmem:$0x1C000] =	vst v63  }
0x14f: {  	s4 =	sld [smem:$0x7DE]  }
0x150: {  	s14 =	smov.u32 s15;
	s15 =	sld [smem:$0x7BF]  }
0x151: {  	s1 =	sld [smem:$0x7C0]  }
0x152: {  	[hbm4b:s4+s2] =	stream.linear.scatter [tilespmem:s19], [sflag:$0x2], $0x800, $0x38;
	[tilespmem:$0x1C000] =	vst v63  }
0x153: {  	s0 =	sld [smem:$0x7C1];
	s19 =	sadd.s32 $0x800, s4  }
0x154: {  	[hbm4b:s19+s2] =	stream.linear.scatter [tilespmem:s15], [sflag:$0x2], $0x800, $0x38;
	[tilespmem:$0x1C000] =	vst v63  }
0x155: {  	[smem:$0x6FC] =	sst s19;
	s19 =	sadd.s32 $0x1000, s4  }
0x156: {  	[smem:$0x6FD] =	sst s19  }
0x157: {  	[hbm4b:s19+s2] =	stream.linear.scatter [tilespmem:s1], [sflag:$0x2], $0x800, $0x38;
	[tilespmem:$0x1C000] =	vst v63  }
0x158: {  	s19 =	sadd.s32 $0x1800, s4;
	s1 =	sld [smem:$0x7C2]  }
0x159: {  	[smem:$0x6FE] =	sst s19  }
0x15a: {  	[hbm4b:s19+s2] =	stream.linear.scatter [tilespmem:s0], [sflag:$0x2], $0x800, $0x38;
	[tilespmem:$0x1C000] =	vst v63  }
0x15b: {  	s19 =	sadd.s32 $0x2000, s4;
	s0 =	sld [smem:$0x7C3]  }
0x15c: {  	[smem:$0x6FF] =	sst s19  }
0x15d: {  	[hbm4b:s19+s2] =	stream.linear.scatter [tilespmem:s1], [sflag:$0x2], $0x800, $0x38;
	[tilespmem:$0x1C000] =	vst v63  }
0x15e: {  	s19 =	sadd.s32 $0x2800, s4;
	s1 =	sld [smem:$0x7C4]  }
0x15f: {  	[smem:$0x700] =	sst s19  }
0x160: {  	[hbm4b:s19+s2] =	stream.linear.scatter [tilespmem:s0], [sflag:$0x2], $0x800, $0x38;
	[tilespmem:$0x1C000] =	vst v63  }
0x161: {  	s19 =	sadd.s32 $0x3000, s4;
	s0 =	sld [smem:$0x7C5]  }
0x162: {  	s4 =	sadd.s32 $0x3800, s4;
	[smem:$0x701] =	sst s19  }
0x163: {  	[smem:$0x702] =	sst s4  }
0x164: {  	[hbm4b:s19+s2] =	stream.linear.scatter [tilespmem:s1], [sflag:$0x2], $0x800, $0x38;
	[tilespmem:$0x1C000] =	vst v63  }
0x165: {  	s19 =	sld [smem:$0x7C6]  }
0x166: {  	[hbm4b:s4+s2] =	stream.linear.scatter [tilespmem:s0], [sflag:$0x2], $0x800, $0x38;
	[tilespmem:$0x1C000] =	vst v63  }
0x167: {  	s4 =	sld [smem:$0x7EB]  }
0x168: {  	s15 =	sld [smem:$0x7C7]  }
0x169: {  	s1 =	sld [smem:$0x7C8]  }
0x16a: {  	[hbm4b:s4+s2] =	stream.linear.scatter [tilespmem:s19], [sflag:$0x2], $0xC00, $0x38;
	[tilespmem:$0x1C000] =	vst v63  }
0x16b: {  	s0 =	sld [smem:$0x7C9];
	s19 =	sadd.s32 $0x800, s4  }
0x16c: {  	[hbm4b:s19+s2] =	stream.linear.scatter [tilespmem:s15], [sflag:$0x2], $0xC00, $0x38;
	[tilespmem:$0x1C000] =	vst v63  }
0x16d: {  	[smem:$0x703] =	sst s19;
	s19 =	sadd.s32 $0x1000, s4  }
0x16e: {  	[smem:$0x704] =	sst s19  }
0x16f: {  	[hbm4b:s19+s2] =	stream.linear.scatter [tilespmem:s1], [sflag:$0x2], $0xC00, $0x38;
	[tilespmem:$0x1C000] =	vst v63  }
0x170: {  	s19 =	sadd.s32 $0x1800, s4;
	s1 =	sld [smem:$0x7CA]  }
0x171: {  	[smem:$0x705] =	sst s19  }
0x172: {  	[hbm4b:s19+s2] =	stream.linear.scatter [tilespmem:s0], [sflag:$0x2], $0xC00, $0x38;
	[tilespmem:$0x1C000] =	vst v63  }
0x173: {  	s19 =	sadd.s32 $0x2000, s4;
	s0 =	sld [smem:$0x7CB]  }
0x174: {  	[smem:$0x706] =	sst s19  }
0x175: {  	[hbm4b:s19+s2] =	stream.linear.scatter [tilespmem:s1], [sflag:$0x2], $0xC00, $0x38;
	[tilespmem:$0x1C000] =	vst v63  }
0x176: {  	s19 =	sadd.s32 $0x2800, s4;
	s1 =	sld [smem:$0x7CC]  }
0x177: {  	[smem:$0x707] =	sst s19  }
0x178: {  	[hbm4b:s19+s2] =	stream.linear.scatter [tilespmem:s0], [sflag:$0x2], $0xC00, $0x38;
	[tilespmem:$0x1C000] =	vst v63  }
0x179: {  	s19 =	sadd.s32 $0x3000, s4;
	s0 =	sld [smem:$0x7CD]  }
0x17a: {  	s4 =	sadd.s32 $0x3800, s4;
	[smem:$0x708] =	sst s19  }
0x17b: {  	[smem:$0x709] =	sst s4  }
0x17c: {  	[hbm4b:s19+s2] =	stream.linear.scatter [tilespmem:s1], [sflag:$0x2], $0xC00, $0x38;
	[tilespmem:$0x1C000] =	vst v63  }
0x17d: {  	s19 =	sld [smem:$0x7CE]  }
0x17e: {  	[hbm4b:s4+s2] =	stream.linear.scatter [tilespmem:s0], [sflag:$0x2], $0xC00, $0x38;
	[tilespmem:$0x1C000] =	vst v63  }
0x17f: {  	s4 =	sld [smem:$0x7EE]  }
0x180: {  	s15 =	sld [smem:$0x7CF]  }
0x181: {  	s1 =	sld [smem:$0x7D0]  }
0x182: {  	[hbm4b:s4+s2] =	stream.linear.scatter [tilespmem:s19], [sflag:$0x2], $0x1000, $0x38;
	[tilespmem:$0x1C000] =	vst v63  }
0x183: {  	s0 =	sld [smem:$0x7D1];
	s19 =	sadd.s32 $0x800, s4  }
0x184: {  	[hbm4b:s19+s2] =	stream.linear.scatter [tilespmem:s15], [sflag:$0x2], $0x1000, $0x38;
	[tilespmem:$0x1C000] =	vst v63  }
0x185: {  	[smem:$0x70A] =	sst s19;
	s19 =	sadd.s32 $0x1000, s4  }
0x186: {  	[smem:$0x70B] =	sst s19  }
0x187: {  	[hbm4b:s19+s2] =	stream.linear.scatter [tilespmem:s1], [sflag:$0x2], $0x1000, $0x38;
	[tilespmem:$0x1C000] =	vst v63  }
0x188: {  	s19 =	sadd.s32 $0x1800, s4;
	s1 =	sld [smem:$0x7D2]  }
0x189: {  	[smem:$0x70C] =	sst s19  }
0x18a: {  	[hbm4b:s19+s2] =	stream.linear.scatter [tilespmem:s0], [sflag:$0x2], $0x1000, $0x38;
	[tilespmem:$0x1C000] =	vst v63  }
0x18b: {  	s19 =	sadd.s32 $0x2000, s4;
	s0 =	sld [smem:$0x7D3]  }
0x18c: {  	[smem:$0x70D] =	sst s19  }
0x18d: {  	[hbm4b:s19+s2] =	stream.linear.scatter [tilespmem:s1], [sflag:$0x2], $0x1000, $0x38;
	[tilespmem:$0x1C000] =	vst v63  }
0x18e: {  	s19 =	sadd.s32 $0x2800, s4;
	s1 =	sld [smem:$0x7D4]  }
0x18f: {  	[smem:$0x70E] =	sst s19  }
0x190: {  	[hbm4b:s19+s2] =	stream.linear.scatter [tilespmem:s0], [sflag:$0x2], $0x1000, $0x38;
	[tilespmem:$0x1C000] =	vst v63  }
0x191: {  	s19 =	sadd.s32 $0x3000, s4;
	s0 =	sld [smem:$0x7D5]  }
0x192: {  	s4 =	sadd.s32 $0x3800, s4;
	[smem:$0x70F] =	sst s19  }
0x193: {  	[smem:$0x710] =	sst s4  }
0x194: {  	[hbm4b:s19+s2] =	stream.linear.scatter [tilespmem:s1], [sflag:$0x2], $0x1000, $0x38;
	[tilespmem:$0x1C000] =	vst v63  }
0x195: {  	s19 =	sld [smem:$0x7D6]  }
0x196: {  	[hbm4b:s4+s2] =	stream.linear.scatter [tilespmem:s0], [sflag:$0x2], $0x1000, $0x38;
	[tilespmem:$0x1C000] =	vst v63  }
0x197: {  	s4 =	sld [smem:$0x7F2]  }
0x198: {  	s15 =	sld [smem:$0x7D7]  }
0x199: {  	s1 =	sld [smem:$0x7D9]  }
0x19a: {  	[hbm4b:s4+s2] =	stream.linear.scatter [tilespmem:s19], [sflag:$0x2], $0x1400, $0x38;
	[tilespmem:$0x1C000] =	vst v63  }
0x19b: {  	s0 =	sld [smem:$0x7DB];
	s19 =	sadd.s32 $0x800, s4  }
0x19c: {  	[hbm4b:s19+s2] =	stream.linear.scatter [tilespmem:s15], [sflag:$0x2], $0x1400, $0x38;
	[tilespmem:$0x1C000] =	vst v63  }
0x19d: {  	[smem:$0x711] =	sst s19;
	s19 =	sadd.s32 $0x1000, s4  }
0x19e: {  	[smem:$0x712] =	sst s19  }
0x19f: {  	[hbm4b:s19+s2] =	stream.linear.scatter [tilespmem:s1], [sflag:$0x2], $0x1400, $0x38;
	[tilespmem:$0x1C000] =	vst v63  }
0x1a0: {  	s19 =	sadd.s32 $0x1800, s4;
	s1 =	sld [smem:$0x7DD]  }
0x1a1: {  	[smem:$0x713] =	sst s19  }
0x1a2: {  	[hbm4b:s19+s2] =	stream.linear.scatter [tilespmem:s0], [sflag:$0x2], $0x1400, $0x38;
	[tilespmem:$0x1C000] =	vst v63  }
0x1a3: {  	s19 =	sadd.s32 $0x2000, s4;
	s0 =	sld [smem:$0x7DF]  }
0x1a4: {  	[smem:$0x714] =	sst s19  }
0x1a5: {  	[hbm4b:s19+s2] =	stream.linear.scatter [tilespmem:s1], [sflag:$0x2], $0x1400, $0x38;
	[tilespmem:$0x1C000] =	vst v63  }
0x1a6: {  	s19 =	sadd.s32 $0x2800, s4;
	s1 =	sld [smem:$0x7E0]  }
0x1a7: {  	[smem:$0x715] =	sst s19  }
0x1a8: {  	[hbm4b:s19+s2] =	stream.linear.scatter [tilespmem:s0], [sflag:$0x2], $0x1400, $0x38;
	[tilespmem:$0x1C000] =	vst v63  }
0x1a9: {  	s19 =	sadd.s32 $0x3000, s4;
	s0 =	sld [smem:$0x7E2]  }
0x1aa: {  	s4 =	sadd.s32 $0x3800, s4;
	[smem:$0x716] =	sst s19  }
0x1ab: {  	[smem:$0x717] =	sst s4  }
0x1ac: {  	[hbm4b:s19+s2] =	stream.linear.scatter [tilespmem:s1], [sflag:$0x2], $0x1400, $0x38;
	[tilespmem:$0x1C000] =	vst v63  }
0x1ad: {  	s19 =	sld [smem:$0x7E4]  }
0x1ae: {  	[hbm4b:s4+s2] =	stream.linear.scatter [tilespmem:s0], [sflag:$0x2], $0x1400, $0x38;
	[tilespmem:$0x1C000] =	vst v63  }
0x1af: {  	s4 =	sld [smem:$0x7F4]  }
0x1b0: {  	s15 =	sld [smem:$0x7E5]  }
0x1b1: {  	s1 =	sld [smem:$0x7E6]  }
0x1b2: {  	[hbm4b:s4+s2] =	stream.linear.scatter [tilespmem:s19], [sflag:$0x2], $0x1800, $0x38;
	[tilespmem:$0x1C000] =	vst v63  }
0x1b3: {  	s0 =	sld [smem:$0x7E8];
	s19 =	sadd.s32 $0x800, s4  }
0x1b4: {  	[smem:$0x718] =	sst s19  }
0x1b5: {  	[hbm4b:s19+s2] =	stream.linear.scatter [tilespmem:s15], [sflag:$0x2], $0x1800, $0x38;
	[tilespmem:$0x1C000] =	vst v63  }
0x1b6: {  	s19 =	sadd.s32 $0x1000, s4;
	s15 =	rddreg [dreg:$0x7]  }
0x1b7: {  	[smem:$0x719] =	sst s19  }
0x1b8: {  	[hbm4b:s19+s2] =	stream.linear.scatter [tilespmem:s1], [sflag:$0x2], $0x1800, $0x38;
	[tilespmem:$0x1C000] =	vst v63  }
0x1b9: {  	s19 =	sadd.s32 $0x1800, s4;
	s1 =	sld [smem:$0x7E9]  }
0x1ba: {  	[smem:$0x71A] =	sst s19  }
0x1bb: {  	[hbm4b:s19+s2] =	stream.linear.scatter [tilespmem:s0], [sflag:$0x2], $0x1800, $0x38;
	[tilespmem:$0x1C000] =	vst v63  }
0x1bc: {  	s19 =	sadd.s32 $0x2000, s4;
	s0 =	sld [smem:$0x7F7]  }
0x1bd: {  	[smem:$0x71B] =	sst s19  }
0x1be: {  	[hbm4b:s19+s2] =	stream.linear.scatter [tilespmem:s1], [sflag:$0x2], $0x1800, $0x38;
	[tilespmem:$0x1C000] =	vst v63  }
0x1bf: {  	s19 =	sadd.s32 $0x2800, s4;
	s1 =	sld [smem:$0x7F8]  }
0x1c0: {  	[smem:$0x71C] =	sst s19  }
0x1c1: {  	[hbm4b:s19+s2] =	stream.linear.scatter [tilespmem:s0], [sflag:$0x2], $0x1800, $0x38;
	[tilespmem:$0x1C000] =	vst v63  }
0x1c2: {  	s0 =	sadd.s32 $0x3000, s4;
	s19 =	sld [smem:$0x7F9]  }
0x1c3: {  	[hbm4b:s0+s2] =	stream.linear.scatter [tilespmem:s1], [sflag:$0x2], $0x1800, $0x38;
	[tilespmem:$0x1C000] =	vst v63  }
0x1c4: {  	s4 =	sadd.s32 $0x3800, s4;
	[smem:$0x71D] =	sst s0  }
0x1c5: {  	[hbm4b:s4+s2] =	stream.linear.scatter [tilespmem:s19], [sflag:$0x2], $0x1800, $0x38;
	[tilespmem:$0x1C000] =	vst v63  }
0x1c6: {  	[smem:$0x71E] =	sst s4  }
0x1c7: {  	[hbm4b:s15+s6] =	stream.strided.scatter [tilespmem:s18], [sflag:$0x2], $0xE000, s30, s6, $0x38;
	[tilespmem:$0x1C000] =	vst v63  }
0x1c8: {  	s19 =	rddreg [dreg:$0x8]  }
0x1c9: {  	[hbm4b:s19+s6] =	stream.strided.scatter [tilespmem:s18], [sflag:$0x2], $0xE000, s30, s6, $0x38;
	[tilespmem:$0x1C000] =	vst v63  }
0x1ca: {  	s4 =	rddreg [dreg:$0x9]  }
0x1cb: {  	[hbm4b:s4+s6] =	stream.strided.scatter [tilespmem:s18], [sflag:$0x2], $0xE000, s30, s6, $0x38;
	[tilespmem:$0x1C000] =	vst v63  }
0x1cc: {  	s15 =	rddreg [dreg:$0xa]  }
0x1cd: {  	[hbm4b:s15+s6] =	stream.strided.scatter [tilespmem:s18], [sflag:$0x2], $0xE000, s30, s6, $0x38;
	[tilespmem:$0x1C000] =	vst v63  }
0x1ce: {  	s19 =	rddreg [dreg:$0xb]  }
0x1cf: {  	[hbm4b:s19+s6] =	stream.strided.scatter [tilespmem:s18], [sflag:$0x2], $0xE000, s30, s6, $0x38;
	[tilespmem:$0x1C000] =	vst v63  }
0x1d0: {  	s4 =	rddreg [dreg:$0xc]  }
0x1d1: {  	[hbm4b:s4+s6] =	stream.strided.scatter [tilespmem:s18], [sflag:$0x2], $0xE000, s30, s6, $0x38;
	[tilespmem:$0x1C000] =	vst v63  }
0x1d2: {  	s15 =	rddreg [dreg:$0xd]  }
0x1d3: {  	[hbm4b:s15+s6] =	stream.strided.scatter [tilespmem:s18], [sflag:$0x2], $0xE000, s30, s6, $0x38;
	[tilespmem:$0x1C000] =	vst v63  }
0x1d4: {  	s19 =	rddreg [dreg:$0xe]  }
0x1d5: {  	[hbm4b:s19+s6] =	stream.strided.scatter [tilespmem:s18], [sflag:$0x2], $0xE000, s30, s6, $0x38;
	[tilespmem:$0x1C000] =	vst v63  }
0x1d6: {  	_ =	swait.ge [sflag:s16], $0xE000  }
0x1d7: {  	[sflag:s16] =	ssyncset.done $0x0  }
0x1d8: {  	[sflag:s16] =	ssyncadd.s32 $0xFFFF2000  }
0x1d9: {  	_ =	swait.ge [sflag:s5], $0x2000  }
0x1da: {  	[sflag:s5] =	ssyncset.done $0x0  }
0x1db: {  	[sflag:s5] =	ssyncadd.s32 $0xFFFFE000  }
0x1dc: {  	_ =	swait.ge [sflag:s5], $0x4000  }
0x1dd: {  	[sflag:s5] =	ssyncset.done $0x0  }
0x1de: {  	[sflag:s5] =	ssyncadd.s32 $0xFFFFC000  }
0x1df: {  	_ =	swait.ge [sflag:s5], $0x6000  }
0x1e0: {  	[sflag:s5] =	ssyncset.done $0x0  }
0x1e1: {  	[sflag:s5] =	ssyncadd.s32 $0xFFFFA000  }
0x1e2: {  	_ =	swait.ge [sflag:s5], $0x8000  }
0x1e3: {  	[sflag:s5] =	ssyncset.done $0x0  }
0x1e4: {  	[sflag:s5] =	ssyncadd.s32 $0xFFFF8000  }
0x1e5: {  	_ =	swait.ge [sflag:s5], $0xA000  }
0x1e6: {  	[sflag:s5] =	ssyncset.done $0x0  }
0x1e7: {  	[sflag:s5] =	ssyncadd.s32 $0xFFFF6000  }
0x1e8: {  	_ =	swait.ge [sflag:s5], $0xC000  }
0x1e9: {  	[sflag:s5] =	ssyncset.done $0x0  }
0x1ea: {  	[sflag:s5] =	ssyncadd.s32 $0xFFFF4000  }
0x1eb: {  	_ =	swait.ge [sflag:s5], $0xE000  }
0x1ec: {  	[sflag:s5] =	ssyncset.done $0x0  }
0x1ed: {  	[sflag:s5] =	ssyncadd.s32 $0xFFFF2000  }
0x1ee: {  	_ =	swait.ge [sflag:s5], $0xE000  }
0x1ef: {  	[sflag:s5] =	ssyncset.done $0x0  }
0x1f0: {  	[sflag:s5] =	ssyncadd.s32 $0xFFFF2000  }
0x1f1: {  	_ =	swait.ge [sflag:s5], $0xE000  }
0x1f2: {  	[sflag:s5] =	ssyncset.done $0x0  }
0x1f3: {  	[sflag:s5] =	ssyncadd.s32 $0xFFFF2000  }
0x1f4: {  	_ =	swait.ge [sflag:s5], $0xE000  }
0x1f5: {  	[sflag:s5] =	ssyncset.done $0x0  }
0x1f6: {  	[sflag:s5] =	ssyncadd.s32 $0xFFFF2000  }
0x1f7: {  	_ =	swait.ge [sflag:s5], $0xE000  }
0x1f8: {  	[sflag:s5] =	ssyncset.done $0x0  }
0x1f9: {  	[sflag:s5] =	ssyncadd.s32 $0xFFFF2000  }
0x1fa: {  	_ =	swait.ge [sflag:s5], $0xE000  }
0x1fb: {  	[sflag:s5] =	ssyncset.done $0x0  }
0x1fc: {  	[sflag:s5] =	ssyncadd.s32 $0xFFFF2000  }
0x1fd: {  	_ =	swait.ge [sflag:s5], $0xE000  }
0x1fe: {  	[sflag:s5] =	ssyncset.done $0x0  }
0x1ff: {  	[sflag:s5] =	ssyncadd.s32 $0xFFFF2000  }
0x200: {  	_ =	swait.ge [sflag:s5], $0xE000  }
0x201: {  	[sflag:s5] =	ssyncset.done $0x0;
	s0 =	sld [smem:$0x7F5]  }
0x202: {  	s4 =	rddreg [dreg:$0xf];
	[sflag:s5] =	ssyncadd.s32 $0xFFFF2000  }
0x203: {  	[tilespmem:s18], [sflag:$0x1] =	stream.strided.gather [hbm4b:s4+s6], $0xE000, s20, s6, $0x38;
	[tilespmem:$0x1C000] =	vst v63  }
0x204: {  	s15 =	sadd.s32 $0x800, s0  }
0x205: {  	[hbm4b:s0+s2] =	stream.linear.scatter [tilespmem:s29], [sflag:$0x2], $0x1800, $0x38;
	[tilespmem:$0x1C000] =	vst v63  }
0x206: {  	s19 =	simm.s32 $0x2000;
	s4 =	sadd.s32 $0x2800, s0;
	[smem:$0x71F] =	sst s15  }
0x207: {  	[hbm4b:s15+s2] =	stream.linear.scatter [tilespmem:s19], [sflag:$0x2], $0x1800, $0x38;
	[tilespmem:$0x1C000] =	vst v63  }
0x208: {  	[smem:$0x723] =	sst s4;
	s15 =	sadd.s32 $0x1000, s0;
	s19 =	simm.s32 $0x3C00  }
0x209: {  	[hbm4b:s15+s2] =	stream.linear.scatter [tilespmem:s19], [sflag:$0x2], $0x1800, $0x38;
	[tilespmem:$0x1C000] =	vst v63  }
0x20a: {  	[smem:$0x720] =	sst s15;
	s15 =	sadd.s32 $0x1800, s0;
	s19 =	simm.s32 $0x5800  }
0x20b: {  	[hbm4b:s15+s2] =	stream.linear.scatter [tilespmem:s19], [sflag:$0x2], $0x1800, $0x38;
	[tilespmem:$0x1C000] =	vst v63  }
0x20c: {  	[smem:$0x721] =	sst s15;
	s15 =	sadd.s32 $0x2000, s0;
	s19 =	simm.s32 $0x7400  }
0x20d: {  	[hbm4b:s15+s2] =	stream.linear.scatter [tilespmem:s19], [sflag:$0x2], $0x1800, $0x38;
	[tilespmem:$0x1C000] =	vst v63  }
0x20e: {  	[smem:$0x722] =	sst s15;
	s15 =	sadd.s32 $0x3000, s0  }
0x20f: {  	s0 =	sadd.s32 $0x3800, s0;
	[smem:$0x724] =	sst s15  }
0x210: {  	[hbm4b:s4+s2] =	stream.linear.scatter [tilespmem:s22], [sflag:$0x2], $0x1800, $0x38;
	[tilespmem:$0x1C000] =	vst v63  }
0x211: {  	s19 =	simm.s32 $0xAC00;
	[smem:$0x725] =	sst s0  }
0x212: {  	[hbm4b:s15+s2] =	stream.linear.scatter [tilespmem:s19], [sflag:$0x2], $0x1800, $0x38;
	[tilespmem:$0x1C000] =	vst v63  }
0x213: {  	s4 =	rddreg [dreg:$0x10]  }
0x214: {  	[hbm4b:s0+s2] =	stream.linear.scatter [tilespmem:s21], [sflag:$0x2], $0x1800, $0x38;
	[tilespmem:$0x1C000] =	vst v63  }
0x215: {  	s15 =	rddreg [dreg:$0x11]  }
0x216: {  	[hbm4b:s4+s6] =	stream.strided.scatter [tilespmem:s2], [sflag:$0x2], $0xE000, s30, s6, $0x38;
	[tilespmem:$0x1C000] =	vst v63  }
0x217: {  	s19 =	rddreg [dreg:$0x12]  }
0x218: {  	[hbm4b:s15+s6] =	stream.strided.scatter [tilespmem:s2], [sflag:$0x2], $0xE000, s30, s6, $0x38;
	[tilespmem:$0x1C000] =	vst v63  }
0x219: {  	s0 =	sld [smem:$0x7E7]  }
0x21a: {  	[hbm4b:s19+s6] =	stream.strided.scatter [tilespmem:s2], [sflag:$0x2], $0xE000, s30, s6, $0x38;
	[tilespmem:$0x1C000] =	vst v63  }
0x21b: {  	s4 =	rddreg [dreg:$0x13]  }
0x21c: {  	[hbm4b:s4+s6] =	stream.strided.scatter [tilespmem:s2], [sflag:$0x2], $0xE000, s30, s6, $0x38;
	[tilespmem:$0x1C000] =	vst v63  }
0x21d: {  	s15 =	rddreg [dreg:$0x14]  }
0x21e: {  	[hbm4b:s15+s6] =	stream.strided.scatter [tilespmem:s2], [sflag:$0x2], $0xE000, s30, s6, $0x38;
	[tilespmem:$0x1C000] =	vst v63  }
0x21f: {  	s19 =	rddreg [dreg:$0x15]  }
0x220: {  	[hbm4b:s19+s6] =	stream.strided.scatter [tilespmem:s2], [sflag:$0x2], $0xE000, s30, s6, $0x38;
	[tilespmem:$0x1C000] =	vst v63  }
0x221: {  	s4 =	rddreg [dreg:$0x16]  }
0x222: {  	[hbm4b:s4+s6] =	stream.strided.scatter [tilespmem:s2], [sflag:$0x2], $0xE000, s30, s6, $0x38;
	[tilespmem:$0x1C000] =	vst v63  }
0x223: {  	s15 =	rddreg [dreg:$0x17]  }
0x224: {  	[hbm4b:s15+s6] =	stream.strided.scatter [tilespmem:s2], [sflag:$0x2], $0xE000, s30, s6, $0x38;
	[tilespmem:$0x1C000] =	vst v63  }
0x225: {  	s19 =	rddreg [dreg:$0x18]  }
0x226: {  	[hbm4b:s19+s6] =	stream.strided.scatter [tilespmem:s2], [sflag:$0x2], $0xE000, s30, s6, $0x38;
	[tilespmem:$0x1C000] =	vst v63  }
0x227: {  	s4 =	rddreg [dreg:$0x19]  }
0x228: {  	[hbm4b:s4+s6] =	stream.strided.scatter [tilespmem:s2], [sflag:$0x2], $0xE000, s30, s6, $0x38;
	[tilespmem:$0x1C000] =	vst v63  }
0x229: {  	_ = 	snop  }
0x22a: {  	[hbm4b:s0+s2] =	stream.linear.scatter [tilespmem:s2], [sflag:$0x2], $0x1800, $0x38;
	[tilespmem:$0x1C000] =	vst v63  }
0x22b: {  	s15 =	sadd.s32 $0x800, s0  }
0x22c: {  	[hbm4b:s15+s2] =	stream.linear.scatter [tilespmem:s6], [sflag:$0x2], $0x1800, $0x38;
	[tilespmem:$0x1C000] =	vst v63  }
0x22d: {  	s19 =	sadd.s32 $0x1000, s0  }
0x22e: {  	[hbm4b:s19+s2] =	stream.linear.scatter [tilespmem:s13], [sflag:$0x2], $0x1800, $0x38;
	[tilespmem:$0x1C000] =	vst v63  }
0x22f: {  	s4 =	sadd.s32 $0x1800, s0  }
0x230: {  	[hbm4b:s4+s2] =	stream.linear.scatter [tilespmem:s12], [sflag:$0x2], $0x1800, $0x38;
	[tilespmem:$0x1C000] =	vst v63  }
0x231: {  	[smem:$0x726] =	sst s15;
	s15 =	sadd.s32 $0x2000, s0  }
0x232: {  	[hbm4b:s15+s2] =	stream.linear.scatter [tilespmem:s11], [sflag:$0x2], $0x1800, $0x38;
	[tilespmem:$0x1C000] =	vst v63  }
0x233: {  	[smem:$0x727] =	sst s19;
	s19 =	sadd.s32 $0x2800, s0  }
0x234: {  	[hbm4b:s19+s2] =	stream.linear.scatter [tilespmem:s10], [sflag:$0x2], $0x1800, $0x38;
	[tilespmem:$0x1C000] =	vst v63  }
0x235: {  	[smem:$0x728] =	sst s4;
	s4 =	sadd.s32 $0x3000, s0;
	s0 =	sadd.s32 $0x3800, s0  }
0x236: {  	[hbm4b:s4+s2] =	stream.linear.scatter [tilespmem:s9], [sflag:$0x2], $0x1800, $0x38;
	[tilespmem:$0x1C000] =	vst v63  }
0x237: {  	[smem:$0x72C] =	sst s0  }
0x238: {  	[hbm4b:s0+s2] =	stream.linear.scatter [tilespmem:s8], [sflag:$0x2], $0x1800, $0x38;
	[tilespmem:$0x1C000] =	vst v63  }
0x239: {  	s0 =	sld [smem:$0x7EC];
	_ =	sdelay $0x2  }
0x23a: {  	[hbm4b:s0+s2] =	stream.linear.scatter [tilespmem:s2], [sflag:$0x2], $0x1400, $0x38;
	[tilespmem:$0x1C000] =	vst v63  }
0x23b: {  	[smem:$0x729] =	sst s15;
	s15 =	sadd.s32 $0x800, s0  }
0x23c: {  	[hbm4b:s15+s2] =	stream.linear.scatter [tilespmem:s6], [sflag:$0x2], $0x1400, $0x38;
	[tilespmem:$0x1C000] =	vst v63  }
0x23d: {  	[smem:$0x72A] =	sst s19;
	s19 =	sadd.s32 $0x1000, s0  }
0x23e: {  	[hbm4b:s19+s2] =	stream.linear.scatter [tilespmem:s13], [sflag:$0x2], $0x1400, $0x38;
	[tilespmem:$0x1C000] =	vst v63  }
0x23f: {  	[smem:$0x72B] =	sst s4;
	s4 =	sadd.s32 $0x1800, s0  }
0x240: {  	[hbm4b:s4+s2] =	stream.linear.scatter [tilespmem:s12], [sflag:$0x2], $0x1400, $0x38;
	[tilespmem:$0x1C000] =	vst v63  }
0x241: {  	[smem:$0x72D] =	sst s15;
	s15 =	sadd.s32 $0x2000, s0  }
0x242: {  	[hbm4b:s15+s2] =	stream.linear.scatter [tilespmem:s11], [sflag:$0x2], $0x1400, $0x38;
	[tilespmem:$0x1C000] =	vst v63  }
0x243: {  	[smem:$0x72E] =	sst s19;
	s19 =	sadd.s32 $0x2800, s0  }
0x244: {  	[hbm4b:s19+s2] =	stream.linear.scatter [tilespmem:s10], [sflag:$0x2], $0x1400, $0x38;
	[tilespmem:$0x1C000] =	vst v63  }
0x245: {  	[smem:$0x72F] =	sst s4;
	s4 =	sadd.s32 $0x3000, s0;
	s0 =	sadd.s32 $0x3800, s0  }
0x246: {  	[hbm4b:s4+s2] =	stream.linear.scatter [tilespmem:s9], [sflag:$0x2], $0x1400, $0x38;
	[tilespmem:$0x1C000] =	vst v63  }
0x247: {  	[smem:$0x733] =	sst s0  }
0x248: {  	[hbm4b:s0+s2] =	stream.linear.scatter [tilespmem:s8], [sflag:$0x2], $0x1400, $0x38;
	[tilespmem:$0x1C000] =	vst v63  }
0x249: {  	s0 =	sld [smem:$0x7F0];
	_ =	sdelay $0x2  }
0x24a: {  	[hbm4b:s0+s2] =	stream.linear.scatter [tilespmem:s2], [sflag:$0x2], $0x1000, $0x38;
	[tilespmem:$0x1C000] =	vst v63  }
0x24b: {  	[smem:$0x730] =	sst s15;
	s15 =	sadd.s32 $0x800, s0  }
0x24c: {  	[hbm4b:s15+s2] =	stream.linear.scatter [tilespmem:s6], [sflag:$0x2], $0x1000, $0x38;
	[tilespmem:$0x1C000] =	vst v63  }
0x24d: {  	[smem:$0x731] =	sst s19;
	s19 =	sadd.s32 $0x1000, s0  }
0x24e: {  	[hbm4b:s19+s2] =	stream.linear.scatter [tilespmem:s13], [sflag:$0x2], $0x1000, $0x38;
	[tilespmem:$0x1C000] =	vst v63  }
0x24f: {  	[smem:$0x732] =	sst s4;
	s4 =	sadd.s32 $0x1800, s0  }
0x250: {  	[hbm4b:s4+s2] =	stream.linear.scatter [tilespmem:s12], [sflag:$0x2], $0x1000, $0x38;
	[tilespmem:$0x1C000] =	vst v63  }
0x251: {  	[smem:$0x734] =	sst s15;
	s15 =	sadd.s32 $0x2000, s0  }
0x252: {  	[hbm4b:s15+s2] =	stream.linear.scatter [tilespmem:s11], [sflag:$0x2], $0x1000, $0x38;
	[tilespmem:$0x1C000] =	vst v63  }
0x253: {  	[smem:$0x735] =	sst s19;
	s19 =	sadd.s32 $0x2800, s0  }
0x254: {  	[hbm4b:s19+s2] =	stream.linear.scatter [tilespmem:s10], [sflag:$0x2], $0x1000, $0x38;
	[tilespmem:$0x1C000] =	vst v63  }
0x255: {  	[smem:$0x736] =	sst s4;
	s4 =	sadd.s32 $0x3000, s0;
	s0 =	sadd.s32 $0x3800, s0  }
0x256: {  	[hbm4b:s4+s2] =	stream.linear.scatter [tilespmem:s9], [sflag:$0x2], $0x1000, $0x38;
	[tilespmem:$0x1C000] =	vst v63  }
0x257: {  	[smem:$0x73A] =	sst s0  }
0x258: {  	[hbm4b:s0+s2] =	stream.linear.scatter [tilespmem:s8], [sflag:$0x2], $0x1000, $0x38;
	[tilespmem:$0x1C000] =	vst v63  }
0x259: {  	s0 =	sld [smem:$0x7F3];
	_ =	sdelay $0x2  }
0x25a: {  	[hbm4b:s0+s2] =	stream.linear.scatter [tilespmem:s2], [sflag:$0x2], $0xC00, $0x38;
	[tilespmem:$0x1C000] =	vst v63  }
0x25b: {  	[smem:$0x737] =	sst s15;
	s15 =	sadd.s32 $0x800, s0  }
0x25c: {  	[hbm4b:s15+s2] =	stream.linear.scatter [tilespmem:s6], [sflag:$0x2], $0xC00, $0x38;
	[tilespmem:$0x1C000] =	vst v63  }
0x25d: {  	[smem:$0x738] =	sst s19;
	s19 =	sadd.s32 $0x1000, s0  }
0x25e: {  	[hbm4b:s19+s2] =	stream.linear.scatter [tilespmem:s13], [sflag:$0x2], $0xC00, $0x38;
	[tilespmem:$0x1C000] =	vst v63  }
0x25f: {  	[smem:$0x739] =	sst s4;
	s4 =	sadd.s32 $0x1800, s0  }
0x260: {  	[hbm4b:s4+s2] =	stream.linear.scatter [tilespmem:s12], [sflag:$0x2], $0xC00, $0x38;
	[tilespmem:$0x1C000] =	vst v63  }
0x261: {  	[smem:$0x73B] =	sst s15;
	s15 =	sadd.s32 $0x2000, s0  }
0x262: {  	[hbm4b:s15+s2] =	stream.linear.scatter [tilespmem:s11], [sflag:$0x2], $0xC00, $0x38;
	[tilespmem:$0x1C000] =	vst v63  }
0x263: {  	[smem:$0x73C] =	sst s19;
	s19 =	sadd.s32 $0x2800, s0  }
0x264: {  	[hbm4b:s19+s2] =	stream.linear.scatter [tilespmem:s10], [sflag:$0x2], $0xC00, $0x38;
	[tilespmem:$0x1C000] =	vst v63  }
0x265: {  	[smem:$0x73D] =	sst s4;
	s4 =	sadd.s32 $0x3000, s0;
	s0 =	sadd.s32 $0x3800, s0  }
0x266: {  	[hbm4b:s4+s2] =	stream.linear.scatter [tilespmem:s9], [sflag:$0x2], $0xC00, $0x38;
	[tilespmem:$0x1C000] =	vst v63  }
0x267: {  	[smem:$0x741] =	sst s0  }
0x268: {  	[hbm4b:s0+s2] =	stream.linear.scatter [tilespmem:s8], [sflag:$0x2], $0xC00, $0x38;
	[tilespmem:$0x1C000] =	vst v63  }
0x269: {  	s0 =	sld [smem:$0x7E1]  }
0x26a: {  	[smem:$0x73E] =	sst s15  }
0x26b: {  	[smem:$0x73F] =	sst s19  }
0x26c: {  	[hbm4b:s0+s2] =	stream.linear.scatter [tilespmem:s2], [sflag:$0x2], $0x800, $0x38;
	[tilespmem:$0x1C000] =	vst v63  }
0x26d: {  	[smem:$0x740] =	sst s4;
	s15 =	sadd.s32 $0x800, s0  }
0x26e: {  	s19 =	sadd.s32 $0x1000, s0;
	[smem:$0x742] =	sst s15  }
0x26f: {  	[hbm4b:s15+s2] =	stream.linear.scatter [tilespmem:s6], [sflag:$0x2], $0x800, $0x38;
	[tilespmem:$0x1C000] =	vst v63  }
0x270: {  	s4 =	sadd.s32 $0x1800, s0;
	[smem:$0x743] =	sst s19  }
0x271: {  	[hbm4b:s19+s2] =	stream.linear.scatter [tilespmem:s13], [sflag:$0x2], $0x800, $0x38;
	[tilespmem:$0x1C000] =	vst v63  }
0x272: {  	[smem:$0x744] =	sst s4;
	s15 =	sadd.s32 $0x2000, s0  }
0x273: {  	[hbm4b:s4+s2] =	stream.linear.scatter [tilespmem:s12], [sflag:$0x2], $0x800, $0x38;
	[tilespmem:$0x1C000] =	vst v63  }
0x274: {  	[smem:$0x745] =	sst s15;
	s19 =	sadd.s32 $0x2800, s0  }
0x275: {  	[hbm4b:s15+s2] =	stream.linear.scatter [tilespmem:s11], [sflag:$0x2], $0x800, $0x38;
	[tilespmem:$0x1C000] =	vst v63  }
0x276: {  	[smem:$0x746] =	sst s19;
	s4 =	sadd.s32 $0x3000, s0  }
0x277: {  	[hbm4b:s19+s2] =	stream.linear.scatter [tilespmem:s10], [sflag:$0x2], $0x800, $0x38;
	[tilespmem:$0x1C000] =	vst v63  }
0x278: {  	s0 =	sadd.s32 $0x3800, s0;
	[smem:$0x747] =	sst s4  }
0x279: {  	[hbm4b:s4+s2] =	stream.linear.scatter [tilespmem:s9], [sflag:$0x2], $0x800, $0x38;
	[tilespmem:$0x1C000] =	vst v63  }
0x27a: {  	[smem:$0x748] =	sst s0  }
0x27b: {  	[hbm4b:s0+s2] =	stream.linear.scatter [tilespmem:s8], [sflag:$0x2], $0x800, $0x38;
	[tilespmem:$0x1C000] =	vst v63  }
0x27c: {  	_ =	swait.ge [sflag:s16], $0xE000  }
0x27d: {  	[sflag:s16] =	ssyncset.done $0x0  }
0x27e: {  	[sflag:s16] =	ssyncadd.s32 $0xFFFF2000  }
0x27f: {  	_ =	swait.ge [sflag:s5], $0xC000  }
0x280: {  	[sflag:s5] =	ssyncset.done $0x0  }
0x281: {  	[sflag:s5] =	ssyncadd.s32 $0xFFFF4000  }
0x282: {  	_ =	swait.ge [sflag:s5], $0xE000  }
0x283: {  	[sflag:s5] =	ssyncset.done $0x0  }
0x284: {  	[sflag:s5] =	ssyncadd.s32 $0xFFFF2000  }
0x285: {  	_ =	swait.ge [sflag:s5], $0xE000  }
0x286: {  	[sflag:s5] =	ssyncset.done $0x0  }
0x287: {  	[sflag:s5] =	ssyncadd.s32 $0xFFFF2000  }
0x288: {  	_ =	swait.ge [sflag:s5], $0xE000  }
0x289: {  	[sflag:s5] =	ssyncset.done $0x0  }
0x28a: {  	[sflag:s5] =	ssyncadd.s32 $0xFFFF2000  }
0x28b: {  	_ =	swait.ge [sflag:s5], $0xE000  }
0x28c: {  	[sflag:s5] =	ssyncset.done $0x0  }
0x28d: {  	[sflag:s5] =	ssyncadd.s32 $0xFFFF2000  }
0x28e: {  	_ =	swait.ge [sflag:s5], $0xE000  }
0x28f: {  	[sflag:s5] =	ssyncset.done $0x0  }
0x290: {  	[sflag:s5] =	ssyncadd.s32 $0xFFFF2000  }
0x291: {  	_ =	swait.ge [sflag:s5], $0xE000  }
0x292: {  	[sflag:s5] =	ssyncset.done $0x0  }
0x293: {  	[sflag:s5] =	ssyncadd.s32 $0xFFFF2000  }
0x294: {  	_ =	swait.ge [sflag:s5], $0xE000  }
0x295: {  	[sflag:s5] =	ssyncset.done $0x0  }
0x296: {  	[sflag:s5] =	ssyncadd.s32 $0xFFFF2000  }
0x297: {  	_ =	swait.ge [sflag:s5], $0xE000  }
0x298: {  	[sflag:s5] =	ssyncset.done $0x0  }
0x299: {  	[sflag:s5] =	ssyncadd.s32 $0xFFFF2000  }
0x29a: {  	_ =	swait.ge [sflag:s5], $0xE000  }
0x29b: {  	[sflag:s5] =	ssyncset.done $0x0  }
0x29c: {  	[sflag:s5] =	ssyncadd.s32 $0xFFFF2000  }
0x29d: {  	_ =	swait.ge [sflag:s5], $0xE000  }
0x29e: {  	[sflag:s5] =	ssyncset.done $0x0  }
0x29f: {  	[sflag:s5] =	ssyncadd.s32 $0xFFFF2000  }
0x2a0: {  	_ =	swait.ge [sflag:s5], $0xC000  }
0x2a1: {  	[sflag:s5] =	ssyncset.done $0x0  }
0x2a2: {  	[sflag:s5] =	ssyncadd.s32 $0xFFFF4000  }
0x2a3: {  	_ =	swait.ge [sflag:s5], $0xA000  }
0x2a4: {  	[sflag:s5] =	ssyncset.done $0x0  }
0x2a5: {  	[sflag:s5] =	ssyncadd.s32 $0xFFFF6000  }
0x2a6: {  	_ =	swait.ge [sflag:s5], $0x8000  }
0x2a7: {  	[sflag:s5] =	ssyncset.done $0x0  }
0x2a8: {  	[sflag:s5] =	ssyncadd.s32 $0xFFFF8000  }
0x2a9: {  	_ =	swait.ge [sflag:s5], $0x6000  }
0x2aa: {  	[sflag:s5] =	ssyncset.done $0x0  }
0x2ab: {  	[sflag:s5] =	ssyncadd.s32 $0xFFFFA000  }
0x2ac: {  	_ =	swait.ge [sflag:s5], $0x4000  }
0x2ad: {  	s0 =	sld [smem:$0x7FA]  }
0x2ae: {  	[sflag:s5] =	ssyncset.done $0x0  }
0x2af: {  	[sflag:s5] =	ssyncadd.s32 $0xFFFFC000  }
0x2b0: {  	[tilespmem:s2], [sflag:$0x1] =	stream.linear.gather [hbm4b:s0+s2], $0xC00, $0x38;
	[tilespmem:$0x1C000] =	vst v63  }
0x2b1: {  	s15 =	sadd.s32 $0xF80, s0  }
0x2b2: {  	s19 =	sadd.s32 $0x1F00, s0;
	[smem:$0x749] =	sst s15  }
0x2b3: {  	s4 =	sadd.s32 $0x2E80, s0;
	[smem:$0x74A] =	sst s19  }
0x2b4: {  	[tilespmem:s6], [sflag:$0x1] =	stream.linear.gather [hbm4b:s15+s2], $0xC00, $0x38;
	[tilespmem:$0x1C000] =	vst v63  }
0x2b5: {  	[smem:$0x74B] =	sst s4;
	s15 =	sadd.s32 $0x3E00, s0  }
0x2b6: {  	[tilespmem:s13], [sflag:$0x1] =	stream.linear.gather [hbm4b:s19+s2], $0xC00, $0x38;
	[tilespmem:$0x1C000] =	vst v63  }
0x2b7: {  	[smem:$0x74C] =	sst s15;
	s19 =	sadd.s32 $0x4D80, s0  }
0x2b8: {  	[tilespmem:s12], [sflag:$0x1] =	stream.linear.gather [hbm4b:s4+s2], $0xC00, $0x38;
	[tilespmem:$0x1C000] =	vst v63  }
0x2b9: {  	[smem:$0x74D] =	sst s19;
	s4 =	sadd.s32 $0x5D00, s0  }
0x2ba: {  	[tilespmem:s11], [sflag:$0x1] =	stream.linear.gather [hbm4b:s15+s2], $0xC00, $0x38;
	[tilespmem:$0x1C000] =	vst v63  }
0x2bb: {  	[smem:$0x74E] =	sst s4  }
0x2bc: {  	[tilespmem:s10], [sflag:$0x1] =	stream.linear.gather [hbm4b:s19+s2], $0xC00, $0x38;
	[tilespmem:$0x1C000] =	vst v63  }
0x2bd: {  	s15 =	sadd.s32 $0x6C80, s0;
	s0 =	sld [smem:$0x7EA]  }
0x2be: {  	[tilespmem:s9], [sflag:$0x1] =	stream.linear.gather [hbm4b:s4+s2], $0xC00, $0x38;
	[tilespmem:$0x1C000] =	vst v63  }
0x2bf: {  	[smem:$0x74F] =	sst s15  }
0x2c0: {  	[tilespmem:s8], [sflag:$0x1] =	stream.linear.gather [hbm4b:s15+s2], $0xC00, $0x38;
	[tilespmem:$0x1C000] =	vst v63  }
0x2c1: {  	s19 =	rddreg [dreg:$0x1a]  }
0x2c2: {  	[hbm4b:s19+s6] =	stream.strided.scatter [tilespmem:s18], [sflag:$0x2], $0xE000, s30, s6, $0x38;
	[tilespmem:$0x1C000] =	vst v63  }
0x2c3: {  	s4 =	rddreg [dreg:$0x1b]  }
0x2c4: {  	[hbm4b:s4+s6] =	stream.strided.scatter [tilespmem:s18], [sflag:$0x2], $0xE000, s30, s6, $0x38;
	[tilespmem:$0x1C000] =	vst v63  }
0x2c5: {  	s15 =	rddreg [dreg:$0x1c]  }
0x2c6: {  	[hbm4b:s15+s6] =	stream.strided.scatter [tilespmem:s18], [sflag:$0x2], $0xE000, s30, s6, $0x38;
	[tilespmem:$0x1C000] =	vst v63  }
0x2c7: {  	s19 =	rddreg [dreg:$0x1d]  }
0x2c8: {  	[hbm4b:s19+s6] =	stream.strided.scatter [tilespmem:s18], [sflag:$0x2], $0xE000, s30, s6, $0x38;
	[tilespmem:$0x1C000] =	vst v63  }
0x2c9: {  	_ = 	snop  }
0x2ca: {  	[hbm4b:s0+s2] =	stream.linear.scatter [tilespmem:s18], [sflag:$0x2], $0x1800, $0x38;
	[tilespmem:$0x1C000] =	vst v63  }
0x2cb: {  	s4 =	sadd.s32 $0x800, s0  }
0x2cc: {  	[hbm4b:s4+s2] =	stream.linear.scatter [tilespmem:s28], [sflag:$0x2], $0x1800, $0x38;
	[tilespmem:$0x1C000] =	vst v63  }
0x2cd: {  	s15 =	sadd.s32 $0x1000, s0  }
0x2ce: {  	[hbm4b:s15+s2] =	stream.linear.scatter [tilespmem:s26], [sflag:$0x2], $0x1800, $0x38;
	[tilespmem:$0x1C000] =	vst v63  }
0x2cf: {  	s19 =	sadd.s32 $0x1800, s0  }
0x2d0: {  	[hbm4b:s19+s2] =	stream.linear.scatter [tilespmem:s24], [sflag:$0x2], $0x1800, $0x38;
	[tilespmem:$0x1C000] =	vst v63  }
0x2d1: {  	s22 =	simm.s32 $0x16C00;
	[smem:$0x750] =	sst s4;
	s4 =	sadd.s32 $0x2000, s0  }
0x2d2: {  	[hbm4b:s4+s2] =	stream.linear.scatter [tilespmem:s23], [sflag:$0x2], $0x1800, $0x38;
	[tilespmem:$0x1C000] =	vst v63  }
0x2d3: {  	s21 =	simm.s32 $0x18800;
	[smem:$0x751] =	sst s15;
	s15 =	sadd.s32 $0x2800, s0  }
0x2d4: {  	[hbm4b:s15+s2] =	stream.linear.scatter [tilespmem:s22], [sflag:$0x2], $0x1800, $0x38;
	[tilespmem:$0x1C000] =	vst v63  }
0x2d5: {  	[smem:$0x752] =	sst s19;
	s19 =	sadd.s32 $0x3000, s0;
	s0 =	sadd.s32 $0x3800, s0  }
0x2d6: {  	[hbm4b:s19+s2] =	stream.linear.scatter [tilespmem:s21], [sflag:$0x2], $0x1800, $0x38;
	[tilespmem:$0x1C000] =	vst v63  }
0x2d7: {  	s29 =	simm.s32 $0x1A400;
	[smem:$0x756] =	sst s0  }
0x2d8: {  	[hbm4b:s0+s2] =	stream.linear.scatter [tilespmem:s29], [sflag:$0x2], $0x1800, $0x38;
	[tilespmem:$0x1C000] =	vst v63  }
0x2d9: {  	s0 =	sld [smem:$0x7ED];
	_ =	sdelay $0x2  }
0x2da: {  	[hbm4b:s0+s2] =	stream.linear.scatter [tilespmem:s18], [sflag:$0x2], $0x1400, $0x38;
	[tilespmem:$0x1C000] =	vst v63  }
0x2db: {  	[smem:$0x753] =	sst s4;
	s4 =	sadd.s32 $0x800, s0  }
0x2dc: {  	[hbm4b:s4+s2] =	stream.linear.scatter [tilespmem:s28], [sflag:$0x2], $0x1400, $0x38;
	[tilespmem:$0x1C000] =	vst v63  }
0x2dd: {  	[smem:$0x754] =	sst s15;
	s15 =	sadd.s32 $0x1000, s0  }
0x2de: {  	[hbm4b:s15+s2] =	stream.linear.scatter [tilespmem:s26], [sflag:$0x2], $0x1400, $0x38;
	[tilespmem:$0x1C000] =	vst v63  }
0x2df: {  	[smem:$0x755] =	sst s19;
	s19 =	sadd.s32 $0x1800, s0  }
0x2e0: {  	[hbm4b:s19+s2] =	stream.linear.scatter [tilespmem:s24], [sflag:$0x2], $0x1400, $0x38;
	[tilespmem:$0x1C000] =	vst v63  }
0x2e1: {  	[smem:$0x757] =	sst s4;
	s4 =	sadd.s32 $0x2000, s0  }
0x2e2: {  	[hbm4b:s4+s2] =	stream.linear.scatter [tilespmem:s23], [sflag:$0x2], $0x1400, $0x38;
	[tilespmem:$0x1C000] =	vst v63  }
0x2e3: {  	[smem:$0x758] =	sst s15;
	s15 =	sadd.s32 $0x2800, s0  }
0x2e4: {  	[hbm4b:s15+s2] =	stream.linear.scatter [tilespmem:s22], [sflag:$0x2], $0x1400, $0x38;
	[tilespmem:$0x1C000] =	vst v63  }
0x2e5: {  	[smem:$0x759] =	sst s19;
	s19 =	sadd.s32 $0x3000, s0;
	s0 =	sadd.s32 $0x3800, s0  }
0x2e6: {  	[hbm4b:s19+s2] =	stream.linear.scatter [tilespmem:s21], [sflag:$0x2], $0x1400, $0x38;
	[tilespmem:$0x1C000] =	vst v63  }
0x2e7: {  	[smem:$0x75D] =	sst s0  }
0x2e8: {  	[hbm4b:s0+s2] =	stream.linear.scatter [tilespmem:s29], [sflag:$0x2], $0x1400, $0x38;
	[tilespmem:$0x1C000] =	vst v63  }
0x2e9: {  	s0 =	sld [smem:$0x7F1];
	_ =	sdelay $0x2  }
0x2ea: {  	[hbm4b:s0+s2] =	stream.linear.scatter [tilespmem:s18], [sflag:$0x2], $0x1000, $0x38;
	[tilespmem:$0x1C000] =	vst v63  }
0x2eb: {  	[smem:$0x75A] =	sst s4;
	s4 =	sadd.s32 $0x800, s0  }
0x2ec: {  	[hbm4b:s4+s2] =	stream.linear.scatter [tilespmem:s28], [sflag:$0x2], $0x1000, $0x38;
	[tilespmem:$0x1C000] =	vst v63  }
0x2ed: {  	[smem:$0x75B] =	sst s15;
	s15 =	sadd.s32 $0x1000, s0  }
0x2ee: {  	[hbm4b:s15+s2] =	stream.linear.scatter [tilespmem:s26], [sflag:$0x2], $0x1000, $0x38;
	[tilespmem:$0x1C000] =	vst v63  }
0x2ef: {  	[smem:$0x75C] =	sst s19;
	s19 =	sadd.s32 $0x1800, s0  }
0x2f0: {  	[hbm4b:s19+s2] =	stream.linear.scatter [tilespmem:s24], [sflag:$0x2], $0x1000, $0x38;
	[tilespmem:$0x1C000] =	vst v63  }
0x2f1: {  	[smem:$0x75E] =	sst s4;
	s4 =	sadd.s32 $0x2000, s0  }
0x2f2: {  	[hbm4b:s4+s2] =	stream.linear.scatter [tilespmem:s23], [sflag:$0x2], $0x1000, $0x38;
	[tilespmem:$0x1C000] =	vst v63  }
0x2f3: {  	[smem:$0x75F] =	sst s15;
	s15 =	sadd.s32 $0x2800, s0  }
0x2f4: {  	[hbm4b:s15+s2] =	stream.linear.scatter [tilespmem:s22], [sflag:$0x2], $0x1000, $0x38;
	[tilespmem:$0x1C000] =	vst v63  }
0x2f5: {  	[smem:$0x760] =	sst s19;
	s19 =	sadd.s32 $0x3000, s0  }
0x2f6: {  	[hbm4b:s19+s2] =	stream.linear.scatter [tilespmem:s21], [sflag:$0x2], $0x1000, $0x38;
	[tilespmem:$0x1C000] =	vst v63  }
0x2f7: {  	s1 =	sadd.s32 $0x800, s14;
	s0 =	sadd.s32 $0x3800, s0  }
0x2f8: {  	[hbm4b:s0+s2] =	stream.linear.scatter [tilespmem:s29], [sflag:$0x2], $0x1000, $0x38;
	[tilespmem:$0x1C000] =	vst v63  }
0x2f9: {  	[smem:$0x765] =	sst s1  }
0x2fa: {  	[hbm4b:s14+s2] =	stream.linear.scatter [tilespmem:s18], [sflag:$0x2], $0xC00, $0x38;
	[tilespmem:$0x1C000] =	vst v63  }
0x2fb: {  	[smem:$0x761] =	sst s4  }
0x2fc: {  	[hbm4b:s1+s2] =	stream.linear.scatter [tilespmem:s28], [sflag:$0x2], $0xC00, $0x38;
	[tilespmem:$0x1C000] =	vst v63  }
0x2fd: {  	[smem:$0x762] =	sst s15;
	s4 =	sadd.s32 $0x1000, s14  }
0x2fe: {  	[hbm4b:s4+s2] =	stream.linear.scatter [tilespmem:s26], [sflag:$0x2], $0xC00, $0x38;
	[tilespmem:$0x1C000] =	vst v63  }
0x2ff: {  	[smem:$0x763] =	sst s19;
	s15 =	sadd.s32 $0x1800, s14  }
0x300: {  	[hbm4b:s15+s2] =	stream.linear.scatter [tilespmem:s24], [sflag:$0x2], $0xC00, $0x38;
	[tilespmem:$0x1C000] =	vst v63  }
0x301: {  	[smem:$0x764] =	sst s0;
	s19 =	sadd.s32 $0x2000, s14  }
0x302: {  	[hbm4b:s19+s2] =	stream.linear.scatter [tilespmem:s23], [sflag:$0x2], $0xC00, $0x38;
	[tilespmem:$0x1C000] =	vst v63  }
0x303: {  	[smem:$0x766] =	sst s4;
	s1 =	sadd.s32 $0x2800, s14  }
0x304: {  	[hbm4b:s1+s2] =	stream.linear.scatter [tilespmem:s22], [sflag:$0x2], $0xC00, $0x38;
	[tilespmem:$0x1C000] =	vst v63  }
0x305: {  	[smem:$0x767] =	sst s15;
	s4 =	sadd.s32 $0x3000, s14;
	s15 =	sadd.s32 $0x3800, s14  }
0x306: {  	[hbm4b:s4+s2] =	stream.linear.scatter [tilespmem:s21], [sflag:$0x2], $0xC00, $0x38;
	[tilespmem:$0x1C000] =	vst v63  }
0x307: {  	[smem:$0x76B] =	sst s15  }
0x308: {  	[hbm4b:s15+s2] =	stream.linear.scatter [tilespmem:s29], [sflag:$0x2], $0xC00, $0x38;
	[tilespmem:$0x1C000] =	vst v63  }
0x309: {  	s15 =	sld [smem:$0x7E3]  }
0x30a: {  	[smem:$0x768] =	sst s19  }
0x30b: {  	[smem:$0x769] =	sst s1  }
0x30c: {  	[hbm4b:s15+s2] =	stream.linear.scatter [tilespmem:s18], [sflag:$0x2], $0x800, $0x38;
	[tilespmem:$0x1C000] =	vst v63  }
0x30d: {  	[smem:$0x76A] =	sst s4;
	s19 =	sadd.s32 $0x800, s15  }
0x30e: {  	[hbm4b:s19+s2] =	stream.linear.scatter [tilespmem:s28], [sflag:$0x2], $0x800, $0x38;
	[tilespmem:$0x1C000] =	vst v63  }
0x30f: {  	s1 =	sadd.s32 $0x1000, s15;
	[smem:$0x76C] =	sst s19  }
0x310: {  	[hbm4b:s1+s2] =	stream.linear.scatter [tilespmem:s26], [sflag:$0x2], $0x800, $0x38;
	[tilespmem:$0x1C000] =	vst v63  }
0x311: {  	s4 =	sadd.s32 $0x1800, s15;
	[smem:$0x76D] =	sst s1  }
0x312: {  	[hbm4b:s4+s2] =	stream.linear.scatter [tilespmem:s24], [sflag:$0x2], $0x800, $0x38;
	[tilespmem:$0x1C000] =	vst v63  }
0x313: {  	s14 =	sadd.s32 $0x2000, s15;
	[smem:$0x76E] =	sst s4  }
0x314: {  	[hbm4b:s14+s2] =	stream.linear.scatter [tilespmem:s23], [sflag:$0x2], $0x800, $0x38;
	[tilespmem:$0x1C000] =	vst v63  }
0x315: {  	[smem:$0x76F] =	sst s14;
	s19 =	sadd.s32 $0x2800, s15  }
0x316: {  	[hbm4b:s19+s2] =	stream.linear.scatter [tilespmem:s22], [sflag:$0x2], $0x800, $0x38;
	[tilespmem:$0x1C000] =	vst v63  }
0x317: {  	[smem:$0x770] =	sst s19;
	s1 =	sadd.s32 $0x3000, s15  }
0x318: {  	[hbm4b:s1+s2] =	stream.linear.scatter [tilespmem:s21], [sflag:$0x2], $0x800, $0x38;
	[tilespmem:$0x1C000] =	vst v63  }
0x319: {  	[smem:$0x771] =	sst s1;
	s4 =	sadd.s32 $0x3800, s15  }
0x31a: {  	[hbm4b:s4+s2] =	stream.linear.scatter [tilespmem:s29], [sflag:$0x2], $0x800, $0x38;
	[tilespmem:$0x1C000] =	vst v63  }
0x31b: {  	[smem:$0x772] =	sst s4;
	s14 =	sadd.s32 $0x800, s31  }
0x31c: {  	[hbm4b:s31+s2] =	stream.linear.scatter [tilespmem:s18], [sflag:$0x2], $0x400, $0x38;
	[tilespmem:$0x1C000] =	vst v63  }
0x31d: {  	[smem:$0x773] =	sst s14;
	s19 =	sadd.s32 $0x1000, s31  }
0x31e: {  	[hbm4b:s14+s2] =	stream.linear.scatter [tilespmem:s28], [sflag:$0x2], $0x400, $0x38;
	[tilespmem:$0x1C000] =	vst v63  }
0x31f: {  	[smem:$0x774] =	sst s19;
	s1 =	sadd.s32 $0x1800, s31  }
0x320: {  	[hbm4b:s19+s2] =	stream.linear.scatter [tilespmem:s26], [sflag:$0x2], $0x400, $0x38;
	[tilespmem:$0x1C000] =	vst v63  }
0x321: {  	[smem:$0x775] =	sst s1;
	s4 =	sadd.s32 $0x2000, s31  }
0x322: {  	[hbm4b:s1+s2] =	stream.linear.scatter [tilespmem:s24], [sflag:$0x2], $0x400, $0x38;
	[tilespmem:$0x1C000] =	vst v63  }
0x323: {  	[smem:$0x776] =	sst s4;
	s14 =	sadd.s32 $0x2800, s31  }
0x324: {  	[hbm4b:s4+s2] =	stream.linear.scatter [tilespmem:s23], [sflag:$0x2], $0x400, $0x38;
	[tilespmem:$0x1C000] =	vst v63  }
0x325: {  	[smem:$0x777] =	sst s14;
	s19 =	sadd.s32 $0x3000, s31  }
0x326: {  	[hbm4b:s14+s2] =	stream.linear.scatter [tilespmem:s22], [sflag:$0x2], $0x400, $0x38;
	[tilespmem:$0x1C000] =	vst v63  }
0x327: {  	[smem:$0x778] =	sst s19;
	s1 =	sadd.s32 $0x3800, s31  }
0x328: {  	[hbm4b:s19+s2] =	stream.linear.scatter [tilespmem:s21], [sflag:$0x2], $0x400, $0x38;
	[tilespmem:$0x1C000] =	vst v63  }
0x329: {  	[smem:$0x779] =	sst s1  }
0x32a: {  	[hbm4b:s1+s2] =	stream.linear.scatter [tilespmem:s29], [sflag:$0x2], $0x400, $0x38;
	[tilespmem:$0x1C000] =	vst v63  }
0x32b: {  	_ =	swait.ge [sflag:s16], $0x6000  }
0x32c: {  	[sflag:s16] =	ssyncset.done $0x0  }
0x32d: {  	[sflag:s16] =	ssyncadd.s32 $0xFFFFA000  }
0x32e: {  	_ =	swait.ge [sflag:s5], $0xE000  }
0x32f: {  	[sflag:s5] =	ssyncset.done $0x0  }
0x330: {  	[sflag:s5] =	ssyncadd.s32 $0xFFFF2000  }
0x331: {  	_ =	swait.ge [sflag:s5], $0xE000  }
0x332: {  	[sflag:s5] =	ssyncset.done $0x0  }
0x333: {  	[sflag:s5] =	ssyncadd.s32 $0xFFFF2000  }
0x334: {  	_ =	swait.ge [sflag:s5], $0xE000  }
0x335: {  	[sflag:s5] =	ssyncset.done $0x0  }
0x336: {  	[sflag:s5] =	ssyncadd.s32 $0xFFFF2000  }
0x337: {  	_ =	swait.ge [sflag:s5], $0xE000  }
0x338: {  	[sflag:s5] =	ssyncset.done $0x0  }
0x339: {  	[sflag:s5] =	ssyncadd.s32 $0xFFFF2000  }
0x33a: {  	_ =	swait.ge [sflag:s5], $0xC000  }
0x33b: {  	[sflag:s5] =	ssyncset.done $0x0  }
0x33c: {  	[sflag:s5] =	ssyncadd.s32 $0xFFFF4000  }
0x33d: {  	_ =	swait.ge [sflag:s5], $0xA000  }
0x33e: {  	[sflag:s5] =	ssyncset.done $0x0  }
0x33f: {  	[sflag:s5] =	ssyncadd.s32 $0xFFFF6000  }
0x340: {  	_ =	swait.ge [sflag:s5], $0x8000  }
0x341: {  	[sflag:s5] =	ssyncset.done $0x0  }
0x342: {  	[sflag:s5] =	ssyncadd.s32 $0xFFFF8000  }
0x343: {  	_ =	swait.ge [sflag:s5], $0x6000  }
0x344: {  	[sflag:s5] =	ssyncset.done $0x0  }
0x345: {  	[sflag:s5] =	ssyncadd.s32 $0xFFFFA000  }
0x346: {  	_ =	swait.ge [sflag:s5], $0x4000  }
0x347: {  	[sflag:s5] =	ssyncset.done $0x0  }
0x348: {  	[sflag:s5] =	ssyncadd.s32 $0xFFFFC000  }
0x349: {  	_ =	swait.ge [sflag:s5], $0x2000  }
0x34a: {  	[sflag:s5] =	ssyncset.done $0x0  }
0x34b: {  	s4 =	sadd.s32 $0x800, s17;
	[sflag:s5] =	ssyncadd.s32 $0xFFFFE000  }
0x34c: {  	[hbm4b:s17+s2] =	stream.linear.scatter [tilespmem:s2], [sflag:$0x2], $0xC00, $0x38;
	[tilespmem:$0x1C000] =	vst v63  }
0x34d: {  	s14 =	sadd.s32 $0x1000, s17;
	[smem:$0x77A] =	sst s4  }
0x34e: {  	[hbm4b:s4+s2] =	stream.linear.scatter [tilespmem:s6], [sflag:$0x2], $0xC00, $0x38;
	[tilespmem:$0x1C000] =	vst v63  }
0x34f: {  	s19 =	sadd.s32 $0x1800, s17;
	[smem:$0x77B] =	sst s14  }
0x350: {  	[hbm4b:s14+s2] =	stream.linear.scatter [tilespmem:s13], [sflag:$0x2], $0xC00, $0x38;
	[tilespmem:$0x1C000] =	vst v63  }
0x351: {  	s1 =	sadd.s32 $0x2000, s17;
	[smem:$0x77C] =	sst s19  }
0x352: {  	[hbm4b:s19+s2] =	stream.linear.scatter [tilespmem:s12], [sflag:$0x2], $0xC00, $0x38;
	[tilespmem:$0x1C000] =	vst v63  }
0x353: {  	[smem:$0x77D] =	sst s1  }
0x354: {  	[hbm4b:s1+s2] =	stream.linear.scatter [tilespmem:s11], [sflag:$0x2], $0xC00, $0x38;
	[tilespmem:$0x1C000] =	vst v63  }
0x355: {  	[smem:$0x78D] =	sst s31;
	s4 =	sadd.s32 $0x2800, s17  }
0x356: {  	[hbm4b:s4+s2] =	stream.linear.scatter [tilespmem:s10], [sflag:$0x2], $0xC00, $0x38;
	[tilespmem:$0x1C000] =	vst v63  }
0x357: {  	[smem:$0x78F] =	sst s25;
	s25 =	sadd.s32 $0x3800, s7;
	s14 =	sadd.s32 $0x3000, s17  }
0x358: {  	[hbm4b:s14+s2] =	stream.linear.scatter [tilespmem:s9], [sflag:$0x2], $0xC00, $0x38;
	[tilespmem:$0x1C000] =	vst v63  }
0x359: {  	[smem:$0x790] =	sst s25;
	s19 =	sadd.s32 $0x3800, s17  }
0x35a: {  	[hbm4b:s19+s2] =	stream.linear.scatter [tilespmem:s8], [sflag:$0x2], $0xC00, $0x38;
	[tilespmem:$0x1C000] =	vst v63  }
0x35b: {  	[smem:$0x77E] =	sst s4  }
0x35c: {  	[hbm4b:s3+s2] =	stream.linear.scatter [tilespmem:s2], [sflag:$0x2], $0x800, $0x38;
	[tilespmem:$0x1C000] =	vst v63  }
0x35d: {  	[smem:$0x77F] =	sst s14;
	s1 =	sadd.s32 $0x800, s3  }
0x35e: {  	[hbm4b:s1+s2] =	stream.linear.scatter [tilespmem:s6], [sflag:$0x2], $0x800, $0x38;
	[tilespmem:$0x1C000] =	vst v63  }
0x35f: {  	[smem:$0x780] =	sst s19;
	s4 =	sadd.s32 $0x1000, s3  }
0x360: {  	[hbm4b:s4+s2] =	stream.linear.scatter [tilespmem:s13], [sflag:$0x2], $0x800, $0x38;
	[tilespmem:$0x1C000] =	vst v63  }
0x361: {  	[smem:$0x781] =	sst s1;
	s14 =	sadd.s32 $0x1800, s3  }
0x362: {  	[hbm4b:s14+s2] =	stream.linear.scatter [tilespmem:s12], [sflag:$0x2], $0x800, $0x38;
	[tilespmem:$0x1C000] =	vst v63  }
0x363: {  	[smem:$0x782] =	sst s4;
	s19 =	sadd.s32 $0x2000, s3  }
0x364: {  	[hbm4b:s19+s2] =	stream.linear.scatter [tilespmem:s11], [sflag:$0x2], $0x800, $0x38;
	[tilespmem:$0x1C000] =	vst v63  }
0x365: {  	[smem:$0x783] =	sst s14;
	s1 =	sadd.s32 $0x2800, s3  }
0x366: {  	[hbm4b:s1+s2] =	stream.linear.scatter [tilespmem:s10], [sflag:$0x2], $0x800, $0x38;
	[tilespmem:$0x1C000] =	vst v63  }
0x367: {  	[smem:$0x784] =	sst s19;
	s4 =	sadd.s32 $0x3000, s3  }
0x368: {  	[hbm4b:s4+s2] =	stream.linear.scatter [tilespmem:s9], [sflag:$0x2], $0x800, $0x38;
	[tilespmem:$0x1C000] =	vst v63  }
0x369: {  	[smem:$0x785] =	sst s1;
	s14 =	sadd.s32 $0x3800, s3  }
0x36a: {  	[hbm4b:s14+s2] =	stream.linear.scatter [tilespmem:s8], [sflag:$0x2], $0x800, $0x38;
	[tilespmem:$0x1C000] =	vst v63  }
0x36b: {  	[smem:$0x786] =	sst s4  }
0x36c: {  	[hbm4b:s7+s2] =	stream.linear.scatter [tilespmem:s2], [sflag:$0x2], $0x400, $0x38;
	[tilespmem:$0x1C000] =	vst v63  }
0x36d: {  	s3 =	sadd.s32 $0x1800, s7;
	[smem:$0x787] =	sst s14;
	s19 =	sadd.s32 $0x800, s7  }
0x36e: {  	[hbm4b:s19+s2] =	stream.linear.scatter [tilespmem:s6], [sflag:$0x2], $0x400, $0x38;
	[tilespmem:$0x1C000] =	vst v63  }
0x36f: {  	[smem:$0x78A] =	sst s3;
	s1 =	sadd.s32 $0x1000, s7  }
0x370: {  	[hbm4b:s1+s2] =	stream.linear.scatter [tilespmem:s13], [sflag:$0x2], $0x400, $0x38;
	[tilespmem:$0x1C000] =	vst v63  }
0x371: {  	[smem:$0x788] =	sst s19  }
0x372: {  	[hbm4b:s3+s2] =	stream.linear.scatter [tilespmem:s12], [sflag:$0x2], $0x400, $0x38;
	[tilespmem:$0x1C000] =	vst v63  }
0x373: {  	[smem:$0x789] =	sst s1;
	s4 =	sadd.s32 $0x2000, s7  }
0x374: {  	[hbm4b:s4+s2] =	stream.linear.scatter [tilespmem:s11], [sflag:$0x2], $0x400, $0x38;
	[tilespmem:$0x1C000] =	vst v63  }
0x375: {  	[smem:$0x78B] =	sst s4;
	s14 =	sadd.s32 $0x2800, s7  }
0x376: {  	[hbm4b:s14+s2] =	stream.linear.scatter [tilespmem:s10], [sflag:$0x2], $0x400, $0x38;
	[tilespmem:$0x1C000] =	vst v63  }
0x377: {  	[smem:$0x78C] =	sst s14;
	s19 =	sadd.s32 $0x3000, s7  }
0x378: {  	[hbm4b:s19+s2] =	stream.linear.scatter [tilespmem:s9], [sflag:$0x2], $0x400, $0x38;
	[tilespmem:$0x1C000] =	vst v63  }
0x379: {  	[smem:$0x78E] =	sst s19  }
0x37a: {  	[hbm4b:s25+s2] =	stream.linear.scatter [tilespmem:s8], [sflag:$0x2], $0x400, $0x38;
	[tilespmem:$0x1C000] =	vst v63  }
0x37b: {  	_ =	swait.ge [sflag:s5], $0x6000  }
0x37c: {  	[sflag:s5] =	ssyncset.done $0x0  }
0x37d: {  	[sflag:s5] =	ssyncadd.s32 $0xFFFFA000  }
0x37e: {  	_ =	swait.ge [sflag:s5], $0x4000  }
0x37f: {  	s31 =	sld [smem:$0x791];
	_ =	sdelay $0x2  }
0x380: {  	p1 =	sne.s32 s31, $0x1  }
.Ltmp1:
0x381: {  	_ = 	snop;
	(pc) =	sbr.rel @!p1 .LBB2_7-.Ltmp1, $4  }
0x382: {  	[sflag:s5] =	ssyncset.done $0x0  }
0x383: {  	[sflag:s5] =	ssyncadd.s32 $0xFFFFC000  }
0x384: {  	p0 =	por $0x1, $0x1;
	_ =	swait.ge [sflag:s5], $0x2000  }
0x385: {  	s3 =	sadd.s32 $0xFFFFFFFF, s31;
	[sflag:s5] =	ssyncset.done $0x0;
	s4 =	rddreg [dreg:$0x3]  }
0x386: {  	s31 =	simm.s32 $0x2000;
	s19 =	simm.s32 $0x3C00;
	s14 =	simm.s32 $0x5800  }
.LBB2_4:
0x387: {  	[sflag:s5] =	ssyncadd.s32 $0xFFFFE000  }
0x388: {  	[tilespmem:s2], [sflag:$0x1] =	stream.strided.gather [hbm4b:s4+s6], $0xE000, s20, s6, $0x38;
	[tilespmem:$0x1C000] =	vst v63  }
0x389: {  	_ =	swait.ge [sflag:s16], $0xE000  }
0x38a: {  	s22 =	rddreg [dreg:$0x4]  }
0x38b: {  	[sflag:s16] =	ssyncset.done $0x0;
	s23 =	rddreg [dreg:$0x1e]  }
0x38c: {  	s0 =	sld [smem:$0x78F];
	[sflag:s16] =	ssyncadd.s32 $0xFFFF2000  }
0x38d: {  	[tilespmem:s18], [sflag:$0x1] =	stream.strided.gather [hbm4b:s22+s6], $0xE000, s20, s6, $0x38;
	[tilespmem:$0x1C000] =	vst v63  }
0x38e: {  	s1 =	rddreg [dreg:$0x1f]  }
0x38f: {  	[hbm4b:s0+s2] =	stream.linear.scatter [tilespmem:s23], [sflag:$0x2], $0x400, $0x38;
	[tilespmem:$0x1C000] =	vst v63  }
0x390: {  	s23 =	sld [smem:$0x6CB]  }
0x391: {  	s21 =	sld [smem:$0x792]  }
0x392: {  	s22 =	sld [smem:$0x6CC]  }
0x393: {  	[hbm4b:s23+s2] =	stream.linear.scatter [tilespmem:s1], [sflag:$0x2], $0x400, $0x38;
	[tilespmem:$0x1C000] =	vst v63  }
0x394: {  	s1 =	sld [smem:$0x793]  }
0x395: {  	[hbm4b:s22+s2] =	stream.linear.scatter [tilespmem:s21], [sflag:$0x2], $0x400, $0x38;
	[tilespmem:$0x1C000] =	vst v63  }
0x396: {  	s21 =	sld [smem:$0x6CD];
	_ =	sdelay $0x1  }
0x397: {  	s23 =	sld [smem:$0x794]  }
0x398: {  	[hbm4b:s21+s2] =	stream.linear.scatter [tilespmem:s1], [sflag:$0x2], $0x400, $0x38;
	[tilespmem:$0x1C000] =	vst v63  }
0x399: {  	s1 =	sld [smem:$0x6CE];
	_ =	sdelay $0x1  }
0x39a: {  	s22 =	sld [smem:$0x795]  }
0x39b: {  	[hbm4b:s1+s2] =	stream.linear.scatter [tilespmem:s23], [sflag:$0x2], $0x400, $0x38;
	[tilespmem:$0x1C000] =	vst v63  }
0x39c: {  	s23 =	sld [smem:$0x6CF];
	_ =	sdelay $0x1  }
0x39d: {  	s21 =	sld [smem:$0x796]  }
0x39e: {  	[hbm4b:s23+s2] =	stream.linear.scatter [tilespmem:s22], [sflag:$0x2], $0x400, $0x38;
	[tilespmem:$0x1C000] =	vst v63  }
0x39f: {  	s22 =	sld [smem:$0x6D0];
	_ =	sdelay $0x1  }
0x3a0: {  	s1 =	sld [smem:$0x797]  }
0x3a1: {  	[hbm4b:s22+s2] =	stream.linear.scatter [tilespmem:s21], [sflag:$0x2], $0x400, $0x38;
	[tilespmem:$0x1C000] =	vst v63  }
0x3a2: {  	s21 =	sld [smem:$0x6D1];
	_ =	sdelay $0x1  }
0x3a3: {  	s23 =	sld [smem:$0x798]  }
0x3a4: {  	[hbm4b:s21+s2] =	stream.linear.scatter [tilespmem:s1], [sflag:$0x2], $0x400, $0x38;
	[tilespmem:$0x1C000] =	vst v63  }
0x3a5: {  	s25 =	smov.u32 s15;
	s1 =	sld [smem:$0x7D8]  }
0x3a6: {  	s15 =	smov.u32 s17;
	s17 =	smov.u32 s7;
	s7 =	sld [smem:$0x6E3]  }
0x3a7: {  	s22 =	sld [smem:$0x799]  }
0x3a8: {  	[hbm4b:s1+s2] =	stream.linear.scatter [tilespmem:s23], [sflag:$0x2], $0x800, $0x38;
	[tilespmem:$0x1C000] =	vst v63  }
0x3a9: {  	s1 =	sld [smem:$0x6D2]  }
0x3aa: {  	s0 =	sld [smem:$0x7EF]  }
0x3ab: {  	s23 =	sld [smem:$0x79A]  }
0x3ac: {  	[hbm4b:s1+s2] =	stream.linear.scatter [tilespmem:s22], [sflag:$0x2], $0x800, $0x38;
	[tilespmem:$0x1C000] =	vst v63  }
0x3ad: {  	s22 =	sld [smem:$0x6D3]  }
0x3ae: {  	s21 =	sld [smem:$0x79B]  }
0x3af: {  	s1 =	sld [smem:$0x6D4]  }
0x3b0: {  	[hbm4b:s22+s2] =	stream.linear.scatter [tilespmem:s23], [sflag:$0x2], $0x800, $0x38;
	[tilespmem:$0x1C000] =	vst v63  }
0x3b1: {  	s23 =	sld [smem:$0x79C]  }
0x3b2: {  	s22 =	sld [smem:$0x6D5]  }
0x3b3: {  	[hbm4b:s1+s2] =	stream.linear.scatter [tilespmem:s21], [sflag:$0x2], $0x800, $0x38;
	[tilespmem:$0x1C000] =	vst v63  }
0x3b4: {  	s21 =	sld [smem:$0x79D]  }
0x3b5: {  	s1 =	sld [smem:$0x6D6]  }
0x3b6: {  	[hbm4b:s22+s2] =	stream.linear.scatter [tilespmem:s23], [sflag:$0x2], $0x800, $0x38;
	[tilespmem:$0x1C000] =	vst v63  }
0x3b7: {  	s23 =	sld [smem:$0x79E]  }
0x3b8: {  	s22 =	sld [smem:$0x6D7]  }
0x3b9: {  	[hbm4b:s1+s2] =	stream.linear.scatter [tilespmem:s21], [sflag:$0x2], $0x800, $0x38;
	[tilespmem:$0x1C000] =	vst v63  }
0x3ba: {  	s21 =	sld [smem:$0x79F]  }
0x3bb: {  	s1 =	sld [smem:$0x6D8]  }
0x3bc: {  	[hbm4b:s22+s2] =	stream.linear.scatter [tilespmem:s23], [sflag:$0x2], $0x800, $0x38;
	[tilespmem:$0x1C000] =	vst v63  }
0x3bd: {  	s23 =	sld [smem:$0x7A0]  }
0x3be: {  	s22 =	sld [smem:$0x7DA]  }
0x3bf: {  	[hbm4b:s1+s2] =	stream.linear.scatter [tilespmem:s21], [sflag:$0x2], $0x800, $0x38;
	[tilespmem:$0x1C000] =	vst v63  }
0x3c0: {  	s21 =	sld [smem:$0x7A1]  }
0x3c1: {  	s1 =	sld [smem:$0x6D9]  }
0x3c2: {  	[hbm4b:s22+s2] =	stream.linear.scatter [tilespmem:s23], [sflag:$0x2], $0xC00, $0x38;
	[tilespmem:$0x1C000] =	vst v63  }
0x3c3: {  	s23 =	sld [smem:$0x7A2]  }
0x3c4: {  	s22 =	sld [smem:$0x6DA]  }
0x3c5: {  	[hbm4b:s1+s2] =	stream.linear.scatter [tilespmem:s21], [sflag:$0x2], $0xC00, $0x38;
	[tilespmem:$0x1C000] =	vst v63  }
0x3c6: {  	s21 =	sld [smem:$0x7A3]  }
0x3c7: {  	s1 =	sld [smem:$0x6DB]  }
0x3c8: {  	[hbm4b:s22+s2] =	stream.linear.scatter [tilespmem:s23], [sflag:$0x2], $0xC00, $0x38;
	[tilespmem:$0x1C000] =	vst v63  }
0x3c9: {  	s23 =	sld [smem:$0x7A4]  }
0x3ca: {  	s22 =	sld [smem:$0x6DC]  }
0x3cb: {  	[hbm4b:s1+s2] =	stream.linear.scatter [tilespmem:s21], [sflag:$0x2], $0xC00, $0x38;
	[tilespmem:$0x1C000] =	vst v63  }
0x3cc: {  	s21 =	sld [smem:$0x7A5]  }
0x3cd: {  	s1 =	sld [smem:$0x6DD]  }
0x3ce: {  	[hbm4b:s22+s2] =	stream.linear.scatter [tilespmem:s23], [sflag:$0x2], $0xC00, $0x38;
	[tilespmem:$0x1C000] =	vst v63  }
0x3cf: {  	s23 =	sld [smem:$0x7A6]  }
0x3d0: {  	s22 =	sld [smem:$0x6DE]  }
0x3d1: {  	[hbm4b:s1+s2] =	stream.linear.scatter [tilespmem:s21], [sflag:$0x2], $0xC00, $0x38;
	[tilespmem:$0x1C000] =	vst v63  }
0x3d2: {  	s21 =	sld [smem:$0x7A7]  }
0x3d3: {  	s1 =	sld [smem:$0x6DF]  }
0x3d4: {  	[hbm4b:s22+s2] =	stream.linear.scatter [tilespmem:s23], [sflag:$0x2], $0xC00, $0x38;
	[tilespmem:$0x1C000] =	vst v63  }
0x3d5: {  	s23 =	sld [smem:$0x7A8]  }
0x3d6: {  	s22 =	sld [smem:$0x7DC]  }
0x3d7: {  	[hbm4b:s1+s2] =	stream.linear.scatter [tilespmem:s21], [sflag:$0x2], $0xC00, $0x38;
	[tilespmem:$0x1C000] =	vst v63  }
0x3d8: {  	s21 =	sld [smem:$0x7A9]  }
0x3d9: {  	s1 =	sld [smem:$0x6E0]  }
0x3da: {  	[hbm4b:s22+s2] =	stream.linear.scatter [tilespmem:s23], [sflag:$0x2], $0x1000, $0x38;
	[tilespmem:$0x1C000] =	vst v63  }
0x3db: {  	s23 =	sld [smem:$0x7AA]  }
0x3dc: {  	s22 =	sld [smem:$0x6E1]  }
0x3dd: {  	[hbm4b:s1+s2] =	stream.linear.scatter [tilespmem:s21], [sflag:$0x2], $0x1000, $0x38;
	[tilespmem:$0x1C000] =	vst v63  }
0x3de: {  	s21 =	sld [smem:$0x7AB]  }
0x3df: {  	[hbm4b:s22+s2] =	stream.linear.scatter [tilespmem:s23], [sflag:$0x2], $0x1000, $0x38;
	[tilespmem:$0x1C000] =	vst v63  }
0x3e0: {  	s23 =	sld [smem:$0x6E2]  }
0x3e1: {  	s1 =	sld [smem:$0x7AC]  }
0x3e2: {  	s22 =	sld [smem:$0x6E4]  }
0x3e3: {  	[hbm4b:s23+s2] =	stream.linear.scatter [tilespmem:s21], [sflag:$0x2], $0x1000, $0x38;
	[tilespmem:$0x1C000] =	vst v63  }
0x3e4: {  	s21 =	sld [smem:$0x7AD]  }
0x3e5: {  	[hbm4b:s7+s2] =	stream.linear.scatter [tilespmem:s20], [sflag:$0x2], $0x1000, $0x38;
	[tilespmem:$0x1C000] =	vst v63  }
0x3e6: {  	s23 =	sld [smem:$0x7AE]  }
0x3e7: {  	[hbm4b:s22+s2] =	stream.linear.scatter [tilespmem:s1], [sflag:$0x2], $0x1000, $0x38;
	[tilespmem:$0x1C000] =	vst v63  }
0x3e8: {  	s1 =	sld [smem:$0x6E5]  }
0x3e9: {  	s7 =	sld [smem:$0x6E7]  }
0x3ea: {  	s22 =	sld [smem:$0x6E6]  }
0x3eb: {  	[hbm4b:s1+s2] =	stream.linear.scatter [tilespmem:s21], [sflag:$0x2], $0x1000, $0x38;
	[tilespmem:$0x1C000] =	vst v63  }
0x3ec: {  	s21 =	sld [smem:$0x7AF]  }
0x3ed: {  	s1 =	sld [smem:$0x6E9]  }
0x3ee: {  	[hbm4b:s22+s2] =	stream.linear.scatter [tilespmem:s23], [sflag:$0x2], $0x1000, $0x38;
	[tilespmem:$0x1C000] =	vst v63  }
0x3ef: {  	s23 =	sld [smem:$0x7B0]  }
0x3f0: {  	s22 =	sld [smem:$0x6E8]  }
0x3f1: {  	[hbm4b:s0+s2] =	stream.linear.scatter [tilespmem:s21], [sflag:$0x2], $0x1400, $0x38;
	[tilespmem:$0x1C000] =	vst v63  }
0x3f2: {  	s21 =	sld [smem:$0x7B1]  }
0x3f3: {  	[hbm4b:s7+s2] =	stream.linear.scatter [tilespmem:s23], [sflag:$0x2], $0x1400, $0x38;
	[tilespmem:$0x1C000] =	vst v63  }
0x3f4: {  	s23 =	sld [smem:$0x7B2]  }
0x3f5: {  	[hbm4b:s22+s2] =	stream.linear.scatter [tilespmem:s30], [sflag:$0x2], $0x1400, $0x38;
	[tilespmem:$0x1C000] =	vst v63  }
0x3f6: {  	s22 =	sld [smem:$0x6EA]  }
0x3f7: {  	[hbm4b:s1+s2] =	stream.linear.scatter [tilespmem:s21], [sflag:$0x2], $0x1400, $0x38;
	[tilespmem:$0x1C000] =	vst v63  }
0x3f8: {  	s21 =	sld [smem:$0x7B3]  }
0x3f9: {  	s1 =	sld [smem:$0x6EB]  }
0x3fa: {  	[hbm4b:s22+s2] =	stream.linear.scatter [tilespmem:s23], [sflag:$0x2], $0x1400, $0x38;
	[tilespmem:$0x1C000] =	vst v63  }
0x3fb: {  	s23 =	sld [smem:$0x7B4]  }
0x3fc: {  	s22 =	sld [smem:$0x6EC]  }
0x3fd: {  	[hbm4b:s1+s2] =	stream.linear.scatter [tilespmem:s21], [sflag:$0x2], $0x1400, $0x38;
	[tilespmem:$0x1C000] =	vst v63  }
0x3fe: {  	s21 =	sld [smem:$0x7B5]  }
0x3ff: {  	[hbm4b:s22+s2] =	stream.linear.scatter [tilespmem:s23], [sflag:$0x2], $0x1400, $0x38;
	[tilespmem:$0x1C000] =	vst v63  }
0x400: {  	s23 =	sld [smem:$0x6ED];
	_ =	sdelay $0x1  }
0x401: {  	s1 =	sld [smem:$0x7FC]  }
0x402: {  	[hbm4b:s23+s2] =	stream.linear.scatter [tilespmem:s21], [sflag:$0x2], $0x1400, $0x38;
	[tilespmem:$0x1C000] =	vst v63  }
0x403: {  	s29 =	simm.s32 $0x400;
	s4 =	sld [smem:$0x6EE]  }
0x404: {  	[hbm4b:s1+s2] =	stream.linear.scatter [tilespmem:s29], [sflag:$0x2], $0x1800, $0x38;
	[tilespmem:$0x1C000] =	vst v63  }
0x405: {  	s7 =	sld [smem:$0x6EF]  }
0x406: {  	[hbm4b:s4+s2] =	stream.linear.scatter [tilespmem:s31], [sflag:$0x2], $0x1800, $0x38;
	[tilespmem:$0x1C000] =	vst v63  }
0x407: {  	s21 =	sld [smem:$0x6F0]  }
0x408: {  	[hbm4b:s7+s2] =	stream.linear.scatter [tilespmem:s19], [sflag:$0x2], $0x1800, $0x38;
	[tilespmem:$0x1C000] =	vst v63  }
0x409: {  	s22 =	sld [smem:$0x6F1]  }
0x40a: {  	[hbm4b:s21+s2] =	stream.linear.scatter [tilespmem:s14], [sflag:$0x2], $0x1800, $0x38;
	[tilespmem:$0x1C000] =	vst v63  }
0x40b: {  	s23 =	simm.s32 $0x7400;
	s1 =	sld [smem:$0x6F2]  }
0x40c: {  	[hbm4b:s22+s2] =	stream.linear.scatter [tilespmem:s23], [sflag:$0x2], $0x1800, $0x38;
	[tilespmem:$0x1C000] =	vst v63  }
0x40d: {  	s4 =	sld [smem:$0x6F3];
	s22 =	simm.s32 $0x9000  }
0x40e: {  	[hbm4b:s1+s2] =	stream.linear.scatter [tilespmem:s22], [sflag:$0x2], $0x1800, $0x38;
	[tilespmem:$0x1C000] =	vst v63  }
0x40f: {  	s0 =	simm.s32 $0xAC00;
	s7 =	sld [smem:$0x6F4]  }
0x410: {  	[hbm4b:s4+s2] =	stream.linear.scatter [tilespmem:s0], [sflag:$0x2], $0x1800, $0x38;
	[tilespmem:$0x1C000] =	vst v63  }
0x411: {  	s21 =	simm.s32 $0xC800  }
0x412: {  	[hbm4b:s7+s2] =	stream.linear.scatter [tilespmem:s21], [sflag:$0x2], $0x1800, $0x38;
	[tilespmem:$0x1C000] =	vst v63  }
0x413: {  	s4 =	rddreg [dreg:$0x5]  }
0x414: {  	[hbm4b:s4+s6] =	stream.strided.scatter [tilespmem:s2], [sflag:$0x2], $0xE000, s30, s6, $0x38;
	[tilespmem:$0x1C000] =	vst v63  }
0x415: {  	_ =	swait.ge [sflag:s16], $0xE000  }
0x416: {  	[sflag:s16] =	ssyncset.done $0x0  }
0x417: {  	[sflag:s16] =	ssyncadd.s32 $0xFFFF2000  }
0x418: {  	_ =	swait.ge [sflag:s5], $0x2000  }
0x419: {  	[sflag:s5] =	ssyncset.done $0x0  }
0x41a: {  	[sflag:s5] =	ssyncadd.s32 $0xFFFFE000  }
0x41b: {  	_ =	swait.ge [sflag:s5], $0x4000  }
0x41c: {  	[sflag:s5] =	ssyncset.done $0x0  }
0x41d: {  	[sflag:s5] =	ssyncadd.s32 $0xFFFFC000  }
0x41e: {  	_ =	swait.ge [sflag:s5], $0x6000  }
0x41f: {  	[sflag:s5] =	ssyncset.done $0x0  }
0x420: {  	[sflag:s5] =	ssyncadd.s32 $0xFFFFA000  }
0x421: {  	_ =	swait.ge [sflag:s5], $0x8000  }
0x422: {  	[sflag:s5] =	ssyncset.done $0x0  }
0x423: {  	[sflag:s5] =	ssyncadd.s32 $0xFFFF8000  }
0x424: {  	_ =	swait.ge [sflag:s5], $0xA000  }
0x425: {  	[sflag:s5] =	ssyncset.done $0x0  }
0x426: {  	[sflag:s5] =	ssyncadd.s32 $0xFFFF6000  }
0x427: {  	_ =	swait.ge [sflag:s5], $0xC000  }
0x428: {  	[sflag:s5] =	ssyncset.done $0x0  }
0x429: {  	[sflag:s5] =	ssyncadd.s32 $0xFFFF4000  }
0x42a: {  	_ =	swait.ge [sflag:s5], $0xE000  }
0x42b: {  	s1 =	rddreg [dreg:$0x6];
	[sflag:s5] =	ssyncset.done $0x0  }
0x42c: {  	s7 =	sld [smem:$0x7B6];
	[sflag:s5] =	ssyncadd.s32 $0xFFFF2000  }
0x42d: {  	[tilespmem:s2], [sflag:$0x1] =	stream.strided.gather [hbm4b:s1+s6], $0xE000, s20, s6, $0x38;
	[tilespmem:$0x1C000] =	vst v63  }
0x42e: {  	s1 =	sld [smem:$0x7F6];
	_ =	sdelay $0x1  }
0x42f: {  	s4 =	sld [smem:$0x7B7]  }
0x430: {  	[hbm4b:s1+s2] =	stream.linear.scatter [tilespmem:s7], [sflag:$0x2], $0x400, $0x38;
	[tilespmem:$0x1C000] =	vst v63  }
0x431: {  	s1 =	sld [smem:$0x6F5];
	_ =	sdelay $0x1  }
0x432: {  	s7 =	sld [smem:$0x7B8]  }
0x433: {  	[hbm4b:s1+s2] =	stream.linear.scatter [tilespmem:s4], [sflag:$0x2], $0x400, $0x38;
	[tilespmem:$0x1C000] =	vst v63  }
0x434: {  	s1 =	sld [smem:$0x6F6];
	_ =	sdelay $0x1  }
0x435: {  	s4 =	sld [smem:$0x7B9]  }
0x436: {  	[hbm4b:s1+s2] =	stream.linear.scatter [tilespmem:s7], [sflag:$0x2], $0x400, $0x38;
	[tilespmem:$0x1C000] =	vst v63  }
0x437: {  	s1 =	sld [smem:$0x6F7];
	_ =	sdelay $0x1  }
0x438: {  	s7 =	sld [smem:$0x7BA]  }
0x439: {  	[hbm4b:s1+s2] =	stream.linear.scatter [tilespmem:s4], [sflag:$0x2], $0x400, $0x38;
	[tilespmem:$0x1C000] =	vst v63  }
0x43a: {  	s1 =	sld [smem:$0x6F8];
	_ =	sdelay $0x1  }
0x43b: {  	s4 =	sld [smem:$0x7BB]  }
0x43c: {  	[hbm4b:s1+s2] =	stream.linear.scatter [tilespmem:s7], [sflag:$0x2], $0x400, $0x38;
	[tilespmem:$0x1C000] =	vst v63  }
0x43d: {  	s1 =	sld [smem:$0x6F9];
	_ =	sdelay $0x1  }
0x43e: {  	s7 =	sld [smem:$0x7BC]  }
0x43f: {  	[hbm4b:s1+s2] =	stream.linear.scatter [tilespmem:s4], [sflag:$0x2], $0x400, $0x38;
	[tilespmem:$0x1C000] =	vst v63  }
0x440: {  	s1 =	sld [smem:$0x6FA];
	_ =	sdelay $0x1  }
0x441: {  	s4 =	sld [smem:$0x7BD]  }
0x442: {  	[hbm4b:s1+s2] =	stream.linear.scatter [tilespmem:s7], [sflag:$0x2], $0x400, $0x38;
	[tilespmem:$0x1C000] =	vst v63  }
0x443: {  	s1 =	sld [smem:$0x6FB];
	_ =	sdelay $0x1  }
0x444: {  	s7 =	sld [smem:$0x7BE]  }
0x445: {  	[hbm4b:s1+s2] =	stream.linear.scatter [tilespmem:s4], [sflag:$0x2], $0x400, $0x38;
	[tilespmem:$0x1C000] =	vst v63  }
0x446: {  	s1 =	sld [smem:$0x7DE];
	_ =	sdelay $0x1  }
0x447: {  	s4 =	sld [smem:$0x7BF]  }
0x448: {  	[hbm4b:s1+s2] =	stream.linear.scatter [tilespmem:s7], [sflag:$0x2], $0x800, $0x38;
	[tilespmem:$0x1C000] =	vst v63  }
0x449: {  	s1 =	sld [smem:$0x6FC];
	_ =	sdelay $0x1  }
0x44a: {  	s7 =	sld [smem:$0x7C0]  }
0x44b: {  	[hbm4b:s1+s2] =	stream.linear.scatter [tilespmem:s4], [sflag:$0x2], $0x800, $0x38;
	[tilespmem:$0x1C000] =	vst v63  }
0x44c: {  	s1 =	sld [smem:$0x6FD];
	_ =	sdelay $0x1  }
0x44d: {  	s4 =	sld [smem:$0x7C1]  }
0x44e: {  	[hbm4b:s1+s2] =	stream.linear.scatter [tilespmem:s7], [sflag:$0x2], $0x800, $0x38;
	[tilespmem:$0x1C000] =	vst v63  }
0x44f: {  	s7 =	sld [smem:$0x7C2]  }
0x450: {  	s1 =	sld [smem:$0x6FE];
	_ =	sdelay $0x2  }
0x451: {  	[hbm4b:s1+s2] =	stream.linear.scatter [tilespmem:s4], [sflag:$0x2], $0x800, $0x38;
	[tilespmem:$0x1C000] =	vst v63  }
0x452: {  	s1 =	sld [smem:$0x6FF];
	_ =	sdelay $0x1  }
0x453: {  	s4 =	sld [smem:$0x7C3]  }
0x454: {  	[hbm4b:s1+s2] =	stream.linear.scatter [tilespmem:s7], [sflag:$0x2], $0x800, $0x38;
	[tilespmem:$0x1C000] =	vst v63  }
0x455: {  	s1 =	sld [smem:$0x700];
	_ =	sdelay $0x1  }
0x456: {  	s7 =	sld [smem:$0x7C4]  }
0x457: {  	[hbm4b:s1+s2] =	stream.linear.scatter [tilespmem:s4], [sflag:$0x2], $0x800, $0x38;
	[tilespmem:$0x1C000] =	vst v63  }
0x458: {  	s1 =	sld [smem:$0x701];
	_ =	sdelay $0x1  }
0x459: {  	s4 =	sld [smem:$0x7C5]  }
0x45a: {  	[hbm4b:s1+s2] =	stream.linear.scatter [tilespmem:s7], [sflag:$0x2], $0x800, $0x38;
	[tilespmem:$0x1C000] =	vst v63  }
0x45b: {  	s1 =	sld [smem:$0x702];
	_ =	sdelay $0x1  }
0x45c: {  	s7 =	sld [smem:$0x7C6]  }
0x45d: {  	[hbm4b:s1+s2] =	stream.linear.scatter [tilespmem:s4], [sflag:$0x2], $0x800, $0x38;
	[tilespmem:$0x1C000] =	vst v63  }
0x45e: {  	s1 =	sld [smem:$0x7EB];
	_ =	sdelay $0x1  }
0x45f: {  	s4 =	sld [smem:$0x7C7]  }
0x460: {  	[hbm4b:s1+s2] =	stream.linear.scatter [tilespmem:s7], [sflag:$0x2], $0xC00, $0x38;
	[tilespmem:$0x1C000] =	vst v63  }
0x461: {  	s1 =	sld [smem:$0x703];
	_ =	sdelay $0x1  }
0x462: {  	s7 =	sld [smem:$0x7C8]  }
0x463: {  	[hbm4b:s1+s2] =	stream.linear.scatter [tilespmem:s4], [sflag:$0x2], $0xC00, $0x38;
	[tilespmem:$0x1C000] =	vst v63  }
0x464: {  	s1 =	sld [smem:$0x704];
	_ =	sdelay $0x1  }
0x465: {  	s4 =	sld [smem:$0x7C9]  }
0x466: {  	[hbm4b:s1+s2] =	stream.linear.scatter [tilespmem:s7], [sflag:$0x2], $0xC00, $0x38;
	[tilespmem:$0x1C000] =	vst v63  }
0x467: {  	s1 =	sld [smem:$0x705];
	_ =	sdelay $0x1  }
0x468: {  	s7 =	sld [smem:$0x7CA]  }
0x469: {  	[hbm4b:s1+s2] =	stream.linear.scatter [tilespmem:s4], [sflag:$0x2], $0xC00, $0x38;
	[tilespmem:$0x1C000] =	vst v63  }
0x46a: {  	s1 =	sld [smem:$0x706];
	_ =	sdelay $0x1  }
0x46b: {  	s4 =	sld [smem:$0x7CB]  }
0x46c: {  	[hbm4b:s1+s2] =	stream.linear.scatter [tilespmem:s7], [sflag:$0x2], $0xC00, $0x38;
	[tilespmem:$0x1C000] =	vst v63  }
0x46d: {  	s1 =	sld [smem:$0x707];
	_ =	sdelay $0x1  }
0x46e: {  	s7 =	sld [smem:$0x7CC]  }
0x46f: {  	[hbm4b:s1+s2] =	stream.linear.scatter [tilespmem:s4], [sflag:$0x2], $0xC00, $0x38;
	[tilespmem:$0x1C000] =	vst v63  }
0x470: {  	s1 =	sld [smem:$0x708];
	_ =	sdelay $0x1  }
0x471: {  	s4 =	sld [smem:$0x7CD]  }
0x472: {  	[hbm4b:s1+s2] =	stream.linear.scatter [tilespmem:s7], [sflag:$0x2], $0xC00, $0x38;
	[tilespmem:$0x1C000] =	vst v63  }
0x473: {  	s1 =	sld [smem:$0x709];
	_ =	sdelay $0x1  }
0x474: {  	s7 =	sld [smem:$0x7CE]  }
0x475: {  	[hbm4b:s1+s2] =	stream.linear.scatter [tilespmem:s4], [sflag:$0x2], $0xC00, $0x38;
	[tilespmem:$0x1C000] =	vst v63  }
0x476: {  	s1 =	sld [smem:$0x7EE];
	_ =	sdelay $0x1  }
0x477: {  	s4 =	sld [smem:$0x7CF]  }
0x478: {  	[hbm4b:s1+s2] =	stream.linear.scatter [tilespmem:s7], [sflag:$0x2], $0x1000, $0x38;
	[tilespmem:$0x1C000] =	vst v63  }
0x479: {  	s1 =	sld [smem:$0x70A];
	_ =	sdelay $0x1  }
0x47a: {  	s7 =	sld [smem:$0x7D0]  }
0x47b: {  	[hbm4b:s1+s2] =	stream.linear.scatter [tilespmem:s4], [sflag:$0x2], $0x1000, $0x38;
	[tilespmem:$0x1C000] =	vst v63  }
0x47c: {  	s1 =	sld [smem:$0x70B];
	_ =	sdelay $0x1  }
0x47d: {  	s4 =	sld [smem:$0x7D1]  }
0x47e: {  	[hbm4b:s1+s2] =	stream.linear.scatter [tilespmem:s7], [sflag:$0x2], $0x1000, $0x38;
	[tilespmem:$0x1C000] =	vst v63  }
0x47f: {  	s1 =	sld [smem:$0x70C];
	_ =	sdelay $0x1  }
0x480: {  	s7 =	sld [smem:$0x7D2]  }
0x481: {  	[hbm4b:s1+s2] =	stream.linear.scatter [tilespmem:s4], [sflag:$0x2], $0x1000, $0x38;
	[tilespmem:$0x1C000] =	vst v63  }
0x482: {  	s1 =	sld [smem:$0x70D];
	_ =	sdelay $0x1  }
0x483: {  	s4 =	sld [smem:$0x7D3]  }
0x484: {  	[hbm4b:s1+s2] =	stream.linear.scatter [tilespmem:s7], [sflag:$0x2], $0x1000, $0x38;
	[tilespmem:$0x1C000] =	vst v63  }
0x485: {  	s1 =	sld [smem:$0x70E];
	_ =	sdelay $0x1  }
0x486: {  	s7 =	sld [smem:$0x7D4]  }
0x487: {  	[hbm4b:s1+s2] =	stream.linear.scatter [tilespmem:s4], [sflag:$0x2], $0x1000, $0x38;
	[tilespmem:$0x1C000] =	vst v63  }
0x488: {  	s1 =	sld [smem:$0x70F];
	_ =	sdelay $0x1  }
0x489: {  	s4 =	sld [smem:$0x7D5]  }
0x48a: {  	[hbm4b:s1+s2] =	stream.linear.scatter [tilespmem:s7], [sflag:$0x2], $0x1000, $0x38;
	[tilespmem:$0x1C000] =	vst v63  }
0x48b: {  	s1 =	sld [smem:$0x710];
	_ =	sdelay $0x1  }
0x48c: {  	s7 =	sld [smem:$0x7D6]  }
0x48d: {  	[hbm4b:s1+s2] =	stream.linear.scatter [tilespmem:s4], [sflag:$0x2], $0x1000, $0x38;
	[tilespmem:$0x1C000] =	vst v63  }
0x48e: {  	s1 =	sld [smem:$0x7F2];
	_ =	sdelay $0x1  }
0x48f: {  	s4 =	sld [smem:$0x7D7]  }
0x490: {  	[hbm4b:s1+s2] =	stream.linear.scatter [tilespmem:s7], [sflag:$0x2], $0x1400, $0x38;
	[tilespmem:$0x1C000] =	vst v63  }
0x491: {  	s1 =	sld [smem:$0x711];
	_ =	sdelay $0x1  }
0x492: {  	s7 =	sld [smem:$0x7D9]  }
0x493: {  	[hbm4b:s1+s2] =	stream.linear.scatter [tilespmem:s4], [sflag:$0x2], $0x1400, $0x38;
	[tilespmem:$0x1C000] =	vst v63  }
0x494: {  	s1 =	sld [smem:$0x712];
	_ =	sdelay $0x1  }
0x495: {  	s4 =	sld [smem:$0x7DB]  }
0x496: {  	[hbm4b:s1+s2] =	stream.linear.scatter [tilespmem:s7], [sflag:$0x2], $0x1400, $0x38;
	[tilespmem:$0x1C000] =	vst v63  }
0x497: {  	s1 =	sld [smem:$0x713];
	_ =	sdelay $0x1  }
0x498: {  	s7 =	sld [smem:$0x7DD]  }
0x499: {  	[hbm4b:s1+s2] =	stream.linear.scatter [tilespmem:s4], [sflag:$0x2], $0x1400, $0x38;
	[tilespmem:$0x1C000] =	vst v63  }
0x49a: {  	s1 =	sld [smem:$0x714];
	_ =	sdelay $0x1  }
0x49b: {  	s4 =	sld [smem:$0x7DF]  }
0x49c: {  	[hbm4b:s1+s2] =	stream.linear.scatter [tilespmem:s7], [sflag:$0x2], $0x1400, $0x38;
	[tilespmem:$0x1C000] =	vst v63  }
0x49d: {  	s1 =	sld [smem:$0x715];
	_ =	sdelay $0x1  }
0x49e: {  	s7 =	sld [smem:$0x7E0]  }
0x49f: {  	[hbm4b:s1+s2] =	stream.linear.scatter [tilespmem:s4], [sflag:$0x2], $0x1400, $0x38;
	[tilespmem:$0x1C000] =	vst v63  }
0x4a0: {  	s1 =	sld [smem:$0x716];
	_ =	sdelay $0x1  }
0x4a1: {  	s4 =	sld [smem:$0x7E2]  }
0x4a2: {  	[hbm4b:s1+s2] =	stream.linear.scatter [tilespmem:s7], [sflag:$0x2], $0x1400, $0x38;
	[tilespmem:$0x1C000] =	vst v63  }
0x4a3: {  	s1 =	sld [smem:$0x717];
	_ =	sdelay $0x1  }
0x4a4: {  	s7 =	sld [smem:$0x7E4]  }
0x4a5: {  	[hbm4b:s1+s2] =	stream.linear.scatter [tilespmem:s4], [sflag:$0x2], $0x1400, $0x38;
	[tilespmem:$0x1C000] =	vst v63  }
0x4a6: {  	s1 =	sld [smem:$0x7F4];
	_ =	sdelay $0x1  }
0x4a7: {  	s4 =	sld [smem:$0x7E5]  }
0x4a8: {  	[hbm4b:s1+s2] =	stream.linear.scatter [tilespmem:s7], [sflag:$0x2], $0x1800, $0x38;
	[tilespmem:$0x1C000] =	vst v63  }
0x4a9: {  	s1 =	sld [smem:$0x718];
	_ =	sdelay $0x1  }
0x4aa: {  	s7 =	sld [smem:$0x7E6]  }
0x4ab: {  	[hbm4b:s1+s2] =	stream.linear.scatter [tilespmem:s4], [sflag:$0x2], $0x1800, $0x38;
	[tilespmem:$0x1C000] =	vst v63  }
0x4ac: {  	s1 =	sld [smem:$0x719];
	_ =	sdelay $0x1  }
0x4ad: {  	s4 =	sld [smem:$0x7E8]  }
0x4ae: {  	[hbm4b:s1+s2] =	stream.linear.scatter [tilespmem:s7], [sflag:$0x2], $0x1800, $0x38;
	[tilespmem:$0x1C000] =	vst v63  }
0x4af: {  	s1 =	sld [smem:$0x71A];
	_ =	sdelay $0x1  }
0x4b0: {  	s7 =	sld [smem:$0x7E9]  }
0x4b1: {  	[hbm4b:s1+s2] =	stream.linear.scatter [tilespmem:s4], [sflag:$0x2], $0x1800, $0x38;
	[tilespmem:$0x1C000] =	vst v63  }
0x4b2: {  	s1 =	sld [smem:$0x71B];
	_ =	sdelay $0x1  }
0x4b3: {  	s4 =	sld [smem:$0x7F7]  }
0x4b4: {  	[hbm4b:s1+s2] =	stream.linear.scatter [tilespmem:s7], [sflag:$0x2], $0x1800, $0x38;
	[tilespmem:$0x1C000] =	vst v63  }
0x4b5: {  	s1 =	sld [smem:$0x71C];
	_ =	sdelay $0x1  }
0x4b6: {  	s7 =	sld [smem:$0x7F8]  }
0x4b7: {  	[hbm4b:s1+s2] =	stream.linear.scatter [tilespmem:s4], [sflag:$0x2], $0x1800, $0x38;
	[tilespmem:$0x1C000] =	vst v63  }
0x4b8: {  	s1 =	sld [smem:$0x71D];
	_ =	sdelay $0x1  }
0x4b9: {  	s4 =	sld [smem:$0x7F9]  }
0x4ba: {  	[hbm4b:s1+s2] =	stream.linear.scatter [tilespmem:s7], [sflag:$0x2], $0x1800, $0x38;
	[tilespmem:$0x1C000] =	vst v63  }
0x4bb: {  	s1 =	sld [smem:$0x71E];
	_ =	sdelay $0x2  }
0x4bc: {  	[hbm4b:s1+s2] =	stream.linear.scatter [tilespmem:s4], [sflag:$0x2], $0x1800, $0x38;
	[tilespmem:$0x1C000] =	vst v63  }
0x4bd: {  	s7 =	rddreg [dreg:$0x7]  }
0x4be: {  	[hbm4b:s7+s6] =	stream.strided.scatter [tilespmem:s18], [sflag:$0x2], $0xE000, s30, s6, $0x38;
	[tilespmem:$0x1C000] =	vst v63  }
0x4bf: {  	s1 =	rddreg [dreg:$0x8]  }
0x4c0: {  	[hbm4b:s1+s6] =	stream.strided.scatter [tilespmem:s18], [sflag:$0x2], $0xE000, s30, s6, $0x38;
	[tilespmem:$0x1C000] =	vst v63  }
0x4c1: {  	s7 =	rddreg [dreg:$0x9]  }
0x4c2: {  	[hbm4b:s7+s6] =	stream.strided.scatter [tilespmem:s18], [sflag:$0x2], $0xE000, s30, s6, $0x38;
	[tilespmem:$0x1C000] =	vst v63  }
0x4c3: {  	s1 =	rddreg [dreg:$0xa]  }
0x4c4: {  	[hbm4b:s1+s6] =	stream.strided.scatter [tilespmem:s18], [sflag:$0x2], $0xE000, s30, s6, $0x38;
	[tilespmem:$0x1C000] =	vst v63  }
0x4c5: {  	s7 =	rddreg [dreg:$0xb]  }
0x4c6: {  	[hbm4b:s7+s6] =	stream.strided.scatter [tilespmem:s18], [sflag:$0x2], $0xE000, s30, s6, $0x38;
	[tilespmem:$0x1C000] =	vst v63  }
0x4c7: {  	s1 =	rddreg [dreg:$0xc]  }
0x4c8: {  	[hbm4b:s1+s6] =	stream.strided.scatter [tilespmem:s18], [sflag:$0x2], $0xE000, s30, s6, $0x38;
	[tilespmem:$0x1C000] =	vst v63  }
0x4c9: {  	s7 =	rddreg [dreg:$0xd]  }
0x4ca: {  	[hbm4b:s7+s6] =	stream.strided.scatter [tilespmem:s18], [sflag:$0x2], $0xE000, s30, s6, $0x38;
	[tilespmem:$0x1C000] =	vst v63  }
0x4cb: {  	s1 =	rddreg [dreg:$0xe]  }
0x4cc: {  	[hbm4b:s1+s6] =	stream.strided.scatter [tilespmem:s18], [sflag:$0x2], $0xE000, s30, s6, $0x38;
	[tilespmem:$0x1C000] =	vst v63  }
0x4cd: {  	_ =	swait.ge [sflag:s16], $0xE000  }
0x4ce: {  	[sflag:s16] =	ssyncset.done $0x0  }
0x4cf: {  	[sflag:s16] =	ssyncadd.s32 $0xFFFF2000  }
0x4d0: {  	_ =	swait.ge [sflag:s5], $0x2000  }
0x4d1: {  	[sflag:s5] =	ssyncset.done $0x0  }
0x4d2: {  	[sflag:s5] =	ssyncadd.s32 $0xFFFFE000  }
0x4d3: {  	_ =	swait.ge [sflag:s5], $0x4000  }
0x4d4: {  	[sflag:s5] =	ssyncset.done $0x0  }
0x4d5: {  	[sflag:s5] =	ssyncadd.s32 $0xFFFFC000  }
0x4d6: {  	_ =	swait.ge [sflag:s5], $0x6000  }
0x4d7: {  	[sflag:s5] =	ssyncset.done $0x0  }
0x4d8: {  	[sflag:s5] =	ssyncadd.s32 $0xFFFFA000  }
0x4d9: {  	_ =	swait.ge [sflag:s5], $0x8000  }
0x4da: {  	[sflag:s5] =	ssyncset.done $0x0  }
0x4db: {  	[sflag:s5] =	ssyncadd.s32 $0xFFFF8000  }
0x4dc: {  	_ =	swait.ge [sflag:s5], $0xA000  }
0x4dd: {  	[sflag:s5] =	ssyncset.done $0x0  }
0x4de: {  	[sflag:s5] =	ssyncadd.s32 $0xFFFF6000  }
0x4df: {  	_ =	swait.ge [sflag:s5], $0xC000  }
0x4e0: {  	[sflag:s5] =	ssyncset.done $0x0  }
0x4e1: {  	[sflag:s5] =	ssyncadd.s32 $0xFFFF4000  }
0x4e2: {  	_ =	swait.ge [sflag:s5], $0xE000  }
0x4e3: {  	[sflag:s5] =	ssyncset.done $0x0  }
0x4e4: {  	[sflag:s5] =	ssyncadd.s32 $0xFFFF2000  }
0x4e5: {  	_ =	swait.ge [sflag:s5], $0xE000  }
0x4e6: {  	[sflag:s5] =	ssyncset.done $0x0  }
0x4e7: {  	[sflag:s5] =	ssyncadd.s32 $0xFFFF2000  }
0x4e8: {  	_ =	swait.ge [sflag:s5], $0xE000  }
0x4e9: {  	[sflag:s5] =	ssyncset.done $0x0  }
0x4ea: {  	[sflag:s5] =	ssyncadd.s32 $0xFFFF2000  }
0x4eb: {  	_ =	swait.ge [sflag:s5], $0xE000  }
0x4ec: {  	[sflag:s5] =	ssyncset.done $0x0  }
0x4ed: {  	[sflag:s5] =	ssyncadd.s32 $0xFFFF2000  }
0x4ee: {  	_ =	swait.ge [sflag:s5], $0xE000  }
0x4ef: {  	[sflag:s5] =	ssyncset.done $0x0  }
0x4f0: {  	[sflag:s5] =	ssyncadd.s32 $0xFFFF2000  }
0x4f1: {  	_ =	swait.ge [sflag:s5], $0xE000  }
0x4f2: {  	[sflag:s5] =	ssyncset.done $0x0  }
0x4f3: {  	[sflag:s5] =	ssyncadd.s32 $0xFFFF2000  }
0x4f4: {  	_ =	swait.ge [sflag:s5], $0xE000  }
0x4f5: {  	[sflag:s5] =	ssyncset.done $0x0  }
0x4f6: {  	[sflag:s5] =	ssyncadd.s32 $0xFFFF2000  }
0x4f7: {  	_ =	swait.ge [sflag:s5], $0xE000  }
0x4f8: {  	s1 =	rddreg [dreg:$0xf];
	[sflag:s5] =	ssyncset.done $0x0  }
0x4f9: {  	s4 =	sld [smem:$0x7F5];
	[sflag:s5] =	ssyncadd.s32 $0xFFFF2000  }
0x4fa: {  	[tilespmem:s18], [sflag:$0x1] =	stream.strided.gather [hbm4b:s1+s6], $0xE000, s20, s6, $0x38;
	[tilespmem:$0x1C000] =	vst v63  }
0x4fb: {  	s7 =	sld [smem:$0x71F]  }
0x4fc: {  	[hbm4b:s4+s2] =	stream.linear.scatter [tilespmem:s29], [sflag:$0x2], $0x1800, $0x38;
	[tilespmem:$0x1C000] =	vst v63  }
0x4fd: {  	s4 =	sld [smem:$0x720]  }
0x4fe: {  	[hbm4b:s7+s2] =	stream.linear.scatter [tilespmem:s31], [sflag:$0x2], $0x1800, $0x38;
	[tilespmem:$0x1C000] =	vst v63  }
0x4ff: {  	s7 =	sld [smem:$0x721]  }
0x500: {  	[hbm4b:s4+s2] =	stream.linear.scatter [tilespmem:s19], [sflag:$0x2], $0x1800, $0x38;
	[tilespmem:$0x1C000] =	vst v63  }
0x501: {  	s4 =	sld [smem:$0x722]  }
0x502: {  	[hbm4b:s7+s2] =	stream.linear.scatter [tilespmem:s14], [sflag:$0x2], $0x1800, $0x38;
	[tilespmem:$0x1C000] =	vst v63  }
0x503: {  	s7 =	sld [smem:$0x723]  }
0x504: {  	[hbm4b:s4+s2] =	stream.linear.scatter [tilespmem:s23], [sflag:$0x2], $0x1800, $0x38;
	[tilespmem:$0x1C000] =	vst v63  }
0x505: {  	s4 =	sld [smem:$0x724]  }
0x506: {  	[hbm4b:s7+s2] =	stream.linear.scatter [tilespmem:s22], [sflag:$0x2], $0x1800, $0x38;
	[tilespmem:$0x1C000] =	vst v63  }
0x507: {  	s7 =	sld [smem:$0x725]  }
0x508: {  	[hbm4b:s4+s2] =	stream.linear.scatter [tilespmem:s0], [sflag:$0x2], $0x1800, $0x38;
	[tilespmem:$0x1C000] =	vst v63  }
0x509: {  	s1 =	rddreg [dreg:$0x11]  }
0x50a: {  	[hbm4b:s7+s2] =	stream.linear.scatter [tilespmem:s21], [sflag:$0x2], $0x1800, $0x38;
	[tilespmem:$0x1C000] =	vst v63  }
0x50b: {  	s4 =	rddreg [dreg:$0x10]  }
0x50c: {  	[hbm4b:s4+s6] =	stream.strided.scatter [tilespmem:s2], [sflag:$0x2], $0xE000, s30, s6, $0x38;
	[tilespmem:$0x1C000] =	vst v63  }
0x50d: {  	s0 =	rddreg [dreg:$0x12]  }
0x50e: {  	[hbm4b:s1+s6] =	stream.strided.scatter [tilespmem:s2], [sflag:$0x2], $0xE000, s30, s6, $0x38;
	[tilespmem:$0x1C000] =	vst v63  }
0x50f: {  	s1 =	rddreg [dreg:$0x13]  }
0x510: {  	[hbm4b:s0+s6] =	stream.strided.scatter [tilespmem:s2], [sflag:$0x2], $0xE000, s30, s6, $0x38;
	[tilespmem:$0x1C000] =	vst v63  }
0x511: {  	s0 =	rddreg [dreg:$0x14]  }
0x512: {  	[hbm4b:s1+s6] =	stream.strided.scatter [tilespmem:s2], [sflag:$0x2], $0xE000, s30, s6, $0x38;
	[tilespmem:$0x1C000] =	vst v63  }
0x513: {  	s1 =	rddreg [dreg:$0x15]  }
0x514: {  	[hbm4b:s0+s6] =	stream.strided.scatter [tilespmem:s2], [sflag:$0x2], $0xE000, s30, s6, $0x38;
	[tilespmem:$0x1C000] =	vst v63  }
0x515: {  	s0 =	rddreg [dreg:$0x16]  }
0x516: {  	[hbm4b:s1+s6] =	stream.strided.scatter [tilespmem:s2], [sflag:$0x2], $0xE000, s30, s6, $0x38;
	[tilespmem:$0x1C000] =	vst v63  }
0x517: {  	s1 =	rddreg [dreg:$0x17]  }
0x518: {  	[hbm4b:s0+s6] =	stream.strided.scatter [tilespmem:s2], [sflag:$0x2], $0xE000, s30, s6, $0x38;
	[tilespmem:$0x1C000] =	vst v63  }
0x519: {  	s0 =	rddreg [dreg:$0x18]  }
0x51a: {  	[hbm4b:s1+s6] =	stream.strided.scatter [tilespmem:s2], [sflag:$0x2], $0xE000, s30, s6, $0x38;
	[tilespmem:$0x1C000] =	vst v63  }
0x51b: {  	s1 =	rddreg [dreg:$0x19]  }
0x51c: {  	[hbm4b:s0+s6] =	stream.strided.scatter [tilespmem:s2], [sflag:$0x2], $0xE000, s30, s6, $0x38;
	[tilespmem:$0x1C000] =	vst v63  }
0x51d: {  	s0 =	sld [smem:$0x7E7]  }
0x51e: {  	[hbm4b:s1+s6] =	stream.strided.scatter [tilespmem:s2], [sflag:$0x2], $0xE000, s30, s6, $0x38;
	[tilespmem:$0x1C000] =	vst v63  }
0x51f: {  	s1 =	sld [smem:$0x726]  }
0x520: {  	[hbm4b:s0+s2] =	stream.linear.scatter [tilespmem:s2], [sflag:$0x2], $0x1800, $0x38;
	[tilespmem:$0x1C000] =	vst v63  }
0x521: {  	s4 =	sld [smem:$0x727]  }
0x522: {  	[hbm4b:s1+s2] =	stream.linear.scatter [tilespmem:s6], [sflag:$0x2], $0x1800, $0x38;
	[tilespmem:$0x1C000] =	vst v63  }
0x523: {  	s7 =	sld [smem:$0x728]  }
0x524: {  	[hbm4b:s4+s2] =	stream.linear.scatter [tilespmem:s13], [sflag:$0x2], $0x1800, $0x38;
	[tilespmem:$0x1C000] =	vst v63  }
0x525: {  	s1 =	sld [smem:$0x729]  }
0x526: {  	[hbm4b:s7+s2] =	stream.linear.scatter [tilespmem:s12], [sflag:$0x2], $0x1800, $0x38;
	[tilespmem:$0x1C000] =	vst v63  }
0x527: {  	s4 =	sld [smem:$0x72A]  }
0x528: {  	[hbm4b:s1+s2] =	stream.linear.scatter [tilespmem:s11], [sflag:$0x2], $0x1800, $0x38;
	[tilespmem:$0x1C000] =	vst v63  }
0x529: {  	s7 =	sld [smem:$0x72B]  }
0x52a: {  	[hbm4b:s4+s2] =	stream.linear.scatter [tilespmem:s10], [sflag:$0x2], $0x1800, $0x38;
	[tilespmem:$0x1C000] =	vst v63  }
0x52b: {  	s1 =	sld [smem:$0x72C]  }
0x52c: {  	[hbm4b:s7+s2] =	stream.linear.scatter [tilespmem:s9], [sflag:$0x2], $0x1800, $0x38;
	[tilespmem:$0x1C000] =	vst v63  }
0x52d: {  	s4 =	sld [smem:$0x7EC]  }
0x52e: {  	[hbm4b:s1+s2] =	stream.linear.scatter [tilespmem:s8], [sflag:$0x2], $0x1800, $0x38;
	[tilespmem:$0x1C000] =	vst v63  }
0x52f: {  	s7 =	sld [smem:$0x72D]  }
0x530: {  	[hbm4b:s4+s2] =	stream.linear.scatter [tilespmem:s2], [sflag:$0x2], $0x1400, $0x38;
	[tilespmem:$0x1C000] =	vst v63  }
0x531: {  	s1 =	sld [smem:$0x72E]  }
0x532: {  	[hbm4b:s7+s2] =	stream.linear.scatter [tilespmem:s6], [sflag:$0x2], $0x1400, $0x38;
	[tilespmem:$0x1C000] =	vst v63  }
0x533: {  	s4 =	sld [smem:$0x72F]  }
0x534: {  	[hbm4b:s1+s2] =	stream.linear.scatter [tilespmem:s13], [sflag:$0x2], $0x1400, $0x38;
	[tilespmem:$0x1C000] =	vst v63  }
0x535: {  	s7 =	sld [smem:$0x730]  }
0x536: {  	[hbm4b:s4+s2] =	stream.linear.scatter [tilespmem:s12], [sflag:$0x2], $0x1400, $0x38;
	[tilespmem:$0x1C000] =	vst v63  }
0x537: {  	s1 =	sld [smem:$0x731]  }
0x538: {  	[hbm4b:s7+s2] =	stream.linear.scatter [tilespmem:s11], [sflag:$0x2], $0x1400, $0x38;
	[tilespmem:$0x1C000] =	vst v63  }
0x539: {  	s4 =	sld [smem:$0x732]  }
0x53a: {  	[hbm4b:s1+s2] =	stream.linear.scatter [tilespmem:s10], [sflag:$0x2], $0x1400, $0x38;
	[tilespmem:$0x1C000] =	vst v63  }
0x53b: {  	s7 =	sld [smem:$0x733]  }
0x53c: {  	[hbm4b:s4+s2] =	stream.linear.scatter [tilespmem:s9], [sflag:$0x2], $0x1400, $0x38;
	[tilespmem:$0x1C000] =	vst v63  }
0x53d: {  	s0 =	sld [smem:$0x7F0]  }
0x53e: {  	[hbm4b:s7+s2] =	stream.linear.scatter [tilespmem:s8], [sflag:$0x2], $0x1400, $0x38;
	[tilespmem:$0x1C000] =	vst v63  }
0x53f: {  	s1 =	sld [smem:$0x734]  }
0x540: {  	[hbm4b:s0+s2] =	stream.linear.scatter [tilespmem:s2], [sflag:$0x2], $0x1000, $0x38;
	[tilespmem:$0x1C000] =	vst v63  }
0x541: {  	s4 =	sld [smem:$0x735]  }
0x542: {  	[hbm4b:s1+s2] =	stream.linear.scatter [tilespmem:s6], [sflag:$0x2], $0x1000, $0x38;
	[tilespmem:$0x1C000] =	vst v63  }
0x543: {  	s7 =	sld [smem:$0x736]  }
0x544: {  	[hbm4b:s4+s2] =	stream.linear.scatter [tilespmem:s13], [sflag:$0x2], $0x1000, $0x38;
	[tilespmem:$0x1C000] =	vst v63  }
0x545: {  	s1 =	sld [smem:$0x737]  }
0x546: {  	[hbm4b:s7+s2] =	stream.linear.scatter [tilespmem:s12], [sflag:$0x2], $0x1000, $0x38;
	[tilespmem:$0x1C000] =	vst v63  }
0x547: {  	s4 =	sld [smem:$0x738]  }
0x548: {  	[hbm4b:s1+s2] =	stream.linear.scatter [tilespmem:s11], [sflag:$0x2], $0x1000, $0x38;
	[tilespmem:$0x1C000] =	vst v63  }
0x549: {  	s7 =	sld [smem:$0x739]  }
0x54a: {  	[hbm4b:s4+s2] =	stream.linear.scatter [tilespmem:s10], [sflag:$0x2], $0x1000, $0x38;
	[tilespmem:$0x1C000] =	vst v63  }
0x54b: {  	s1 =	sld [smem:$0x73A]  }
0x54c: {  	[hbm4b:s7+s2] =	stream.linear.scatter [tilespmem:s9], [sflag:$0x2], $0x1000, $0x38;
	[tilespmem:$0x1C000] =	vst v63  }
0x54d: {  	s4 =	sld [smem:$0x7F3]  }
0x54e: {  	[hbm4b:s1+s2] =	stream.linear.scatter [tilespmem:s8], [sflag:$0x2], $0x1000, $0x38;
	[tilespmem:$0x1C000] =	vst v63  }
0x54f: {  	s7 =	sld [smem:$0x73B]  }
0x550: {  	[hbm4b:s4+s2] =	stream.linear.scatter [tilespmem:s2], [sflag:$0x2], $0xC00, $0x38;
	[tilespmem:$0x1C000] =	vst v63  }
0x551: {  	s1 =	sld [smem:$0x73C]  }
0x552: {  	[hbm4b:s7+s2] =	stream.linear.scatter [tilespmem:s6], [sflag:$0x2], $0xC00, $0x38;
	[tilespmem:$0x1C000] =	vst v63  }
0x553: {  	s4 =	sld [smem:$0x73D]  }
0x554: {  	[hbm4b:s1+s2] =	stream.linear.scatter [tilespmem:s13], [sflag:$0x2], $0xC00, $0x38;
	[tilespmem:$0x1C000] =	vst v63  }
0x555: {  	s7 =	sld [smem:$0x73E]  }
0x556: {  	[hbm4b:s4+s2] =	stream.linear.scatter [tilespmem:s12], [sflag:$0x2], $0xC00, $0x38;
	[tilespmem:$0x1C000] =	vst v63  }
0x557: {  	s1 =	sld [smem:$0x73F]  }
0x558: {  	[hbm4b:s7+s2] =	stream.linear.scatter [tilespmem:s11], [sflag:$0x2], $0xC00, $0x38;
	[tilespmem:$0x1C000] =	vst v63  }
0x559: {  	s4 =	sld [smem:$0x740]  }
0x55a: {  	[hbm4b:s1+s2] =	stream.linear.scatter [tilespmem:s10], [sflag:$0x2], $0xC00, $0x38;
	[tilespmem:$0x1C000] =	vst v63  }
0x55b: {  	s7 =	sld [smem:$0x741]  }
0x55c: {  	[hbm4b:s4+s2] =	stream.linear.scatter [tilespmem:s9], [sflag:$0x2], $0xC00, $0x38;
	[tilespmem:$0x1C000] =	vst v63  }
0x55d: {  	s0 =	sld [smem:$0x7E1]  }
0x55e: {  	[hbm4b:s7+s2] =	stream.linear.scatter [tilespmem:s8], [sflag:$0x2], $0xC00, $0x38;
	[tilespmem:$0x1C000] =	vst v63  }
0x55f: {  	s1 =	sld [smem:$0x742]  }
0x560: {  	[hbm4b:s0+s2] =	stream.linear.scatter [tilespmem:s2], [sflag:$0x2], $0x800, $0x38;
	[tilespmem:$0x1C000] =	vst v63  }
0x561: {  	s4 =	sld [smem:$0x743]  }
0x562: {  	[hbm4b:s1+s2] =	stream.linear.scatter [tilespmem:s6], [sflag:$0x2], $0x800, $0x38;
	[tilespmem:$0x1C000] =	vst v63  }
0x563: {  	s7 =	sld [smem:$0x744]  }
0x564: {  	[hbm4b:s4+s2] =	stream.linear.scatter [tilespmem:s13], [sflag:$0x2], $0x800, $0x38;
	[tilespmem:$0x1C000] =	vst v63  }
0x565: {  	s1 =	sld [smem:$0x745]  }
0x566: {  	[hbm4b:s7+s2] =	stream.linear.scatter [tilespmem:s12], [sflag:$0x2], $0x800, $0x38;
	[tilespmem:$0x1C000] =	vst v63  }
0x567: {  	s4 =	sld [smem:$0x746]  }
0x568: {  	[hbm4b:s1+s2] =	stream.linear.scatter [tilespmem:s11], [sflag:$0x2], $0x800, $0x38;
	[tilespmem:$0x1C000] =	vst v63  }
0x569: {  	s7 =	sld [smem:$0x747]  }
0x56a: {  	[hbm4b:s4+s2] =	stream.linear.scatter [tilespmem:s10], [sflag:$0x2], $0x800, $0x38;
	[tilespmem:$0x1C000] =	vst v63  }
0x56b: {  	s1 =	sld [smem:$0x748]  }
0x56c: {  	[hbm4b:s7+s2] =	stream.linear.scatter [tilespmem:s9], [sflag:$0x2], $0x800, $0x38;
	[tilespmem:$0x1C000] =	vst v63  }
0x56d: {  	_ = 	snop  }
0x56e: {  	[hbm4b:s1+s2] =	stream.linear.scatter [tilespmem:s8], [sflag:$0x2], $0x800, $0x38;
	[tilespmem:$0x1C000] =	vst v63  }
0x56f: {  	_ =	swait.ge [sflag:s16], $0xE000  }
0x570: {  	[sflag:s16] =	ssyncset.done $0x0  }
0x571: {  	[sflag:s16] =	ssyncadd.s32 $0xFFFF2000  }
0x572: {  	_ =	swait.ge [sflag:s5], $0xC000  }
0x573: {  	[sflag:s5] =	ssyncset.done $0x0  }
0x574: {  	[sflag:s5] =	ssyncadd.s32 $0xFFFF4000  }
0x575: {  	_ =	swait.ge [sflag:s5], $0xE000  }
0x576: {  	[sflag:s5] =	ssyncset.done $0x0  }
0x577: {  	[sflag:s5] =	ssyncadd.s32 $0xFFFF2000  }
0x578: {  	_ =	swait.ge [sflag:s5], $0xE000  }
0x579: {  	[sflag:s5] =	ssyncset.done $0x0  }
0x57a: {  	[sflag:s5] =	ssyncadd.s32 $0xFFFF2000  }
0x57b: {  	_ =	swait.ge [sflag:s5], $0xE000  }
0x57c: {  	[sflag:s5] =	ssyncset.done $0x0  }
0x57d: {  	[sflag:s5] =	ssyncadd.s32 $0xFFFF2000  }
0x57e: {  	_ =	swait.ge [sflag:s5], $0xE000  }
0x57f: {  	[sflag:s5] =	ssyncset.done $0x0  }
0x580: {  	[sflag:s5] =	ssyncadd.s32 $0xFFFF2000  }
0x581: {  	_ =	swait.ge [sflag:s5], $0xE000  }
0x582: {  	[sflag:s5] =	ssyncset.done $0x0  }
0x583: {  	[sflag:s5] =	ssyncadd.s32 $0xFFFF2000  }
0x584: {  	_ =	swait.ge [sflag:s5], $0xE000  }
0x585: {  	[sflag:s5] =	ssyncset.done $0x0  }
0x586: {  	[sflag:s5] =	ssyncadd.s32 $0xFFFF2000  }
0x587: {  	_ =	swait.ge [sflag:s5], $0xE000  }
0x588: {  	[sflag:s5] =	ssyncset.done $0x0  }
0x589: {  	[sflag:s5] =	ssyncadd.s32 $0xFFFF2000  }
0x58a: {  	_ =	swait.ge [sflag:s5], $0xE000  }
0x58b: {  	[sflag:s5] =	ssyncset.done $0x0  }
0x58c: {  	[sflag:s5] =	ssyncadd.s32 $0xFFFF2000  }
0x58d: {  	_ =	swait.ge [sflag:s5], $0xE000  }
0x58e: {  	[sflag:s5] =	ssyncset.done $0x0  }
0x58f: {  	[sflag:s5] =	ssyncadd.s32 $0xFFFF2000  }
0x590: {  	_ =	swait.ge [sflag:s5], $0xE000  }
0x591: {  	[sflag:s5] =	ssyncset.done $0x0  }
0x592: {  	[sflag:s5] =	ssyncadd.s32 $0xFFFF2000  }
0x593: {  	_ =	swait.ge [sflag:s5], $0xC000  }
0x594: {  	[sflag:s5] =	ssyncset.done $0x0  }
0x595: {  	[sflag:s5] =	ssyncadd.s32 $0xFFFF4000  }
0x596: {  	_ =	swait.ge [sflag:s5], $0xA000  }
0x597: {  	[sflag:s5] =	ssyncset.done $0x0  }
0x598: {  	[sflag:s5] =	ssyncadd.s32 $0xFFFF6000  }
0x599: {  	_ =	swait.ge [sflag:s5], $0x8000  }
0x59a: {  	[sflag:s5] =	ssyncset.done $0x0  }
0x59b: {  	[sflag:s5] =	ssyncadd.s32 $0xFFFF8000  }
0x59c: {  	_ =	swait.ge [sflag:s5], $0x6000  }
0x59d: {  	[sflag:s5] =	ssyncset.done $0x0  }
0x59e: {  	[sflag:s5] =	ssyncadd.s32 $0xFFFFA000  }
0x59f: {  	_ =	swait.ge [sflag:s5], $0x4000  }
0x5a0: {  	s4 =	sld [smem:$0x7FA]  }
0x5a1: {  	[sflag:s5] =	ssyncset.done $0x0  }
0x5a2: {  	s7 =	sld [smem:$0x749];
	[sflag:s5] =	ssyncadd.s32 $0xFFFFC000  }
0x5a3: {  	[tilespmem:s2], [sflag:$0x1] =	stream.linear.gather [hbm4b:s4+s2], $0xC00, $0x38;
	[tilespmem:$0x1C000] =	vst v63  }
0x5a4: {  	s1 =	sld [smem:$0x74A]  }
0x5a5: {  	[tilespmem:s6], [sflag:$0x1] =	stream.linear.gather [hbm4b:s7+s2], $0xC00, $0x38;
	[tilespmem:$0x1C000] =	vst v63  }
0x5a6: {  	s4 =	sld [smem:$0x74B]  }
0x5a7: {  	[tilespmem:s13], [sflag:$0x1] =	stream.linear.gather [hbm4b:s1+s2], $0xC00, $0x38;
	[tilespmem:$0x1C000] =	vst v63  }
0x5a8: {  	s7 =	sld [smem:$0x74C]  }
0x5a9: {  	[tilespmem:s12], [sflag:$0x1] =	stream.linear.gather [hbm4b:s4+s2], $0xC00, $0x38;
	[tilespmem:$0x1C000] =	vst v63  }
0x5aa: {  	s1 =	sld [smem:$0x74D]  }
0x5ab: {  	[tilespmem:s11], [sflag:$0x1] =	stream.linear.gather [hbm4b:s7+s2], $0xC00, $0x38;
	[tilespmem:$0x1C000] =	vst v63  }
0x5ac: {  	s4 =	sld [smem:$0x74E]  }
0x5ad: {  	[tilespmem:s10], [sflag:$0x1] =	stream.linear.gather [hbm4b:s1+s2], $0xC00, $0x38;
	[tilespmem:$0x1C000] =	vst v63  }
0x5ae: {  	s7 =	sld [smem:$0x74F]  }
0x5af: {  	[tilespmem:s9], [sflag:$0x1] =	stream.linear.gather [hbm4b:s4+s2], $0xC00, $0x38;
	[tilespmem:$0x1C000] =	vst v63  }
0x5b0: {  	s0 =	rddreg [dreg:$0x1c]  }
0x5b1: {  	[tilespmem:s8], [sflag:$0x1] =	stream.linear.gather [hbm4b:s7+s2], $0xC00, $0x38;
	[tilespmem:$0x1C000] =	vst v63  }
0x5b2: {  	s4 =	rddreg [dreg:$0x1a]  }
0x5b3: {  	[hbm4b:s4+s6] =	stream.strided.scatter [tilespmem:s18], [sflag:$0x2], $0xE000, s30, s6, $0x38;
	[tilespmem:$0x1C000] =	vst v63  }
0x5b4: {  	s1 =	rddreg [dreg:$0x1b]  }
0x5b5: {  	[hbm4b:s1+s6] =	stream.strided.scatter [tilespmem:s18], [sflag:$0x2], $0xE000, s30, s6, $0x38;
	[tilespmem:$0x1C000] =	vst v63  }
0x5b6: {  	s1 =	rddreg [dreg:$0x1d]  }
0x5b7: {  	[hbm4b:s0+s6] =	stream.strided.scatter [tilespmem:s18], [sflag:$0x2], $0xE000, s30, s6, $0x38;
	[tilespmem:$0x1C000] =	vst v63  }
0x5b8: {  	s0 =	sld [smem:$0x7EA]  }
0x5b9: {  	[hbm4b:s1+s6] =	stream.strided.scatter [tilespmem:s18], [sflag:$0x2], $0xE000, s30, s6, $0x38;
	[tilespmem:$0x1C000] =	vst v63  }
0x5ba: {  	s4 =	sld [smem:$0x750]  }
0x5bb: {  	[hbm4b:s0+s2] =	stream.linear.scatter [tilespmem:s18], [sflag:$0x2], $0x1800, $0x38;
	[tilespmem:$0x1C000] =	vst v63  }
0x5bc: {  	s1 =	sld [smem:$0x751]  }
0x5bd: {  	[hbm4b:s4+s2] =	stream.linear.scatter [tilespmem:s28], [sflag:$0x2], $0x1800, $0x38;
	[tilespmem:$0x1C000] =	vst v63  }
0x5be: {  	s4 =	sld [smem:$0x752]  }
0x5bf: {  	[hbm4b:s1+s2] =	stream.linear.scatter [tilespmem:s26], [sflag:$0x2], $0x1800, $0x38;
	[tilespmem:$0x1C000] =	vst v63  }
0x5c0: {  	s1 =	sld [smem:$0x753]  }
0x5c1: {  	[hbm4b:s4+s2] =	stream.linear.scatter [tilespmem:s24], [sflag:$0x2], $0x1800, $0x38;
	[tilespmem:$0x1C000] =	vst v63  }
0x5c2: {  	s23 =	simm.s32 $0x15000;
	s4 =	sld [smem:$0x754]  }
0x5c3: {  	[hbm4b:s1+s2] =	stream.linear.scatter [tilespmem:s23], [sflag:$0x2], $0x1800, $0x38;
	[tilespmem:$0x1C000] =	vst v63  }
0x5c4: {  	s22 =	simm.s32 $0x16C00;
	s1 =	sld [smem:$0x755]  }
0x5c5: {  	[hbm4b:s4+s2] =	stream.linear.scatter [tilespmem:s22], [sflag:$0x2], $0x1800, $0x38;
	[tilespmem:$0x1C000] =	vst v63  }
0x5c6: {  	s21 =	simm.s32 $0x18800;
	s4 =	sld [smem:$0x756]  }
0x5c7: {  	[hbm4b:s1+s2] =	stream.linear.scatter [tilespmem:s21], [sflag:$0x2], $0x1800, $0x38;
	[tilespmem:$0x1C000] =	vst v63  }
0x5c8: {  	s29 =	simm.s32 $0x1A400;
	s0 =	sld [smem:$0x7ED]  }
0x5c9: {  	[hbm4b:s4+s2] =	stream.linear.scatter [tilespmem:s29], [sflag:$0x2], $0x1800, $0x38;
	[tilespmem:$0x1C000] =	vst v63  }
0x5ca: {  	s4 =	sld [smem:$0x757]  }
0x5cb: {  	[hbm4b:s0+s2] =	stream.linear.scatter [tilespmem:s18], [sflag:$0x2], $0x1400, $0x38;
	[tilespmem:$0x1C000] =	vst v63  }
0x5cc: {  	s1 =	sld [smem:$0x758]  }
0x5cd: {  	[hbm4b:s4+s2] =	stream.linear.scatter [tilespmem:s28], [sflag:$0x2], $0x1400, $0x38;
	[tilespmem:$0x1C000] =	vst v63  }
0x5ce: {  	s4 =	sld [smem:$0x759]  }
0x5cf: {  	[hbm4b:s1+s2] =	stream.linear.scatter [tilespmem:s26], [sflag:$0x2], $0x1400, $0x38;
	[tilespmem:$0x1C000] =	vst v63  }
0x5d0: {  	s1 =	sld [smem:$0x75A]  }
0x5d1: {  	[hbm4b:s4+s2] =	stream.linear.scatter [tilespmem:s24], [sflag:$0x2], $0x1400, $0x38;
	[tilespmem:$0x1C000] =	vst v63  }
0x5d2: {  	s4 =	sld [smem:$0x75B]  }
0x5d3: {  	[hbm4b:s1+s2] =	stream.linear.scatter [tilespmem:s23], [sflag:$0x2], $0x1400, $0x38;
	[tilespmem:$0x1C000] =	vst v63  }
0x5d4: {  	s1 =	sld [smem:$0x75C]  }
0x5d5: {  	[hbm4b:s4+s2] =	stream.linear.scatter [tilespmem:s22], [sflag:$0x2], $0x1400, $0x38;
	[tilespmem:$0x1C000] =	vst v63  }
0x5d6: {  	s4 =	sld [smem:$0x75D]  }
0x5d7: {  	[hbm4b:s1+s2] =	stream.linear.scatter [tilespmem:s21], [sflag:$0x2], $0x1400, $0x38;
	[tilespmem:$0x1C000] =	vst v63  }
0x5d8: {  	s0 =	sld [smem:$0x7F1]  }
0x5d9: {  	[hbm4b:s4+s2] =	stream.linear.scatter [tilespmem:s29], [sflag:$0x2], $0x1400, $0x38;
	[tilespmem:$0x1C000] =	vst v63  }
0x5da: {  	s4 =	sld [smem:$0x75E]  }
0x5db: {  	[hbm4b:s0+s2] =	stream.linear.scatter [tilespmem:s18], [sflag:$0x2], $0x1000, $0x38;
	[tilespmem:$0x1C000] =	vst v63  }
0x5dc: {  	s1 =	sld [smem:$0x75F]  }
0x5dd: {  	[hbm4b:s4+s2] =	stream.linear.scatter [tilespmem:s28], [sflag:$0x2], $0x1000, $0x38;
	[tilespmem:$0x1C000] =	vst v63  }
0x5de: {  	s4 =	sld [smem:$0x760]  }
0x5df: {  	[hbm4b:s1+s2] =	stream.linear.scatter [tilespmem:s26], [sflag:$0x2], $0x1000, $0x38;
	[tilespmem:$0x1C000] =	vst v63  }
0x5e0: {  	s1 =	sld [smem:$0x761]  }
0x5e1: {  	[hbm4b:s4+s2] =	stream.linear.scatter [tilespmem:s24], [sflag:$0x2], $0x1000, $0x38;
	[tilespmem:$0x1C000] =	vst v63  }
0x5e2: {  	s4 =	sld [smem:$0x762]  }
0x5e3: {  	[hbm4b:s1+s2] =	stream.linear.scatter [tilespmem:s23], [sflag:$0x2], $0x1000, $0x38;
	[tilespmem:$0x1C000] =	vst v63  }
0x5e4: {  	s1 =	sld [smem:$0x763]  }
0x5e5: {  	[hbm4b:s4+s2] =	stream.linear.scatter [tilespmem:s22], [sflag:$0x2], $0x1000, $0x38;
	[tilespmem:$0x1C000] =	vst v63  }
0x5e6: {  	s4 =	sld [smem:$0x764]  }
0x5e7: {  	[hbm4b:s1+s2] =	stream.linear.scatter [tilespmem:s21], [sflag:$0x2], $0x1000, $0x38;
	[tilespmem:$0x1C000] =	vst v63  }
0x5e8: {  	s1 =	sld [smem:$0x7FB]  }
0x5e9: {  	[hbm4b:s4+s2] =	stream.linear.scatter [tilespmem:s29], [sflag:$0x2], $0x1000, $0x38;
	[tilespmem:$0x1C000] =	vst v63  }
0x5ea: {  	s4 =	sld [smem:$0x765]  }
0x5eb: {  	[hbm4b:s1+s2] =	stream.linear.scatter [tilespmem:s18], [sflag:$0x2], $0xC00, $0x38;
	[tilespmem:$0x1C000] =	vst v63  }
0x5ec: {  	s1 =	sld [smem:$0x766]  }
0x5ed: {  	[hbm4b:s4+s2] =	stream.linear.scatter [tilespmem:s28], [sflag:$0x2], $0xC00, $0x38;
	[tilespmem:$0x1C000] =	vst v63  }
0x5ee: {  	s4 =	sld [smem:$0x767]  }
0x5ef: {  	[hbm4b:s1+s2] =	stream.linear.scatter [tilespmem:s26], [sflag:$0x2], $0xC00, $0x38;
	[tilespmem:$0x1C000] =	vst v63  }
0x5f0: {  	s1 =	sld [smem:$0x768]  }
0x5f1: {  	[hbm4b:s4+s2] =	stream.linear.scatter [tilespmem:s24], [sflag:$0x2], $0xC00, $0x38;
	[tilespmem:$0x1C000] =	vst v63  }
0x5f2: {  	s4 =	sld [smem:$0x769]  }
0x5f3: {  	[hbm4b:s1+s2] =	stream.linear.scatter [tilespmem:s23], [sflag:$0x2], $0xC00, $0x38;
	[tilespmem:$0x1C000] =	vst v63  }
0x5f4: {  	s1 =	sld [smem:$0x76A]  }
0x5f5: {  	[hbm4b:s4+s2] =	stream.linear.scatter [tilespmem:s22], [sflag:$0x2], $0xC00, $0x38;
	[tilespmem:$0x1C000] =	vst v63  }
0x5f6: {  	s4 =	sld [smem:$0x76B]  }
0x5f7: {  	[hbm4b:s1+s2] =	stream.linear.scatter [tilespmem:s21], [sflag:$0x2], $0xC00, $0x38;
	[tilespmem:$0x1C000] =	vst v63  }
0x5f8: {  	_ = 	snop  }
0x5f9: {  	[hbm4b:s4+s2] =	stream.linear.scatter [tilespmem:s29], [sflag:$0x2], $0xC00, $0x38;
	[tilespmem:$0x1C000] =	vst v63  }
0x5fa: {  	s7 =	smov.u32 s17  }
0x5fb: {  	[hbm4b:s25+s2] =	stream.linear.scatter [tilespmem:s18], [sflag:$0x2], $0x800, $0x38;
	[tilespmem:$0x1C000] =	vst v63  }
0x5fc: {  	s17 =	smov.u32 s15;
	s15 =	smov.u32 s25;
	s25 =	sld [smem:$0x76C]  }
0x5fd: {  	_ = 	snop  }
0x5fe: {  	s1 =	sld [smem:$0x76D]  }
0x5ff: {  	[hbm4b:s25+s2] =	stream.linear.scatter [tilespmem:s28], [sflag:$0x2], $0x800, $0x38;
	[tilespmem:$0x1C000] =	vst v63  }
0x600: {  	s4 =	sld [smem:$0x76E]  }
0x601: {  	[hbm4b:s1+s2] =	stream.linear.scatter [tilespmem:s26], [sflag:$0x2], $0x800, $0x38;
	[tilespmem:$0x1C000] =	vst v63  }
0x602: {  	s25 =	sld [smem:$0x76F]  }
0x603: {  	[hbm4b:s4+s2] =	stream.linear.scatter [tilespmem:s24], [sflag:$0x2], $0x800, $0x38;
	[tilespmem:$0x1C000] =	vst v63  }
0x604: {  	s1 =	sld [smem:$0x770]  }
0x605: {  	[hbm4b:s25+s2] =	stream.linear.scatter [tilespmem:s23], [sflag:$0x2], $0x800, $0x38;
	[tilespmem:$0x1C000] =	vst v63  }
0x606: {  	s4 =	sld [smem:$0x771]  }
0x607: {  	[hbm4b:s1+s2] =	stream.linear.scatter [tilespmem:s22], [sflag:$0x2], $0x800, $0x38;
	[tilespmem:$0x1C000] =	vst v63  }
0x608: {  	s25 =	sld [smem:$0x772]  }
0x609: {  	[hbm4b:s4+s2] =	stream.linear.scatter [tilespmem:s21], [sflag:$0x2], $0x800, $0x38;
	[tilespmem:$0x1C000] =	vst v63  }
0x60a: {  	s1 =	sld [smem:$0x78D]  }
0x60b: {  	[hbm4b:s25+s2] =	stream.linear.scatter [tilespmem:s29], [sflag:$0x2], $0x800, $0x38;
	[tilespmem:$0x1C000] =	vst v63  }
0x60c: {  	s4 =	sld [smem:$0x773]  }
0x60d: {  	[hbm4b:s1+s2] =	stream.linear.scatter [tilespmem:s18], [sflag:$0x2], $0x400, $0x38;
	[tilespmem:$0x1C000] =	vst v63  }
0x60e: {  	s25 =	sld [smem:$0x774]  }
0x60f: {  	[hbm4b:s4+s2] =	stream.linear.scatter [tilespmem:s28], [sflag:$0x2], $0x400, $0x38;
	[tilespmem:$0x1C000] =	vst v63  }
0x610: {  	s1 =	sld [smem:$0x775]  }
0x611: {  	[hbm4b:s25+s2] =	stream.linear.scatter [tilespmem:s26], [sflag:$0x2], $0x400, $0x38;
	[tilespmem:$0x1C000] =	vst v63  }
0x612: {  	s4 =	sld [smem:$0x776]  }
0x613: {  	[hbm4b:s1+s2] =	stream.linear.scatter [tilespmem:s24], [sflag:$0x2], $0x400, $0x38;
	[tilespmem:$0x1C000] =	vst v63  }
0x614: {  	s25 =	sld [smem:$0x777]  }
0x615: {  	[hbm4b:s4+s2] =	stream.linear.scatter [tilespmem:s23], [sflag:$0x2], $0x400, $0x38;
	[tilespmem:$0x1C000] =	vst v63  }
0x616: {  	s1 =	sld [smem:$0x778]  }
0x617: {  	[hbm4b:s25+s2] =	stream.linear.scatter [tilespmem:s22], [sflag:$0x2], $0x400, $0x38;
	[tilespmem:$0x1C000] =	vst v63  }
0x618: {  	s4 =	sld [smem:$0x779]  }
0x619: {  	[hbm4b:s1+s2] =	stream.linear.scatter [tilespmem:s21], [sflag:$0x2], $0x400, $0x38;
	[tilespmem:$0x1C000] =	vst v63  }
0x61a: {  	_ = 	snop  }
0x61b: {  	[hbm4b:s4+s2] =	stream.linear.scatter [tilespmem:s29], [sflag:$0x2], $0x400, $0x38;
	[tilespmem:$0x1C000] =	vst v63  }
0x61c: {  	_ =	swait.ge [sflag:s16], $0x6000  }
0x61d: {  	[sflag:s16] =	ssyncset.done $0x0  }
0x61e: {  	[sflag:s16] =	ssyncadd.s32 $0xFFFFA000  }
0x61f: {  	_ =	swait.ge [sflag:s5], $0xE000  }
0x620: {  	[sflag:s5] =	ssyncset.done $0x0  }
0x621: {  	[sflag:s5] =	ssyncadd.s32 $0xFFFF2000  }
0x622: {  	_ =	swait.ge [sflag:s5], $0xE000  }
0x623: {  	[sflag:s5] =	ssyncset.done $0x0  }
0x624: {  	[sflag:s5] =	ssyncadd.s32 $0xFFFF2000  }
0x625: {  	_ =	swait.ge [sflag:s5], $0xE000  }
0x626: {  	[sflag:s5] =	ssyncset.done $0x0  }
0x627: {  	[sflag:s5] =	ssyncadd.s32 $0xFFFF2000  }
0x628: {  	_ =	swait.ge [sflag:s5], $0xE000  }
0x629: {  	[sflag:s5] =	ssyncset.done $0x0  }
0x62a: {  	[sflag:s5] =	ssyncadd.s32 $0xFFFF2000  }
0x62b: {  	_ =	swait.ge [sflag:s5], $0xC000  }
0x62c: {  	[sflag:s5] =	ssyncset.done $0x0  }
0x62d: {  	[sflag:s5] =	ssyncadd.s32 $0xFFFF4000  }
0x62e: {  	_ =	swait.ge [sflag:s5], $0xA000  }
0x62f: {  	[sflag:s5] =	ssyncset.done $0x0  }
0x630: {  	[sflag:s5] =	ssyncadd.s32 $0xFFFF6000  }
0x631: {  	_ =	swait.ge [sflag:s5], $0x8000  }
0x632: {  	[sflag:s5] =	ssyncset.done $0x0  }
0x633: {  	[sflag:s5] =	ssyncadd.s32 $0xFFFF8000  }
0x634: {  	_ =	swait.ge [sflag:s5], $0x6000  }
0x635: {  	[sflag:s5] =	ssyncset.done $0x0  }
0x636: {  	[sflag:s5] =	ssyncadd.s32 $0xFFFFA000  }
0x637: {  	_ =	swait.ge [sflag:s5], $0x4000  }
0x638: {  	[sflag:s5] =	ssyncset.done $0x0  }
0x639: {  	[sflag:s5] =	ssyncadd.s32 $0xFFFFC000  }
0x63a: {  	_ =	swait.ge [sflag:s5], $0x2000  }
0x63b: {  	[sflag:s5] =	ssyncset.done $0x0  }
0x63c: {  	s25 =	sld [smem:$0x77A];
	[sflag:s5] =	ssyncadd.s32 $0xFFFFE000  }
0x63d: {  	[hbm4b:s17+s2] =	stream.linear.scatter [tilespmem:s2], [sflag:$0x2], $0xC00, $0x38;
	[tilespmem:$0x1C000] =	vst v63  }
0x63e: {  	s1 =	sld [smem:$0x77B]  }
0x63f: {  	[hbm4b:s25+s2] =	stream.linear.scatter [tilespmem:s6], [sflag:$0x2], $0xC00, $0x38;
	[tilespmem:$0x1C000] =	vst v63  }
0x640: {  	s4 =	sld [smem:$0x77C]  }
0x641: {  	[hbm4b:s1+s2] =	stream.linear.scatter [tilespmem:s13], [sflag:$0x2], $0xC00, $0x38;
	[tilespmem:$0x1C000] =	vst v63  }
0x642: {  	s25 =	sld [smem:$0x77D]  }
0x643: {  	[hbm4b:s4+s2] =	stream.linear.scatter [tilespmem:s12], [sflag:$0x2], $0xC00, $0x38;
	[tilespmem:$0x1C000] =	vst v63  }
0x644: {  	s1 =	sld [smem:$0x77E]  }
0x645: {  	[hbm4b:s25+s2] =	stream.linear.scatter [tilespmem:s11], [sflag:$0x2], $0xC00, $0x38;
	[tilespmem:$0x1C000] =	vst v63  }
0x646: {  	s4 =	sld [smem:$0x77F]  }
0x647: {  	[hbm4b:s1+s2] =	stream.linear.scatter [tilespmem:s10], [sflag:$0x2], $0xC00, $0x38;
	[tilespmem:$0x1C000] =	vst v63  }
0x648: {  	s25 =	sld [smem:$0x780]  }
0x649: {  	[hbm4b:s4+s2] =	stream.linear.scatter [tilespmem:s9], [sflag:$0x2], $0xC00, $0x38;
	[tilespmem:$0x1C000] =	vst v63  }
0x64a: {  	s1 =	sld [smem:$0x7FD]  }
0x64b: {  	[hbm4b:s25+s2] =	stream.linear.scatter [tilespmem:s8], [sflag:$0x2], $0xC00, $0x38;
	[tilespmem:$0x1C000] =	vst v63  }
0x64c: {  	s4 =	sld [smem:$0x781]  }
0x64d: {  	[hbm4b:s1+s2] =	stream.linear.scatter [tilespmem:s2], [sflag:$0x2], $0x800, $0x38;
	[tilespmem:$0x1C000] =	vst v63  }
0x64e: {  	s25 =	sld [smem:$0x782]  }
0x64f: {  	[hbm4b:s4+s2] =	stream.linear.scatter [tilespmem:s6], [sflag:$0x2], $0x800, $0x38;
	[tilespmem:$0x1C000] =	vst v63  }
0x650: {  	s1 =	sld [smem:$0x783]  }
0x651: {  	[hbm4b:s25+s2] =	stream.linear.scatter [tilespmem:s13], [sflag:$0x2], $0x800, $0x38;
	[tilespmem:$0x1C000] =	vst v63  }
0x652: {  	s4 =	sld [smem:$0x784]  }
0x653: {  	[hbm4b:s1+s2] =	stream.linear.scatter [tilespmem:s12], [sflag:$0x2], $0x800, $0x38;
	[tilespmem:$0x1C000] =	vst v63  }
0x654: {  	s25 =	sld [smem:$0x785]  }
0x655: {  	[hbm4b:s4+s2] =	stream.linear.scatter [tilespmem:s11], [sflag:$0x2], $0x800, $0x38;
	[tilespmem:$0x1C000] =	vst v63  }
0x656: {  	s1 =	sld [smem:$0x786]  }
0x657: {  	[hbm4b:s25+s2] =	stream.linear.scatter [tilespmem:s10], [sflag:$0x2], $0x800, $0x38;
	[tilespmem:$0x1C000] =	vst v63  }
0x658: {  	s4 =	sld [smem:$0x787]  }
0x659: {  	[hbm4b:s1+s2] =	stream.linear.scatter [tilespmem:s9], [sflag:$0x2], $0x800, $0x38;
	[tilespmem:$0x1C000] =	vst v63  }
0x65a: {  	_ = 	snop  }
0x65b: {  	[hbm4b:s4+s2] =	stream.linear.scatter [tilespmem:s8], [sflag:$0x2], $0x800, $0x38;
	[tilespmem:$0x1C000] =	vst v63  }
0x65c: {  	s25 =	sld [smem:$0x788]  }
0x65d: {  	[hbm4b:s7+s2] =	stream.linear.scatter [tilespmem:s2], [sflag:$0x2], $0x400, $0x38;
	[tilespmem:$0x1C000] =	vst v63  }
0x65e: {  	s1 =	sld [smem:$0x789]  }
0x65f: {  	[hbm4b:s25+s2] =	stream.linear.scatter [tilespmem:s6], [sflag:$0x2], $0x400, $0x38;
	[tilespmem:$0x1C000] =	vst v63  }
0x660: {  	s4 =	sld [smem:$0x78A]  }
0x661: {  	[hbm4b:s1+s2] =	stream.linear.scatter [tilespmem:s13], [sflag:$0x2], $0x400, $0x38;
	[tilespmem:$0x1C000] =	vst v63  }
0x662: {  	s25 =	sld [smem:$0x78B]  }
0x663: {  	[hbm4b:s4+s2] =	stream.linear.scatter [tilespmem:s12], [sflag:$0x2], $0x400, $0x38;
	[tilespmem:$0x1C000] =	vst v63  }
0x664: {  	s1 =	sld [smem:$0x78C]  }
0x665: {  	[hbm4b:s25+s2] =	stream.linear.scatter [tilespmem:s11], [sflag:$0x2], $0x400, $0x38;
	[tilespmem:$0x1C000] =	vst v63  }
0x666: {  	s4 =	sld [smem:$0x78E]  }
0x667: {  	[hbm4b:s1+s2] =	stream.linear.scatter [tilespmem:s10], [sflag:$0x2], $0x400, $0x38;
	[tilespmem:$0x1C000] =	vst v63  }
0x668: {  	s25 =	sld [smem:$0x790]  }
0x669: {  	[hbm4b:s4+s2] =	stream.linear.scatter [tilespmem:s9], [sflag:$0x2], $0x400, $0x38;
	[tilespmem:$0x1C000] =	vst v63  }
0x66a: {  	_ = 	snop  }
0x66b: {  	[hbm4b:s25+s2] =	stream.linear.scatter [tilespmem:s8], [sflag:$0x2], $0x400, $0x38;
	[tilespmem:$0x1C000] =	vst v63  }
0x66c: {  	_ =	swait.ge [sflag:s5], $0x6000  }
0x66d: {  	[sflag:s5] =	ssyncset.done $0x0  }
0x66e: {  	p1 =	sne.s32 s3, $0x1;
	[sflag:s5] =	ssyncadd.s32 $0xFFFFA000  }
.Ltmp2:
0x66f: {  	_ =	swait.ge [sflag:s5], $0x4000;
	(pc) =	sbr.rel @p1 .LBB2_4-.Ltmp2, $4  }
0x670: {  	[sflag:s5] =	ssyncset.done $0x0  }
0x671: {  	[sflag:s5] =	ssyncadd.s32 $0xFFFFC000  }
0x672: {  	_ =	swait.ge [sflag:s5], $0x2000  }
0x673: {  	s3 =	sadd.s32 $0xFFFFFFFF, s3;
	s4 =	rddreg [dreg:$0x3];
	[sflag:s5] =	ssyncset.done $0x0  }
0x674: {  	s3 =	sld [smem:$0x78F]  }
0x675: {  	s25 =	sld [smem:$0x7D8]  }
0x676: {  	s14 =	sld [smem:$0x7DA]  }
0x677: {  	s31 =	sld [smem:$0x78D];
	s20 =	simm.s32 $0x7400  }
.LBB2_6:
0x678: {  	[sflag:s5] =	ssyncadd.s32 @p0 $0xFFFFE000;
	s19 =	simm.s32 $0x7C00  }
0x679: {  	[tilespmem:s2], [sflag:$0x1] =	stream.strided.gather [hbm4b:s4+s6], $0xE000, s19, s6, $0x38;
	[tilespmem:$0x1C000] =	vst v63  }
0x67a: {  	_ =	swait.ge [sflag:s16], $0xE000  }
0x67b: {  	s0 =	rddreg [dreg:$0x4];
	[sflag:s16] =	ssyncset.done $0x0  }
0x67c: {  	s1 =	rddreg [dreg:$0x1e];
	[sflag:s16] =	ssyncadd.s32 $0xFFFF2000  }
0x67d: {  	[tilespmem:s18], [sflag:$0x1] =	stream.strided.gather [hbm4b:s0+s6], $0xE000, s19, s6, $0x38;
	[tilespmem:$0x1C000] =	vst v63  }
0x67e: {  	s0 =	rddreg [dreg:$0x1f]  }
0x67f: {  	[hbm4b:s3+s2] =	stream.linear.scatter [tilespmem:s1], [sflag:$0x2], $0x400, $0x38;
	[tilespmem:$0x1C000] =	vst v63  }
0x680: {  	s4 =	smov.u32 s3;
	s19 =	sadd.s32 $0x800, s3;
	s3 =	sld [smem:$0x792]  }
0x681: {  	[hbm4b:s19+s2] =	stream.linear.scatter [tilespmem:s0], [sflag:$0x2], $0x400, $0x38;
	[tilespmem:$0x1C000] =	vst v63  }
0x682: {  	s1 =	sld [smem:$0x793];
	s19 =	sadd.s32 $0x1000, s4  }
0x683: {  	[hbm4b:s19+s2] =	stream.linear.scatter [tilespmem:s3], [sflag:$0x2], $0x400, $0x38;
	[tilespmem:$0x1C000] =	vst v63  }
0x684: {  	s19 =	sadd.s32 $0x1800, s4;
	s3 =	sld [smem:$0x794]  }
0x685: {  	[hbm4b:s19+s2] =	stream.linear.scatter [tilespmem:s1], [sflag:$0x2], $0x400, $0x38;
	[tilespmem:$0x1C000] =	vst v63  }
0x686: {  	s19 =	sadd.s32 $0x2000, s4;
	s1 =	sld [smem:$0x795]  }
0x687: {  	[hbm4b:s19+s2] =	stream.linear.scatter [tilespmem:s3], [sflag:$0x2], $0x400, $0x38;
	[tilespmem:$0x1C000] =	vst v63  }
0x688: {  	s19 =	sadd.s32 $0x2800, s4;
	s3 =	sld [smem:$0x796]  }
0x689: {  	[hbm4b:s19+s2] =	stream.linear.scatter [tilespmem:s1], [sflag:$0x2], $0x400, $0x38;
	[tilespmem:$0x1C000] =	vst v63  }
0x68a: {  	s19 =	sadd.s32 $0x3000, s4;
	s1 =	sld [smem:$0x797]  }
0x68b: {  	[hbm4b:s19+s2] =	stream.linear.scatter [tilespmem:s3], [sflag:$0x2], $0x400, $0x38;
	[tilespmem:$0x1C000] =	vst v63  }
0x68c: {  	s4 =	sadd.s32 $0x3800, s4;
	s19 =	sld [smem:$0x798]  }
0x68d: {  	[hbm4b:s4+s2] =	stream.linear.scatter [tilespmem:s1], [sflag:$0x2], $0x400, $0x38;
	[tilespmem:$0x1C000] =	vst v63  }
0x68e: {  	s4 =	sld [smem:$0x799]  }
0x68f: {  	[hbm4b:s25+s2] =	stream.linear.scatter [tilespmem:s19], [sflag:$0x2], $0x800, $0x38;
	[tilespmem:$0x1C000] =	vst v63  }
0x690: {  	s3 =	sld [smem:$0x79A];
	s19 =	sadd.s32 $0x800, s25  }
0x691: {  	[hbm4b:s19+s2] =	stream.linear.scatter [tilespmem:s4], [sflag:$0x2], $0x800, $0x38;
	[tilespmem:$0x1C000] =	vst v63  }
0x692: {  	s4 =	sadd.s32 $0x1000, s25;
	s19 =	sld [smem:$0x79B]  }
0x693: {  	[hbm4b:s4+s2] =	stream.linear.scatter [tilespmem:s3], [sflag:$0x2], $0x800, $0x38;
	[tilespmem:$0x1C000] =	vst v63  }
0x694: {  	s3 =	sadd.s32 $0x1800, s25;
	s4 =	sld [smem:$0x79C]  }
0x695: {  	[hbm4b:s3+s2] =	stream.linear.scatter [tilespmem:s19], [sflag:$0x2], $0x800, $0x38;
	[tilespmem:$0x1C000] =	vst v63  }
0x696: {  	s1 =	sld [smem:$0x79D];
	s19 =	sadd.s32 $0x2000, s25  }
0x697: {  	[hbm4b:s19+s2] =	stream.linear.scatter [tilespmem:s4], [sflag:$0x2], $0x800, $0x38;
	[tilespmem:$0x1C000] =	vst v63  }
0x698: {  	s4 =	sadd.s32 $0x2800, s25;
	s19 =	sld [smem:$0x79E]  }
0x699: {  	[hbm4b:s4+s2] =	stream.linear.scatter [tilespmem:s1], [sflag:$0x2], $0x800, $0x38;
	[tilespmem:$0x1C000] =	vst v63  }
0x69a: {  	s1 =	sadd.s32 $0x3000, s25;
	s4 =	sld [smem:$0x79F]  }
0x69b: {  	[hbm4b:s1+s2] =	stream.linear.scatter [tilespmem:s19], [sflag:$0x2], $0x800, $0x38;
	[tilespmem:$0x1C000] =	vst v63  }
0x69c: {  	s19 =	sadd.s32 $0x3800, s25;
	s25 =	sld [smem:$0x7A0]  }
0x69d: {  	[hbm4b:s19+s2] =	stream.linear.scatter [tilespmem:s4], [sflag:$0x2], $0x800, $0x38;
	[tilespmem:$0x1C000] =	vst v63  }
0x69e: {  	s4 =	sld [smem:$0x7A1]  }
0x69f: {  	[hbm4b:s14+s2] =	stream.linear.scatter [tilespmem:s25], [sflag:$0x2], $0xC00, $0x38;
	[tilespmem:$0x1C000] =	vst v63  }
0x6a0: {  	s19 =	sadd.s32 $0x800, s14;
	s25 =	sld [smem:$0x7A2]  }
0x6a1: {  	[hbm4b:s19+s2] =	stream.linear.scatter [tilespmem:s4], [sflag:$0x2], $0xC00, $0x38;
	[tilespmem:$0x1C000] =	vst v63  }
0x6a2: {  	s1 =	sadd.s32 $0x1000, s14;
	s4 =	sld [smem:$0x7A3]  }
0x6a3: {  	[hbm4b:s1+s2] =	stream.linear.scatter [tilespmem:s25], [sflag:$0x2], $0xC00, $0x38;
	[tilespmem:$0x1C000] =	vst v63  }
0x6a4: {  	s19 =	sadd.s32 $0x1800, s14;
	s25 =	sld [smem:$0x7A4]  }
0x6a5: {  	[hbm4b:s19+s2] =	stream.linear.scatter [tilespmem:s4], [sflag:$0x2], $0xC00, $0x38;
	[tilespmem:$0x1C000] =	vst v63  }
0x6a6: {  	s1 =	sadd.s32 $0x2000, s14;
	s4 =	sld [smem:$0x7A5]  }
0x6a7: {  	[hbm4b:s1+s2] =	stream.linear.scatter [tilespmem:s25], [sflag:$0x2], $0xC00, $0x38;
	[tilespmem:$0x1C000] =	vst v63  }
0x6a8: {  	s19 =	sadd.s32 $0x2800, s14;
	s25 =	sld [smem:$0x7A6]  }
0x6a9: {  	[hbm4b:s19+s2] =	stream.linear.scatter [tilespmem:s4], [sflag:$0x2], $0xC00, $0x38;
	[tilespmem:$0x1C000] =	vst v63  }
0x6aa: {  	s4 =	sld [smem:$0x7A7]  }
0x6ab: {  	s1 =	sadd.s32 $0x3000, s14;
	s19 =	sld [smem:$0x7A8]  }
0x6ac: {  	[hbm4b:s1+s2] =	stream.linear.scatter [tilespmem:s25], [sflag:$0x2], $0xC00, $0x38;
	[tilespmem:$0x1C000] =	vst v63  }
0x6ad: {  	s14 =	sadd.s32 $0x3800, s14;
	s25 =	sld [smem:$0x7DC]  }
0x6ae: {  	[hbm4b:s14+s2] =	stream.linear.scatter [tilespmem:s4], [sflag:$0x2], $0xC00, $0x38;
	[tilespmem:$0x1C000] =	vst v63  }
0x6af: {  	s4 =	sld [smem:$0x7A9]  }
0x6b0: {  	[hbm4b:s25+s2] =	stream.linear.scatter [tilespmem:s19], [sflag:$0x2], $0x1000, $0x38;
	[tilespmem:$0x1C000] =	vst v63  }
0x6b1: {  	s14 =	sadd.s32 $0x800, s25;
	s19 =	sld [smem:$0x7AA]  }
0x6b2: {  	[hbm4b:s14+s2] =	stream.linear.scatter [tilespmem:s4], [sflag:$0x2], $0x1000, $0x38;
	[tilespmem:$0x1C000] =	vst v63  }
0x6b3: {  	s4 =	sadd.s32 $0x1000, s25;
	s14 =	sld [smem:$0x7AB]  }
0x6b4: {  	[hbm4b:s4+s2] =	stream.linear.scatter [tilespmem:s19], [sflag:$0x2], $0x1000, $0x38;
	[tilespmem:$0x1C000] =	vst v63  }
0x6b5: {  	s19 =	sadd.s32 $0x1800, s25  }
0x6b6: {  	[hbm4b:s19+s2] =	stream.linear.scatter [tilespmem:s14], [sflag:$0x2], $0x1000, $0x38;
	[tilespmem:$0x1C000] =	vst v63  }
0x6b7: {  	s3 =	sld [smem:$0x7AC];
	s1 =	sadd.s32 $0x2000, s25;
	s4 =	simm.s32 $0x7C00  }
0x6b8: {  	[hbm4b:s1+s2] =	stream.linear.scatter [tilespmem:s4], [sflag:$0x2], $0x1000, $0x38;
	[tilespmem:$0x1C000] =	vst v63  }
0x6b9: {  	s14 =	sadd.s32 $0x2800, s25;
	s19 =	sld [smem:$0x7AD]  }
0x6ba: {  	[hbm4b:s14+s2] =	stream.linear.scatter [tilespmem:s3], [sflag:$0x2], $0x1000, $0x38;
	[tilespmem:$0x1C000] =	vst v63  }
0x6bb: {  	s1 =	sadd.s32 $0x3000, s25;
	s14 =	sld [smem:$0x7AE]  }
0x6bc: {  	[hbm4b:s1+s2] =	stream.linear.scatter [tilespmem:s19], [sflag:$0x2], $0x1000, $0x38;
	[tilespmem:$0x1C000] =	vst v63  }
0x6bd: {  	s19 =	sadd.s32 $0x3800, s25;
	s25 =	sld [smem:$0x7AF]  }
0x6be: {  	[hbm4b:s19+s2] =	stream.linear.scatter [tilespmem:s14], [sflag:$0x2], $0x1000, $0x38;
	[tilespmem:$0x1C000] =	vst v63  }
0x6bf: {  	s19 =	sld [smem:$0x7EF];
	_ =	sdelay $0x1  }
0x6c0: {  	s14 =	sld [smem:$0x7B0]  }
0x6c1: {  	[hbm4b:s19+s2] =	stream.linear.scatter [tilespmem:s25], [sflag:$0x2], $0x1400, $0x38;
	[tilespmem:$0x1C000] =	vst v63  }
0x6c2: {  	s25 =	sadd.s32 $0x800, s19  }
0x6c3: {  	[hbm4b:s25+s2] =	stream.linear.scatter [tilespmem:s14], [sflag:$0x2], $0x1400, $0x38;
	[tilespmem:$0x1C000] =	vst v63  }
0x6c4: {  	s3 =	sld [smem:$0x7B1];
	s1 =	sadd.s32 $0x1000, s19  }
0x6c5: {  	[hbm4b:s1+s2] =	stream.linear.scatter [tilespmem:s30], [sflag:$0x2], $0x1400, $0x38;
	[tilespmem:$0x1C000] =	vst v63  }
0x6c6: {  	s14 =	sadd.s32 $0x1800, s19;
	s25 =	sld [smem:$0x7B2]  }
0x6c7: {  	[hbm4b:s14+s2] =	stream.linear.scatter [tilespmem:s3], [sflag:$0x2], $0x1400, $0x38;
	[tilespmem:$0x1C000] =	vst v63  }
0x6c8: {  	s1 =	sadd.s32 $0x2000, s19;
	s14 =	sld [smem:$0x7B3]  }
0x6c9: {  	[hbm4b:s1+s2] =	stream.linear.scatter [tilespmem:s25], [sflag:$0x2], $0x1400, $0x38;
	[tilespmem:$0x1C000] =	vst v63  }
0x6ca: {  	s3 =	sld [smem:$0x7B4];
	s25 =	sadd.s32 $0x2800, s19  }
0x6cb: {  	[hbm4b:s25+s2] =	stream.linear.scatter [tilespmem:s14], [sflag:$0x2], $0x1400, $0x38;
	[tilespmem:$0x1C000] =	vst v63  }
0x6cc: {  	s14 =	sadd.s32 $0x3000, s19;
	s25 =	sld [smem:$0x7B5]  }
0x6cd: {  	[hbm4b:s14+s2] =	stream.linear.scatter [tilespmem:s3], [sflag:$0x2], $0x1400, $0x38;
	[tilespmem:$0x1C000] =	vst v63  }
0x6ce: {  	s1 =	sld [smem:$0x7FC];
	s3 =	sadd.s32 $0x3800, s19  }
0x6cf: {  	[hbm4b:s3+s2] =	stream.linear.scatter [tilespmem:s25], [sflag:$0x2], $0x1400, $0x38;
	[tilespmem:$0x1C000] =	vst v63  }
0x6d0: {  	s14 =	simm.s32 $0x400  }
0x6d1: {  	[hbm4b:s1+s2] =	stream.linear.scatter [tilespmem:s14], [sflag:$0x2], $0x1800, $0x38;
	[tilespmem:$0x1C000] =	vst v63  }
0x6d2: {  	s19 =	sadd.s32 $0x800, s1;
	s25 =	simm.s32 $0x2000  }
0x6d3: {  	[hbm4b:s19+s2] =	stream.linear.scatter [tilespmem:s25], [sflag:$0x2], $0x1800, $0x38;
	[tilespmem:$0x1C000] =	vst v63  }
0x6d4: {  	s3 =	sadd.s32 $0x1000, s1;
	s14 =	simm.s32 $0x3C00  }
0x6d5: {  	[hbm4b:s3+s2] =	stream.linear.scatter [tilespmem:s14], [sflag:$0x2], $0x1800, $0x38;
	[tilespmem:$0x1C000] =	vst v63  }
0x6d6: {  	s19 =	sadd.s32 $0x1800, s1;
	s25 =	simm.s32 $0x5800  }
0x6d7: {  	[hbm4b:s19+s2] =	stream.linear.scatter [tilespmem:s25], [sflag:$0x2], $0x1800, $0x38;
	[tilespmem:$0x1C000] =	vst v63  }
0x6d8: {  	s3 =	sadd.s32 $0x2000, s1  }
0x6d9: {  	[hbm4b:s3+s2] =	stream.linear.scatter [tilespmem:s20], [sflag:$0x2], $0x1800, $0x38;
	[tilespmem:$0x1C000] =	vst v63  }
0x6da: {  	s14 =	sadd.s32 $0x2800, s1;
	s19 =	simm.s32 $0x9000  }
0x6db: {  	[hbm4b:s14+s2] =	stream.linear.scatter [tilespmem:s19], [sflag:$0x2], $0x1800, $0x38;
	[tilespmem:$0x1C000] =	vst v63  }
0x6dc: {  	s25 =	simm.s32 $0xAC00;
	s20 =	sadd.s32 $0x3000, s1  }
0x6dd: {  	[hbm4b:s20+s2] =	stream.linear.scatter [tilespmem:s25], [sflag:$0x2], $0x1800, $0x38;
	[tilespmem:$0x1C000] =	vst v63  }
0x6de: {  	s3 =	sadd.s32 $0x3800, s1;
	s20 =	simm.s32 $0xC800  }
0x6df: {  	[hbm4b:s3+s2] =	stream.linear.scatter [tilespmem:s20], [sflag:$0x2], $0x1800, $0x38;
	[tilespmem:$0x1C000] =	vst v63  }
0x6e0: {  	s14 =	rddreg [dreg:$0x5]  }
0x6e1: {  	[hbm4b:s14+s6] =	stream.strided.scatter [tilespmem:s2], [sflag:$0x2], $0xE000, s30, s6, $0x38;
	[tilespmem:$0x1C000] =	vst v63  }
0x6e2: {  	_ =	swait.ge [sflag:s16], $0xE000  }
0x6e3: {  	[sflag:s16] =	ssyncset.done $0x0  }
0x6e4: {  	[sflag:s16] =	ssyncadd.s32 $0xFFFF2000  }
0x6e5: {  	_ =	swait.ge [sflag:s5], $0x2000  }
0x6e6: {  	[sflag:s5] =	ssyncset.done $0x0  }
0x6e7: {  	[sflag:s5] =	ssyncadd.s32 $0xFFFFE000  }
0x6e8: {  	_ =	swait.ge [sflag:s5], $0x4000  }
0x6e9: {  	[sflag:s5] =	ssyncset.done $0x0  }
0x6ea: {  	[sflag:s5] =	ssyncadd.s32 $0xFFFFC000  }
0x6eb: {  	_ =	swait.ge [sflag:s5], $0x6000  }
0x6ec: {  	[sflag:s5] =	ssyncset.done $0x0  }
0x6ed: {  	[sflag:s5] =	ssyncadd.s32 $0xFFFFA000  }
0x6ee: {  	_ =	swait.ge [sflag:s5], $0x8000  }
0x6ef: {  	[sflag:s5] =	ssyncset.done $0x0  }
0x6f0: {  	[sflag:s5] =	ssyncadd.s32 $0xFFFF8000  }
0x6f1: {  	_ =	swait.ge [sflag:s5], $0xA000  }
0x6f2: {  	[sflag:s5] =	ssyncset.done $0x0  }
0x6f3: {  	[sflag:s5] =	ssyncadd.s32 $0xFFFF6000  }
0x6f4: {  	_ =	swait.ge [sflag:s5], $0xC000  }
0x6f5: {  	[sflag:s5] =	ssyncset.done $0x0  }
0x6f6: {  	[sflag:s5] =	ssyncadd.s32 $0xFFFF4000  }
0x6f7: {  	_ =	swait.ge [sflag:s5], $0xE000  }
0x6f8: {  	s1 =	rddreg [dreg:$0x6];
	[sflag:s5] =	ssyncset.done $0x0  }
0x6f9: {  	s3 =	sld [smem:$0x7B6];
	[sflag:s5] =	ssyncadd.s32 $0xFFFF2000  }
0x6fa: {  	[tilespmem:s2], [sflag:$0x1] =	stream.strided.gather [hbm4b:s1+s6], $0xE000, s4, s6, $0x38;
	[tilespmem:$0x1C000] =	vst v63  }
0x6fb: {  	s4 =	sld [smem:$0x7F6];
	_ =	sdelay $0x1  }
0x6fc: {  	s0 =	sld [smem:$0x7B7]  }
0x6fd: {  	[hbm4b:s4+s2] =	stream.linear.scatter [tilespmem:s3], [sflag:$0x2], $0x400, $0x38;
	[tilespmem:$0x1C000] =	vst v63  }
0x6fe: {  	s1 =	sadd.s32 $0x800, s4;
	s3 =	sld [smem:$0x7B8]  }
0x6ff: {  	[hbm4b:s1+s2] =	stream.linear.scatter [tilespmem:s0], [sflag:$0x2], $0x400, $0x38;
	[tilespmem:$0x1C000] =	vst v63  }
0x700: {  	s0 =	sadd.s32 $0x1000, s4;
	s1 =	sld [smem:$0x7B9]  }
0x701: {  	[hbm4b:s0+s2] =	stream.linear.scatter [tilespmem:s3], [sflag:$0x2], $0x400, $0x38;
	[tilespmem:$0x1C000] =	vst v63  }
0x702: {  	s0 =	sadd.s32 $0x1800, s4;
	s3 =	sld [smem:$0x7BA]  }
0x703: {  	[hbm4b:s0+s2] =	stream.linear.scatter [tilespmem:s1], [sflag:$0x2], $0x400, $0x38;
	[tilespmem:$0x1C000] =	vst v63  }
0x704: {  	s0 =	sadd.s32 $0x2000, s4;
	s1 =	sld [smem:$0x7BB]  }
0x705: {  	[hbm4b:s0+s2] =	stream.linear.scatter [tilespmem:s3], [sflag:$0x2], $0x400, $0x38;
	[tilespmem:$0x1C000] =	vst v63  }
0x706: {  	s0 =	sadd.s32 $0x2800, s4;
	s3 =	sld [smem:$0x7BC]  }
0x707: {  	[hbm4b:s0+s2] =	stream.linear.scatter [tilespmem:s1], [sflag:$0x2], $0x400, $0x38;
	[tilespmem:$0x1C000] =	vst v63  }
0x708: {  	s0 =	sadd.s32 $0x3000, s4;
	s1 =	sld [smem:$0x7BD]  }
0x709: {  	[hbm4b:s0+s2] =	stream.linear.scatter [tilespmem:s3], [sflag:$0x2], $0x400, $0x38;
	[tilespmem:$0x1C000] =	vst v63  }
0x70a: {  	s4 =	sadd.s32 $0x3800, s4;
	s3 =	sld [smem:$0x7BE]  }
0x70b: {  	[hbm4b:s4+s2] =	stream.linear.scatter [tilespmem:s1], [sflag:$0x2], $0x400, $0x38;
	[tilespmem:$0x1C000] =	vst v63  }
0x70c: {  	s4 =	sld [smem:$0x7DE];
	_ =	sdelay $0x1  }
0x70d: {  	s0 =	sld [smem:$0x7BF]  }
0x70e: {  	[hbm4b:s4+s2] =	stream.linear.scatter [tilespmem:s3], [sflag:$0x2], $0x800, $0x38;
	[tilespmem:$0x1C000] =	vst v63  }
0x70f: {  	s1 =	sadd.s32 $0x800, s4;
	s3 =	sld [smem:$0x7C0]  }
0x710: {  	[hbm4b:s1+s2] =	stream.linear.scatter [tilespmem:s0], [sflag:$0x2], $0x800, $0x38;
	[tilespmem:$0x1C000] =	vst v63  }
0x711: {  	s0 =	sadd.s32 $0x1000, s4;
	s1 =	sld [smem:$0x7C1]  }
0x712: {  	[hbm4b:s0+s2] =	stream.linear.scatter [tilespmem:s3], [sflag:$0x2], $0x800, $0x38;
	[tilespmem:$0x1C000] =	vst v63  }
0x713: {  	s0 =	sadd.s32 $0x1800, s4;
	s3 =	sld [smem:$0x7C2]  }
0x714: {  	[hbm4b:s0+s2] =	stream.linear.scatter [tilespmem:s1], [sflag:$0x2], $0x800, $0x38;
	[tilespmem:$0x1C000] =	vst v63  }
0x715: {  	s0 =	sadd.s32 $0x2000, s4;
	s1 =	sld [smem:$0x7C3]  }
0x716: {  	[hbm4b:s0+s2] =	stream.linear.scatter [tilespmem:s3], [sflag:$0x2], $0x800, $0x38;
	[tilespmem:$0x1C000] =	vst v63  }
0x717: {  	s0 =	sadd.s32 $0x2800, s4;
	s3 =	sld [smem:$0x7C4]  }
0x718: {  	[hbm4b:s0+s2] =	stream.linear.scatter [tilespmem:s1], [sflag:$0x2], $0x800, $0x38;
	[tilespmem:$0x1C000] =	vst v63  }
0x719: {  	s0 =	sadd.s32 $0x3000, s4;
	s1 =	sld [smem:$0x7C5]  }
0x71a: {  	[hbm4b:s0+s2] =	stream.linear.scatter [tilespmem:s3], [sflag:$0x2], $0x800, $0x38;
	[tilespmem:$0x1C000] =	vst v63  }
0x71b: {  	s4 =	sadd.s32 $0x3800, s4;
	s3 =	sld [smem:$0x7C6]  }
0x71c: {  	[hbm4b:s4+s2] =	stream.linear.scatter [tilespmem:s1], [sflag:$0x2], $0x800, $0x38;
	[tilespmem:$0x1C000] =	vst v63  }
0x71d: {  	s4 =	sld [smem:$0x7EB];
	_ =	sdelay $0x1  }
0x71e: {  	s0 =	sld [smem:$0x7C7]  }
0x71f: {  	[hbm4b:s4+s2] =	stream.linear.scatter [tilespmem:s3], [sflag:$0x2], $0xC00, $0x38;
	[tilespmem:$0x1C000] =	vst v63  }
0x720: {  	s1 =	sadd.s32 $0x800, s4;
	s3 =	sld [smem:$0x7C8]  }
0x721: {  	[hbm4b:s1+s2] =	stream.linear.scatter [tilespmem:s0], [sflag:$0x2], $0xC00, $0x38;
	[tilespmem:$0x1C000] =	vst v63  }
0x722: {  	s0 =	sadd.s32 $0x1000, s4;
	s1 =	sld [smem:$0x7C9]  }
0x723: {  	[hbm4b:s0+s2] =	stream.linear.scatter [tilespmem:s3], [sflag:$0x2], $0xC00, $0x38;
	[tilespmem:$0x1C000] =	vst v63  }
0x724: {  	s0 =	sadd.s32 $0x1800, s4;
	s3 =	sld [smem:$0x7CA]  }
0x725: {  	[hbm4b:s0+s2] =	stream.linear.scatter [tilespmem:s1], [sflag:$0x2], $0xC00, $0x38;
	[tilespmem:$0x1C000] =	vst v63  }
0x726: {  	s0 =	sadd.s32 $0x2000, s4;
	s1 =	sld [smem:$0x7CB]  }
0x727: {  	[hbm4b:s0+s2] =	stream.linear.scatter [tilespmem:s3], [sflag:$0x2], $0xC00, $0x38;
	[tilespmem:$0x1C000] =	vst v63  }
0x728: {  	s0 =	sadd.s32 $0x2800, s4;
	s3 =	sld [smem:$0x7CC]  }
0x729: {  	[hbm4b:s0+s2] =	stream.linear.scatter [tilespmem:s1], [sflag:$0x2], $0xC00, $0x38;
	[tilespmem:$0x1C000] =	vst v63  }
0x72a: {  	s0 =	sadd.s32 $0x3000, s4;
	s1 =	sld [smem:$0x7CD]  }
0x72b: {  	[hbm4b:s0+s2] =	stream.linear.scatter [tilespmem:s3], [sflag:$0x2], $0xC00, $0x38;
	[tilespmem:$0x1C000] =	vst v63  }
0x72c: {  	s4 =	sadd.s32 $0x3800, s4;
	s3 =	sld [smem:$0x7CE]  }
0x72d: {  	[hbm4b:s4+s2] =	stream.linear.scatter [tilespmem:s1], [sflag:$0x2], $0xC00, $0x38;
	[tilespmem:$0x1C000] =	vst v63  }
0x72e: {  	s4 =	sld [smem:$0x7EE];
	_ =	sdelay $0x1  }
0x72f: {  	s0 =	sld [smem:$0x7CF]  }
0x730: {  	[hbm4b:s4+s2] =	stream.linear.scatter [tilespmem:s3], [sflag:$0x2], $0x1000, $0x38;
	[tilespmem:$0x1C000] =	vst v63  }
0x731: {  	s1 =	sadd.s32 $0x800, s4;
	s3 =	sld [smem:$0x7D0]  }
0x732: {  	[hbm4b:s1+s2] =	stream.linear.scatter [tilespmem:s0], [sflag:$0x2], $0x1000, $0x38;
	[tilespmem:$0x1C000] =	vst v63  }
0x733: {  	s0 =	sadd.s32 $0x1000, s4;
	s1 =	sld [smem:$0x7D1]  }
0x734: {  	[hbm4b:s0+s2] =	stream.linear.scatter [tilespmem:s3], [sflag:$0x2], $0x1000, $0x38;
	[tilespmem:$0x1C000] =	vst v63  }
0x735: {  	s0 =	sadd.s32 $0x1800, s4;
	s3 =	sld [smem:$0x7D2]  }
0x736: {  	[hbm4b:s0+s2] =	stream.linear.scatter [tilespmem:s1], [sflag:$0x2], $0x1000, $0x38;
	[tilespmem:$0x1C000] =	vst v63  }
0x737: {  	s0 =	sadd.s32 $0x2000, s4;
	s1 =	sld [smem:$0x7D3]  }
0x738: {  	[hbm4b:s0+s2] =	stream.linear.scatter [tilespmem:s3], [sflag:$0x2], $0x1000, $0x38;
	[tilespmem:$0x1C000] =	vst v63  }
0x739: {  	s0 =	sadd.s32 $0x2800, s4;
	s3 =	sld [smem:$0x7D4]  }
0x73a: {  	[hbm4b:s0+s2] =	stream.linear.scatter [tilespmem:s1], [sflag:$0x2], $0x1000, $0x38;
	[tilespmem:$0x1C000] =	vst v63  }
0x73b: {  	s0 =	sadd.s32 $0x3000, s4;
	s1 =	sld [smem:$0x7D5]  }
0x73c: {  	[hbm4b:s0+s2] =	stream.linear.scatter [tilespmem:s3], [sflag:$0x2], $0x1000, $0x38;
	[tilespmem:$0x1C000] =	vst v63  }
0x73d: {  	s4 =	sadd.s32 $0x3800, s4;
	s3 =	sld [smem:$0x7D6]  }
0x73e: {  	[hbm4b:s4+s2] =	stream.linear.scatter [tilespmem:s1], [sflag:$0x2], $0x1000, $0x38;
	[tilespmem:$0x1C000] =	vst v63  }
0x73f: {  	s4 =	sld [smem:$0x7F2];
	_ =	sdelay $0x1  }
0x740: {  	s0 =	sld [smem:$0x7D7]  }
0x741: {  	[hbm4b:s4+s2] =	stream.linear.scatter [tilespmem:s3], [sflag:$0x2], $0x1400, $0x38;
	[tilespmem:$0x1C000] =	vst v63  }
0x742: {  	s1 =	sadd.s32 $0x800, s4;
	s3 =	sld [smem:$0x7D9]  }
0x743: {  	[hbm4b:s1+s2] =	stream.linear.scatter [tilespmem:s0], [sflag:$0x2], $0x1400, $0x38;
	[tilespmem:$0x1C000] =	vst v63  }
0x744: {  	s0 =	sadd.s32 $0x1000, s4;
	s1 =	sld [smem:$0x7DB]  }
0x745: {  	[hbm4b:s0+s2] =	stream.linear.scatter [tilespmem:s3], [sflag:$0x2], $0x1400, $0x38;
	[tilespmem:$0x1C000] =	vst v63  }
0x746: {  	s0 =	sadd.s32 $0x1800, s4;
	s3 =	sld [smem:$0x7DD]  }
0x747: {  	[hbm4b:s0+s2] =	stream.linear.scatter [tilespmem:s1], [sflag:$0x2], $0x1400, $0x38;
	[tilespmem:$0x1C000] =	vst v63  }
0x748: {  	s0 =	sadd.s32 $0x2000, s4;
	s1 =	sld [smem:$0x7DF]  }
0x749: {  	[hbm4b:s0+s2] =	stream.linear.scatter [tilespmem:s3], [sflag:$0x2], $0x1400, $0x38;
	[tilespmem:$0x1C000] =	vst v63  }
0x74a: {  	s0 =	sadd.s32 $0x2800, s4;
	s3 =	sld [smem:$0x7E0]  }
0x74b: {  	[hbm4b:s0+s2] =	stream.linear.scatter [tilespmem:s1], [sflag:$0x2], $0x1400, $0x38;
	[tilespmem:$0x1C000] =	vst v63  }
0x74c: {  	s0 =	sadd.s32 $0x3000, s4;
	s1 =	sld [smem:$0x7E2]  }
0x74d: {  	[hbm4b:s0+s2] =	stream.linear.scatter [tilespmem:s3], [sflag:$0x2], $0x1400, $0x38;
	[tilespmem:$0x1C000] =	vst v63  }
0x74e: {  	s3 =	sld [smem:$0x7E4]  }
0x74f: {  	s4 =	sadd.s32 $0x3800, s4;
	s0 =	sld [smem:$0x7F4]  }
0x750: {  	[hbm4b:s4+s2] =	stream.linear.scatter [tilespmem:s1], [sflag:$0x2], $0x1400, $0x38;
	[tilespmem:$0x1C000] =	vst v63  }
0x751: {  	s4 =	sld [smem:$0x7E5]  }
0x752: {  	[hbm4b:s0+s2] =	stream.linear.scatter [tilespmem:s3], [sflag:$0x2], $0x1800, $0x38;
	[tilespmem:$0x1C000] =	vst v63  }
0x753: {  	s1 =	sadd.s32 $0x800, s0;
	s3 =	sld [smem:$0x7E6]  }
0x754: {  	[hbm4b:s1+s2] =	stream.linear.scatter [tilespmem:s4], [sflag:$0x2], $0x1800, $0x38;
	[tilespmem:$0x1C000] =	vst v63  }
0x755: {  	s4 =	sadd.s32 $0x1000, s0;
	s1 =	sld [smem:$0x7E8]  }
0x756: {  	[hbm4b:s4+s2] =	stream.linear.scatter [tilespmem:s3], [sflag:$0x2], $0x1800, $0x38;
	[tilespmem:$0x1C000] =	vst v63  }
0x757: {  	s4 =	sadd.s32 $0x1800, s0;
	s3 =	sld [smem:$0x7E9]  }
0x758: {  	[hbm4b:s4+s2] =	stream.linear.scatter [tilespmem:s1], [sflag:$0x2], $0x1800, $0x38;
	[tilespmem:$0x1C000] =	vst v63  }
0x759: {  	s4 =	sadd.s32 $0x2000, s0;
	s1 =	sld [smem:$0x7F7]  }
0x75a: {  	[hbm4b:s4+s2] =	stream.linear.scatter [tilespmem:s3], [sflag:$0x2], $0x1800, $0x38;
	[tilespmem:$0x1C000] =	vst v63  }
0x75b: {  	s4 =	sadd.s32 $0x2800, s0;
	s3 =	sld [smem:$0x7F8]  }
0x75c: {  	[hbm4b:s4+s2] =	stream.linear.scatter [tilespmem:s1], [sflag:$0x2], $0x1800, $0x38;
	[tilespmem:$0x1C000] =	vst v63  }
0x75d: {  	s4 =	sadd.s32 $0x3000, s0;
	s1 =	sld [smem:$0x7F9]  }
0x75e: {  	[hbm4b:s4+s2] =	stream.linear.scatter [tilespmem:s3], [sflag:$0x2], $0x1800, $0x38;
	[tilespmem:$0x1C000] =	vst v63  }
0x75f: {  	s0 =	sadd.s32 $0x3800, s0  }
0x760: {  	[hbm4b:s0+s2] =	stream.linear.scatter [tilespmem:s1], [sflag:$0x2], $0x1800, $0x38;
	[tilespmem:$0x1C000] =	vst v63  }
0x761: {  	s4 =	rddreg [dreg:$0x7]  }
0x762: {  	[hbm4b:s4+s6] =	stream.strided.scatter [tilespmem:s18], [sflag:$0x2], $0xE000, s30, s6, $0x38;
	[tilespmem:$0x1C000] =	vst v63  }
0x763: {  	s1 =	rddreg [dreg:$0x8]  }
0x764: {  	[hbm4b:s1+s6] =	stream.strided.scatter [tilespmem:s18], [sflag:$0x2], $0xE000, s30, s6, $0x38;
	[tilespmem:$0x1C000] =	vst v63  }
0x765: {  	s3 =	rddreg [dreg:$0x9]  }
0x766: {  	[hbm4b:s3+s6] =	stream.strided.scatter [tilespmem:s18], [sflag:$0x2], $0xE000, s30, s6, $0x38;
	[tilespmem:$0x1C000] =	vst v63  }
0x767: {  	s4 =	rddreg [dreg:$0xa]  }
0x768: {  	[hbm4b:s4+s6] =	stream.strided.scatter [tilespmem:s18], [sflag:$0x2], $0xE000, s30, s6, $0x38;
	[tilespmem:$0x1C000] =	vst v63  }
0x769: {  	s3 =	rddreg [dreg:$0xb]  }
0x76a: {  	[hbm4b:s3+s6] =	stream.strided.scatter [tilespmem:s18], [sflag:$0x2], $0xE000, s30, s6, $0x38;
	[tilespmem:$0x1C000] =	vst v63  }
0x76b: {  	s4 =	rddreg [dreg:$0xc]  }
0x76c: {  	[hbm4b:s4+s6] =	stream.strided.scatter [tilespmem:s18], [sflag:$0x2], $0xE000, s30, s6, $0x38;
	[tilespmem:$0x1C000] =	vst v63  }
0x76d: {  	s3 =	rddreg [dreg:$0xd]  }
0x76e: {  	[hbm4b:s3+s6] =	stream.strided.scatter [tilespmem:s18], [sflag:$0x2], $0xE000, s30, s6, $0x38;
	[tilespmem:$0x1C000] =	vst v63  }
0x76f: {  	s4 =	rddreg [dreg:$0xe]  }
0x770: {  	[hbm4b:s4+s6] =	stream.strided.scatter [tilespmem:s18], [sflag:$0x2], $0xE000, s30, s6, $0x38;
	[tilespmem:$0x1C000] =	vst v63  }
0x771: {  	_ =	swait.ge [sflag:s16], $0xE000  }
0x772: {  	[sflag:s16] =	ssyncset.done $0x0  }
0x773: {  	[sflag:s16] =	ssyncadd.s32 $0xFFFF2000  }
0x774: {  	_ =	swait.ge [sflag:s5], $0x2000  }
0x775: {  	[sflag:s5] =	ssyncset.done $0x0  }
0x776: {  	[sflag:s5] =	ssyncadd.s32 $0xFFFFE000  }
0x777: {  	_ =	swait.ge [sflag:s5], $0x4000  }
0x778: {  	[sflag:s5] =	ssyncset.done $0x0  }
0x779: {  	[sflag:s5] =	ssyncadd.s32 $0xFFFFC000  }
0x77a: {  	_ =	swait.ge [sflag:s5], $0x6000  }
0x77b: {  	[sflag:s5] =	ssyncset.done $0x0  }
0x77c: {  	[sflag:s5] =	ssyncadd.s32 $0xFFFFA000  }
0x77d: {  	_ =	swait.ge [sflag:s5], $0x8000  }
0x77e: {  	[sflag:s5] =	ssyncset.done $0x0  }
0x77f: {  	[sflag:s5] =	ssyncadd.s32 $0xFFFF8000  }
0x780: {  	_ =	swait.ge [sflag:s5], $0xA000  }
0x781: {  	[sflag:s5] =	ssyncset.done $0x0  }
0x782: {  	[sflag:s5] =	ssyncadd.s32 $0xFFFF6000  }
0x783: {  	_ =	swait.ge [sflag:s5], $0xC000  }
0x784: {  	[sflag:s5] =	ssyncset.done $0x0  }
0x785: {  	[sflag:s5] =	ssyncadd.s32 $0xFFFF4000  }
0x786: {  	_ =	swait.ge [sflag:s5], $0xE000  }
0x787: {  	[sflag:s5] =	ssyncset.done $0x0  }
0x788: {  	[sflag:s5] =	ssyncadd.s32 $0xFFFF2000  }
0x789: {  	_ =	swait.ge [sflag:s5], $0xE000  }
0x78a: {  	[sflag:s5] =	ssyncset.done $0x0  }
0x78b: {  	[sflag:s5] =	ssyncadd.s32 $0xFFFF2000  }
0x78c: {  	_ =	swait.ge [sflag:s5], $0xE000  }
0x78d: {  	[sflag:s5] =	ssyncset.done $0x0  }
0x78e: {  	[sflag:s5] =	ssyncadd.s32 $0xFFFF2000  }
0x78f: {  	_ =	swait.ge [sflag:s5], $0xE000  }
0x790: {  	[sflag:s5] =	ssyncset.done $0x0  }
0x791: {  	[sflag:s5] =	ssyncadd.s32 $0xFFFF2000  }
0x792: {  	_ =	swait.ge [sflag:s5], $0xE000  }
0x793: {  	[sflag:s5] =	ssyncset.done $0x0  }
0x794: {  	[sflag:s5] =	ssyncadd.s32 $0xFFFF2000  }
0x795: {  	_ =	swait.ge [sflag:s5], $0xE000  }
0x796: {  	[sflag:s5] =	ssyncset.done $0x0  }
0x797: {  	[sflag:s5] =	ssyncadd.s32 $0xFFFF2000  }
0x798: {  	_ =	swait.ge [sflag:s5], $0xE000  }
0x799: {  	[sflag:s5] =	ssyncset.done $0x0  }
0x79a: {  	[sflag:s5] =	ssyncadd.s32 $0xFFFF2000  }
0x79b: {  	_ =	swait.ge [sflag:s5], $0xE000  }
0x79c: {  	[sflag:s5] =	ssyncset.done $0x0  }
0x79d: {  	s14 =	simm.s32 $0x7C00;
	s1 =	rddreg [dreg:$0xf];
	[sflag:s5] =	ssyncadd.s32 $0xFFFF2000  }
0x79e: {  	[tilespmem:s18], [sflag:$0x1] =	stream.strided.gather [hbm4b:s1+s6], $0xE000, s14, s6, $0x38;
	[tilespmem:$0x1C000] =	vst v63  }
0x79f: {  	s1 =	sld [smem:$0x7F5];
	_ =	sdelay $0x1  }
0x7a0: {  	s3 =	simm.s32 $0x400  }
0x7a1: {  	[hbm4b:s1+s2] =	stream.linear.scatter [tilespmem:s3], [sflag:$0x2], $0x1800, $0x38;
	[tilespmem:$0x1C000] =	vst v63  }
0x7a2: {  	s14 =	simm.s32 $0x2000;
	s4 =	sadd.s32 $0x800, s1  }
0x7a3: {  	[hbm4b:s4+s2] =	stream.linear.scatter [tilespmem:s14], [sflag:$0x2], $0x1800, $0x38;
	[tilespmem:$0x1C000] =	vst v63  }
0x7a4: {  	s4 =	sadd.s32 $0x1000, s1;
	s14 =	simm.s32 $0x3C00  }
0x7a5: {  	[hbm4b:s4+s2] =	stream.linear.scatter [tilespmem:s14], [sflag:$0x2], $0x1800, $0x38;
	[tilespmem:$0x1C000] =	vst v63  }
0x7a6: {  	s4 =	sadd.s32 $0x1800, s1;
	s14 =	simm.s32 $0x5800  }
0x7a7: {  	[hbm4b:s4+s2] =	stream.linear.scatter [tilespmem:s14], [sflag:$0x2], $0x1800, $0x38;
	[tilespmem:$0x1C000] =	vst v63  }
0x7a8: {  	s3 =	sadd.s32 $0x2000, s1;
	s4 =	simm.s32 $0x7400  }
0x7a9: {  	[hbm4b:s3+s2] =	stream.linear.scatter [tilespmem:s4], [sflag:$0x2], $0x1800, $0x38;
	[tilespmem:$0x1C000] =	vst v63  }
0x7aa: {  	s14 =	sadd.s32 $0x2800, s1  }
0x7ab: {  	[hbm4b:s14+s2] =	stream.linear.scatter [tilespmem:s19], [sflag:$0x2], $0x1800, $0x38;
	[tilespmem:$0x1C000] =	vst v63  }
0x7ac: {  	s3 =	sadd.s32 $0x3000, s1  }
0x7ad: {  	[hbm4b:s3+s2] =	stream.linear.scatter [tilespmem:s25], [sflag:$0x2], $0x1800, $0x38;
	[tilespmem:$0x1C000] =	vst v63  }
0x7ae: {  	s4 =	sadd.s32 $0x3800, s1;
	s1 =	sld [smem:$0x7E7]  }
0x7af: {  	[hbm4b:s4+s2] =	stream.linear.scatter [tilespmem:s20], [sflag:$0x2], $0x1800, $0x38;
	[tilespmem:$0x1C000] =	vst v63  }
0x7b0: {  	s14 =	rddreg [dreg:$0x10]  }
0x7b1: {  	[hbm4b:s14+s6] =	stream.strided.scatter [tilespmem:s2], [sflag:$0x2], $0xE000, s30, s6, $0x38;
	[tilespmem:$0x1C000] =	vst v63  }
0x7b2: {  	s19 =	rddreg [dreg:$0x11]  }
0x7b3: {  	[hbm4b:s19+s6] =	stream.strided.scatter [tilespmem:s2], [sflag:$0x2], $0xE000, s30, s6, $0x38;
	[tilespmem:$0x1C000] =	vst v63  }
0x7b4: {  	s20 =	rddreg [dreg:$0x12]  }
0x7b5: {  	[hbm4b:s20+s6] =	stream.strided.scatter [tilespmem:s2], [sflag:$0x2], $0xE000, s30, s6, $0x38;
	[tilespmem:$0x1C000] =	vst v63  }
0x7b6: {  	s25 =	rddreg [dreg:$0x13]  }
0x7b7: {  	[hbm4b:s25+s6] =	stream.strided.scatter [tilespmem:s2], [sflag:$0x2], $0xE000, s30, s6, $0x38;
	[tilespmem:$0x1C000] =	vst v63  }
0x7b8: {  	s3 =	rddreg [dreg:$0x14]  }
0x7b9: {  	[hbm4b:s3+s6] =	stream.strided.scatter [tilespmem:s2], [sflag:$0x2], $0xE000, s30, s6, $0x38;
	[tilespmem:$0x1C000] =	vst v63  }
0x7ba: {  	s4 =	rddreg [dreg:$0x15]  }
0x7bb: {  	[hbm4b:s4+s6] =	stream.strided.scatter [tilespmem:s2], [sflag:$0x2], $0xE000, s30, s6, $0x38;
	[tilespmem:$0x1C000] =	vst v63  }
0x7bc: {  	s14 =	rddreg [dreg:$0x16]  }
0x7bd: {  	[hbm4b:s14+s6] =	stream.strided.scatter [tilespmem:s2], [sflag:$0x2], $0xE000, s30, s6, $0x38;
	[tilespmem:$0x1C000] =	vst v63  }
0x7be: {  	s19 =	rddreg [dreg:$0x17]  }
0x7bf: {  	[hbm4b:s19+s6] =	stream.strided.scatter [tilespmem:s2], [sflag:$0x2], $0xE000, s30, s6, $0x38;
	[tilespmem:$0x1C000] =	vst v63  }
0x7c0: {  	s20 =	rddreg [dreg:$0x18]  }
0x7c1: {  	[hbm4b:s20+s6] =	stream.strided.scatter [tilespmem:s2], [sflag:$0x2], $0xE000, s30, s6, $0x38;
	[tilespmem:$0x1C000] =	vst v63  }
0x7c2: {  	s25 =	rddreg [dreg:$0x19]  }
0x7c3: {  	[hbm4b:s25+s6] =	stream.strided.scatter [tilespmem:s2], [sflag:$0x2], $0xE000, s30, s6, $0x38;
	[tilespmem:$0x1C000] =	vst v63  }
0x7c4: {  	_ = 	snop  }
0x7c5: {  	[hbm4b:s1+s2] =	stream.linear.scatter [tilespmem:s2], [sflag:$0x2], $0x1800, $0x38;
	[tilespmem:$0x1C000] =	vst v63  }
0x7c6: {  	s3 =	sadd.s32 $0x800, s1  }
0x7c7: {  	[hbm4b:s3+s2] =	stream.linear.scatter [tilespmem:s6], [sflag:$0x2], $0x1800, $0x38;
	[tilespmem:$0x1C000] =	vst v63  }
0x7c8: {  	s4 =	sadd.s32 $0x1000, s1  }
0x7c9: {  	[hbm4b:s4+s2] =	stream.linear.scatter [tilespmem:s13], [sflag:$0x2], $0x1800, $0x38;
	[tilespmem:$0x1C000] =	vst v63  }
0x7ca: {  	s14 =	sadd.s32 $0x1800, s1  }
0x7cb: {  	[hbm4b:s14+s2] =	stream.linear.scatter [tilespmem:s12], [sflag:$0x2], $0x1800, $0x38;
	[tilespmem:$0x1C000] =	vst v63  }
0x7cc: {  	s19 =	sadd.s32 $0x2000, s1  }
0x7cd: {  	[hbm4b:s19+s2] =	stream.linear.scatter [tilespmem:s11], [sflag:$0x2], $0x1800, $0x38;
	[tilespmem:$0x1C000] =	vst v63  }
0x7ce: {  	s20 =	sadd.s32 $0x2800, s1  }
0x7cf: {  	[hbm4b:s20+s2] =	stream.linear.scatter [tilespmem:s10], [sflag:$0x2], $0x1800, $0x38;
	[tilespmem:$0x1C000] =	vst v63  }
0x7d0: {  	s25 =	sadd.s32 $0x3000, s1  }
0x7d1: {  	[hbm4b:s25+s2] =	stream.linear.scatter [tilespmem:s9], [sflag:$0x2], $0x1800, $0x38;
	[tilespmem:$0x1C000] =	vst v63  }
0x7d2: {  	s1 =	sadd.s32 $0x3800, s1  }
0x7d3: {  	[hbm4b:s1+s2] =	stream.linear.scatter [tilespmem:s8], [sflag:$0x2], $0x1800, $0x38;
	[tilespmem:$0x1C000] =	vst v63  }
0x7d4: {  	s1 =	sld [smem:$0x7EC];
	_ =	sdelay $0x2  }
0x7d5: {  	[hbm4b:s1+s2] =	stream.linear.scatter [tilespmem:s2], [sflag:$0x2], $0x1400, $0x38;
	[tilespmem:$0x1C000] =	vst v63  }
0x7d6: {  	s3 =	sadd.s32 $0x800, s1  }
0x7d7: {  	[hbm4b:s3+s2] =	stream.linear.scatter [tilespmem:s6], [sflag:$0x2], $0x1400, $0x38;
	[tilespmem:$0x1C000] =	vst v63  }
0x7d8: {  	s4 =	sadd.s32 $0x1000, s1  }
0x7d9: {  	[hbm4b:s4+s2] =	stream.linear.scatter [tilespmem:s13], [sflag:$0x2], $0x1400, $0x38;
	[tilespmem:$0x1C000] =	vst v63  }
0x7da: {  	s14 =	sadd.s32 $0x1800, s1  }
0x7db: {  	[hbm4b:s14+s2] =	stream.linear.scatter [tilespmem:s12], [sflag:$0x2], $0x1400, $0x38;
	[tilespmem:$0x1C000] =	vst v63  }
0x7dc: {  	s19 =	sadd.s32 $0x2000, s1  }
0x7dd: {  	[hbm4b:s19+s2] =	stream.linear.scatter [tilespmem:s11], [sflag:$0x2], $0x1400, $0x38;
	[tilespmem:$0x1C000] =	vst v63  }
0x7de: {  	s20 =	sadd.s32 $0x2800, s1  }
0x7df: {  	[hbm4b:s20+s2] =	stream.linear.scatter [tilespmem:s10], [sflag:$0x2], $0x1400, $0x38;
	[tilespmem:$0x1C000] =	vst v63  }
0x7e0: {  	s25 =	sadd.s32 $0x3000, s1  }
0x7e1: {  	[hbm4b:s25+s2] =	stream.linear.scatter [tilespmem:s9], [sflag:$0x2], $0x1400, $0x38;
	[tilespmem:$0x1C000] =	vst v63  }
0x7e2: {  	s1 =	sadd.s32 $0x3800, s1  }
0x7e3: {  	[hbm4b:s1+s2] =	stream.linear.scatter [tilespmem:s8], [sflag:$0x2], $0x1400, $0x38;
	[tilespmem:$0x1C000] =	vst v63  }
0x7e4: {  	s1 =	sld [smem:$0x7F0];
	_ =	sdelay $0x2  }
0x7e5: {  	[hbm4b:s1+s2] =	stream.linear.scatter [tilespmem:s2], [sflag:$0x2], $0x1000, $0x38;
	[tilespmem:$0x1C000] =	vst v63  }
0x7e6: {  	s3 =	sadd.s32 $0x800, s1  }
0x7e7: {  	[hbm4b:s3+s2] =	stream.linear.scatter [tilespmem:s6], [sflag:$0x2], $0x1000, $0x38;
	[tilespmem:$0x1C000] =	vst v63  }
0x7e8: {  	s4 =	sadd.s32 $0x1000, s1  }
0x7e9: {  	[hbm4b:s4+s2] =	stream.linear.scatter [tilespmem:s13], [sflag:$0x2], $0x1000, $0x38;
	[tilespmem:$0x1C000] =	vst v63  }
0x7ea: {  	s14 =	sadd.s32 $0x1800, s1  }
0x7eb: {  	[hbm4b:s14+s2] =	stream.linear.scatter [tilespmem:s12], [sflag:$0x2], $0x1000, $0x38;
	[tilespmem:$0x1C000] =	vst v63  }
0x7ec: {  	s19 =	sadd.s32 $0x2000, s1  }
0x7ed: {  	[hbm4b:s19+s2] =	stream.linear.scatter [tilespmem:s11], [sflag:$0x2], $0x1000, $0x38;
	[tilespmem:$0x1C000] =	vst v63  }
0x7ee: {  	s20 =	sadd.s32 $0x2800, s1  }
0x7ef: {  	[hbm4b:s20+s2] =	stream.linear.scatter [tilespmem:s10], [sflag:$0x2], $0x1000, $0x38;
	[tilespmem:$0x1C000] =	vst v63  }
0x7f0: {  	s25 =	sadd.s32 $0x3000, s1  }
0x7f1: {  	[hbm4b:s25+s2] =	stream.linear.scatter [tilespmem:s9], [sflag:$0x2], $0x1000, $0x38;
	[tilespmem:$0x1C000] =	vst v63  }
0x7f2: {  	s1 =	sadd.s32 $0x3800, s1  }
0x7f3: {  	[hbm4b:s1+s2] =	stream.linear.scatter [tilespmem:s8], [sflag:$0x2], $0x1000, $0x38;
	[tilespmem:$0x1C000] =	vst v63  }
0x7f4: {  	s1 =	sld [smem:$0x7F3];
	_ =	sdelay $0x2  }
0x7f5: {  	[hbm4b:s1+s2] =	stream.linear.scatter [tilespmem:s2], [sflag:$0x2], $0xC00, $0x38;
	[tilespmem:$0x1C000] =	vst v63  }
0x7f6: {  	s3 =	sadd.s32 $0x800, s1  }
0x7f7: {  	[hbm4b:s3+s2] =	stream.linear.scatter [tilespmem:s6], [sflag:$0x2], $0xC00, $0x38;
	[tilespmem:$0x1C000] =	vst v63  }
0x7f8: {  	s4 =	sadd.s32 $0x1000, s1  }
0x7f9: {  	[hbm4b:s4+s2] =	stream.linear.scatter [tilespmem:s13], [sflag:$0x2], $0xC00, $0x38;
	[tilespmem:$0x1C000] =	vst v63  }
0x7fa: {  	s14 =	sadd.s32 $0x1800, s1  }
0x7fb: {  	[hbm4b:s14+s2] =	stream.linear.scatter [tilespmem:s12], [sflag:$0x2], $0xC00, $0x38;
	[tilespmem:$0x1C000] =	vst v63  }
0x7fc: {  	s19 =	sadd.s32 $0x2000, s1  }
0x7fd: {  	[hbm4b:s19+s2] =	stream.linear.scatter [tilespmem:s11], [sflag:$0x2], $0xC00, $0x38;
	[tilespmem:$0x1C000] =	vst v63  }
0x7fe: {  	s20 =	sadd.s32 $0x2800, s1  }
0x7ff: {  	[hbm4b:s20+s2] =	stream.linear.scatter [tilespmem:s10], [sflag:$0x2], $0xC00, $0x38;
	[tilespmem:$0x1C000] =	vst v63  }
0x800: {  	s25 =	sadd.s32 $0x3000, s1  }
0x801: {  	[hbm4b:s25+s2] =	stream.linear.scatter [tilespmem:s9], [sflag:$0x2], $0xC00, $0x38;
	[tilespmem:$0x1C000] =	vst v63  }
0x802: {  	s3 =	sadd.s32 $0x3800, s1;
	s1 =	sld [smem:$0x7E1]  }
0x803: {  	[hbm4b:s3+s2] =	stream.linear.scatter [tilespmem:s8], [sflag:$0x2], $0xC00, $0x38;
	[tilespmem:$0x1C000] =	vst v63  }
0x804: {  	_ = 	snop  }
0x805: {  	[hbm4b:s1+s2] =	stream.linear.scatter [tilespmem:s2], [sflag:$0x2], $0x800, $0x38;
	[tilespmem:$0x1C000] =	vst v63  }
0x806: {  	s4 =	sadd.s32 $0x800, s1  }
0x807: {  	[hbm4b:s4+s2] =	stream.linear.scatter [tilespmem:s6], [sflag:$0x2], $0x800, $0x38;
	[tilespmem:$0x1C000] =	vst v63  }
0x808: {  	s14 =	sadd.s32 $0x1000, s1  }
0x809: {  	[hbm4b:s14+s2] =	stream.linear.scatter [tilespmem:s13], [sflag:$0x2], $0x800, $0x38;
	[tilespmem:$0x1C000] =	vst v63  }
0x80a: {  	s19 =	sadd.s32 $0x1800, s1  }
0x80b: {  	[hbm4b:s19+s2] =	stream.linear.scatter [tilespmem:s12], [sflag:$0x2], $0x800, $0x38;
	[tilespmem:$0x1C000] =	vst v63  }
0x80c: {  	s20 =	sadd.s32 $0x2000, s1  }
0x80d: {  	[hbm4b:s20+s2] =	stream.linear.scatter [tilespmem:s11], [sflag:$0x2], $0x800, $0x38;
	[tilespmem:$0x1C000] =	vst v63  }
0x80e: {  	s25 =	sadd.s32 $0x2800, s1  }
0x80f: {  	[hbm4b:s25+s2] =	stream.linear.scatter [tilespmem:s10], [sflag:$0x2], $0x800, $0x38;
	[tilespmem:$0x1C000] =	vst v63  }
0x810: {  	s3 =	sadd.s32 $0x3000, s1  }
0x811: {  	[hbm4b:s3+s2] =	stream.linear.scatter [tilespmem:s9], [sflag:$0x2], $0x800, $0x38;
	[tilespmem:$0x1C000] =	vst v63  }
0x812: {  	s4 =	sadd.s32 $0x3800, s1  }
0x813: {  	[hbm4b:s4+s2] =	stream.linear.scatter [tilespmem:s8], [sflag:$0x2], $0x800, $0x38;
	[tilespmem:$0x1C000] =	vst v63  }
0x814: {  	_ =	swait.ge [sflag:s16], $0xE000  }
0x815: {  	[sflag:s16] =	ssyncset.done $0x0  }
0x816: {  	[sflag:s16] =	ssyncadd.s32 $0xFFFF2000  }
0x817: {  	_ =	swait.ge [sflag:s5], $0xC000  }
0x818: {  	[sflag:s5] =	ssyncset.done $0x0  }
0x819: {  	[sflag:s5] =	ssyncadd.s32 $0xFFFF4000  }
0x81a: {  	_ =	swait.ge [sflag:s5], $0xE000  }
0x81b: {  	[sflag:s5] =	ssyncset.done $0x0  }
0x81c: {  	[sflag:s5] =	ssyncadd.s32 $0xFFFF2000  }
0x81d: {  	_ =	swait.ge [sflag:s5], $0xE000  }
0x81e: {  	[sflag:s5] =	ssyncset.done $0x0  }
0x81f: {  	[sflag:s5] =	ssyncadd.s32 $0xFFFF2000  }
0x820: {  	_ =	swait.ge [sflag:s5], $0xE000  }
0x821: {  	[sflag:s5] =	ssyncset.done $0x0  }
0x822: {  	[sflag:s5] =	ssyncadd.s32 $0xFFFF2000  }
0x823: {  	_ =	swait.ge [sflag:s5], $0xE000  }
0x824: {  	[sflag:s5] =	ssyncset.done $0x0  }
0x825: {  	[sflag:s5] =	ssyncadd.s32 $0xFFFF2000  }
0x826: {  	_ =	swait.ge [sflag:s5], $0xE000  }
0x827: {  	[sflag:s5] =	ssyncset.done $0x0  }
0x828: {  	[sflag:s5] =	ssyncadd.s32 $0xFFFF2000  }
0x829: {  	_ =	swait.ge [sflag:s5], $0xE000  }
0x82a: {  	[sflag:s5] =	ssyncset.done $0x0  }
0x82b: {  	[sflag:s5] =	ssyncadd.s32 $0xFFFF2000  }
0x82c: {  	_ =	swait.ge [sflag:s5], $0xE000  }
0x82d: {  	[sflag:s5] =	ssyncset.done $0x0  }
0x82e: {  	[sflag:s5] =	ssyncadd.s32 $0xFFFF2000  }
0x82f: {  	_ =	swait.ge [sflag:s5], $0xE000  }
0x830: {  	[sflag:s5] =	ssyncset.done $0x0  }
0x831: {  	[sflag:s5] =	ssyncadd.s32 $0xFFFF2000  }
0x832: {  	_ =	swait.ge [sflag:s5], $0xE000  }
0x833: {  	[sflag:s5] =	ssyncset.done $0x0  }
0x834: {  	[sflag:s5] =	ssyncadd.s32 $0xFFFF2000  }
0x835: {  	_ =	swait.ge [sflag:s5], $0xE000  }
0x836: {  	[sflag:s5] =	ssyncset.done $0x0  }
0x837: {  	[sflag:s5] =	ssyncadd.s32 $0xFFFF2000  }
0x838: {  	_ =	swait.ge [sflag:s5], $0xC000  }
0x839: {  	[sflag:s5] =	ssyncset.done $0x0  }
0x83a: {  	[sflag:s5] =	ssyncadd.s32 $0xFFFF4000  }
0x83b: {  	_ =	swait.ge [sflag:s5], $0xA000  }
0x83c: {  	[sflag:s5] =	ssyncset.done $0x0  }
0x83d: {  	[sflag:s5] =	ssyncadd.s32 $0xFFFF6000  }
0x83e: {  	_ =	swait.ge [sflag:s5], $0x8000  }
0x83f: {  	[sflag:s5] =	ssyncset.done $0x0  }
0x840: {  	[sflag:s5] =	ssyncadd.s32 $0xFFFF8000  }
0x841: {  	_ =	swait.ge [sflag:s5], $0x6000  }
0x842: {  	[sflag:s5] =	ssyncset.done $0x0  }
0x843: {  	[sflag:s5] =	ssyncadd.s32 $0xFFFFA000  }
0x844: {  	_ =	swait.ge [sflag:s5], $0x4000  }
0x845: {  	s1 =	sld [smem:$0x7FA]  }
0x846: {  	[sflag:s5] =	ssyncset.done $0x0  }
0x847: {  	[sflag:s5] =	ssyncadd.s32 $0xFFFFC000  }
0x848: {  	[tilespmem:s2], [sflag:$0x1] =	stream.linear.gather [hbm4b:s1+s2], $0xC00, $0x38;
	[tilespmem:$0x1C000] =	vst v63  }
0x849: {  	s14 =	sadd.s32 $0xF80, s1  }
0x84a: {  	[tilespmem:s6], [sflag:$0x1] =	stream.linear.gather [hbm4b:s14+s2], $0xC00, $0x38;
	[tilespmem:$0x1C000] =	vst v63  }
0x84b: {  	s19 =	sadd.s32 $0x1F00, s1  }
0x84c: {  	[tilespmem:s13], [sflag:$0x1] =	stream.linear.gather [hbm4b:s19+s2], $0xC00, $0x38;
	[tilespmem:$0x1C000] =	vst v63  }
0x84d: {  	s20 =	sadd.s32 $0x2E80, s1  }
0x84e: {  	[tilespmem:s12], [sflag:$0x1] =	stream.linear.gather [hbm4b:s20+s2], $0xC00, $0x38;
	[tilespmem:$0x1C000] =	vst v63  }
0x84f: {  	s25 =	sadd.s32 $0x3E00, s1  }
0x850: {  	[tilespmem:s11], [sflag:$0x1] =	stream.linear.gather [hbm4b:s25+s2], $0xC00, $0x38;
	[tilespmem:$0x1C000] =	vst v63  }
0x851: {  	s3 =	sadd.s32 $0x4D80, s1  }
0x852: {  	[tilespmem:s10], [sflag:$0x1] =	stream.linear.gather [hbm4b:s3+s2], $0xC00, $0x38;
	[tilespmem:$0x1C000] =	vst v63  }
0x853: {  	s4 =	sadd.s32 $0x5D00, s1  }
0x854: {  	[tilespmem:s9], [sflag:$0x1] =	stream.linear.gather [hbm4b:s4+s2], $0xC00, $0x38;
	[tilespmem:$0x1C000] =	vst v63  }
0x855: {  	s14 =	sadd.s32 $0x6C80, s1;
	s19 =	rddreg [dreg:$0x1a]  }
0x856: {  	[tilespmem:s8], [sflag:$0x1] =	stream.linear.gather [hbm4b:s14+s2], $0xC00, $0x38;
	[tilespmem:$0x1C000] =	vst v63  }
0x857: {  	s20 =	rddreg [dreg:$0x1b]  }
0x858: {  	[hbm4b:s19+s6] =	stream.strided.scatter [tilespmem:s18], [sflag:$0x2], $0xE000, s30, s6, $0x38;
	[tilespmem:$0x1C000] =	vst v63  }
0x859: {  	s25 =	rddreg [dreg:$0x1c]  }
0x85a: {  	[hbm4b:s20+s6] =	stream.strided.scatter [tilespmem:s18], [sflag:$0x2], $0xE000, s30, s6, $0x38;
	[tilespmem:$0x1C000] =	vst v63  }
0x85b: {  	s3 =	rddreg [dreg:$0x1d]  }
0x85c: {  	[hbm4b:s25+s6] =	stream.strided.scatter [tilespmem:s18], [sflag:$0x2], $0xE000, s30, s6, $0x38;
	[tilespmem:$0x1C000] =	vst v63  }
0x85d: {  	s4 =	sld [smem:$0x7EA]  }
0x85e: {  	[hbm4b:s3+s6] =	stream.strided.scatter [tilespmem:s18], [sflag:$0x2], $0xE000, s30, s6, $0x38;
	[tilespmem:$0x1C000] =	vst v63  }
0x85f: {  	_ = 	snop  }
0x860: {  	[hbm4b:s4+s2] =	stream.linear.scatter [tilespmem:s18], [sflag:$0x2], $0x1800, $0x38;
	[tilespmem:$0x1C000] =	vst v63  }
0x861: {  	s14 =	sadd.s32 $0x800, s4  }
0x862: {  	[hbm4b:s14+s2] =	stream.linear.scatter [tilespmem:s28], [sflag:$0x2], $0x1800, $0x38;
	[tilespmem:$0x1C000] =	vst v63  }
0x863: {  	s19 =	sadd.s32 $0x1000, s4  }
0x864: {  	[hbm4b:s19+s2] =	stream.linear.scatter [tilespmem:s26], [sflag:$0x2], $0x1800, $0x38;
	[tilespmem:$0x1C000] =	vst v63  }
0x865: {  	s20 =	sadd.s32 $0x1800, s4  }
0x866: {  	[hbm4b:s20+s2] =	stream.linear.scatter [tilespmem:s24], [sflag:$0x2], $0x1800, $0x38;
	[tilespmem:$0x1C000] =	vst v63  }
0x867: {  	s25 =	sadd.s32 $0x2000, s4  }
0x868: {  	[hbm4b:s25+s2] =	stream.linear.scatter [tilespmem:s23], [sflag:$0x2], $0x1800, $0x38;
	[tilespmem:$0x1C000] =	vst v63  }
0x869: {  	s30 =	sadd.s32 $0x2800, s4  }
0x86a: {  	[hbm4b:s30+s2] =	stream.linear.scatter [tilespmem:s22], [sflag:$0x2], $0x1800, $0x38;
	[tilespmem:$0x1C000] =	vst v63  }
0x86b: {  	s3 =	sadd.s32 $0x3000, s4  }
0x86c: {  	[hbm4b:s3+s2] =	stream.linear.scatter [tilespmem:s21], [sflag:$0x2], $0x1800, $0x38;
	[tilespmem:$0x1C000] =	vst v63  }
0x86d: {  	s4 =	sadd.s32 $0x3800, s4;
	s14 =	sld [smem:$0x7ED]  }
0x86e: {  	[hbm4b:s4+s2] =	stream.linear.scatter [tilespmem:s29], [sflag:$0x2], $0x1800, $0x38;
	[tilespmem:$0x1C000] =	vst v63  }
0x86f: {  	_ = 	snop  }
0x870: {  	[hbm4b:s14+s2] =	stream.linear.scatter [tilespmem:s18], [sflag:$0x2], $0x1400, $0x38;
	[tilespmem:$0x1C000] =	vst v63  }
0x871: {  	s19 =	sadd.s32 $0x800, s14  }
0x872: {  	[hbm4b:s19+s2] =	stream.linear.scatter [tilespmem:s28], [sflag:$0x2], $0x1400, $0x38;
	[tilespmem:$0x1C000] =	vst v63  }
0x873: {  	s20 =	sadd.s32 $0x1000, s14  }
0x874: {  	[hbm4b:s20+s2] =	stream.linear.scatter [tilespmem:s26], [sflag:$0x2], $0x1400, $0x38;
	[tilespmem:$0x1C000] =	vst v63  }
0x875: {  	s25 =	sadd.s32 $0x1800, s14  }
0x876: {  	[hbm4b:s25+s2] =	stream.linear.scatter [tilespmem:s24], [sflag:$0x2], $0x1400, $0x38;
	[tilespmem:$0x1C000] =	vst v63  }
0x877: {  	s30 =	sadd.s32 $0x2000, s14  }
0x878: {  	[hbm4b:s30+s2] =	stream.linear.scatter [tilespmem:s23], [sflag:$0x2], $0x1400, $0x38;
	[tilespmem:$0x1C000] =	vst v63  }
0x879: {  	s3 =	sadd.s32 $0x2800, s14  }
0x87a: {  	[hbm4b:s3+s2] =	stream.linear.scatter [tilespmem:s22], [sflag:$0x2], $0x1400, $0x38;
	[tilespmem:$0x1C000] =	vst v63  }
0x87b: {  	s4 =	sadd.s32 $0x3000, s14  }
0x87c: {  	[hbm4b:s4+s2] =	stream.linear.scatter [tilespmem:s21], [sflag:$0x2], $0x1400, $0x38;
	[tilespmem:$0x1C000] =	vst v63  }
0x87d: {  	s14 =	sadd.s32 $0x3800, s14;
	s19 =	sld [smem:$0x7F1]  }
0x87e: {  	[hbm4b:s14+s2] =	stream.linear.scatter [tilespmem:s29], [sflag:$0x2], $0x1400, $0x38;
	[tilespmem:$0x1C000] =	vst v63  }
0x87f: {  	_ = 	snop  }
0x880: {  	[hbm4b:s19+s2] =	stream.linear.scatter [tilespmem:s18], [sflag:$0x2], $0x1000, $0x38;
	[tilespmem:$0x1C000] =	vst v63  }
0x881: {  	s20 =	sadd.s32 $0x800, s19  }
0x882: {  	[hbm4b:s20+s2] =	stream.linear.scatter [tilespmem:s28], [sflag:$0x2], $0x1000, $0x38;
	[tilespmem:$0x1C000] =	vst v63  }
0x883: {  	s25 =	sadd.s32 $0x1000, s19  }
0x884: {  	[hbm4b:s25+s2] =	stream.linear.scatter [tilespmem:s26], [sflag:$0x2], $0x1000, $0x38;
	[tilespmem:$0x1C000] =	vst v63  }
0x885: {  	s30 =	sadd.s32 $0x1800, s19  }
0x886: {  	[hbm4b:s30+s2] =	stream.linear.scatter [tilespmem:s24], [sflag:$0x2], $0x1000, $0x38;
	[tilespmem:$0x1C000] =	vst v63  }
0x887: {  	s3 =	sadd.s32 $0x2000, s19  }
0x888: {  	[hbm4b:s3+s2] =	stream.linear.scatter [tilespmem:s23], [sflag:$0x2], $0x1000, $0x38;
	[tilespmem:$0x1C000] =	vst v63  }
0x889: {  	s4 =	sadd.s32 $0x2800, s19  }
0x88a: {  	[hbm4b:s4+s2] =	stream.linear.scatter [tilespmem:s22], [sflag:$0x2], $0x1000, $0x38;
	[tilespmem:$0x1C000] =	vst v63  }
0x88b: {  	s14 =	sadd.s32 $0x3000, s19  }
0x88c: {  	[hbm4b:s14+s2] =	stream.linear.scatter [tilespmem:s21], [sflag:$0x2], $0x1000, $0x38;
	[tilespmem:$0x1C000] =	vst v63  }
0x88d: {  	s19 =	sadd.s32 $0x3800, s19;
	s20 =	sld [smem:$0x7FB]  }
0x88e: {  	[hbm4b:s19+s2] =	stream.linear.scatter [tilespmem:s29], [sflag:$0x2], $0x1000, $0x38;
	[tilespmem:$0x1C000] =	vst v63  }
0x88f: {  	_ = 	snop  }
0x890: {  	[hbm4b:s20+s2] =	stream.linear.scatter [tilespmem:s18], [sflag:$0x2], $0xC00, $0x38;
	[tilespmem:$0x1C000] =	vst v63  }
0x891: {  	s25 =	sadd.s32 $0x800, s20  }
0x892: {  	[hbm4b:s25+s2] =	stream.linear.scatter [tilespmem:s28], [sflag:$0x2], $0xC00, $0x38;
	[tilespmem:$0x1C000] =	vst v63  }
0x893: {  	s30 =	sadd.s32 $0x1000, s20  }
0x894: {  	[hbm4b:s30+s2] =	stream.linear.scatter [tilespmem:s26], [sflag:$0x2], $0xC00, $0x38;
	[tilespmem:$0x1C000] =	vst v63  }
0x895: {  	s3 =	sadd.s32 $0x1800, s20  }
0x896: {  	[hbm4b:s3+s2] =	stream.linear.scatter [tilespmem:s24], [sflag:$0x2], $0xC00, $0x38;
	[tilespmem:$0x1C000] =	vst v63  }
0x897: {  	s4 =	sadd.s32 $0x2000, s20  }
0x898: {  	[hbm4b:s4+s2] =	stream.linear.scatter [tilespmem:s23], [sflag:$0x2], $0xC00, $0x38;
	[tilespmem:$0x1C000] =	vst v63  }
0x899: {  	s14 =	sadd.s32 $0x2800, s20  }
0x89a: {  	[hbm4b:s14+s2] =	stream.linear.scatter [tilespmem:s22], [sflag:$0x2], $0xC00, $0x38;
	[tilespmem:$0x1C000] =	vst v63  }
0x89b: {  	s19 =	sadd.s32 $0x3000, s20  }
0x89c: {  	[hbm4b:s19+s2] =	stream.linear.scatter [tilespmem:s21], [sflag:$0x2], $0xC00, $0x38;
	[tilespmem:$0x1C000] =	vst v63  }
0x89d: {  	s20 =	sadd.s32 $0x3800, s20  }
0x89e: {  	[hbm4b:s20+s2] =	stream.linear.scatter [tilespmem:s29], [sflag:$0x2], $0xC00, $0x38;
	[tilespmem:$0x1C000] =	vst v63  }
0x89f: {  	_ = 	snop  }
0x8a0: {  	[hbm4b:s15+s2] =	stream.linear.scatter [tilespmem:s18], [sflag:$0x2], $0x800, $0x38;
	[tilespmem:$0x1C000] =	vst v63  }
0x8a1: {  	s25 =	sadd.s32 $0x800, s15  }
0x8a2: {  	[hbm4b:s25+s2] =	stream.linear.scatter [tilespmem:s28], [sflag:$0x2], $0x800, $0x38;
	[tilespmem:$0x1C000] =	vst v63  }
0x8a3: {  	s30 =	sadd.s32 $0x1000, s15  }
0x8a4: {  	[hbm4b:s30+s2] =	stream.linear.scatter [tilespmem:s26], [sflag:$0x2], $0x800, $0x38;
	[tilespmem:$0x1C000] =	vst v63  }
0x8a5: {  	s1 =	sadd.s32 $0x1800, s15  }
0x8a6: {  	[hbm4b:s1+s2] =	stream.linear.scatter [tilespmem:s24], [sflag:$0x2], $0x800, $0x38;
	[tilespmem:$0x1C000] =	vst v63  }
0x8a7: {  	s3 =	sadd.s32 $0x2000, s15  }
0x8a8: {  	[hbm4b:s3+s2] =	stream.linear.scatter [tilespmem:s23], [sflag:$0x2], $0x800, $0x38;
	[tilespmem:$0x1C000] =	vst v63  }
0x8a9: {  	s4 =	sadd.s32 $0x2800, s15  }
0x8aa: {  	[hbm4b:s4+s2] =	stream.linear.scatter [tilespmem:s22], [sflag:$0x2], $0x800, $0x38;
	[tilespmem:$0x1C000] =	vst v63  }
0x8ab: {  	s14 =	sadd.s32 $0x3000, s15  }
0x8ac: {  	[hbm4b:s14+s2] =	stream.linear.scatter [tilespmem:s21], [sflag:$0x2], $0x800, $0x38;
	[tilespmem:$0x1C000] =	vst v63  }
0x8ad: {  	s15 =	sadd.s32 $0x3800, s15  }
0x8ae: {  	[hbm4b:s15+s2] =	stream.linear.scatter [tilespmem:s29], [sflag:$0x2], $0x800, $0x38;
	[tilespmem:$0x1C000] =	vst v63  }
0x8af: {  	_ = 	snop  }
0x8b0: {  	[hbm4b:s31+s2] =	stream.linear.scatter [tilespmem:s18], [sflag:$0x2], $0x400, $0x38;
	[tilespmem:$0x1C000] =	vst v63  }
0x8b1: {  	s18 =	sadd.s32 $0x800, s31  }
0x8b2: {  	[hbm4b:s18+s2] =	stream.linear.scatter [tilespmem:s28], [sflag:$0x2], $0x400, $0x38;
	[tilespmem:$0x1C000] =	vst v63  }
0x8b3: {  	s19 =	sadd.s32 $0x1000, s31  }
0x8b4: {  	[hbm4b:s19+s2] =	stream.linear.scatter [tilespmem:s26], [sflag:$0x2], $0x400, $0x38;
	[tilespmem:$0x1C000] =	vst v63  }
0x8b5: {  	s20 =	sadd.s32 $0x1800, s31  }
0x8b6: {  	[hbm4b:s20+s2] =	stream.linear.scatter [tilespmem:s24], [sflag:$0x2], $0x400, $0x38;
	[tilespmem:$0x1C000] =	vst v63  }
0x8b7: {  	s24 =	sadd.s32 $0x2000, s31  }
0x8b8: {  	[hbm4b:s24+s2] =	stream.linear.scatter [tilespmem:s23], [sflag:$0x2], $0x400, $0x38;
	[tilespmem:$0x1C000] =	vst v63  }
0x8b9: {  	s25 =	sadd.s32 $0x2800, s31  }
0x8ba: {  	[hbm4b:s25+s2] =	stream.linear.scatter [tilespmem:s22], [sflag:$0x2], $0x400, $0x38;
	[tilespmem:$0x1C000] =	vst v63  }
0x8bb: {  	s26 =	sadd.s32 $0x3000, s31  }
0x8bc: {  	[hbm4b:s26+s2] =	stream.linear.scatter [tilespmem:s21], [sflag:$0x2], $0x400, $0x38;
	[tilespmem:$0x1C000] =	vst v63  }
0x8bd: {  	s28 =	sadd.s32 $0x3800, s31  }
0x8be: {  	[hbm4b:s28+s2] =	stream.linear.scatter [tilespmem:s29], [sflag:$0x2], $0x400, $0x38;
	[tilespmem:$0x1C000] =	vst v63  }
0x8bf: {  	_ =	swait.ge [sflag:s16], $0x6000  }
0x8c0: {  	[sflag:s16] =	ssyncset.done $0x0  }
0x8c1: {  	[sflag:s16] =	ssyncadd.s32 $0xFFFFA000  }
0x8c2: {  	_ =	swait.ge [sflag:s5], $0xE000  }
0x8c3: {  	[sflag:s5] =	ssyncset.done $0x0  }
0x8c4: {  	[sflag:s5] =	ssyncadd.s32 $0xFFFF2000  }
0x8c5: {  	_ =	swait.ge [sflag:s5], $0xE000  }
0x8c6: {  	[sflag:s5] =	ssyncset.done $0x0  }
0x8c7: {  	[sflag:s5] =	ssyncadd.s32 $0xFFFF2000  }
0x8c8: {  	_ =	swait.ge [sflag:s5], $0xE000  }
0x8c9: {  	[sflag:s5] =	ssyncset.done $0x0  }
0x8ca: {  	[sflag:s5] =	ssyncadd.s32 $0xFFFF2000  }
0x8cb: {  	_ =	swait.ge [sflag:s5], $0xE000  }
0x8cc: {  	[sflag:s5] =	ssyncset.done $0x0  }
0x8cd: {  	[sflag:s5] =	ssyncadd.s32 $0xFFFF2000  }
0x8ce: {  	_ =	swait.ge [sflag:s5], $0xC000  }
0x8cf: {  	[sflag:s5] =	ssyncset.done $0x0  }
0x8d0: {  	[sflag:s5] =	ssyncadd.s32 $0xFFFF4000  }
0x8d1: {  	_ =	swait.ge [sflag:s5], $0xA000  }
0x8d2: {  	[sflag:s5] =	ssyncset.done $0x0  }
0x8d3: {  	[sflag:s5] =	ssyncadd.s32 $0xFFFF6000  }
0x8d4: {  	_ =	swait.ge [sflag:s5], $0x8000  }
0x8d5: {  	[sflag:s5] =	ssyncset.done $0x0  }
0x8d6: {  	[sflag:s5] =	ssyncadd.s32 $0xFFFF8000  }
0x8d7: {  	_ =	swait.ge [sflag:s5], $0x6000  }
0x8d8: {  	[sflag:s5] =	ssyncset.done $0x0  }
0x8d9: {  	[sflag:s5] =	ssyncadd.s32 $0xFFFFA000  }
0x8da: {  	_ =	swait.ge [sflag:s5], $0x4000  }
0x8db: {  	[sflag:s5] =	ssyncset.done $0x0  }
0x8dc: {  	[sflag:s5] =	ssyncadd.s32 $0xFFFFC000  }
0x8dd: {  	_ =	swait.ge [sflag:s5], $0x2000  }
0x8de: {  	[sflag:s5] =	ssyncset.done $0x0  }
0x8df: {  	[sflag:s5] =	ssyncadd.s32 $0xFFFFE000  }
0x8e0: {  	[hbm4b:s17+s2] =	stream.linear.scatter [tilespmem:s2], [sflag:$0x2], $0xC00, $0x38;
	[tilespmem:$0x1C000] =	vst v63  }
0x8e1: {  	s29 =	sadd.s32 $0x800, s17  }
0x8e2: {  	[hbm4b:s29+s2] =	stream.linear.scatter [tilespmem:s6], [sflag:$0x2], $0xC00, $0x38;
	[tilespmem:$0x1C000] =	vst v63  }
0x8e3: {  	s30 =	sadd.s32 $0x1000, s17  }
0x8e4: {  	[hbm4b:s30+s2] =	stream.linear.scatter [tilespmem:s13], [sflag:$0x2], $0xC00, $0x38;
	[tilespmem:$0x1C000] =	vst v63  }
0x8e5: {  	s31 =	sadd.s32 $0x1800, s17  }
0x8e6: {  	[hbm4b:s31+s2] =	stream.linear.scatter [tilespmem:s12], [sflag:$0x2], $0xC00, $0x38;
	[tilespmem:$0x1C000] =	vst v63  }
0x8e7: {  	s1 =	sadd.s32 $0x2000, s17  }
0x8e8: {  	[hbm4b:s1+s2] =	stream.linear.scatter [tilespmem:s11], [sflag:$0x2], $0xC00, $0x38;
	[tilespmem:$0x1C000] =	vst v63  }
0x8e9: {  	s3 =	sadd.s32 $0x2800, s17  }
0x8ea: {  	[hbm4b:s3+s2] =	stream.linear.scatter [tilespmem:s10], [sflag:$0x2], $0xC00, $0x38;
	[tilespmem:$0x1C000] =	vst v63  }
0x8eb: {  	s4 =	sadd.s32 $0x3000, s17  }
0x8ec: {  	[hbm4b:s4+s2] =	stream.linear.scatter [tilespmem:s9], [sflag:$0x2], $0xC00, $0x38;
	[tilespmem:$0x1C000] =	vst v63  }
0x8ed: {  	s14 =	sadd.s32 $0x3800, s17;
	s15 =	sld [smem:$0x7FD]  }
0x8ee: {  	[hbm4b:s14+s2] =	stream.linear.scatter [tilespmem:s8], [sflag:$0x2], $0xC00, $0x38;
	[tilespmem:$0x1C000] =	vst v63  }
0x8ef: {  	_ = 	snop  }
0x8f0: {  	[hbm4b:s15+s2] =	stream.linear.scatter [tilespmem:s2], [sflag:$0x2], $0x800, $0x38;
	[tilespmem:$0x1C000] =	vst v63  }
0x8f1: {  	s16 =	sadd.s32 $0x800, s15  }
0x8f2: {  	[hbm4b:s16+s2] =	stream.linear.scatter [tilespmem:s6], [sflag:$0x2], $0x800, $0x38;
	[tilespmem:$0x1C000] =	vst v63  }
0x8f3: {  	s17 =	sadd.s32 $0x1000, s15  }
0x8f4: {  	[hbm4b:s17+s2] =	stream.linear.scatter [tilespmem:s13], [sflag:$0x2], $0x800, $0x38;
	[tilespmem:$0x1C000] =	vst v63  }
0x8f5: {  	s18 =	sadd.s32 $0x1800, s15  }
0x8f6: {  	[hbm4b:s18+s2] =	stream.linear.scatter [tilespmem:s12], [sflag:$0x2], $0x800, $0x38;
	[tilespmem:$0x1C000] =	vst v63  }
0x8f7: {  	s19 =	sadd.s32 $0x2000, s15  }
0x8f8: {  	[hbm4b:s19+s2] =	stream.linear.scatter [tilespmem:s11], [sflag:$0x2], $0x800, $0x38;
	[tilespmem:$0x1C000] =	vst v63  }
0x8f9: {  	s20 =	sadd.s32 $0x2800, s15  }
0x8fa: {  	[hbm4b:s20+s2] =	stream.linear.scatter [tilespmem:s10], [sflag:$0x2], $0x800, $0x38;
	[tilespmem:$0x1C000] =	vst v63  }
0x8fb: {  	s21 =	sadd.s32 $0x3000, s15  }
0x8fc: {  	[hbm4b:s21+s2] =	stream.linear.scatter [tilespmem:s9], [sflag:$0x2], $0x800, $0x38;
	[tilespmem:$0x1C000] =	vst v63  }
0x8fd: {  	s22 =	sadd.s32 $0x3800, s15  }
0x8fe: {  	[hbm4b:s22+s2] =	stream.linear.scatter [tilespmem:s8], [sflag:$0x2], $0x800, $0x38;
	[tilespmem:$0x1C000] =	vst v63  }
0x8ff: {  	_ = 	snop  }
0x900: {  	[hbm4b:s7+s2] =	stream.linear.scatter [tilespmem:s2], [sflag:$0x2], $0x400, $0x38;
	[tilespmem:$0x1C000] =	vst v63  }
0x901: {  	s23 =	sadd.s32 $0x800, s7  }
0x902: {  	[hbm4b:s23+s2] =	stream.linear.scatter [tilespmem:s6], [sflag:$0x2], $0x400, $0x38;
	[tilespmem:$0x1C000] =	vst v63  }
0x903: {  	s24 =	sadd.s32 $0x1000, s7  }
0x904: {  	[hbm4b:s24+s2] =	stream.linear.scatter [tilespmem:s13], [sflag:$0x2], $0x400, $0x38;
	[tilespmem:$0x1C000] =	vst v63  }
0x905: {  	s25 =	sadd.s32 $0x1800, s7  }
0x906: {  	[hbm4b:s25+s2] =	stream.linear.scatter [tilespmem:s12], [sflag:$0x2], $0x400, $0x38;
	[tilespmem:$0x1C000] =	vst v63  }
0x907: {  	s26 =	sadd.s32 $0x2000, s7  }
0x908: {  	[hbm4b:s26+s2] =	stream.linear.scatter [tilespmem:s11], [sflag:$0x2], $0x400, $0x38;
	[tilespmem:$0x1C000] =	vst v63  }
0x909: {  	s28 =	sadd.s32 $0x2800, s7  }
0x90a: {  	[hbm4b:s28+s2] =	stream.linear.scatter [tilespmem:s10], [sflag:$0x2], $0x400, $0x38;
	[tilespmem:$0x1C000] =	vst v63  }
0x90b: {  	s29 =	sadd.s32 $0x3000, s7  }
0x90c: {  	[hbm4b:s29+s2] =	stream.linear.scatter [tilespmem:s9], [sflag:$0x2], $0x400, $0x38;
	[tilespmem:$0x1C000] =	vst v63  }
0x90d: {  	s30 =	sadd.s32 $0x3800, s7  }
0x90e: {  	[hbm4b:s30+s2] =	stream.linear.scatter [tilespmem:s8], [sflag:$0x2], $0x400, $0x38;
	[tilespmem:$0x1C000] =	vst v63  }
0x90f: {  	_ =	swait.ge [sflag:s5], $0x6000  }
0x910: {  	[sflag:s5] =	ssyncset.done $0x0  }
0x911: {  	[sflag:s5] =	ssyncadd.s32 $0xFFFFA000  }
0x912: {  	_ =	swait.ge [sflag:s5], $0x4000  }
0x913: {  	[sflag:s5] =	ssyncset.done $0x0  }
0x914: {  	[sflag:s5] =	ssyncadd.s32 $0xFFFFC000  }
0x915: {  	_ =	swait.ge [sflag:s5], $0x2000  }
0x916: {  	[sflag:s5] =	ssyncset.done $0x0  }
0x917: {  	[sflag:s5] =	ssyncadd.s32 $0xFFFFE000  }
0x918: {  	_ =	sfence.sel $0x180000  }
0x919: {  	[bflag:$0x0] =	sbarrier.arrive $0xFFFF  }
0x91a: {  	_ =	strace $0x90000047  }
0x91b: {  	s31 =	stileid.u32;
	[bflag:$0x2] =	sbarrier.arrive $0xFFFF  }
0x91c: {  	p0 =	sne.s32 s31, $0x0;
	s0 =	rddreg [dreg:$0x2]  }
0x91d: {  	s0 =	sadd.s32 @!p0 $0x100000, s0  }
0x91e: {  	[sflag:s0] =	ssyncadd.tile.s32 @!p0 $0x1;
	_ =	shalt  }
.LBB2_1:
.Ltmp3:
0x91f: {  	(pc) =	sbr.rel .LBB2_6-.Ltmp3, $4  }
0x920: {  	_ = 	snop  }
0x921: {  	s3 =	smov.u32 s25;
	s25 =	sld [smem:$0x7D8]  }
0x922: {  	s14 =	sld [smem:$0x7DA]  }
0x923: {  	s15 =	sld [smem:$0x7E3];
	s20 =	simm.s32 $0x7400  }
.LBB2_7:
.Ltmp4:
0x924: {  	(pc) =	sbr.rel .LBB2_6-.Ltmp4, $4  }
0x925: {  	s3 =	sld [smem:$0x78F]  }
0x926: {  	s25 =	sld [smem:$0x7D8]  }
0x927: {  	s14 =	sld [smem:$0x7DA]  }
0x928: {  	s31 =	sld [smem:$0x78D];
	s20 =	simm.s32 $0x7400  }
.Lfunc_end2:
_tile_overlayer_lowered:
.L_overlay_start_2:
0x929: {  	(tag) =	ssettag $0x2  }
0x92a: {  	s0 =	rddreg [dreg:$0x0];
	s2 =	stileid.u32  }
0x92b: {  	s1 =	rddreg [dreg:$0x1];
	p0 =	sne.s32 s2, $0x0  }
0x92c: {  	s3 =	rddreg [dreg:$0x2];
	[bflag:$0x3] =	sbarrier.arrive $0xFFFF;
	s2 =	simm.s32 @!p0 $0x1C03  }
0x92d: {  	[timem:s3], [sflag:s2] =	dma.local @!p0 [hbm:s0], s1  }
0x92e: {  	s0 =	simm.s32 @!p0 $0x3  }
0x92f: {  	_ =	swait.ge @!p0 [sflag:s0], s1  }
0x930: {  	s1 =	ssub.s32 @!p0 $0x0, s1;
	[sflag:s0] =	ssyncset.done @!p0 $0x0  }
0x931: {  	[sflag:s0] =	ssyncadd.s32 @!p0 s1  }
0x932: {  	[bflag:$0x3] =	sbarrier.arrive $0xFFFF  }
0x933: {  	_ =	shalt  }

</sc_bundles>
